<compile_context>
chip_gen: v7x
topology: tpu7x:2x2x1
jax: 0.10.2.dev20260603
libtpu: 0.0.44.dev20260713+nightly
codegen_flags: <defaults>
</compile_context>

<pallas_src>
import functools

import jax
import jax.numpy as jnp
from jax import lax
from jax.experimental import pallas as pl
from jax.experimental.pallas import tpu as pltpu
from jax.experimental.pallas import tpu_sc as plsc

_NUM_EXPERTS = 64
_TOP_K = 8
_N = 32768


_BLOCK_COLS = 2048


def _softmax_body(rand_ref, full_ref):
    rand = rand_ref[...]
    m = jnp.max(rand, axis=0, keepdims=True)
    e = jnp.exp(rand - m)
    full_ref[...] = e / jnp.sum(e, axis=0, keepdims=True)


def _tc_full_gates_t(random_t):
    num_experts, n = random_t.shape
    return pl.pallas_call(
        _softmax_body,
        grid=(n // _BLOCK_COLS,),
        in_specs=[pl.BlockSpec((num_experts, _BLOCK_COLS), lambda i: (0, i))],
        out_specs=pl.BlockSpec((num_experts, _BLOCK_COLS), lambda i: (0, i)),
        out_shape=jax.ShapeDtypeStruct((num_experts, n), jnp.float32),
    )(random_t)



_NW = 32
_NODES_PER_W = _N // _NW
_B = 256
_BP = _B + 1
_NBLK = _NODES_PER_W // _B


def _sc_router_body(perm_hbm, tg_hbm, sparse_hbm, idx_hbm,
                    perm_buf, tg_buf, out_buf, idx_buf):
    wid = lax.axis_index("s") * 2 + lax.axis_index("c")
    w_base = wid * _NODES_PER_W

    iota = lax.iota(jnp.int32, 16)
    lo8 = iota < 8
    col8 = jnp.bitwise_and(iota, 7)
    zeros16 = jnp.zeros((16,), jnp.float32)

    def merge(ak, av, bk, bv):
        kk = jnp.where(lo8, ak, lax.rev(bk, (0,)))
        vv = jnp.where(lo8, av, lax.rev(bv, (0,)))
        return plsc.sort_key_val(kk, vv)

    def zero_body(e):
        for k in range(_B // 16):
            out_buf[e, pl.ds(16 * k, 16)] = zeros16

    def node_body(c):
        cvec = jnp.broadcast_to(c, (16,))

        sk = []
        sv = []
        for j in range(4):
            k_j, v_j = plsc.sort_key_val(
                plsc.load_gather(perm_buf, [iota + 16 * j, cvec]),
                iota + 16 * j)
            sk.append(k_j)
            sv.append(v_j)
        m01k, m01v = merge(sk[0], sv[0], sk[1], sv[1])
        m23k, m23v = merge(sk[2], sv[2], sk[3], sv[3])
        _, fv = merge(m01k, m01v, m23k, m23v)

        gv = plsc.load_gather(tg_buf, [col8, cvec])
        e = jnp.exp(gv)
        s = jnp.sum(jnp.where(lo8, e, zeros16))
        tg = e / s

        plsc.store_scatter(out_buf, [fv, cvec], tg, mask=lo8)
        plsc.store_scatter(idx_buf, [col8, cvec], fv, mask=lo8)

    for blk in range(_NBLK):
        base = w_base + blk * _B
        pltpu.sync_copy(perm_hbm.at[:, pl.ds(base, _B)],
                        perm_buf.at[:, pl.ds(0, _B)])
        pltpu.sync_copy(tg_hbm.at[:, pl.ds(base, _B)],
                        tg_buf.at[:, pl.ds(0, _B)])
        plsc.parallel_loop(0, _NUM_EXPERTS, 1, unroll=4)(zero_body)
        plsc.parallel_loop(0, _B, 1, unroll=4)(node_body)
        pltpu.sync_copy(out_buf.at[:, pl.ds(0, _B)],
                        sparse_hbm.at[:, pl.ds(base, _B)])
        pltpu.sync_copy(idx_buf.at[:, pl.ds(0, _B)],
                        idx_hbm.at[:, pl.ds(base, _B)])


_sc_router = functools.partial(
    pl.kernel,
    out_type=[
        jax.ShapeDtypeStruct((_NUM_EXPERTS, _N), jnp.float32),
        jax.ShapeDtypeStruct((_TOP_K, _N), jnp.int32),
    ],
    mesh=plsc.VectorSubcoreMesh(core_axis_name="c", subcore_axis_name="s"),
    compiler_params=pltpu.CompilerParams(needs_layout_passes=False),
    scratch_types=[
        pltpu.VMEM((_NUM_EXPERTS, _BP), jnp.float32),
        pltpu.VMEM((_TOP_K, _BP), jnp.float32),
        pltpu.VMEM((_NUM_EXPERTS, _BP), jnp.float32),
        pltpu.VMEM((_TOP_K, _BP), jnp.int32),
    ],
)(_sc_router_body)


@jax.jit
def kernel(random_raw, perm_raw, topk_gates_raw):
    full_gates_t = _tc_full_gates_t(random_raw.T)
    sparse_t, idx_t = _sc_router(perm_raw.T, topk_gates_raw.T)
    return (sparse_t.T, idx_t.T, full_gates_t.T)

# --- scband reference (transcript-rebuilt; emitter-appended) ---
"""Pipeline reference for scband-random-router-79422535238241 (READ-ONLY COPY).

The authoritative reference and input builder live on the scoring server;
editing this copy changes nothing except your own understanding.
"""

import jax, jax.numpy as jnp
import numpy as np

NUM_EXPERTS = 64
TOP_K = 8
NUM_NODES = 32768

def setup_inputs(seed: int = 0) -> dict:
    key = jax.random.key(seed)
    k1, k2, k3 = jax.random.split(key, 3)
    # The torch module draws all randomness inside forward(num_nodes).
    # We materialize those random draws here so reference() is a pure function.
    random_raw = jax.random.uniform(k1, (NUM_NODES, NUM_EXPERTS), dtype=jnp.float32)
    perm_raw = jax.random.uniform(k2, (NUM_NODES, NUM_EXPERTS), dtype=jnp.float32)
    topk_gates_raw = jax.random.uniform(k3, (NUM_NODES, TOP_K), dtype=jnp.float32)
    return {"random_raw": random_raw, "perm_raw": perm_raw, "topk_gates_raw": topk_gates_raw}

def reference(random_raw, perm_raw, topk_gates_raw):
    num_nodes, num_experts = random_raw.shape
    top_k = topk_gates_raw.shape[1]
    # full_gates = softmax(rand(N, E))
    full_gates = jax.nn.softmax(random_raw, axis=1)
    # random permutation of experts per node via argsort of uniform noise
    random_indices = jnp.argsort(perm_raw, axis=1)
    topk_indices = random_indices[:, :top_k]
    # gates over the selected experts
    topk_gates = jax.nn.softmax(topk_gates_raw, axis=1)
    # scatter along dim=1 into zeros
    rows = jnp.arange(num_nodes, dtype=topk_indices.dtype)[:, None]
    sparse_gates = jnp.zeros_like(full_gates).at[rows, topk_indices].set(topk_gates)
    return (sparse_gates, topk_indices, full_gates)

if __name__ == "__main__":
    import jax
    _d = setup_inputs()
    print(jax.jit(kernel)(*tuple(_d.values())))

</pallas_src>

<mosaic_0001>
#map = affine_map<(d0, d1) -> (0, 0)>
module attributes {stable_mosaic.version = 14 : i64} {
  func.func @_sc_router_body(%arg0: i32, %arg1: i32, %arg2: memref<64x32768xf32, #tpu.memory_space<hbm>>, %arg3: memref<8x32768xf32, #tpu.memory_space<hbm>>, %arg4: memref<64x32768xf32, #tpu.memory_space<hbm>>, %arg5: memref<8x32768xi32, #tpu.memory_space<hbm>>, %arg6: memref<64x257xf32, #tpu.memory_space<vmem>>, %arg7: memref<8x257xf32, #tpu.memory_space<vmem>>, %arg8: memref<64x257xf32, #tpu.memory_space<vmem>>, %arg9: memref<8x257xi32, #tpu.memory_space<vmem>>) attributes {dimension_semantics = [#tpu.dimension_semantics<core_parallel>, #tpu.dimension_semantics<subcore_parallel>], iteration_bounds = array<i64: 2, 16>, scalar_prefetch = 0 : i64, scratch_operands = 4 : i64, tpu.core_type = #tpu.core_type<sc_vector_subcore>, window_params = [{transform_indices = #map}, {transform_indices = #map}, {transform_indices = #map}, {transform_indices = #map}]} {
    %mul3A = arith.constant 2 : i32
    %mul3A_0 = arith.muli %arg1, %mul3A : i32
    %add3A = arith.addi %mul3A_0, %arg0 : i32
    %mul3A_1 = arith.constant 1024 : i32
    %mul3A_2 = arith.muli %add3A, %mul3A_1 : i32
    %iota3A = tpu.iota {dimensions = array<i32: 0>} : vector<16xi32>
    %lt3A = arith.constant 8 : i32
    %lt3A_3 = vector.broadcast %lt3A : i32 to vector<16xi32>
    %lt3A_4 = arith.cmpi slt, %iota3A, %lt3A_3 : vector<16xi32>
    %and3A = arith.constant 7 : i32
    %and3A_5 = vector.broadcast %and3A : i32 to vector<16xi32>
    %and3A_6 = arith.andi %iota3A, %and3A_5 : vector<16xi32>
    %broadcast_in_dim3A = arith.constant 0.000000e+00 : f32
    %broadcast_in_dim3A_7 = vector.broadcast %broadcast_in_dim3A : f32 to vector<16xf32>
    %add3A_8 = arith.constant 0 : i32
    %add3A_9 = arith.addi %mul3A_2, %add3A_8 : i32
    "tpu.region"() ({
      %run_scoped3A = tpu.sem_alloc : memref<!tpu.dma_semaphore, #tpu.memory_space<semaphore_mem>>
      %dma_start3A = arith.constant 0 : i32
      %dma_start3A_39 = arith.constant 0 : i32
      %dma_start3A_40 = tpu.memref_slice %arg6[%dma_start3A, %dma_start3A_39] : memref<64x257xf32, #tpu.memory_space<vmem>> -> memref<64x256xf32, #tpu.memory_space<vmem>>
      %dma_start3A_41 = arith.constant 0 : i32
      %dma_start3A_42 = tpu.memref_slice %arg2[%dma_start3A_41, %add3A_9] : memref<64x32768xf32, #tpu.memory_space<hbm>> -> memref<64x256xf32, #tpu.memory_space<hbm>>
      %dma_start3A_43 = arith.constant 0 : i32
      %dma_start3A_44 = arith.constant 0 : i32
      %dma_start3A_45 = tpu.memref_slice %arg6[%dma_start3A_43, %dma_start3A_44] : memref<64x257xf32, #tpu.memory_space<vmem>> -> memref<64x256xf32, #tpu.memory_space<vmem>>
      %dma_start3A_46 = arith.constant 0 : i32
      %dma_start3A_47 = tpu.memref_slice %arg2[%dma_start3A_46, %add3A_9] : memref<64x32768xf32, #tpu.memory_space<hbm>> -> memref<64x256xf32, #tpu.memory_space<hbm>>
      tpu.enqueue_dma source(%dma_start3A_47 : memref<64x256xf32, #tpu.memory_space<hbm>>) target(%dma_start3A_45 : memref<64x256xf32, #tpu.memory_space<vmem>>) target_semaphore(%run_scoped3A : memref<!tpu.dma_semaphore, #tpu.memory_space<semaphore_mem>>)
      %dma_wait3A = arith.constant 0 : i32
      %dma_wait3A_48 = arith.constant 0 : i32
      %dma_wait3A_49 = tpu.memref_slice %arg6[%dma_wait3A, %dma_wait3A_48] : memref<64x257xf32, #tpu.memory_space<vmem>> -> memref<64x256xf32, #tpu.memory_space<vmem>>
      %dma_wait3A_50 = arith.constant 0 : i32
      %dma_wait3A_51 = tpu.memref_slice %arg2[%dma_wait3A_50, %add3A_9] : memref<64x32768xf32, #tpu.memory_space<hbm>> -> memref<64x256xf32, #tpu.memory_space<hbm>>
      %dma_wait3A_52 = arith.constant 0 : i32
      %dma_wait3A_53 = arith.constant 0 : i32
      %dma_wait3A_54 = tpu.memref_slice %arg6[%dma_wait3A_52, %dma_wait3A_53] : memref<64x257xf32, #tpu.memory_space<vmem>> -> memref<64x256xf32, #tpu.memory_space<vmem>>
      %dma_wait3A_55 = arith.constant 0 : i32
      %dma_wait3A_56 = tpu.memref_slice %arg2[%dma_wait3A_55, %add3A_9] : memref<64x32768xf32, #tpu.memory_space<hbm>> -> memref<64x256xf32, #tpu.memory_space<hbm>>
      tpu.wait_dma2 semaphore(%run_scoped3A : memref<!tpu.dma_semaphore, #tpu.memory_space<semaphore_mem>>) src(%dma_wait3A_56 : memref<64x256xf32, #tpu.memory_space<hbm>>) dst(%dma_wait3A_54 : memref<64x256xf32, #tpu.memory_space<vmem>>)
      tpu.yield
    }) : () -> ()
    "tpu.region"() ({
      %run_scoped3A = tpu.sem_alloc : memref<!tpu.dma_semaphore, #tpu.memory_space<semaphore_mem>>
      %dma_start3A = arith.constant 0 : i32
      %dma_start3A_39 = arith.constant 0 : i32
      %dma_start3A_40 = tpu.memref_slice %arg7[%dma_start3A, %dma_start3A_39] : memref<8x257xf32, #tpu.memory_space<vmem>> -> memref<8x256xf32, #tpu.memory_space<vmem>>
      %dma_start3A_41 = arith.constant 0 : i32
      %dma_start3A_42 = tpu.memref_slice %arg3[%dma_start3A_41, %add3A_9] : memref<8x32768xf32, #tpu.memory_space<hbm>> -> memref<8x256xf32, #tpu.memory_space<hbm>>
      %dma_start3A_43 = arith.constant 0 : i32
      %dma_start3A_44 = arith.constant 0 : i32
      %dma_start3A_45 = tpu.memref_slice %arg7[%dma_start3A_43, %dma_start3A_44] : memref<8x257xf32, #tpu.memory_space<vmem>> -> memref<8x256xf32, #tpu.memory_space<vmem>>
      %dma_start3A_46 = arith.constant 0 : i32
      %dma_start3A_47 = tpu.memref_slice %arg3[%dma_start3A_46, %add3A_9] : memref<8x32768xf32, #tpu.memory_space<hbm>> -> memref<8x256xf32, #tpu.memory_space<hbm>>
      tpu.enqueue_dma source(%dma_start3A_47 : memref<8x256xf32, #tpu.memory_space<hbm>>) target(%dma_start3A_45 : memref<8x256xf32, #tpu.memory_space<vmem>>) target_semaphore(%run_scoped3A : memref<!tpu.dma_semaphore, #tpu.memory_space<semaphore_mem>>)
      %dma_wait3A = arith.constant 0 : i32
      %dma_wait3A_48 = arith.constant 0 : i32
      %dma_wait3A_49 = tpu.memref_slice %arg7[%dma_wait3A, %dma_wait3A_48] : memref<8x257xf32, #tpu.memory_space<vmem>> -> memref<8x256xf32, #tpu.memory_space<vmem>>
      %dma_wait3A_50 = arith.constant 0 : i32
      %dma_wait3A_51 = tpu.memref_slice %arg3[%dma_wait3A_50, %add3A_9] : memref<8x32768xf32, #tpu.memory_space<hbm>> -> memref<8x256xf32, #tpu.memory_space<hbm>>
      %dma_wait3A_52 = arith.constant 0 : i32
      %dma_wait3A_53 = arith.constant 0 : i32
      %dma_wait3A_54 = tpu.memref_slice %arg7[%dma_wait3A_52, %dma_wait3A_53] : memref<8x257xf32, #tpu.memory_space<vmem>> -> memref<8x256xf32, #tpu.memory_space<vmem>>
      %dma_wait3A_55 = arith.constant 0 : i32
      %dma_wait3A_56 = tpu.memref_slice %arg3[%dma_wait3A_55, %add3A_9] : memref<8x32768xf32, #tpu.memory_space<hbm>> -> memref<8x256xf32, #tpu.memory_space<hbm>>
      tpu.wait_dma2 semaphore(%run_scoped3A : memref<!tpu.dma_semaphore, #tpu.memory_space<semaphore_mem>>) src(%dma_wait3A_56 : memref<8x256xf32, #tpu.memory_space<hbm>>) dst(%dma_wait3A_54 : memref<8x256xf32, #tpu.memory_space<vmem>>)
      tpu.yield
    }) : () -> ()
    %parallel_loop3A = arith.constant 0 : i32
    %parallel_loop3A_10 = arith.constant 64 : i32
    %parallel_loop3A_11 = arith.constant 1 : i32
    scf.for %parallel_loop3A_39 = %parallel_loop3A to %parallel_loop3A_10 step %parallel_loop3A_11  : i32 {
      %parallel_loop3A_40 = arith.index_cast %parallel_loop3A_39 : i32 to index
      %parallel_loop3A_41 = arith.constant 0 : index
      %parallel_loop3A_42 = tpu.vector_load %arg8[%parallel_loop3A_40, %parallel_loop3A_41] {strides = array<i32>} : memref<64x257xf32, #tpu.memory_space<vmem>>, vector<16xf32>,
      tpu.vector_store %arg8[%parallel_loop3A_40, %parallel_loop3A_41], %broadcast_in_dim3A_7 {strides = array<i32>} : memref<64x257xf32, #tpu.memory_space<vmem>>, vector<16xf32>,
      %parallel_loop3A_43 = arith.index_cast %parallel_loop3A_39 : i32 to index
      %parallel_loop3A_44 = arith.constant 16 : index
      %parallel_loop3A_45 = tpu.vector_load %arg8[%parallel_loop3A_43, %parallel_loop3A_44] {strides = array<i32>} : memref<64x257xf32, #tpu.memory_space<vmem>>, vector<16xf32>,
      tpu.vector_store %arg8[%parallel_loop3A_43, %parallel_loop3A_44], %broadcast_in_dim3A_7 {strides = array<i32>} : memref<64x257xf32, #tpu.memory_space<vmem>>, vector<16xf32>,
      %parallel_loop3A_46 = arith.index_cast %parallel_loop3A_39 : i32 to index
      %parallel_loop3A_47 = arith.constant 32 : index
      %parallel_loop3A_48 = tpu.vector_load %arg8[%parallel_loop3A_46, %parallel_loop3A_47] {strides = array<i32>} : memref<64x257xf32, #tpu.memory_space<vmem>>, vector<16xf32>,
      tpu.vector_store %arg8[%parallel_loop3A_46, %parallel_loop3A_47], %broadcast_in_dim3A_7 {strides = array<i32>} : memref<64x257xf32, #tpu.memory_space<vmem>>, vector<16xf32>,
      %parallel_loop3A_49 = arith.index_cast %parallel_loop3A_39 : i32 to index
      %parallel_loop3A_50 = arith.constant 48 : index
      %parallel_loop3A_51 = tpu.vector_load %arg8[%parallel_loop3A_49, %parallel_loop3A_50] {strides = array<i32>} : memref<64x257xf32, #tpu.memory_space<vmem>>, vector<16xf32>,
      tpu.vector_store %arg8[%parallel_loop3A_49, %parallel_loop3A_50], %broadcast_in_dim3A_7 {strides = array<i32>} : memref<64x257xf32, #tpu.memory_space<vmem>>, vector<16xf32>,
      %parallel_loop3A_52 = arith.index_cast %parallel_loop3A_39 : i32 to index
      %parallel_loop3A_53 = arith.constant 64 : index
      %parallel_loop3A_54 = tpu.vector_load %arg8[%parallel_loop3A_52, %parallel_loop3A_53] {strides = array<i32>} : memref<64x257xf32, #tpu.memory_space<vmem>>, vector<16xf32>,
      tpu.vector_store %arg8[%parallel_loop3A_52, %parallel_loop3A_53], %broadcast_in_dim3A_7 {strides = array<i32>} : memref<64x257xf32, #tpu.memory_space<vmem>>, vector<16xf32>,
      %parallel_loop3A_55 = arith.index_cast %parallel_loop3A_39 : i32 to index
      %parallel_loop3A_56 = arith.constant 80 : index
      %parallel_loop3A_57 = tpu.vector_load %arg8[%parallel_loop3A_55, %parallel_loop3A_56] {strides = array<i32>} : memref<64x257xf32, #tpu.memory_space<vmem>>, vector<16xf32>,
      tpu.vector_store %arg8[%parallel_loop3A_55, %parallel_loop3A_56], %broadcast_in_dim3A_7 {strides = array<i32>} : memref<64x257xf32, #tpu.memory_space<vmem>>, vector<16xf32>,
      %parallel_loop3A_58 = arith.index_cast %parallel_loop3A_39 : i32 to index
      %parallel_loop3A_59 = arith.constant 96 : index
      %parallel_loop3A_60 = tpu.vector_load %arg8[%parallel_loop3A_58, %parallel_loop3A_59] {strides = array<i32>} : memref<64x257xf32, #tpu.memory_space<vmem>>, vector<16xf32>,
      tpu.vector_store %arg8[%parallel_loop3A_58, %parallel_loop3A_59], %broadcast_in_dim3A_7 {strides = array<i32>} : memref<64x257xf32, #tpu.memory_space<vmem>>, vector<16xf32>,
      %parallel_loop3A_61 = arith.index_cast %parallel_loop3A_39 : i32 to index
      %parallel_loop3A_62 = arith.constant 112 : index
      %parallel_loop3A_63 = tpu.vector_load %arg8[%parallel_loop3A_61, %parallel_loop3A_62] {strides = array<i32>} : memref<64x257xf32, #tpu.memory_space<vmem>>, vector<16xf32>,
      tpu.vector_store %arg8[%parallel_loop3A_61, %parallel_loop3A_62], %broadcast_in_dim3A_7 {strides = array<i32>} : memref<64x257xf32, #tpu.memory_space<vmem>>, vector<16xf32>,
      %parallel_loop3A_64 = arith.index_cast %parallel_loop3A_39 : i32 to index
      %parallel_loop3A_65 = arith.constant 128 : index
      %parallel_loop3A_66 = tpu.vector_load %arg8[%parallel_loop3A_64, %parallel_loop3A_65] {strides = array<i32>} : memref<64x257xf32, #tpu.memory_space<vmem>>, vector<16xf32>,
      tpu.vector_store %arg8[%parallel_loop3A_64, %parallel_loop3A_65], %broadcast_in_dim3A_7 {strides = array<i32>} : memref<64x257xf32, #tpu.memory_space<vmem>>, vector<16xf32>,
      %parallel_loop3A_67 = arith.index_cast %parallel_loop3A_39 : i32 to index
      %parallel_loop3A_68 = arith.constant 144 : index
      %parallel_loop3A_69 = tpu.vector_load %arg8[%parallel_loop3A_67, %parallel_loop3A_68] {strides = array<i32>} : memref<64x257xf32, #tpu.memory_space<vmem>>, vector<16xf32>,
      tpu.vector_store %arg8[%parallel_loop3A_67, %parallel_loop3A_68], %broadcast_in_dim3A_7 {strides = array<i32>} : memref<64x257xf32, #tpu.memory_space<vmem>>, vector<16xf32>,
      %parallel_loop3A_70 = arith.index_cast %parallel_loop3A_39 : i32 to index
      %parallel_loop3A_71 = arith.constant 160 : index
      %parallel_loop3A_72 = tpu.vector_load %arg8[%parallel_loop3A_70, %parallel_loop3A_71] {strides = array<i32>} : memref<64x257xf32, #tpu.memory_space<vmem>>, vector<16xf32>,
      tpu.vector_store %arg8[%parallel_loop3A_70, %parallel_loop3A_71], %broadcast_in_dim3A_7 {strides = array<i32>} : memref<64x257xf32, #tpu.memory_space<vmem>>, vector<16xf32>,
      %parallel_loop3A_73 = arith.index_cast %parallel_loop3A_39 : i32 to index
      %parallel_loop3A_74 = arith.constant 176 : index
      %parallel_loop3A_75 = tpu.vector_load %arg8[%parallel_loop3A_73, %parallel_loop3A_74] {strides = array<i32>} : memref<64x257xf32, #tpu.memory_space<vmem>>, vector<16xf32>,
      tpu.vector_store %arg8[%parallel_loop3A_73, %parallel_loop3A_74], %broadcast_in_dim3A_7 {strides = array<i32>} : memref<64x257xf32, #tpu.memory_space<vmem>>, vector<16xf32>,
      %parallel_loop3A_76 = arith.index_cast %parallel_loop3A_39 : i32 to index
      %parallel_loop3A_77 = arith.constant 192 : index
      %parallel_loop3A_78 = tpu.vector_load %arg8[%parallel_loop3A_76, %parallel_loop3A_77] {strides = array<i32>} : memref<64x257xf32, #tpu.memory_space<vmem>>, vector<16xf32>,
      tpu.vector_store %arg8[%parallel_loop3A_76, %parallel_loop3A_77], %broadcast_in_dim3A_7 {strides = array<i32>} : memref<64x257xf32, #tpu.memory_space<vmem>>, vector<16xf32>,
      %parallel_loop3A_79 = arith.index_cast %parallel_loop3A_39 : i32 to index
      %parallel_loop3A_80 = arith.constant 208 : index
      %parallel_loop3A_81 = tpu.vector_load %arg8[%parallel_loop3A_79, %parallel_loop3A_80] {strides = array<i32>} : memref<64x257xf32, #tpu.memory_space<vmem>>, vector<16xf32>,
      tpu.vector_store %arg8[%parallel_loop3A_79, %parallel_loop3A_80], %broadcast_in_dim3A_7 {strides = array<i32>} : memref<64x257xf32, #tpu.memory_space<vmem>>, vector<16xf32>,
      %parallel_loop3A_82 = arith.index_cast %parallel_loop3A_39 : i32 to index
      %parallel_loop3A_83 = arith.constant 224 : index
      %parallel_loop3A_84 = tpu.vector_load %arg8[%parallel_loop3A_82, %parallel_loop3A_83] {strides = array<i32>} : memref<64x257xf32, #tpu.memory_space<vmem>>, vector<16xf32>,
      tpu.vector_store %arg8[%parallel_loop3A_82, %parallel_loop3A_83], %broadcast_in_dim3A_7 {strides = array<i32>} : memref<64x257xf32, #tpu.memory_space<vmem>>, vector<16xf32>,
      %parallel_loop3A_85 = arith.index_cast %parallel_loop3A_39 : i32 to index
      %parallel_loop3A_86 = arith.constant 240 : index
      %parallel_loop3A_87 = tpu.vector_load %arg8[%parallel_loop3A_85, %parallel_loop3A_86] {strides = array<i32>} : memref<64x257xf32, #tpu.memory_space<vmem>>, vector<16xf32>,
      tpu.vector_store %arg8[%parallel_loop3A_85, %parallel_loop3A_86], %broadcast_in_dim3A_7 {strides = array<i32>} : memref<64x257xf32, #tpu.memory_space<vmem>>, vector<16xf32>,
    } {sc.loop_unroll_factor = 4 : i64, sc.parallel_access}
    %parallel_loop3A_12 = arith.constant 0 : i32
    %parallel_loop3A_13 = arith.constant 256 : i32
    %parallel_loop3A_14 = arith.constant 1 : i32
    scf.for %parallel_loop3A_39 = %parallel_loop3A_12 to %parallel_loop3A_13 step %parallel_loop3A_14  : i32 {
      %parallel_loop3A_40 = vector.broadcast %parallel_loop3A_39 : i32 to vector<16xi32>
      %parallel_loop3A_41 = arith.constant 0 : i32
      %parallel_loop3A_42 = vector.broadcast %parallel_loop3A_41 : i32 to vector<16xi32>
      %parallel_loop3A_43 = arith.addi %iota3A, %parallel_loop3A_42 : vector<16xi32>
      %parallel_loop3A_44 = tpu.vector_load_idx %arg6[%parallel_loop3A_43, %parallel_loop3A_40] : memref<64x257xf32, #tpu.memory_space<vmem>>[vector<16xi32>, vector<16xi32>], vector<16xf32>,
      %parallel_loop3A_45 = arith.constant 0 : i32
      %parallel_loop3A_46 = vector.broadcast %parallel_loop3A_45 : i32 to vector<16xi32>
      %parallel_loop3A_47 = arith.addi %iota3A, %parallel_loop3A_46 : vector<16xi32>
      %parallel_loop3A_48 = arith.constant dense<true> : vector<16xi1>
      %parallel_loop3A_49, %parallel_loop3A_50, %parallel_loop3A_51 = tpu.sort %parallel_loop3A_44, %parallel_loop3A_47 masked %parallel_loop3A_48 : (vector<16xf32>, vector<16xi32>, vector<16xi1>) -> (vector<16xi1>, vector<16xf32>, vector<16xi32>)
      %parallel_loop3A_52 = arith.constant 16 : i32
      %parallel_loop3A_53 = vector.broadcast %parallel_loop3A_52 : i32 to vector<16xi32>
      %parallel_loop3A_54 = arith.addi %iota3A, %parallel_loop3A_53 : vector<16xi32>
      %parallel_loop3A_55 = tpu.vector_load_idx %arg6[%parallel_loop3A_54, %parallel_loop3A_40] : memref<64x257xf32, #tpu.memory_space<vmem>>[vector<16xi32>, vector<16xi32>], vector<16xf32>,
      %parallel_loop3A_56 = arith.constant 16 : i32
      %parallel_loop3A_57 = vector.broadcast %parallel_loop3A_56 : i32 to vector<16xi32>
      %parallel_loop3A_58 = arith.addi %iota3A, %parallel_loop3A_57 : vector<16xi32>
      %parallel_loop3A_59 = arith.constant dense<true> : vector<16xi1>
      %parallel_loop3A_60, %parallel_loop3A_61, %parallel_loop3A_62 = tpu.sort %parallel_loop3A_55, %parallel_loop3A_58 masked %parallel_loop3A_59 : (vector<16xf32>, vector<16xi32>, vector<16xi1>) -> (vector<16xi1>, vector<16xf32>, vector<16xi32>)
      %parallel_loop3A_63 = arith.constant 32 : i32
      %parallel_loop3A_64 = vector.broadcast %parallel_loop3A_63 : i32 to vector<16xi32>
      %parallel_loop3A_65 = arith.addi %iota3A, %parallel_loop3A_64 : vector<16xi32>
      %parallel_loop3A_66 = tpu.vector_load_idx %arg6[%parallel_loop3A_65, %parallel_loop3A_40] : memref<64x257xf32, #tpu.memory_space<vmem>>[vector<16xi32>, vector<16xi32>], vector<16xf32>,
      %parallel_loop3A_67 = arith.constant 32 : i32
      %parallel_loop3A_68 = vector.broadcast %parallel_loop3A_67 : i32 to vector<16xi32>
      %parallel_loop3A_69 = arith.addi %iota3A, %parallel_loop3A_68 : vector<16xi32>
      %parallel_loop3A_70 = arith.constant dense<true> : vector<16xi1>
      %parallel_loop3A_71, %parallel_loop3A_72, %parallel_loop3A_73 = tpu.sort %parallel_loop3A_66, %parallel_loop3A_69 masked %parallel_loop3A_70 : (vector<16xf32>, vector<16xi32>, vector<16xi1>) -> (vector<16xi1>, vector<16xf32>, vector<16xi32>)
      %parallel_loop3A_74 = arith.constant 48 : i32
      %parallel_loop3A_75 = vector.broadcast %parallel_loop3A_74 : i32 to vector<16xi32>
      %parallel_loop3A_76 = arith.addi %iota3A, %parallel_loop3A_75 : vector<16xi32>
      %parallel_loop3A_77 = tpu.vector_load_idx %arg6[%parallel_loop3A_76, %parallel_loop3A_40] : memref<64x257xf32, #tpu.memory_space<vmem>>[vector<16xi32>, vector<16xi32>], vector<16xf32>,
      %parallel_loop3A_78 = arith.constant 48 : i32
      %parallel_loop3A_79 = vector.broadcast %parallel_loop3A_78 : i32 to vector<16xi32>
      %parallel_loop3A_80 = arith.addi %iota3A, %parallel_loop3A_79 : vector<16xi32>
      %parallel_loop3A_81 = arith.constant dense<true> : vector<16xi1>
      %parallel_loop3A_82, %parallel_loop3A_83, %parallel_loop3A_84 = tpu.sort %parallel_loop3A_77, %parallel_loop3A_80 masked %parallel_loop3A_81 : (vector<16xf32>, vector<16xi32>, vector<16xi1>) -> (vector<16xi1>, vector<16xf32>, vector<16xi32>)
      %parallel_loop3A_85 = arith.constant 15 : i32
      %parallel_loop3A_86 = vector.broadcast %parallel_loop3A_85 : i32 to vector<16xi32>
      %parallel_loop3A_87 = tpu.iota {dimensions = array<i32: 0>} : vector<16xi32>
      %parallel_loop3A_88 = arith.subi %parallel_loop3A_86, %parallel_loop3A_87 : vector<16xi32>
      %parallel_loop3A_89 = tpu.dynamic_gather %parallel_loop3A_61[%parallel_loop3A_88] in [0] : vector<16xf32>, vector<16xi32> -> vector<16xf32>
      %parallel_loop3A_90 = arith.select %lt3A_4, %parallel_loop3A_50, %parallel_loop3A_89 : vector<16xi1>, vector<16xf32>
      %parallel_loop3A_91 = arith.constant 15 : i32
      %parallel_loop3A_92 = vector.broadcast %parallel_loop3A_91 : i32 to vector<16xi32>
      %parallel_loop3A_93 = tpu.iota {dimensions = array<i32: 0>} : vector<16xi32>
      %parallel_loop3A_94 = arith.subi %parallel_loop3A_92, %parallel_loop3A_93 : vector<16xi32>
      %parallel_loop3A_95 = tpu.dynamic_gather %parallel_loop3A_62[%parallel_loop3A_94] in [0] : vector<16xi32>, vector<16xi32> -> vector<16xi32>
      %parallel_loop3A_96 = arith.select %lt3A_4, %parallel_loop3A_51, %parallel_loop3A_95 : vector<16xi1>, vector<16xi32>
      %parallel_loop3A_97 = arith.constant dense<true> : vector<16xi1>
      %parallel_loop3A_98, %parallel_loop3A_99, %parallel_loop3A_100 = tpu.sort %parallel_loop3A_90, %parallel_loop3A_96 masked %parallel_loop3A_97 : (vector<16xf32>, vector<16xi32>, vector<16xi1>) -> (vector<16xi1>, vector<16xf32>, vector<16xi32>)
      %parallel_loop3A_101 = arith.constant 15 : i32
      %parallel_loop3A_102 = vector.broadcast %parallel_loop3A_101 : i32 to vector<16xi32>
      %parallel_loop3A_103 = tpu.iota {dimensions = array<i32: 0>} : vector<16xi32>
      %parallel_loop3A_104 = arith.subi %parallel_loop3A_102, %parallel_loop3A_103 : vector<16xi32>
      %parallel_loop3A_105 = tpu.dynamic_gather %parallel_loop3A_83[%parallel_loop3A_104] in [0] : vector<16xf32>, vector<16xi32> -> vector<16xf32>
      %parallel_loop3A_106 = arith.select %lt3A_4, %parallel_loop3A_72, %parallel_loop3A_105 : vector<16xi1>, vector<16xf32>
      %parallel_loop3A_107 = arith.constant 15 : i32
      %parallel_loop3A_108 = vector.broadcast %parallel_loop3A_107 : i32 to vector<16xi32>
      %parallel_loop3A_109 = tpu.iota {dimensions = array<i32: 0>} : vector<16xi32>
      %parallel_loop3A_110 = arith.subi %parallel_loop3A_108, %parallel_loop3A_109 : vector<16xi32>
      %parallel_loop3A_111 = tpu.dynamic_gather %parallel_loop3A_84[%parallel_loop3A_110] in [0] : vector<16xi32>, vector<16xi32> -> vector<16xi32>
      %parallel_loop3A_112 = arith.select %lt3A_4, %parallel_loop3A_73, %parallel_loop3A_111 : vector<16xi1>, vector<16xi32>
      %parallel_loop3A_113 = arith.constant dense<true> : vector<16xi1>
      %parallel_loop3A_114, %parallel_loop3A_115, %parallel_loop3A_116 = tpu.sort %parallel_loop3A_106, %parallel_loop3A_112 masked %parallel_loop3A_113 : (vector<16xf32>, vector<16xi32>, vector<16xi1>) -> (vector<16xi1>, vector<16xf32>, vector<16xi32>)
      %parallel_loop3A_117 = arith.constant 15 : i32
      %parallel_loop3A_118 = vector.broadcast %parallel_loop3A_117 : i32 to vector<16xi32>
      %parallel_loop3A_119 = tpu.iota {dimensions = array<i32: 0>} : vector<16xi32>
      %parallel_loop3A_120 = arith.subi %parallel_loop3A_118, %parallel_loop3A_119 : vector<16xi32>
      %parallel_loop3A_121 = tpu.dynamic_gather %parallel_loop3A_115[%parallel_loop3A_120] in [0] : vector<16xf32>, vector<16xi32> -> vector<16xf32>
      %parallel_loop3A_122 = arith.select %lt3A_4, %parallel_loop3A_99, %parallel_loop3A_121 : vector<16xi1>, vector<16xf32>
      %parallel_loop3A_123 = arith.constant 15 : i32
      %parallel_loop3A_124 = vector.broadcast %parallel_loop3A_123 : i32 to vector<16xi32>
      %parallel_loop3A_125 = tpu.iota {dimensions = array<i32: 0>} : vector<16xi32>
      %parallel_loop3A_126 = arith.subi %parallel_loop3A_124, %parallel_loop3A_125 : vector<16xi32>
      %parallel_loop3A_127 = tpu.dynamic_gather %parallel_loop3A_116[%parallel_loop3A_126] in [0] : vector<16xi32>, vector<16xi32> -> vector<16xi32>
      %parallel_loop3A_128 = arith.select %lt3A_4, %parallel_loop3A_100, %parallel_loop3A_127 : vector<16xi1>, vector<16xi32>
      %parallel_loop3A_129 = arith.constant dense<true> : vector<16xi1>
      %parallel_loop3A_130, %parallel_loop3A_131, %parallel_loop3A_132 = tpu.sort %parallel_loop3A_122, %parallel_loop3A_128 masked %parallel_loop3A_129 : (vector<16xf32>, vector<16xi32>, vector<16xi1>) -> (vector<16xi1>, vector<16xf32>, vector<16xi32>)
      %parallel_loop3A_133 = tpu.vector_load_idx %arg7[%and3A_6, %parallel_loop3A_40] : memref<8x257xf32, #tpu.memory_space<vmem>>[vector<16xi32>, vector<16xi32>], vector<16xf32>,
      %parallel_loop3A_134 = math.exp %parallel_loop3A_133 : vector<16xf32>
      %parallel_loop3A_135 = arith.select %lt3A_4, %parallel_loop3A_134, %broadcast_in_dim3A_7 : vector<16xi1>, vector<16xf32>
      %parallel_loop3A_136 = arith.constant true
      %parallel_loop3A_137 = vector.broadcast %parallel_loop3A_136 : i1 to vector<16xi1>
      %parallel_loop3A_138 = tpu.scan <sum>, %parallel_loop3A_135 masked %parallel_loop3A_137 : vector<16xf32>, vector<16xi1> -> vector<16xf32>
      %parallel_loop3A_139 = vector.extract %parallel_loop3A_138[15] : f32 from vector<16xf32>
      %parallel_loop3A_140 = vector.broadcast %parallel_loop3A_139 : f32 to vector<16xf32>
      %parallel_loop3A_141 = arith.divf %parallel_loop3A_134, %parallel_loop3A_140 : vector<16xf32>
      tpu.vector_store_idx %arg8[%parallel_loop3A_132, %parallel_loop3A_40], %parallel_loop3A_141 masked %lt3A_4 : memref<64x257xf32, #tpu.memory_space<vmem>>[vector<16xi32>, vector<16xi32>], vector<16xf32>, vector<16xi1>
      tpu.vector_store_idx %arg9[%and3A_6, %parallel_loop3A_40], %parallel_loop3A_132 masked %lt3A_4 : memref<8x257xi32, #tpu.memory_space<vmem>>[vector<16xi32>, vector<16xi32>], vector<16xi32>, vector<16xi1>
    } {sc.loop_unroll_factor = 4 : i64, sc.parallel_access}
    "tpu.region"() ({
      %run_scoped3A = tpu.sem_alloc : memref<!tpu.dma_semaphore, #tpu.memory_space<semaphore_mem>>
      %dma_start3A = arith.constant 0 : i32
      %dma_start3A_39 = arith.constant 0 : i32
      %dma_start3A_40 = tpu.memref_slice %arg8[%dma_start3A, %dma_start3A_39] : memref<64x257xf32, #tpu.memory_space<vmem>> -> memref<64x256xf32, #tpu.memory_space<vmem>>
      %dma_start3A_41 = arith.constant 0 : i32
      %dma_start3A_42 = tpu.memref_slice %arg4[%dma_start3A_41, %add3A_9] : memref<64x32768xf32, #tpu.memory_space<hbm>> -> memref<64x256xf32, #tpu.memory_space<hbm>>
      %dma_start3A_43 = arith.constant 0 : i32
      %dma_start3A_44 = tpu.memref_slice %arg4[%dma_start3A_43, %add3A_9] : memref<64x32768xf32, #tpu.memory_space<hbm>> -> memref<64x256xf32, #tpu.memory_space<hbm>>
      %dma_start3A_45 = arith.constant 0 : i32
      %dma_start3A_46 = arith.constant 0 : i32
      %dma_start3A_47 = tpu.memref_slice %arg8[%dma_start3A_45, %dma_start3A_46] : memref<64x257xf32, #tpu.memory_space<vmem>> -> memref<64x256xf32, #tpu.memory_space<vmem>>
      tpu.enqueue_dma source(%dma_start3A_47 : memref<64x256xf32, #tpu.memory_space<vmem>>) target(%dma_start3A_44 : memref<64x256xf32, #tpu.memory_space<hbm>>) target_semaphore(%run_scoped3A : memref<!tpu.dma_semaphore, #tpu.memory_space<semaphore_mem>>)
      %dma_wait3A = arith.constant 0 : i32
      %dma_wait3A_48 = arith.constant 0 : i32
      %dma_wait3A_49 = tpu.memref_slice %arg8[%dma_wait3A, %dma_wait3A_48] : memref<64x257xf32, #tpu.memory_space<vmem>> -> memref<64x256xf32, #tpu.memory_space<vmem>>
      %dma_wait3A_50 = arith.constant 0 : i32
      %dma_wait3A_51 = tpu.memref_slice %arg4[%dma_wait3A_50, %add3A_9] : memref<64x32768xf32, #tpu.memory_space<hbm>> -> memref<64x256xf32, #tpu.memory_space<hbm>>
      %dma_wait3A_52 = arith.constant 0 : i32
      %dma_wait3A_53 = tpu.memref_slice %arg4[%dma_wait3A_52, %add3A_9] : memref<64x32768xf32, #tpu.memory_space<hbm>> -> memref<64x256xf32, #tpu.memory_space<hbm>>
      %dma_wait3A_54 = arith.constant 0 : i32
      %dma_wait3A_55 = arith.constant 0 : i32
      %dma_wait3A_56 = tpu.memref_slice %arg8[%dma_wait3A_54, %dma_wait3A_55] : memref<64x257xf32, #tpu.memory_space<vmem>> -> memref<64x256xf32, #tpu.memory_space<vmem>>
      tpu.wait_dma2 semaphore(%run_scoped3A : memref<!tpu.dma_semaphore, #tpu.memory_space<semaphore_mem>>) src(%dma_wait3A_56 : memref<64x256xf32, #tpu.memory_space<vmem>>) dst(%dma_wait3A_53 : memref<64x256xf32, #tpu.memory_space<hbm>>)
      tpu.yield
    }) : () -> ()
    "tpu.region"() ({
      %run_scoped3A = tpu.sem_alloc : memref<!tpu.dma_semaphore, #tpu.memory_space<semaphore_mem>>
      %dma_start3A = arith.constant 0 : i32
      %dma_start3A_39 = arith.constant 0 : i32
      %dma_start3A_40 = tpu.memref_slice %arg9[%dma_start3A, %dma_start3A_39] : memref<8x257xi32, #tpu.memory_space<vmem>> -> memref<8x256xi32, #tpu.memory_space<vmem>>
      %dma_start3A_41 = arith.constant 0 : i32
      %dma_start3A_42 = tpu.memref_slice %arg5[%dma_start3A_41, %add3A_9] : memref<8x32768xi32, #tpu.memory_space<hbm>> -> memref<8x256xi32, #tpu.memory_space<hbm>>
      %dma_start3A_43 = arith.constant 0 : i32
      %dma_start3A_44 = tpu.memref_slice %arg5[%dma_start3A_43, %add3A_9] : memref<8x32768xi32, #tpu.memory_space<hbm>> -> memref<8x256xi32, #tpu.memory_space<hbm>>
      %dma_start3A_45 = arith.constant 0 : i32
      %dma_start3A_46 = arith.constant 0 : i32
      %dma_start3A_47 = tpu.memref_slice %arg9[%dma_start3A_45, %dma_start3A_46] : memref<8x257xi32, #tpu.memory_space<vmem>> -> memref<8x256xi32, #tpu.memory_space<vmem>>
      tpu.enqueue_dma source(%dma_start3A_47 : memref<8x256xi32, #tpu.memory_space<vmem>>) target(%dma_start3A_44 : memref<8x256xi32, #tpu.memory_space<hbm>>) target_semaphore(%run_scoped3A : memref<!tpu.dma_semaphore, #tpu.memory_space<semaphore_mem>>)
      %dma_wait3A = arith.constant 0 : i32
      %dma_wait3A_48 = arith.constant 0 : i32
      %dma_wait3A_49 = tpu.memref_slice %arg9[%dma_wait3A, %dma_wait3A_48] : memref<8x257xi32, #tpu.memory_space<vmem>> -> memref<8x256xi32, #tpu.memory_space<vmem>>
      %dma_wait3A_50 = arith.constant 0 : i32
      %dma_wait3A_51 = tpu.memref_slice %arg5[%dma_wait3A_50, %add3A_9] : memref<8x32768xi32, #tpu.memory_space<hbm>> -> memref<8x256xi32, #tpu.memory_space<hbm>>
      %dma_wait3A_52 = arith.constant 0 : i32
      %dma_wait3A_53 = tpu.memref_slice %arg5[%dma_wait3A_52, %add3A_9] : memref<8x32768xi32, #tpu.memory_space<hbm>> -> memref<8x256xi32, #tpu.memory_space<hbm>>
      %dma_wait3A_54 = arith.constant 0 : i32
      %dma_wait3A_55 = arith.constant 0 : i32
      %dma_wait3A_56 = tpu.memref_slice %arg9[%dma_wait3A_54, %dma_wait3A_55] : memref<8x257xi32, #tpu.memory_space<vmem>> -> memref<8x256xi32, #tpu.memory_space<vmem>>
      tpu.wait_dma2 semaphore(%run_scoped3A : memref<!tpu.dma_semaphore, #tpu.memory_space<semaphore_mem>>) src(%dma_wait3A_56 : memref<8x256xi32, #tpu.memory_space<vmem>>) dst(%dma_wait3A_53 : memref<8x256xi32, #tpu.memory_space<hbm>>)
      tpu.yield
    }) : () -> ()
    %add3A_15 = arith.constant 256 : i32
    %add3A_16 = arith.addi %mul3A_2, %add3A_15 : i32
    "tpu.region"() ({
      %run_scoped3A = tpu.sem_alloc : memref<!tpu.dma_semaphore, #tpu.memory_space<semaphore_mem>>
      %dma_start3A = arith.constant 0 : i32
      %dma_start3A_39 = arith.constant 0 : i32
      %dma_start3A_40 = tpu.memref_slice %arg6[%dma_start3A, %dma_start3A_39] : memref<64x257xf32, #tpu.memory_space<vmem>> -> memref<64x256xf32, #tpu.memory_space<vmem>>
      %dma_start3A_41 = arith.constant 0 : i32
      %dma_start3A_42 = tpu.memref_slice %arg2[%dma_start3A_41, %add3A_16] : memref<64x32768xf32, #tpu.memory_space<hbm>> -> memref<64x256xf32, #tpu.memory_space<hbm>>
      %dma_start3A_43 = arith.constant 0 : i32
      %dma_start3A_44 = arith.constant 0 : i32
      %dma_start3A_45 = tpu.memref_slice %arg6[%dma_start3A_43, %dma_start3A_44] : memref<64x257xf32, #tpu.memory_space<vmem>> -> memref<64x256xf32, #tpu.memory_space<vmem>>
      %dma_start3A_46 = arith.constant 0 : i32
      %dma_start3A_47 = tpu.memref_slice %arg2[%dma_start3A_46, %add3A_16] : memref<64x32768xf32, #tpu.memory_space<hbm>> -> memref<64x256xf32, #tpu.memory_space<hbm>>
      tpu.enqueue_dma source(%dma_start3A_47 : memref<64x256xf32, #tpu.memory_space<hbm>>) target(%dma_start3A_45 : memref<64x256xf32, #tpu.memory_space<vmem>>) target_semaphore(%run_scoped3A : memref<!tpu.dma_semaphore, #tpu.memory_space<semaphore_mem>>)
      %dma_wait3A = arith.constant 0 : i32
      %dma_wait3A_48 = arith.constant 0 : i32
      %dma_wait3A_49 = tpu.memref_slice %arg6[%dma_wait3A, %dma_wait3A_48] : memref<64x257xf32, #tpu.memory_space<vmem>> -> memref<64x256xf32, #tpu.memory_space<vmem>>
      %dma_wait3A_50 = arith.constant 0 : i32
      %dma_wait3A_51 = tpu.memref_slice %arg2[%dma_wait3A_50, %add3A_16] : memref<64x32768xf32, #tpu.memory_space<hbm>> -> memref<64x256xf32, #tpu.memory_space<hbm>>
      %dma_wait3A_52 = arith.constant 0 : i32
      %dma_wait3A_53 = arith.constant 0 : i32
      %dma_wait3A_54 = tpu.memref_slice %arg6[%dma_wait3A_52, %dma_wait3A_53] : memref<64x257xf32, #tpu.memory_space<vmem>> -> memref<64x256xf32, #tpu.memory_space<vmem>>
      %dma_wait3A_55 = arith.constant 0 : i32
      %dma_wait3A_56 = tpu.memref_slice %arg2[%dma_wait3A_55, %add3A_16] : memref<64x32768xf32, #tpu.memory_space<hbm>> -> memref<64x256xf32, #tpu.memory_space<hbm>>
      tpu.wait_dma2 semaphore(%run_scoped3A : memref<!tpu.dma_semaphore, #tpu.memory_space<semaphore_mem>>) src(%dma_wait3A_56 : memref<64x256xf32, #tpu.memory_space<hbm>>) dst(%dma_wait3A_54 : memref<64x256xf32, #tpu.memory_space<vmem>>)
      tpu.yield
    }) : () -> ()
    "tpu.region"() ({
      %run_scoped3A = tpu.sem_alloc : memref<!tpu.dma_semaphore, #tpu.memory_space<semaphore_mem>>
      %dma_start3A = arith.constant 0 : i32
      %dma_start3A_39 = arith.constant 0 : i32
      %dma_start3A_40 = tpu.memref_slice %arg7[%dma_start3A, %dma_start3A_39] : memref<8x257xf32, #tpu.memory_space<vmem>> -> memref<8x256xf32, #tpu.memory_space<vmem>>
      %dma_start3A_41 = arith.constant 0 : i32
      %dma_start3A_42 = tpu.memref_slice %arg3[%dma_start3A_41, %add3A_16] : memref<8x32768xf32, #tpu.memory_space<hbm>> -> memref<8x256xf32, #tpu.memory_space<hbm>>
      %dma_start3A_43 = arith.constant 0 : i32
      %dma_start3A_44 = arith.constant 0 : i32
      %dma_start3A_45 = tpu.memref_slice %arg7[%dma_start3A_43, %dma_start3A_44] : memref<8x257xf32, #tpu.memory_space<vmem>> -> memref<8x256xf32, #tpu.memory_space<vmem>>
      %dma_start3A_46 = arith.constant 0 : i32
      %dma_start3A_47 = tpu.memref_slice %arg3[%dma_start3A_46, %add3A_16] : memref<8x32768xf32, #tpu.memory_space<hbm>> -> memref<8x256xf32, #tpu.memory_space<hbm>>
      tpu.enqueue_dma source(%dma_start3A_47 : memref<8x256xf32, #tpu.memory_space<hbm>>) target(%dma_start3A_45 : memref<8x256xf32, #tpu.memory_space<vmem>>) target_semaphore(%run_scoped3A : memref<!tpu.dma_semaphore, #tpu.memory_space<semaphore_mem>>)
      %dma_wait3A = arith.constant 0 : i32
      %dma_wait3A_48 = arith.constant 0 : i32
      %dma_wait3A_49 = tpu.memref_slice %arg7[%dma_wait3A, %dma_wait3A_48] : memref<8x257xf32, #tpu.memory_space<vmem>> -> memref<8x256xf32, #tpu.memory_space<vmem>>
      %dma_wait3A_50 = arith.constant 0 : i32
      %dma_wait3A_51 = tpu.memref_slice %arg3[%dma_wait3A_50, %add3A_16] : memref<8x32768xf32, #tpu.memory_space<hbm>> -> memref<8x256xf32, #tpu.memory_space<hbm>>
      %dma_wait3A_52 = arith.constant 0 : i32
      %dma_wait3A_53 = arith.constant 0 : i32
      %dma_wait3A_54 = tpu.memref_slice %arg7[%dma_wait3A_52, %dma_wait3A_53] : memref<8x257xf32, #tpu.memory_space<vmem>> -> memref<8x256xf32, #tpu.memory_space<vmem>>
      %dma_wait3A_55 = arith.constant 0 : i32
      %dma_wait3A_56 = tpu.memref_slice %arg3[%dma_wait3A_55, %add3A_16] : memref<8x32768xf32, #tpu.memory_space<hbm>> -> memref<8x256xf32, #tpu.memory_space<hbm>>
      tpu.wait_dma2 semaphore(%run_scoped3A : memref<!tpu.dma_semaphore, #tpu.memory_space<semaphore_mem>>) src(%dma_wait3A_56 : memref<8x256xf32, #tpu.memory_space<hbm>>) dst(%dma_wait3A_54 : memref<8x256xf32, #tpu.memory_space<vmem>>)
      tpu.yield
    }) : () -> ()
    %parallel_loop3A_17 = arith.constant 0 : i32
    %parallel_loop3A_18 = arith.constant 64 : i32
    %parallel_loop3A_19 = arith.constant 1 : i32
    scf.for %parallel_loop3A_39 = %parallel_loop3A_17 to %parallel_loop3A_18 step %parallel_loop3A_19  : i32 {
      %parallel_loop3A_40 = arith.index_cast %parallel_loop3A_39 : i32 to index
      %parallel_loop3A_41 = arith.constant 0 : index
      %parallel_loop3A_42 = tpu.vector_load %arg8[%parallel_loop3A_40, %parallel_loop3A_41] {strides = array<i32>} : memref<64x257xf32, #tpu.memory_space<vmem>>, vector<16xf32>,
      tpu.vector_store %arg8[%parallel_loop3A_40, %parallel_loop3A_41], %broadcast_in_dim3A_7 {strides = array<i32>} : memref<64x257xf32, #tpu.memory_space<vmem>>, vector<16xf32>,
      %parallel_loop3A_43 = arith.index_cast %parallel_loop3A_39 : i32 to index
      %parallel_loop3A_44 = arith.constant 16 : index
      %parallel_loop3A_45 = tpu.vector_load %arg8[%parallel_loop3A_43, %parallel_loop3A_44] {strides = array<i32>} : memref<64x257xf32, #tpu.memory_space<vmem>>, vector<16xf32>,
      tpu.vector_store %arg8[%parallel_loop3A_43, %parallel_loop3A_44], %broadcast_in_dim3A_7 {strides = array<i32>} : memref<64x257xf32, #tpu.memory_space<vmem>>, vector<16xf32>,
      %parallel_loop3A_46 = arith.index_cast %parallel_loop3A_39 : i32 to index
      %parallel_loop3A_47 = arith.constant 32 : index
      %parallel_loop3A_48 = tpu.vector_load %arg8[%parallel_loop3A_46, %parallel_loop3A_47] {strides = array<i32>} : memref<64x257xf32, #tpu.memory_space<vmem>>, vector<16xf32>,
      tpu.vector_store %arg8[%parallel_loop3A_46, %parallel_loop3A_47], %broadcast_in_dim3A_7 {strides = array<i32>} : memref<64x257xf32, #tpu.memory_space<vmem>>, vector<16xf32>,
      %parallel_loop3A_49 = arith.index_cast %parallel_loop3A_39 : i32 to index
      %parallel_loop3A_50 = arith.constant 48 : index
      %parallel_loop3A_51 = tpu.vector_load %arg8[%parallel_loop3A_49, %parallel_loop3A_50] {strides = array<i32>} : memref<64x257xf32, #tpu.memory_space<vmem>>, vector<16xf32>,
      tpu.vector_store %arg8[%parallel_loop3A_49, %parallel_loop3A_50], %broadcast_in_dim3A_7 {strides = array<i32>} : memref<64x257xf32, #tpu.memory_space<vmem>>, vector<16xf32>,
      %parallel_loop3A_52 = arith.index_cast %parallel_loop3A_39 : i32 to index
      %parallel_loop3A_53 = arith.constant 64 : index
      %parallel_loop3A_54 = tpu.vector_load %arg8[%parallel_loop3A_52, %parallel_loop3A_53] {strides = array<i32>} : memref<64x257xf32, #tpu.memory_space<vmem>>, vector<16xf32>,
      tpu.vector_store %arg8[%parallel_loop3A_52, %parallel_loop3A_53], %broadcast_in_dim3A_7 {strides = array<i32>} : memref<64x257xf32, #tpu.memory_space<vmem>>, vector<16xf32>,
      %parallel_loop3A_55 = arith.index_cast %parallel_loop3A_39 : i32 to index
      %parallel_loop3A_56 = arith.constant 80 : index
      %parallel_loop3A_57 = tpu.vector_load %arg8[%parallel_loop3A_55, %parallel_loop3A_56] {strides = array<i32>} : memref<64x257xf32, #tpu.memory_space<vmem>>, vector<16xf32>,
      tpu.vector_store %arg8[%parallel_loop3A_55, %parallel_loop3A_56], %broadcast_in_dim3A_7 {strides = array<i32>} : memref<64x257xf32, #tpu.memory_space<vmem>>, vector<16xf32>,
      %parallel_loop3A_58 = arith.index_cast %parallel_loop3A_39 : i32 to index
      %parallel_loop3A_59 = arith.constant 96 : index
      %parallel_loop3A_60 = tpu.vector_load %arg8[%parallel_loop3A_58, %parallel_loop3A_59] {strides = array<i32>} : memref<64x257xf32, #tpu.memory_space<vmem>>, vector<16xf32>,
      tpu.vector_store %arg8[%parallel_loop3A_58, %parallel_loop3A_59], %broadcast_in_dim3A_7 {strides = array<i32>} : memref<64x257xf32, #tpu.memory_space<vmem>>, vector<16xf32>,
      %parallel_loop3A_61 = arith.index_cast %parallel_loop3A_39 : i32 to index
      %parallel_loop3A_62 = arith.constant 112 : index
      %parallel_loop3A_63 = tpu.vector_load %arg8[%parallel_loop3A_61, %parallel_loop3A_62] {strides = array<i32>} : memref<64x257xf32, #tpu.memory_space<vmem>>, vector<16xf32>,
      tpu.vector_store %arg8[%parallel_loop3A_61, %parallel_loop3A_62], %broadcast_in_dim3A_7 {strides = array<i32>} : memref<64x257xf32, #tpu.memory_space<vmem>>, vector<16xf32>,
      %parallel_loop3A_64 = arith.index_cast %parallel_loop3A_39 : i32 to index
      %parallel_loop3A_65 = arith.constant 128 : index
      %parallel_loop3A_66 = tpu.vector_load %arg8[%parallel_loop3A_64, %parallel_loop3A_65] {strides = array<i32>} : memref<64x257xf32, #tpu.memory_space<vmem>>, vector<16xf32>,
      tpu.vector_store %arg8[%parallel_loop3A_64, %parallel_loop3A_65], %broadcast_in_dim3A_7 {strides = array<i32>} : memref<64x257xf32, #tpu.memory_space<vmem>>, vector<16xf32>,
      %parallel_loop3A_67 = arith.index_cast %parallel_loop3A_39 : i32 to index
      %parallel_loop3A_68 = arith.constant 144 : index
      %parallel_loop3A_69 = tpu.vector_load %arg8[%parallel_loop3A_67, %parallel_loop3A_68] {strides = array<i32>} : memref<64x257xf32, #tpu.memory_space<vmem>>, vector<16xf32>,
      tpu.vector_store %arg8[%parallel_loop3A_67, %parallel_loop3A_68], %broadcast_in_dim3A_7 {strides = array<i32>} : memref<64x257xf32, #tpu.memory_space<vmem>>, vector<16xf32>,
      %parallel_loop3A_70 = arith.index_cast %parallel_loop3A_39 : i32 to index
      %parallel_loop3A_71 = arith.constant 160 : index
      %parallel_loop3A_72 = tpu.vector_load %arg8[%parallel_loop3A_70, %parallel_loop3A_71] {strides = array<i32>} : memref<64x257xf32, #tpu.memory_space<vmem>>, vector<16xf32>,
      tpu.vector_store %arg8[%parallel_loop3A_70, %parallel_loop3A_71], %broadcast_in_dim3A_7 {strides = array<i32>} : memref<64x257xf32, #tpu.memory_space<vmem>>, vector<16xf32>,
      %parallel_loop3A_73 = arith.index_cast %parallel_loop3A_39 : i32 to index
      %parallel_loop3A_74 = arith.constant 176 : index
      %parallel_loop3A_75 = tpu.vector_load %arg8[%parallel_loop3A_73, %parallel_loop3A_74] {strides = array<i32>} : memref<64x257xf32, #tpu.memory_space<vmem>>, vector<16xf32>,
      tpu.vector_store %arg8[%parallel_loop3A_73, %parallel_loop3A_74], %broadcast_in_dim3A_7 {strides = array<i32>} : memref<64x257xf32, #tpu.memory_space<vmem>>, vector<16xf32>,
      %parallel_loop3A_76 = arith.index_cast %parallel_loop3A_39 : i32 to index
      %parallel_loop3A_77 = arith.constant 192 : index
      %parallel_loop3A_78 = tpu.vector_load %arg8[%parallel_loop3A_76, %parallel_loop3A_77] {strides = array<i32>} : memref<64x257xf32, #tpu.memory_space<vmem>>, vector<16xf32>,
      tpu.vector_store %arg8[%parallel_loop3A_76, %parallel_loop3A_77], %broadcast_in_dim3A_7 {strides = array<i32>} : memref<64x257xf32, #tpu.memory_space<vmem>>, vector<16xf32>,
      %parallel_loop3A_79 = arith.index_cast %parallel_loop3A_39 : i32 to index
      %parallel_loop3A_80 = arith.constant 208 : index
      %parallel_loop3A_81 = tpu.vector_load %arg8[%parallel_loop3A_79, %parallel_loop3A_80] {strides = array<i32>} : memref<64x257xf32, #tpu.memory_space<vmem>>, vector<16xf32>,
      tpu.vector_store %arg8[%parallel_loop3A_79, %parallel_loop3A_80], %broadcast_in_dim3A_7 {strides = array<i32>} : memref<64x257xf32, #tpu.memory_space<vmem>>, vector<16xf32>,
      %parallel_loop3A_82 = arith.index_cast %parallel_loop3A_39 : i32 to index
      %parallel_loop3A_83 = arith.constant 224 : index
      %parallel_loop3A_84 = tpu.vector_load %arg8[%parallel_loop3A_82, %parallel_loop3A_83] {strides = array<i32>} : memref<64x257xf32, #tpu.memory_space<vmem>>, vector<16xf32>,
      tpu.vector_store %arg8[%parallel_loop3A_82, %parallel_loop3A_83], %broadcast_in_dim3A_7 {strides = array<i32>} : memref<64x257xf32, #tpu.memory_space<vmem>>, vector<16xf32>,
      %parallel_loop3A_85 = arith.index_cast %parallel_loop3A_39 : i32 to index
      %parallel_loop3A_86 = arith.constant 240 : index
      %parallel_loop3A_87 = tpu.vector_load %arg8[%parallel_loop3A_85, %parallel_loop3A_86] {strides = array<i32>} : memref<64x257xf32, #tpu.memory_space<vmem>>, vector<16xf32>,
      tpu.vector_store %arg8[%parallel_loop3A_85, %parallel_loop3A_86], %broadcast_in_dim3A_7 {strides = array<i32>} : memref<64x257xf32, #tpu.memory_space<vmem>>, vector<16xf32>,
    } {sc.loop_unroll_factor = 4 : i64, sc.parallel_access}
    %parallel_loop3A_20 = arith.constant 0 : i32
    %parallel_loop3A_21 = arith.constant 256 : i32
    %parallel_loop3A_22 = arith.constant 1 : i32
    scf.for %parallel_loop3A_39 = %parallel_loop3A_20 to %parallel_loop3A_21 step %parallel_loop3A_22  : i32 {
      %parallel_loop3A_40 = vector.broadcast %parallel_loop3A_39 : i32 to vector<16xi32>
      %parallel_loop3A_41 = arith.constant 0 : i32
      %parallel_loop3A_42 = vector.broadcast %parallel_loop3A_41 : i32 to vector<16xi32>
      %parallel_loop3A_43 = arith.addi %iota3A, %parallel_loop3A_42 : vector<16xi32>
      %parallel_loop3A_44 = tpu.vector_load_idx %arg6[%parallel_loop3A_43, %parallel_loop3A_40] : memref<64x257xf32, #tpu.memory_space<vmem>>[vector<16xi32>, vector<16xi32>], vector<16xf32>,
      %parallel_loop3A_45 = arith.constant 0 : i32
      %parallel_loop3A_46 = vector.broadcast %parallel_loop3A_45 : i32 to vector<16xi32>
      %parallel_loop3A_47 = arith.addi %iota3A, %parallel_loop3A_46 : vector<16xi32>
      %parallel_loop3A_48 = arith.constant dense<true> : vector<16xi1>
      %parallel_loop3A_49, %parallel_loop3A_50, %parallel_loop3A_51 = tpu.sort %parallel_loop3A_44, %parallel_loop3A_47 masked %parallel_loop3A_48 : (vector<16xf32>, vector<16xi32>, vector<16xi1>) -> (vector<16xi1>, vector<16xf32>, vector<16xi32>)
      %parallel_loop3A_52 = arith.constant 16 : i32
      %parallel_loop3A_53 = vector.broadcast %parallel_loop3A_52 : i32 to vector<16xi32>
      %parallel_loop3A_54 = arith.addi %iota3A, %parallel_loop3A_53 : vector<16xi32>
      %parallel_loop3A_55 = tpu.vector_load_idx %arg6[%parallel_loop3A_54, %parallel_loop3A_40] : memref<64x257xf32, #tpu.memory_space<vmem>>[vector<16xi32>, vector<16xi32>], vector<16xf32>,
      %parallel_loop3A_56 = arith.constant 16 : i32
      %parallel_loop3A_57 = vector.broadcast %parallel_loop3A_56 : i32 to vector<16xi32>
      %parallel_loop3A_58 = arith.addi %iota3A, %parallel_loop3A_57 : vector<16xi32>
      %parallel_loop3A_59 = arith.constant dense<true> : vector<16xi1>
      %parallel_loop3A_60, %parallel_loop3A_61, %parallel_loop3A_62 = tpu.sort %parallel_loop3A_55, %parallel_loop3A_58 masked %parallel_loop3A_59 : (vector<16xf32>, vector<16xi32>, vector<16xi1>) -> (vector<16xi1>, vector<16xf32>, vector<16xi32>)
      %parallel_loop3A_63 = arith.constant 32 : i32
      %parallel_loop3A_64 = vector.broadcast %parallel_loop3A_63 : i32 to vector<16xi32>
      %parallel_loop3A_65 = arith.addi %iota3A, %parallel_loop3A_64 : vector<16xi32>
      %parallel_loop3A_66 = tpu.vector_load_idx %arg6[%parallel_loop3A_65, %parallel_loop3A_40] : memref<64x257xf32, #tpu.memory_space<vmem>>[vector<16xi32>, vector<16xi32>], vector<16xf32>,
      %parallel_loop3A_67 = arith.constant 32 : i32
      %parallel_loop3A_68 = vector.broadcast %parallel_loop3A_67 : i32 to vector<16xi32>
      %parallel_loop3A_69 = arith.addi %iota3A, %parallel_loop3A_68 : vector<16xi32>
      %parallel_loop3A_70 = arith.constant dense<true> : vector<16xi1>
      %parallel_loop3A_71, %parallel_loop3A_72, %parallel_loop3A_73 = tpu.sort %parallel_loop3A_66, %parallel_loop3A_69 masked %parallel_loop3A_70 : (vector<16xf32>, vector<16xi32>, vector<16xi1>) -> (vector<16xi1>, vector<16xf32>, vector<16xi32>)
      %parallel_loop3A_74 = arith.constant 48 : i32
      %parallel_loop3A_75 = vector.broadcast %parallel_loop3A_74 : i32 to vector<16xi32>
      %parallel_loop3A_76 = arith.addi %iota3A, %parallel_loop3A_75 : vector<16xi32>
      %parallel_loop3A_77 = tpu.vector_load_idx %arg6[%parallel_loop3A_76, %parallel_loop3A_40] : memref<64x257xf32, #tpu.memory_space<vmem>>[vector<16xi32>, vector<16xi32>], vector<16xf32>,
      %parallel_loop3A_78 = arith.constant 48 : i32
      %parallel_loop3A_79 = vector.broadcast %parallel_loop3A_78 : i32 to vector<16xi32>
      %parallel_loop3A_80 = arith.addi %iota3A, %parallel_loop3A_79 : vector<16xi32>
      %parallel_loop3A_81 = arith.constant dense<true> : vector<16xi1>
      %parallel_loop3A_82, %parallel_loop3A_83, %parallel_loop3A_84 = tpu.sort %parallel_loop3A_77, %parallel_loop3A_80 masked %parallel_loop3A_81 : (vector<16xf32>, vector<16xi32>, vector<16xi1>) -> (vector<16xi1>, vector<16xf32>, vector<16xi32>)
      %parallel_loop3A_85 = arith.constant 15 : i32
      %parallel_loop3A_86 = vector.broadcast %parallel_loop3A_85 : i32 to vector<16xi32>
      %parallel_loop3A_87 = tpu.iota {dimensions = array<i32: 0>} : vector<16xi32>
      %parallel_loop3A_88 = arith.subi %parallel_loop3A_86, %parallel_loop3A_87 : vector<16xi32>
      %parallel_loop3A_89 = tpu.dynamic_gather %parallel_loop3A_61[%parallel_loop3A_88] in [0] : vector<16xf32>, vector<16xi32> -> vector<16xf32>
      %parallel_loop3A_90 = arith.select %lt3A_4, %parallel_loop3A_50, %parallel_loop3A_89 : vector<16xi1>, vector<16xf32>
      %parallel_loop3A_91 = arith.constant 15 : i32
      %parallel_loop3A_92 = vector.broadcast %parallel_loop3A_91 : i32 to vector<16xi32>
      %parallel_loop3A_93 = tpu.iota {dimensions = array<i32: 0>} : vector<16xi32>
      %parallel_loop3A_94 = arith.subi %parallel_loop3A_92, %parallel_loop3A_93 : vector<16xi32>
      %parallel_loop3A_95 = tpu.dynamic_gather %parallel_loop3A_62[%parallel_loop3A_94] in [0] : vector<16xi32>, vector<16xi32> -> vector<16xi32>
      %parallel_loop3A_96 = arith.select %lt3A_4, %parallel_loop3A_51, %parallel_loop3A_95 : vector<16xi1>, vector<16xi32>
      %parallel_loop3A_97 = arith.constant dense<true> : vector<16xi1>
      %parallel_loop3A_98, %parallel_loop3A_99, %parallel_loop3A_100 = tpu.sort %parallel_loop3A_90, %parallel_loop3A_96 masked %parallel_loop3A_97 : (vector<16xf32>, vector<16xi32>, vector<16xi1>) -> (vector<16xi1>, vector<16xf32>, vector<16xi32>)
      %parallel_loop3A_101 = arith.constant 15 : i32
      %parallel_loop3A_102 = vector.broadcast %parallel_loop3A_101 : i32 to vector<16xi32>
      %parallel_loop3A_103 = tpu.iota {dimensions = array<i32: 0>} : vector<16xi32>
      %parallel_loop3A_104 = arith.subi %parallel_loop3A_102, %parallel_loop3A_103 : vector<16xi32>
      %parallel_loop3A_105 = tpu.dynamic_gather %parallel_loop3A_83[%parallel_loop3A_104] in [0] : vector<16xf32>, vector<16xi32> -> vector<16xf32>
      %parallel_loop3A_106 = arith.select %lt3A_4, %parallel_loop3A_72, %parallel_loop3A_105 : vector<16xi1>, vector<16xf32>
      %parallel_loop3A_107 = arith.constant 15 : i32
      %parallel_loop3A_108 = vector.broadcast %parallel_loop3A_107 : i32 to vector<16xi32>
      %parallel_loop3A_109 = tpu.iota {dimensions = array<i32: 0>} : vector<16xi32>
      %parallel_loop3A_110 = arith.subi %parallel_loop3A_108, %parallel_loop3A_109 : vector<16xi32>
      %parallel_loop3A_111 = tpu.dynamic_gather %parallel_loop3A_84[%parallel_loop3A_110] in [0] : vector<16xi32>, vector<16xi32> -> vector<16xi32>
      %parallel_loop3A_112 = arith.select %lt3A_4, %parallel_loop3A_73, %parallel_loop3A_111 : vector<16xi1>, vector<16xi32>
      %parallel_loop3A_113 = arith.constant dense<true> : vector<16xi1>
      %parallel_loop3A_114, %parallel_loop3A_115, %parallel_loop3A_116 = tpu.sort %parallel_loop3A_106, %parallel_loop3A_112 masked %parallel_loop3A_113 : (vector<16xf32>, vector<16xi32>, vector<16xi1>) -> (vector<16xi1>, vector<16xf32>, vector<16xi32>)
      %parallel_loop3A_117 = arith.constant 15 : i32
      %parallel_loop3A_118 = vector.broadcast %parallel_loop3A_117 : i32 to vector<16xi32>
      %parallel_loop3A_119 = tpu.iota {dimensions = array<i32: 0>} : vector<16xi32>
      %parallel_loop3A_120 = arith.subi %parallel_loop3A_118, %parallel_loop3A_119 : vector<16xi32>
      %parallel_loop3A_121 = tpu.dynamic_gather %parallel_loop3A_115[%parallel_loop3A_120] in [0] : vector<16xf32>, vector<16xi32> -> vector<16xf32>
      %parallel_loop3A_122 = arith.select %lt3A_4, %parallel_loop3A_99, %parallel_loop3A_121 : vector<16xi1>, vector<16xf32>
      %parallel_loop3A_123 = arith.constant 15 : i32
      %parallel_loop3A_124 = vector.broadcast %parallel_loop3A_123 : i32 to vector<16xi32>
      %parallel_loop3A_125 = tpu.iota {dimensions = array<i32: 0>} : vector<16xi32>
      %parallel_loop3A_126 = arith.subi %parallel_loop3A_124, %parallel_loop3A_125 : vector<16xi32>
      %parallel_loop3A_127 = tpu.dynamic_gather %parallel_loop3A_116[%parallel_loop3A_126] in [0] : vector<16xi32>, vector<16xi32> -> vector<16xi32>
      %parallel_loop3A_128 = arith.select %lt3A_4, %parallel_loop3A_100, %parallel_loop3A_127 : vector<16xi1>, vector<16xi32>
      %parallel_loop3A_129 = arith.constant dense<true> : vector<16xi1>
      %parallel_loop3A_130, %parallel_loop3A_131, %parallel_loop3A_132 = tpu.sort %parallel_loop3A_122, %parallel_loop3A_128 masked %parallel_loop3A_129 : (vector<16xf32>, vector<16xi32>, vector<16xi1>) -> (vector<16xi1>, vector<16xf32>, vector<16xi32>)
      %parallel_loop3A_133 = tpu.vector_load_idx %arg7[%and3A_6, %parallel_loop3A_40] : memref<8x257xf32, #tpu.memory_space<vmem>>[vector<16xi32>, vector<16xi32>], vector<16xf32>,
      %parallel_loop3A_134 = math.exp %parallel_loop3A_133 : vector<16xf32>
      %parallel_loop3A_135 = arith.select %lt3A_4, %parallel_loop3A_134, %broadcast_in_dim3A_7 : vector<16xi1>, vector<16xf32>
      %parallel_loop3A_136 = arith.constant true
      %parallel_loop3A_137 = vector.broadcast %parallel_loop3A_136 : i1 to vector<16xi1>
      %parallel_loop3A_138 = tpu.scan <sum>, %parallel_loop3A_135 masked %parallel_loop3A_137 : vector<16xf32>, vector<16xi1> -> vector<16xf32>
      %parallel_loop3A_139 = vector.extract %parallel_loop3A_138[15] : f32 from vector<16xf32>
      %parallel_loop3A_140 = vector.broadcast %parallel_loop3A_139 : f32 to vector<16xf32>
      %parallel_loop3A_141 = arith.divf %parallel_loop3A_134, %parallel_loop3A_140 : vector<16xf32>
      tpu.vector_store_idx %arg8[%parallel_loop3A_132, %parallel_loop3A_40], %parallel_loop3A_141 masked %lt3A_4 : memref<64x257xf32, #tpu.memory_space<vmem>>[vector<16xi32>, vector<16xi32>], vector<16xf32>, vector<16xi1>
      tpu.vector_store_idx %arg9[%and3A_6, %parallel_loop3A_40], %parallel_loop3A_132 masked %lt3A_4 : memref<8x257xi32, #tpu.memory_space<vmem>>[vector<16xi32>, vector<16xi32>], vector<16xi32>, vector<16xi1>
    } {sc.loop_unroll_factor = 4 : i64, sc.parallel_access}
    "tpu.region"() ({
      %run_scoped3A = tpu.sem_alloc : memref<!tpu.dma_semaphore, #tpu.memory_space<semaphore_mem>>
      %dma_start3A = arith.constant 0 : i32
      %dma_start3A_39 = arith.constant 0 : i32
      %dma_start3A_40 = tpu.memref_slice %arg8[%dma_start3A, %dma_start3A_39] : memref<64x257xf32, #tpu.memory_space<vmem>> -> memref<64x256xf32, #tpu.memory_space<vmem>>
      %dma_start3A_41 = arith.constant 0 : i32
      %dma_start3A_42 = tpu.memref_slice %arg4[%dma_start3A_41, %add3A_16] : memref<64x32768xf32, #tpu.memory_space<hbm>> -> memref<64x256xf32, #tpu.memory_space<hbm>>
      %dma_start3A_43 = arith.constant 0 : i32
      %dma_start3A_44 = tpu.memref_slice %arg4[%dma_start3A_43, %add3A_16] : memref<64x32768xf32, #tpu.memory_space<hbm>> -> memref<64x256xf32, #tpu.memory_space<hbm>>
      %dma_start3A_45 = arith.constant 0 : i32
      %dma_start3A_46 = arith.constant 0 : i32
      %dma_start3A_47 = tpu.memref_slice %arg8[%dma_start3A_45, %dma_start3A_46] : memref<64x257xf32, #tpu.memory_space<vmem>> -> memref<64x256xf32, #tpu.memory_space<vmem>>
      tpu.enqueue_dma source(%dma_start3A_47 : memref<64x256xf32, #tpu.memory_space<vmem>>) target(%dma_start3A_44 : memref<64x256xf32, #tpu.memory_space<hbm>>) target_semaphore(%run_scoped3A : memref<!tpu.dma_semaphore, #tpu.memory_space<semaphore_mem>>)
      %dma_wait3A = arith.constant 0 : i32
      %dma_wait3A_48 = arith.constant 0 : i32
      %dma_wait3A_49 = tpu.memref_slice %arg8[%dma_wait3A, %dma_wait3A_48] : memref<64x257xf32, #tpu.memory_space<vmem>> -> memref<64x256xf32, #tpu.memory_space<vmem>>
      %dma_wait3A_50 = arith.constant 0 : i32
      %dma_wait3A_51 = tpu.memref_slice %arg4[%dma_wait3A_50, %add3A_16] : memref<64x32768xf32, #tpu.memory_space<hbm>> -> memref<64x256xf32, #tpu.memory_space<hbm>>
      %dma_wait3A_52 = arith.constant 0 : i32
      %dma_wait3A_53 = tpu.memref_slice %arg4[%dma_wait3A_52, %add3A_16] : memref<64x32768xf32, #tpu.memory_space<hbm>> -> memref<64x256xf32, #tpu.memory_space<hbm>>
      %dma_wait3A_54 = arith.constant 0 : i32
      %dma_wait3A_55 = arith.constant 0 : i32
      %dma_wait3A_56 = tpu.memref_slice %arg8[%dma_wait3A_54, %dma_wait3A_55] : memref<64x257xf32, #tpu.memory_space<vmem>> -> memref<64x256xf32, #tpu.memory_space<vmem>>
      tpu.wait_dma2 semaphore(%run_scoped3A : memref<!tpu.dma_semaphore, #tpu.memory_space<semaphore_mem>>) src(%dma_wait3A_56 : memref<64x256xf32, #tpu.memory_space<vmem>>) dst(%dma_wait3A_53 : memref<64x256xf32, #tpu.memory_space<hbm>>)
      tpu.yield
    }) : () -> ()
    "tpu.region"() ({
      %run_scoped3A = tpu.sem_alloc : memref<!tpu.dma_semaphore, #tpu.memory_space<semaphore_mem>>
      %dma_start3A = arith.constant 0 : i32
      %dma_start3A_39 = arith.constant 0 : i32
      %dma_start3A_40 = tpu.memref_slice %arg9[%dma_start3A, %dma_start3A_39] : memref<8x257xi32, #tpu.memory_space<vmem>> -> memref<8x256xi32, #tpu.memory_space<vmem>>
      %dma_start3A_41 = arith.constant 0 : i32
      %dma_start3A_42 = tpu.memref_slice %arg5[%dma_start3A_41, %add3A_16] : memref<8x32768xi32, #tpu.memory_space<hbm>> -> memref<8x256xi32, #tpu.memory_space<hbm>>
      %dma_start3A_43 = arith.constant 0 : i32
      %dma_start3A_44 = tpu.memref_slice %arg5[%dma_start3A_43, %add3A_16] : memref<8x32768xi32, #tpu.memory_space<hbm>> -> memref<8x256xi32, #tpu.memory_space<hbm>>
      %dma_start3A_45 = arith.constant 0 : i32
      %dma_start3A_46 = arith.constant 0 : i32
      %dma_start3A_47 = tpu.memref_slice %arg9[%dma_start3A_45, %dma_start3A_46] : memref<8x257xi32, #tpu.memory_space<vmem>> -> memref<8x256xi32, #tpu.memory_space<vmem>>
      tpu.enqueue_dma source(%dma_start3A_47 : memref<8x256xi32, #tpu.memory_space<vmem>>) target(%dma_start3A_44 : memref<8x256xi32, #tpu.memory_space<hbm>>) target_semaphore(%run_scoped3A : memref<!tpu.dma_semaphore, #tpu.memory_space<semaphore_mem>>)
      %dma_wait3A = arith.constant 0 : i32
      %dma_wait3A_48 = arith.constant 0 : i32
      %dma_wait3A_49 = tpu.memref_slice %arg9[%dma_wait3A, %dma_wait3A_48] : memref<8x257xi32, #tpu.memory_space<vmem>> -> memref<8x256xi32, #tpu.memory_space<vmem>>
      %dma_wait3A_50 = arith.constant 0 : i32
      %dma_wait3A_51 = tpu.memref_slice %arg5[%dma_wait3A_50, %add3A_16] : memref<8x32768xi32, #tpu.memory_space<hbm>> -> memref<8x256xi32, #tpu.memory_space<hbm>>
      %dma_wait3A_52 = arith.constant 0 : i32
      %dma_wait3A_53 = tpu.memref_slice %arg5[%dma_wait3A_52, %add3A_16] : memref<8x32768xi32, #tpu.memory_space<hbm>> -> memref<8x256xi32, #tpu.memory_space<hbm>>
      %dma_wait3A_54 = arith.constant 0 : i32
      %dma_wait3A_55 = arith.constant 0 : i32
      %dma_wait3A_56 = tpu.memref_slice %arg9[%dma_wait3A_54, %dma_wait3A_55] : memref<8x257xi32, #tpu.memory_space<vmem>> -> memref<8x256xi32, #tpu.memory_space<vmem>>
      tpu.wait_dma2 semaphore(%run_scoped3A : memref<!tpu.dma_semaphore, #tpu.memory_space<semaphore_mem>>) src(%dma_wait3A_56 : memref<8x256xi32, #tpu.memory_space<vmem>>) dst(%dma_wait3A_53 : memref<8x256xi32, #tpu.memory_space<hbm>>)
      tpu.yield
    }) : () -> ()
    %add3A_23 = arith.constant 512 : i32
    %add3A_24 = arith.addi %mul3A_2, %add3A_23 : i32
    "tpu.region"() ({
      %run_scoped3A = tpu.sem_alloc : memref<!tpu.dma_semaphore, #tpu.memory_space<semaphore_mem>>
      %dma_start3A = arith.constant 0 : i32
      %dma_start3A_39 = arith.constant 0 : i32
      %dma_start3A_40 = tpu.memref_slice %arg6[%dma_start3A, %dma_start3A_39] : memref<64x257xf32, #tpu.memory_space<vmem>> -> memref<64x256xf32, #tpu.memory_space<vmem>>
      %dma_start3A_41 = arith.constant 0 : i32
      %dma_start3A_42 = tpu.memref_slice %arg2[%dma_start3A_41, %add3A_24] : memref<64x32768xf32, #tpu.memory_space<hbm>> -> memref<64x256xf32, #tpu.memory_space<hbm>>
      %dma_start3A_43 = arith.constant 0 : i32
      %dma_start3A_44 = arith.constant 0 : i32
      %dma_start3A_45 = tpu.memref_slice %arg6[%dma_start3A_43, %dma_start3A_44] : memref<64x257xf32, #tpu.memory_space<vmem>> -> memref<64x256xf32, #tpu.memory_space<vmem>>
      %dma_start3A_46 = arith.constant 0 : i32
      %dma_start3A_47 = tpu.memref_slice %arg2[%dma_start3A_46, %add3A_24] : memref<64x32768xf32, #tpu.memory_space<hbm>> -> memref<64x256xf32, #tpu.memory_space<hbm>>
      tpu.enqueue_dma source(%dma_start3A_47 : memref<64x256xf32, #tpu.memory_space<hbm>>) target(%dma_start3A_45 : memref<64x256xf32, #tpu.memory_space<vmem>>) target_semaphore(%run_scoped3A : memref<!tpu.dma_semaphore, #tpu.memory_space<semaphore_mem>>)
      %dma_wait3A = arith.constant 0 : i32
      %dma_wait3A_48 = arith.constant 0 : i32
      %dma_wait3A_49 = tpu.memref_slice %arg6[%dma_wait3A, %dma_wait3A_48] : memref<64x257xf32, #tpu.memory_space<vmem>> -> memref<64x256xf32, #tpu.memory_space<vmem>>
      %dma_wait3A_50 = arith.constant 0 : i32
      %dma_wait3A_51 = tpu.memref_slice %arg2[%dma_wait3A_50, %add3A_24] : memref<64x32768xf32, #tpu.memory_space<hbm>> -> memref<64x256xf32, #tpu.memory_space<hbm>>
      %dma_wait3A_52 = arith.constant 0 : i32
      %dma_wait3A_53 = arith.constant 0 : i32
      %dma_wait3A_54 = tpu.memref_slice %arg6[%dma_wait3A_52, %dma_wait3A_53] : memref<64x257xf32, #tpu.memory_space<vmem>> -> memref<64x256xf32, #tpu.memory_space<vmem>>
      %dma_wait3A_55 = arith.constant 0 : i32
      %dma_wait3A_56 = tpu.memref_slice %arg2[%dma_wait3A_55, %add3A_24] : memref<64x32768xf32, #tpu.memory_space<hbm>> -> memref<64x256xf32, #tpu.memory_space<hbm>>
      tpu.wait_dma2 semaphore(%run_scoped3A : memref<!tpu.dma_semaphore, #tpu.memory_space<semaphore_mem>>) src(%dma_wait3A_56 : memref<64x256xf32, #tpu.memory_space<hbm>>) dst(%dma_wait3A_54 : memref<64x256xf32, #tpu.memory_space<vmem>>)
      tpu.yield
    }) : () -> ()
    "tpu.region"() ({
      %run_scoped3A = tpu.sem_alloc : memref<!tpu.dma_semaphore, #tpu.memory_space<semaphore_mem>>
      %dma_start3A = arith.constant 0 : i32
      %dma_start3A_39 = arith.constant 0 : i32
      %dma_start3A_40 = tpu.memref_slice %arg7[%dma_start3A, %dma_start3A_39] : memref<8x257xf32, #tpu.memory_space<vmem>> -> memref<8x256xf32, #tpu.memory_space<vmem>>
      %dma_start3A_41 = arith.constant 0 : i32
      %dma_start3A_42 = tpu.memref_slice %arg3[%dma_start3A_41, %add3A_24] : memref<8x32768xf32, #tpu.memory_space<hbm>> -> memref<8x256xf32, #tpu.memory_space<hbm>>
      %dma_start3A_43 = arith.constant 0 : i32
      %dma_start3A_44 = arith.constant 0 : i32
      %dma_start3A_45 = tpu.memref_slice %arg7[%dma_start3A_43, %dma_start3A_44] : memref<8x257xf32, #tpu.memory_space<vmem>> -> memref<8x256xf32, #tpu.memory_space<vmem>>
      %dma_start3A_46 = arith.constant 0 : i32
      %dma_start3A_47 = tpu.memref_slice %arg3[%dma_start3A_46, %add3A_24] : memref<8x32768xf32, #tpu.memory_space<hbm>> -> memref<8x256xf32, #tpu.memory_space<hbm>>
      tpu.enqueue_dma source(%dma_start3A_47 : memref<8x256xf32, #tpu.memory_space<hbm>>) target(%dma_start3A_45 : memref<8x256xf32, #tpu.memory_space<vmem>>) target_semaphore(%run_scoped3A : memref<!tpu.dma_semaphore, #tpu.memory_space<semaphore_mem>>)
      %dma_wait3A = arith.constant 0 : i32
      %dma_wait3A_48 = arith.constant 0 : i32
      %dma_wait3A_49 = tpu.memref_slice %arg7[%dma_wait3A, %dma_wait3A_48] : memref<8x257xf32, #tpu.memory_space<vmem>> -> memref<8x256xf32, #tpu.memory_space<vmem>>
      %dma_wait3A_50 = arith.constant 0 : i32
      %dma_wait3A_51 = tpu.memref_slice %arg3[%dma_wait3A_50, %add3A_24] : memref<8x32768xf32, #tpu.memory_space<hbm>> -> memref<8x256xf32, #tpu.memory_space<hbm>>
      %dma_wait3A_52 = arith.constant 0 : i32
      %dma_wait3A_53 = arith.constant 0 : i32
      %dma_wait3A_54 = tpu.memref_slice %arg7[%dma_wait3A_52, %dma_wait3A_53] : memref<8x257xf32, #tpu.memory_space<vmem>> -> memref<8x256xf32, #tpu.memory_space<vmem>>
      %dma_wait3A_55 = arith.constant 0 : i32
      %dma_wait3A_56 = tpu.memref_slice %arg3[%dma_wait3A_55, %add3A_24] : memref<8x32768xf32, #tpu.memory_space<hbm>> -> memref<8x256xf32, #tpu.memory_space<hbm>>
      tpu.wait_dma2 semaphore(%run_scoped3A : memref<!tpu.dma_semaphore, #tpu.memory_space<semaphore_mem>>) src(%dma_wait3A_56 : memref<8x256xf32, #tpu.memory_space<hbm>>) dst(%dma_wait3A_54 : memref<8x256xf32, #tpu.memory_space<vmem>>)
      tpu.yield
    }) : () -> ()
    %parallel_loop3A_25 = arith.constant 0 : i32
    %parallel_loop3A_26 = arith.constant 64 : i32
    %parallel_loop3A_27 = arith.constant 1 : i32
    scf.for %parallel_loop3A_39 = %parallel_loop3A_25 to %parallel_loop3A_26 step %parallel_loop3A_27  : i32 {
      %parallel_loop3A_40 = arith.index_cast %parallel_loop3A_39 : i32 to index
      %parallel_loop3A_41 = arith.constant 0 : index
      %parallel_loop3A_42 = tpu.vector_load %arg8[%parallel_loop3A_40, %parallel_loop3A_41] {strides = array<i32>} : memref<64x257xf32, #tpu.memory_space<vmem>>, vector<16xf32>,
      tpu.vector_store %arg8[%parallel_loop3A_40, %parallel_loop3A_41], %broadcast_in_dim3A_7 {strides = array<i32>} : memref<64x257xf32, #tpu.memory_space<vmem>>, vector<16xf32>,
      %parallel_loop3A_43 = arith.index_cast %parallel_loop3A_39 : i32 to index
      %parallel_loop3A_44 = arith.constant 16 : index
      %parallel_loop3A_45 = tpu.vector_load %arg8[%parallel_loop3A_43, %parallel_loop3A_44] {strides = array<i32>} : memref<64x257xf32, #tpu.memory_space<vmem>>, vector<16xf32>,
      tpu.vector_store %arg8[%parallel_loop3A_43, %parallel_loop3A_44], %broadcast_in_dim3A_7 {strides = array<i32>} : memref<64x257xf32, #tpu.memory_space<vmem>>, vector<16xf32>,
      %parallel_loop3A_46 = arith.index_cast %parallel_loop3A_39 : i32 to index
      %parallel_loop3A_47 = arith.constant 32 : index
      %parallel_loop3A_48 = tpu.vector_load %arg8[%parallel_loop3A_46, %parallel_loop3A_47] {strides = array<i32>} : memref<64x257xf32, #tpu.memory_space<vmem>>, vector<16xf32>,
      tpu.vector_store %arg8[%parallel_loop3A_46, %parallel_loop3A_47], %broadcast_in_dim3A_7 {strides = array<i32>} : memref<64x257xf32, #tpu.memory_space<vmem>>, vector<16xf32>,
      %parallel_loop3A_49 = arith.index_cast %parallel_loop3A_39 : i32 to index
      %parallel_loop3A_50 = arith.constant 48 : index
      %parallel_loop3A_51 = tpu.vector_load %arg8[%parallel_loop3A_49, %parallel_loop3A_50] {strides = array<i32>} : memref<64x257xf32, #tpu.memory_space<vmem>>, vector<16xf32>,
      tpu.vector_store %arg8[%parallel_loop3A_49, %parallel_loop3A_50], %broadcast_in_dim3A_7 {strides = array<i32>} : memref<64x257xf32, #tpu.memory_space<vmem>>, vector<16xf32>,
      %parallel_loop3A_52 = arith.index_cast %parallel_loop3A_39 : i32 to index
      %parallel_loop3A_53 = arith.constant 64 : index
      %parallel_loop3A_54 = tpu.vector_load %arg8[%parallel_loop3A_52, %parallel_loop3A_53] {strides = array<i32>} : memref<64x257xf32, #tpu.memory_space<vmem>>, vector<16xf32>,
      tpu.vector_store %arg8[%parallel_loop3A_52, %parallel_loop3A_53], %broadcast_in_dim3A_7 {strides = array<i32>} : memref<64x257xf32, #tpu.memory_space<vmem>>, vector<16xf32>,
      %parallel_loop3A_55 = arith.index_cast %parallel_loop3A_39 : i32 to index
      %parallel_loop3A_56 = arith.constant 80 : index
      %parallel_loop3A_57 = tpu.vector_load %arg8[%parallel_loop3A_55, %parallel_loop3A_56] {strides = array<i32>} : memref<64x257xf32, #tpu.memory_space<vmem>>, vector<16xf32>,
      tpu.vector_store %arg8[%parallel_loop3A_55, %parallel_loop3A_56], %broadcast_in_dim3A_7 {strides = array<i32>} : memref<64x257xf32, #tpu.memory_space<vmem>>, vector<16xf32>,
      %parallel_loop3A_58 = arith.index_cast %parallel_loop3A_39 : i32 to index
      %parallel_loop3A_59 = arith.constant 96 : index
      %parallel_loop3A_60 = tpu.vector_load %arg8[%parallel_loop3A_58, %parallel_loop3A_59] {strides = array<i32>} : memref<64x257xf32, #tpu.memory_space<vmem>>, vector<16xf32>,
      tpu.vector_store %arg8[%parallel_loop3A_58, %parallel_loop3A_59], %broadcast_in_dim3A_7 {strides = array<i32>} : memref<64x257xf32, #tpu.memory_space<vmem>>, vector<16xf32>,
      %parallel_loop3A_61 = arith.index_cast %parallel_loop3A_39 : i32 to index
      %parallel_loop3A_62 = arith.constant 112 : index
      %parallel_loop3A_63 = tpu.vector_load %arg8[%parallel_loop3A_61, %parallel_loop3A_62] {strides = array<i32>} : memref<64x257xf32, #tpu.memory_space<vmem>>, vector<16xf32>,
      tpu.vector_store %arg8[%parallel_loop3A_61, %parallel_loop3A_62], %broadcast_in_dim3A_7 {strides = array<i32>} : memref<64x257xf32, #tpu.memory_space<vmem>>, vector<16xf32>,
      %parallel_loop3A_64 = arith.index_cast %parallel_loop3A_39 : i32 to index
      %parallel_loop3A_65 = arith.constant 128 : index
      %parallel_loop3A_66 = tpu.vector_load %arg8[%parallel_loop3A_64, %parallel_loop3A_65] {strides = array<i32>} : memref<64x257xf32, #tpu.memory_space<vmem>>, vector<16xf32>,
      tpu.vector_store %arg8[%parallel_loop3A_64, %parallel_loop3A_65], %broadcast_in_dim3A_7 {strides = array<i32>} : memref<64x257xf32, #tpu.memory_space<vmem>>, vector<16xf32>,
      %parallel_loop3A_67 = arith.index_cast %parallel_loop3A_39 : i32 to index
      %parallel_loop3A_68 = arith.constant 144 : index
      %parallel_loop3A_69 = tpu.vector_load %arg8[%parallel_loop3A_67, %parallel_loop3A_68] {strides = array<i32>} : memref<64x257xf32, #tpu.memory_space<vmem>>, vector<16xf32>,
      tpu.vector_store %arg8[%parallel_loop3A_67, %parallel_loop3A_68], %broadcast_in_dim3A_7 {strides = array<i32>} : memref<64x257xf32, #tpu.memory_space<vmem>>, vector<16xf32>,
      %parallel_loop3A_70 = arith.index_cast %parallel_loop3A_39 : i32 to index
      %parallel_loop3A_71 = arith.constant 160 : index
      %parallel_loop3A_72 = tpu.vector_load %arg8[%parallel_loop3A_70, %parallel_loop3A_71] {strides = array<i32>} : memref<64x257xf32, #tpu.memory_space<vmem>>, vector<16xf32>,
      tpu.vector_store %arg8[%parallel_loop3A_70, %parallel_loop3A_71], %broadcast_in_dim3A_7 {strides = array<i32>} : memref<64x257xf32, #tpu.memory_space<vmem>>, vector<16xf32>,
      %parallel_loop3A_73 = arith.index_cast %parallel_loop3A_39 : i32 to index
      %parallel_loop3A_74 = arith.constant 176 : index
      %parallel_loop3A_75 = tpu.vector_load %arg8[%parallel_loop3A_73, %parallel_loop3A_74] {strides = array<i32>} : memref<64x257xf32, #tpu.memory_space<vmem>>, vector<16xf32>,
      tpu.vector_store %arg8[%parallel_loop3A_73, %parallel_loop3A_74], %broadcast_in_dim3A_7 {strides = array<i32>} : memref<64x257xf32, #tpu.memory_space<vmem>>, vector<16xf32>,
      %parallel_loop3A_76 = arith.index_cast %parallel_loop3A_39 : i32 to index
      %parallel_loop3A_77 = arith.constant 192 : index
      %parallel_loop3A_78 = tpu.vector_load %arg8[%parallel_loop3A_76, %parallel_loop3A_77] {strides = array<i32>} : memref<64x257xf32, #tpu.memory_space<vmem>>, vector<16xf32>,
      tpu.vector_store %arg8[%parallel_loop3A_76, %parallel_loop3A_77], %broadcast_in_dim3A_7 {strides = array<i32>} : memref<64x257xf32, #tpu.memory_space<vmem>>, vector<16xf32>,
      %parallel_loop3A_79 = arith.index_cast %parallel_loop3A_39 : i32 to index
      %parallel_loop3A_80 = arith.constant 208 : index
      %parallel_loop3A_81 = tpu.vector_load %arg8[%parallel_loop3A_79, %parallel_loop3A_80] {strides = array<i32>} : memref<64x257xf32, #tpu.memory_space<vmem>>, vector<16xf32>,
      tpu.vector_store %arg8[%parallel_loop3A_79, %parallel_loop3A_80], %broadcast_in_dim3A_7 {strides = array<i32>} : memref<64x257xf32, #tpu.memory_space<vmem>>, vector<16xf32>,
      %parallel_loop3A_82 = arith.index_cast %parallel_loop3A_39 : i32 to index
      %parallel_loop3A_83 = arith.constant 224 : index
      %parallel_loop3A_84 = tpu.vector_load %arg8[%parallel_loop3A_82, %parallel_loop3A_83] {strides = array<i32>} : memref<64x257xf32, #tpu.memory_space<vmem>>, vector<16xf32>,
      tpu.vector_store %arg8[%parallel_loop3A_82, %parallel_loop3A_83], %broadcast_in_dim3A_7 {strides = array<i32>} : memref<64x257xf32, #tpu.memory_space<vmem>>, vector<16xf32>,
      %parallel_loop3A_85 = arith.index_cast %parallel_loop3A_39 : i32 to index
      %parallel_loop3A_86 = arith.constant 240 : index
      %parallel_loop3A_87 = tpu.vector_load %arg8[%parallel_loop3A_85, %parallel_loop3A_86] {strides = array<i32>} : memref<64x257xf32, #tpu.memory_space<vmem>>, vector<16xf32>,
      tpu.vector_store %arg8[%parallel_loop3A_85, %parallel_loop3A_86], %broadcast_in_dim3A_7 {strides = array<i32>} : memref<64x257xf32, #tpu.memory_space<vmem>>, vector<16xf32>,
    } {sc.loop_unroll_factor = 4 : i64, sc.parallel_access}
    %parallel_loop3A_28 = arith.constant 0 : i32
    %parallel_loop3A_29 = arith.constant 256 : i32
    %parallel_loop3A_30 = arith.constant 1 : i32
    scf.for %parallel_loop3A_39 = %parallel_loop3A_28 to %parallel_loop3A_29 step %parallel_loop3A_30  : i32 {
      %parallel_loop3A_40 = vector.broadcast %parallel_loop3A_39 : i32 to vector<16xi32>
      %parallel_loop3A_41 = arith.constant 0 : i32
      %parallel_loop3A_42 = vector.broadcast %parallel_loop3A_41 : i32 to vector<16xi32>
      %parallel_loop3A_43 = arith.addi %iota3A, %parallel_loop3A_42 : vector<16xi32>
      %parallel_loop3A_44 = tpu.vector_load_idx %arg6[%parallel_loop3A_43, %parallel_loop3A_40] : memref<64x257xf32, #tpu.memory_space<vmem>>[vector<16xi32>, vector<16xi32>], vector<16xf32>,
      %parallel_loop3A_45 = arith.constant 0 : i32
      %parallel_loop3A_46 = vector.broadcast %parallel_loop3A_45 : i32 to vector<16xi32>
      %parallel_loop3A_47 = arith.addi %iota3A, %parallel_loop3A_46 : vector<16xi32>
      %parallel_loop3A_48 = arith.constant dense<true> : vector<16xi1>
      %parallel_loop3A_49, %parallel_loop3A_50, %parallel_loop3A_51 = tpu.sort %parallel_loop3A_44, %parallel_loop3A_47 masked %parallel_loop3A_48 : (vector<16xf32>, vector<16xi32>, vector<16xi1>) -> (vector<16xi1>, vector<16xf32>, vector<16xi32>)
      %parallel_loop3A_52 = arith.constant 16 : i32
      %parallel_loop3A_53 = vector.broadcast %parallel_loop3A_52 : i32 to vector<16xi32>
      %parallel_loop3A_54 = arith.addi %iota3A, %parallel_loop3A_53 : vector<16xi32>
      %parallel_loop3A_55 = tpu.vector_load_idx %arg6[%parallel_loop3A_54, %parallel_loop3A_40] : memref<64x257xf32, #tpu.memory_space<vmem>>[vector<16xi32>, vector<16xi32>], vector<16xf32>,
      %parallel_loop3A_56 = arith.constant 16 : i32
      %parallel_loop3A_57 = vector.broadcast %parallel_loop3A_56 : i32 to vector<16xi32>
      %parallel_loop3A_58 = arith.addi %iota3A, %parallel_loop3A_57 : vector<16xi32>
      %parallel_loop3A_59 = arith.constant dense<true> : vector<16xi1>
      %parallel_loop3A_60, %parallel_loop3A_61, %parallel_loop3A_62 = tpu.sort %parallel_loop3A_55, %parallel_loop3A_58 masked %parallel_loop3A_59 : (vector<16xf32>, vector<16xi32>, vector<16xi1>) -> (vector<16xi1>, vector<16xf32>, vector<16xi32>)
      %parallel_loop3A_63 = arith.constant 32 : i32
      %parallel_loop3A_64 = vector.broadcast %parallel_loop3A_63 : i32 to vector<16xi32>
      %parallel_loop3A_65 = arith.addi %iota3A, %parallel_loop3A_64 : vector<16xi32>
      %parallel_loop3A_66 = tpu.vector_load_idx %arg6[%parallel_loop3A_65, %parallel_loop3A_40] : memref<64x257xf32, #tpu.memory_space<vmem>>[vector<16xi32>, vector<16xi32>], vector<16xf32>,
      %parallel_loop3A_67 = arith.constant 32 : i32
      %parallel_loop3A_68 = vector.broadcast %parallel_loop3A_67 : i32 to vector<16xi32>
      %parallel_loop3A_69 = arith.addi %iota3A, %parallel_loop3A_68 : vector<16xi32>
      %parallel_loop3A_70 = arith.constant dense<true> : vector<16xi1>
      %parallel_loop3A_71, %parallel_loop3A_72, %parallel_loop3A_73 = tpu.sort %parallel_loop3A_66, %parallel_loop3A_69 masked %parallel_loop3A_70 : (vector<16xf32>, vector<16xi32>, vector<16xi1>) -> (vector<16xi1>, vector<16xf32>, vector<16xi32>)
      %parallel_loop3A_74 = arith.constant 48 : i32
      %parallel_loop3A_75 = vector.broadcast %parallel_loop3A_74 : i32 to vector<16xi32>
      %parallel_loop3A_76 = arith.addi %iota3A, %parallel_loop3A_75 : vector<16xi32>
      %parallel_loop3A_77 = tpu.vector_load_idx %arg6[%parallel_loop3A_76, %parallel_loop3A_40] : memref<64x257xf32, #tpu.memory_space<vmem>>[vector<16xi32>, vector<16xi32>], vector<16xf32>,
      %parallel_loop3A_78 = arith.constant 48 : i32
      %parallel_loop3A_79 = vector.broadcast %parallel_loop3A_78 : i32 to vector<16xi32>
      %parallel_loop3A_80 = arith.addi %iota3A, %parallel_loop3A_79 : vector<16xi32>
      %parallel_loop3A_81 = arith.constant dense<true> : vector<16xi1>
      %parallel_loop3A_82, %parallel_loop3A_83, %parallel_loop3A_84 = tpu.sort %parallel_loop3A_77, %parallel_loop3A_80 masked %parallel_loop3A_81 : (vector<16xf32>, vector<16xi32>, vector<16xi1>) -> (vector<16xi1>, vector<16xf32>, vector<16xi32>)
      %parallel_loop3A_85 = arith.constant 15 : i32
      %parallel_loop3A_86 = vector.broadcast %parallel_loop3A_85 : i32 to vector<16xi32>
      %parallel_loop3A_87 = tpu.iota {dimensions = array<i32: 0>} : vector<16xi32>
      %parallel_loop3A_88 = arith.subi %parallel_loop3A_86, %parallel_loop3A_87 : vector<16xi32>
      %parallel_loop3A_89 = tpu.dynamic_gather %parallel_loop3A_61[%parallel_loop3A_88] in [0] : vector<16xf32>, vector<16xi32> -> vector<16xf32>
      %parallel_loop3A_90 = arith.select %lt3A_4, %parallel_loop3A_50, %parallel_loop3A_89 : vector<16xi1>, vector<16xf32>
      %parallel_loop3A_91 = arith.constant 15 : i32
      %parallel_loop3A_92 = vector.broadcast %parallel_loop3A_91 : i32 to vector<16xi32>
      %parallel_loop3A_93 = tpu.iota {dimensions = array<i32: 0>} : vector<16xi32>
      %parallel_loop3A_94 = arith.subi %parallel_loop3A_92, %parallel_loop3A_93 : vector<16xi32>
      %parallel_loop3A_95 = tpu.dynamic_gather %parallel_loop3A_62[%parallel_loop3A_94] in [0] : vector<16xi32>, vector<16xi32> -> vector<16xi32>
      %parallel_loop3A_96 = arith.select %lt3A_4, %parallel_loop3A_51, %parallel_loop3A_95 : vector<16xi1>, vector<16xi32>
      %parallel_loop3A_97 = arith.constant dense<true> : vector<16xi1>
      %parallel_loop3A_98, %parallel_loop3A_99, %parallel_loop3A_100 = tpu.sort %parallel_loop3A_90, %parallel_loop3A_96 masked %parallel_loop3A_97 : (vector<16xf32>, vector<16xi32>, vector<16xi1>) -> (vector<16xi1>, vector<16xf32>, vector<16xi32>)
      %parallel_loop3A_101 = arith.constant 15 : i32
      %parallel_loop3A_102 = vector.broadcast %parallel_loop3A_101 : i32 to vector<16xi32>
      %parallel_loop3A_103 = tpu.iota {dimensions = array<i32: 0>} : vector<16xi32>
      %parallel_loop3A_104 = arith.subi %parallel_loop3A_102, %parallel_loop3A_103 : vector<16xi32>
      %parallel_loop3A_105 = tpu.dynamic_gather %parallel_loop3A_83[%parallel_loop3A_104] in [0] : vector<16xf32>, vector<16xi32> -> vector<16xf32>
      %parallel_loop3A_106 = arith.select %lt3A_4, %parallel_loop3A_72, %parallel_loop3A_105 : vector<16xi1>, vector<16xf32>
      %parallel_loop3A_107 = arith.constant 15 : i32
      %parallel_loop3A_108 = vector.broadcast %parallel_loop3A_107 : i32 to vector<16xi32>
      %parallel_loop3A_109 = tpu.iota {dimensions = array<i32: 0>} : vector<16xi32>
      %parallel_loop3A_110 = arith.subi %parallel_loop3A_108, %parallel_loop3A_109 : vector<16xi32>
      %parallel_loop3A_111 = tpu.dynamic_gather %parallel_loop3A_84[%parallel_loop3A_110] in [0] : vector<16xi32>, vector<16xi32> -> vector<16xi32>
      %parallel_loop3A_112 = arith.select %lt3A_4, %parallel_loop3A_73, %parallel_loop3A_111 : vector<16xi1>, vector<16xi32>
      %parallel_loop3A_113 = arith.constant dense<true> : vector<16xi1>
      %parallel_loop3A_114, %parallel_loop3A_115, %parallel_loop3A_116 = tpu.sort %parallel_loop3A_106, %parallel_loop3A_112 masked %parallel_loop3A_113 : (vector<16xf32>, vector<16xi32>, vector<16xi1>) -> (vector<16xi1>, vector<16xf32>, vector<16xi32>)
      %parallel_loop3A_117 = arith.constant 15 : i32
      %parallel_loop3A_118 = vector.broadcast %parallel_loop3A_117 : i32 to vector<16xi32>
      %parallel_loop3A_119 = tpu.iota {dimensions = array<i32: 0>} : vector<16xi32>
      %parallel_loop3A_120 = arith.subi %parallel_loop3A_118, %parallel_loop3A_119 : vector<16xi32>
      %parallel_loop3A_121 = tpu.dynamic_gather %parallel_loop3A_115[%parallel_loop3A_120] in [0] : vector<16xf32>, vector<16xi32> -> vector<16xf32>
      %parallel_loop3A_122 = arith.select %lt3A_4, %parallel_loop3A_99, %parallel_loop3A_121 : vector<16xi1>, vector<16xf32>
      %parallel_loop3A_123 = arith.constant 15 : i32
      %parallel_loop3A_124 = vector.broadcast %parallel_loop3A_123 : i32 to vector<16xi32>
      %parallel_loop3A_125 = tpu.iota {dimensions = array<i32: 0>} : vector<16xi32>
      %parallel_loop3A_126 = arith.subi %parallel_loop3A_124, %parallel_loop3A_125 : vector<16xi32>
      %parallel_loop3A_127 = tpu.dynamic_gather %parallel_loop3A_116[%parallel_loop3A_126] in [0] : vector<16xi32>, vector<16xi32> -> vector<16xi32>
      %parallel_loop3A_128 = arith.select %lt3A_4, %parallel_loop3A_100, %parallel_loop3A_127 : vector<16xi1>, vector<16xi32>
      %parallel_loop3A_129 = arith.constant dense<true> : vector<16xi1>
      %parallel_loop3A_130, %parallel_loop3A_131, %parallel_loop3A_132 = tpu.sort %parallel_loop3A_122, %parallel_loop3A_128 masked %parallel_loop3A_129 : (vector<16xf32>, vector<16xi32>, vector<16xi1>) -> (vector<16xi1>, vector<16xf32>, vector<16xi32>)
      %parallel_loop3A_133 = tpu.vector_load_idx %arg7[%and3A_6, %parallel_loop3A_40] : memref<8x257xf32, #tpu.memory_space<vmem>>[vector<16xi32>, vector<16xi32>], vector<16xf32>,
      %parallel_loop3A_134 = math.exp %parallel_loop3A_133 : vector<16xf32>
      %parallel_loop3A_135 = arith.select %lt3A_4, %parallel_loop3A_134, %broadcast_in_dim3A_7 : vector<16xi1>, vector<16xf32>
      %parallel_loop3A_136 = arith.constant true
      %parallel_loop3A_137 = vector.broadcast %parallel_loop3A_136 : i1 to vector<16xi1>
      %parallel_loop3A_138 = tpu.scan <sum>, %parallel_loop3A_135 masked %parallel_loop3A_137 : vector<16xf32>, vector<16xi1> -> vector<16xf32>
      %parallel_loop3A_139 = vector.extract %parallel_loop3A_138[15] : f32 from vector<16xf32>
      %parallel_loop3A_140 = vector.broadcast %parallel_loop3A_139 : f32 to vector<16xf32>
      %parallel_loop3A_141 = arith.divf %parallel_loop3A_134, %parallel_loop3A_140 : vector<16xf32>
      tpu.vector_store_idx %arg8[%parallel_loop3A_132, %parallel_loop3A_40], %parallel_loop3A_141 masked %lt3A_4 : memref<64x257xf32, #tpu.memory_space<vmem>>[vector<16xi32>, vector<16xi32>], vector<16xf32>, vector<16xi1>
      tpu.vector_store_idx %arg9[%and3A_6, %parallel_loop3A_40], %parallel_loop3A_132 masked %lt3A_4 : memref<8x257xi32, #tpu.memory_space<vmem>>[vector<16xi32>, vector<16xi32>], vector<16xi32>, vector<16xi1>
    } {sc.loop_unroll_factor = 4 : i64, sc.parallel_access}
    "tpu.region"() ({
      %run_scoped3A = tpu.sem_alloc : memref<!tpu.dma_semaphore, #tpu.memory_space<semaphore_mem>>
      %dma_start3A = arith.constant 0 : i32
      %dma_start3A_39 = arith.constant 0 : i32
      %dma_start3A_40 = tpu.memref_slice %arg8[%dma_start3A, %dma_start3A_39] : memref<64x257xf32, #tpu.memory_space<vmem>> -> memref<64x256xf32, #tpu.memory_space<vmem>>
      %dma_start3A_41 = arith.constant 0 : i32
      %dma_start3A_42 = tpu.memref_slice %arg4[%dma_start3A_41, %add3A_24] : memref<64x32768xf32, #tpu.memory_space<hbm>> -> memref<64x256xf32, #tpu.memory_space<hbm>>
      %dma_start3A_43 = arith.constant 0 : i32
      %dma_start3A_44 = tpu.memref_slice %arg4[%dma_start3A_43, %add3A_24] : memref<64x32768xf32, #tpu.memory_space<hbm>> -> memref<64x256xf32, #tpu.memory_space<hbm>>
      %dma_start3A_45 = arith.constant 0 : i32
      %dma_start3A_46 = arith.constant 0 : i32
      %dma_start3A_47 = tpu.memref_slice %arg8[%dma_start3A_45, %dma_start3A_46] : memref<64x257xf32, #tpu.memory_space<vmem>> -> memref<64x256xf32, #tpu.memory_space<vmem>>
      tpu.enqueue_dma source(%dma_start3A_47 : memref<64x256xf32, #tpu.memory_space<vmem>>) target(%dma_start3A_44 : memref<64x256xf32, #tpu.memory_space<hbm>>) target_semaphore(%run_scoped3A : memref<!tpu.dma_semaphore, #tpu.memory_space<semaphore_mem>>)
      %dma_wait3A = arith.constant 0 : i32
      %dma_wait3A_48 = arith.constant 0 : i32
      %dma_wait3A_49 = tpu.memref_slice %arg8[%dma_wait3A, %dma_wait3A_48] : memref<64x257xf32, #tpu.memory_space<vmem>> -> memref<64x256xf32, #tpu.memory_space<vmem>>
      %dma_wait3A_50 = arith.constant 0 : i32
      %dma_wait3A_51 = tpu.memref_slice %arg4[%dma_wait3A_50, %add3A_24] : memref<64x32768xf32, #tpu.memory_space<hbm>> -> memref<64x256xf32, #tpu.memory_space<hbm>>
      %dma_wait3A_52 = arith.constant 0 : i32
      %dma_wait3A_53 = tpu.memref_slice %arg4[%dma_wait3A_52, %add3A_24] : memref<64x32768xf32, #tpu.memory_space<hbm>> -> memref<64x256xf32, #tpu.memory_space<hbm>>
      %dma_wait3A_54 = arith.constant 0 : i32
      %dma_wait3A_55 = arith.constant 0 : i32
      %dma_wait3A_56 = tpu.memref_slice %arg8[%dma_wait3A_54, %dma_wait3A_55] : memref<64x257xf32, #tpu.memory_space<vmem>> -> memref<64x256xf32, #tpu.memory_space<vmem>>
      tpu.wait_dma2 semaphore(%run_scoped3A : memref<!tpu.dma_semaphore, #tpu.memory_space<semaphore_mem>>) src(%dma_wait3A_56 : memref<64x256xf32, #tpu.memory_space<vmem>>) dst(%dma_wait3A_53 : memref<64x256xf32, #tpu.memory_space<hbm>>)
      tpu.yield
    }) : () -> ()
    "tpu.region"() ({
      %run_scoped3A = tpu.sem_alloc : memref<!tpu.dma_semaphore, #tpu.memory_space<semaphore_mem>>
      %dma_start3A = arith.constant 0 : i32
      %dma_start3A_39 = arith.constant 0 : i32
      %dma_start3A_40 = tpu.memref_slice %arg9[%dma_start3A, %dma_start3A_39] : memref<8x257xi32, #tpu.memory_space<vmem>> -> memref<8x256xi32, #tpu.memory_space<vmem>>
      %dma_start3A_41 = arith.constant 0 : i32
      %dma_start3A_42 = tpu.memref_slice %arg5[%dma_start3A_41, %add3A_24] : memref<8x32768xi32, #tpu.memory_space<hbm>> -> memref<8x256xi32, #tpu.memory_space<hbm>>
      %dma_start3A_43 = arith.constant 0 : i32
      %dma_start3A_44 = tpu.memref_slice %arg5[%dma_start3A_43, %add3A_24] : memref<8x32768xi32, #tpu.memory_space<hbm>> -> memref<8x256xi32, #tpu.memory_space<hbm>>
      %dma_start3A_45 = arith.constant 0 : i32
      %dma_start3A_46 = arith.constant 0 : i32
      %dma_start3A_47 = tpu.memref_slice %arg9[%dma_start3A_45, %dma_start3A_46] : memref<8x257xi32, #tpu.memory_space<vmem>> -> memref<8x256xi32, #tpu.memory_space<vmem>>
      tpu.enqueue_dma source(%dma_start3A_47 : memref<8x256xi32, #tpu.memory_space<vmem>>) target(%dma_start3A_44 : memref<8x256xi32, #tpu.memory_space<hbm>>) target_semaphore(%run_scoped3A : memref<!tpu.dma_semaphore, #tpu.memory_space<semaphore_mem>>)
      %dma_wait3A = arith.constant 0 : i32
      %dma_wait3A_48 = arith.constant 0 : i32
      %dma_wait3A_49 = tpu.memref_slice %arg9[%dma_wait3A, %dma_wait3A_48] : memref<8x257xi32, #tpu.memory_space<vmem>> -> memref<8x256xi32, #tpu.memory_space<vmem>>
      %dma_wait3A_50 = arith.constant 0 : i32
      %dma_wait3A_51 = tpu.memref_slice %arg5[%dma_wait3A_50, %add3A_24] : memref<8x32768xi32, #tpu.memory_space<hbm>> -> memref<8x256xi32, #tpu.memory_space<hbm>>
      %dma_wait3A_52 = arith.constant 0 : i32
      %dma_wait3A_53 = tpu.memref_slice %arg5[%dma_wait3A_52, %add3A_24] : memref<8x32768xi32, #tpu.memory_space<hbm>> -> memref<8x256xi32, #tpu.memory_space<hbm>>
      %dma_wait3A_54 = arith.constant 0 : i32
      %dma_wait3A_55 = arith.constant 0 : i32
      %dma_wait3A_56 = tpu.memref_slice %arg9[%dma_wait3A_54, %dma_wait3A_55] : memref<8x257xi32, #tpu.memory_space<vmem>> -> memref<8x256xi32, #tpu.memory_space<vmem>>
      tpu.wait_dma2 semaphore(%run_scoped3A : memref<!tpu.dma_semaphore, #tpu.memory_space<semaphore_mem>>) src(%dma_wait3A_56 : memref<8x256xi32, #tpu.memory_space<vmem>>) dst(%dma_wait3A_53 : memref<8x256xi32, #tpu.memory_space<hbm>>)
      tpu.yield
    }) : () -> ()
    %add3A_31 = arith.constant 768 : i32
    %add3A_32 = arith.addi %mul3A_2, %add3A_31 : i32
    "tpu.region"() ({
      %run_scoped3A = tpu.sem_alloc : memref<!tpu.dma_semaphore, #tpu.memory_space<semaphore_mem>>
      %dma_start3A = arith.constant 0 : i32
      %dma_start3A_39 = arith.constant 0 : i32
      %dma_start3A_40 = tpu.memref_slice %arg6[%dma_start3A, %dma_start3A_39] : memref<64x257xf32, #tpu.memory_space<vmem>> -> memref<64x256xf32, #tpu.memory_space<vmem>>
      %dma_start3A_41 = arith.constant 0 : i32
      %dma_start3A_42 = tpu.memref_slice %arg2[%dma_start3A_41, %add3A_32] : memref<64x32768xf32, #tpu.memory_space<hbm>> -> memref<64x256xf32, #tpu.memory_space<hbm>>
      %dma_start3A_43 = arith.constant 0 : i32
      %dma_start3A_44 = arith.constant 0 : i32
      %dma_start3A_45 = tpu.memref_slice %arg6[%dma_start3A_43, %dma_start3A_44] : memref<64x257xf32, #tpu.memory_space<vmem>> -> memref<64x256xf32, #tpu.memory_space<vmem>>
      %dma_start3A_46 = arith.constant 0 : i32
      %dma_start3A_47 = tpu.memref_slice %arg2[%dma_start3A_46, %add3A_32] : memref<64x32768xf32, #tpu.memory_space<hbm>> -> memref<64x256xf32, #tpu.memory_space<hbm>>
      tpu.enqueue_dma source(%dma_start3A_47 : memref<64x256xf32, #tpu.memory_space<hbm>>) target(%dma_start3A_45 : memref<64x256xf32, #tpu.memory_space<vmem>>) target_semaphore(%run_scoped3A : memref<!tpu.dma_semaphore, #tpu.memory_space<semaphore_mem>>)
      %dma_wait3A = arith.constant 0 : i32
      %dma_wait3A_48 = arith.constant 0 : i32
      %dma_wait3A_49 = tpu.memref_slice %arg6[%dma_wait3A, %dma_wait3A_48] : memref<64x257xf32, #tpu.memory_space<vmem>> -> memref<64x256xf32, #tpu.memory_space<vmem>>
      %dma_wait3A_50 = arith.constant 0 : i32
      %dma_wait3A_51 = tpu.memref_slice %arg2[%dma_wait3A_50, %add3A_32] : memref<64x32768xf32, #tpu.memory_space<hbm>> -> memref<64x256xf32, #tpu.memory_space<hbm>>
      %dma_wait3A_52 = arith.constant 0 : i32
      %dma_wait3A_53 = arith.constant 0 : i32
      %dma_wait3A_54 = tpu.memref_slice %arg6[%dma_wait3A_52, %dma_wait3A_53] : memref<64x257xf32, #tpu.memory_space<vmem>> -> memref<64x256xf32, #tpu.memory_space<vmem>>
      %dma_wait3A_55 = arith.constant 0 : i32
      %dma_wait3A_56 = tpu.memref_slice %arg2[%dma_wait3A_55, %add3A_32] : memref<64x32768xf32, #tpu.memory_space<hbm>> -> memref<64x256xf32, #tpu.memory_space<hbm>>
      tpu.wait_dma2 semaphore(%run_scoped3A : memref<!tpu.dma_semaphore, #tpu.memory_space<semaphore_mem>>) src(%dma_wait3A_56 : memref<64x256xf32, #tpu.memory_space<hbm>>) dst(%dma_wait3A_54 : memref<64x256xf32, #tpu.memory_space<vmem>>)
      tpu.yield
    }) : () -> ()
    "tpu.region"() ({
      %run_scoped3A = tpu.sem_alloc : memref<!tpu.dma_semaphore, #tpu.memory_space<semaphore_mem>>
      %dma_start3A = arith.constant 0 : i32
      %dma_start3A_39 = arith.constant 0 : i32
      %dma_start3A_40 = tpu.memref_slice %arg7[%dma_start3A, %dma_start3A_39] : memref<8x257xf32, #tpu.memory_space<vmem>> -> memref<8x256xf32, #tpu.memory_space<vmem>>
      %dma_start3A_41 = arith.constant 0 : i32
      %dma_start3A_42 = tpu.memref_slice %arg3[%dma_start3A_41, %add3A_32] : memref<8x32768xf32, #tpu.memory_space<hbm>> -> memref<8x256xf32, #tpu.memory_space<hbm>>
      %dma_start3A_43 = arith.constant 0 : i32
      %dma_start3A_44 = arith.constant 0 : i32
      %dma_start3A_45 = tpu.memref_slice %arg7[%dma_start3A_43, %dma_start3A_44] : memref<8x257xf32, #tpu.memory_space<vmem>> -> memref<8x256xf32, #tpu.memory_space<vmem>>
      %dma_start3A_46 = arith.constant 0 : i32
      %dma_start3A_47 = tpu.memref_slice %arg3[%dma_start3A_46, %add3A_32] : memref<8x32768xf32, #tpu.memory_space<hbm>> -> memref<8x256xf32, #tpu.memory_space<hbm>>
      tpu.enqueue_dma source(%dma_start3A_47 : memref<8x256xf32, #tpu.memory_space<hbm>>) target(%dma_start3A_45 : memref<8x256xf32, #tpu.memory_space<vmem>>) target_semaphore(%run_scoped3A : memref<!tpu.dma_semaphore, #tpu.memory_space<semaphore_mem>>)
      %dma_wait3A = arith.constant 0 : i32
      %dma_wait3A_48 = arith.constant 0 : i32
      %dma_wait3A_49 = tpu.memref_slice %arg7[%dma_wait3A, %dma_wait3A_48] : memref<8x257xf32, #tpu.memory_space<vmem>> -> memref<8x256xf32, #tpu.memory_space<vmem>>
      %dma_wait3A_50 = arith.constant 0 : i32
      %dma_wait3A_51 = tpu.memref_slice %arg3[%dma_wait3A_50, %add3A_32] : memref<8x32768xf32, #tpu.memory_space<hbm>> -> memref<8x256xf32, #tpu.memory_space<hbm>>
      %dma_wait3A_52 = arith.constant 0 : i32
      %dma_wait3A_53 = arith.constant 0 : i32
      %dma_wait3A_54 = tpu.memref_slice %arg7[%dma_wait3A_52, %dma_wait3A_53] : memref<8x257xf32, #tpu.memory_space<vmem>> -> memref<8x256xf32, #tpu.memory_space<vmem>>
      %dma_wait3A_55 = arith.constant 0 : i32
      %dma_wait3A_56 = tpu.memref_slice %arg3[%dma_wait3A_55, %add3A_32] : memref<8x32768xf32, #tpu.memory_space<hbm>> -> memref<8x256xf32, #tpu.memory_space<hbm>>
      tpu.wait_dma2 semaphore(%run_scoped3A : memref<!tpu.dma_semaphore, #tpu.memory_space<semaphore_mem>>) src(%dma_wait3A_56 : memref<8x256xf32, #tpu.memory_space<hbm>>) dst(%dma_wait3A_54 : memref<8x256xf32, #tpu.memory_space<vmem>>)
      tpu.yield
    }) : () -> ()
    %parallel_loop3A_33 = arith.constant 0 : i32
    %parallel_loop3A_34 = arith.constant 64 : i32
    %parallel_loop3A_35 = arith.constant 1 : i32
    scf.for %parallel_loop3A_39 = %parallel_loop3A_33 to %parallel_loop3A_34 step %parallel_loop3A_35  : i32 {
      %parallel_loop3A_40 = arith.index_cast %parallel_loop3A_39 : i32 to index
      %parallel_loop3A_41 = arith.constant 0 : index
      %parallel_loop3A_42 = tpu.vector_load %arg8[%parallel_loop3A_40, %parallel_loop3A_41] {strides = array<i32>} : memref<64x257xf32, #tpu.memory_space<vmem>>, vector<16xf32>,
      tpu.vector_store %arg8[%parallel_loop3A_40, %parallel_loop3A_41], %broadcast_in_dim3A_7 {strides = array<i32>} : memref<64x257xf32, #tpu.memory_space<vmem>>, vector<16xf32>,
      %parallel_loop3A_43 = arith.index_cast %parallel_loop3A_39 : i32 to index
      %parallel_loop3A_44 = arith.constant 16 : index
      %parallel_loop3A_45 = tpu.vector_load %arg8[%parallel_loop3A_43, %parallel_loop3A_44] {strides = array<i32>} : memref<64x257xf32, #tpu.memory_space<vmem>>, vector<16xf32>,
      tpu.vector_store %arg8[%parallel_loop3A_43, %parallel_loop3A_44], %broadcast_in_dim3A_7 {strides = array<i32>} : memref<64x257xf32, #tpu.memory_space<vmem>>, vector<16xf32>,
      %parallel_loop3A_46 = arith.index_cast %parallel_loop3A_39 : i32 to index
      %parallel_loop3A_47 = arith.constant 32 : index
      %parallel_loop3A_48 = tpu.vector_load %arg8[%parallel_loop3A_46, %parallel_loop3A_47] {strides = array<i32>} : memref<64x257xf32, #tpu.memory_space<vmem>>, vector<16xf32>,
      tpu.vector_store %arg8[%parallel_loop3A_46, %parallel_loop3A_47], %broadcast_in_dim3A_7 {strides = array<i32>} : memref<64x257xf32, #tpu.memory_space<vmem>>, vector<16xf32>,
      %parallel_loop3A_49 = arith.index_cast %parallel_loop3A_39 : i32 to index
      %parallel_loop3A_50 = arith.constant 48 : index
      %parallel_loop3A_51 = tpu.vector_load %arg8[%parallel_loop3A_49, %parallel_loop3A_50] {strides = array<i32>} : memref<64x257xf32, #tpu.memory_space<vmem>>, vector<16xf32>,
      tpu.vector_store %arg8[%parallel_loop3A_49, %parallel_loop3A_50], %broadcast_in_dim3A_7 {strides = array<i32>} : memref<64x257xf32, #tpu.memory_space<vmem>>, vector<16xf32>,
      %parallel_loop3A_52 = arith.index_cast %parallel_loop3A_39 : i32 to index
      %parallel_loop3A_53 = arith.constant 64 : index
      %parallel_loop3A_54 = tpu.vector_load %arg8[%parallel_loop3A_52, %parallel_loop3A_53] {strides = array<i32>} : memref<64x257xf32, #tpu.memory_space<vmem>>, vector<16xf32>,
      tpu.vector_store %arg8[%parallel_loop3A_52, %parallel_loop3A_53], %broadcast_in_dim3A_7 {strides = array<i32>} : memref<64x257xf32, #tpu.memory_space<vmem>>, vector<16xf32>,
      %parallel_loop3A_55 = arith.index_cast %parallel_loop3A_39 : i32 to index
      %parallel_loop3A_56 = arith.constant 80 : index
      %parallel_loop3A_57 = tpu.vector_load %arg8[%parallel_loop3A_55, %parallel_loop3A_56] {strides = array<i32>} : memref<64x257xf32, #tpu.memory_space<vmem>>, vector<16xf32>,
      tpu.vector_store %arg8[%parallel_loop3A_55, %parallel_loop3A_56], %broadcast_in_dim3A_7 {strides = array<i32>} : memref<64x257xf32, #tpu.memory_space<vmem>>, vector<16xf32>,
      %parallel_loop3A_58 = arith.index_cast %parallel_loop3A_39 : i32 to index
      %parallel_loop3A_59 = arith.constant 96 : index
      %parallel_loop3A_60 = tpu.vector_load %arg8[%parallel_loop3A_58, %parallel_loop3A_59] {strides = array<i32>} : memref<64x257xf32, #tpu.memory_space<vmem>>, vector<16xf32>,
      tpu.vector_store %arg8[%parallel_loop3A_58, %parallel_loop3A_59], %broadcast_in_dim3A_7 {strides = array<i32>} : memref<64x257xf32, #tpu.memory_space<vmem>>, vector<16xf32>,
      %parallel_loop3A_61 = arith.index_cast %parallel_loop3A_39 : i32 to index
      %parallel_loop3A_62 = arith.constant 112 : index
      %parallel_loop3A_63 = tpu.vector_load %arg8[%parallel_loop3A_61, %parallel_loop3A_62] {strides = array<i32>} : memref<64x257xf32, #tpu.memory_space<vmem>>, vector<16xf32>,
      tpu.vector_store %arg8[%parallel_loop3A_61, %parallel_loop3A_62], %broadcast_in_dim3A_7 {strides = array<i32>} : memref<64x257xf32, #tpu.memory_space<vmem>>, vector<16xf32>,
      %parallel_loop3A_64 = arith.index_cast %parallel_loop3A_39 : i32 to index
      %parallel_loop3A_65 = arith.constant 128 : index
      %parallel_loop3A_66 = tpu.vector_load %arg8[%parallel_loop3A_64, %parallel_loop3A_65] {strides = array<i32>} : memref<64x257xf32, #tpu.memory_space<vmem>>, vector<16xf32>,
      tpu.vector_store %arg8[%parallel_loop3A_64, %parallel_loop3A_65], %broadcast_in_dim3A_7 {strides = array<i32>} : memref<64x257xf32, #tpu.memory_space<vmem>>, vector<16xf32>,
      %parallel_loop3A_67 = arith.index_cast %parallel_loop3A_39 : i32 to index
      %parallel_loop3A_68 = arith.constant 144 : index
      %parallel_loop3A_69 = tpu.vector_load %arg8[%parallel_loop3A_67, %parallel_loop3A_68] {strides = array<i32>} : memref<64x257xf32, #tpu.memory_space<vmem>>, vector<16xf32>,
      tpu.vector_store %arg8[%parallel_loop3A_67, %parallel_loop3A_68], %broadcast_in_dim3A_7 {strides = array<i32>} : memref<64x257xf32, #tpu.memory_space<vmem>>, vector<16xf32>,
      %parallel_loop3A_70 = arith.index_cast %parallel_loop3A_39 : i32 to index
      %parallel_loop3A_71 = arith.constant 160 : index
      %parallel_loop3A_72 = tpu.vector_load %arg8[%parallel_loop3A_70, %parallel_loop3A_71] {strides = array<i32>} : memref<64x257xf32, #tpu.memory_space<vmem>>, vector<16xf32>,
      tpu.vector_store %arg8[%parallel_loop3A_70, %parallel_loop3A_71], %broadcast_in_dim3A_7 {strides = array<i32>} : memref<64x257xf32, #tpu.memory_space<vmem>>, vector<16xf32>,
      %parallel_loop3A_73 = arith.index_cast %parallel_loop3A_39 : i32 to index
      %parallel_loop3A_74 = arith.constant 176 : index
      %parallel_loop3A_75 = tpu.vector_load %arg8[%parallel_loop3A_73, %parallel_loop3A_74] {strides = array<i32>} : memref<64x257xf32, #tpu.memory_space<vmem>>, vector<16xf32>,
      tpu.vector_store %arg8[%parallel_loop3A_73, %parallel_loop3A_74], %broadcast_in_dim3A_7 {strides = array<i32>} : memref<64x257xf32, #tpu.memory_space<vmem>>, vector<16xf32>,
      %parallel_loop3A_76 = arith.index_cast %parallel_loop3A_39 : i32 to index
      %parallel_loop3A_77 = arith.constant 192 : index
      %parallel_loop3A_78 = tpu.vector_load %arg8[%parallel_loop3A_76, %parallel_loop3A_77] {strides = array<i32>} : memref<64x257xf32, #tpu.memory_space<vmem>>, vector<16xf32>,
      tpu.vector_store %arg8[%parallel_loop3A_76, %parallel_loop3A_77], %broadcast_in_dim3A_7 {strides = array<i32>} : memref<64x257xf32, #tpu.memory_space<vmem>>, vector<16xf32>,
      %parallel_loop3A_79 = arith.index_cast %parallel_loop3A_39 : i32 to index
      %parallel_loop3A_80 = arith.constant 208 : index
      %parallel_loop3A_81 = tpu.vector_load %arg8[%parallel_loop3A_79, %parallel_loop3A_80] {strides = array<i32>} : memref<64x257xf32, #tpu.memory_space<vmem>>, vector<16xf32>,
      tpu.vector_store %arg8[%parallel_loop3A_79, %parallel_loop3A_80], %broadcast_in_dim3A_7 {strides = array<i32>} : memref<64x257xf32, #tpu.memory_space<vmem>>, vector<16xf32>,
      %parallel_loop3A_82 = arith.index_cast %parallel_loop3A_39 : i32 to index
      %parallel_loop3A_83 = arith.constant 224 : index
      %parallel_loop3A_84 = tpu.vector_load %arg8[%parallel_loop3A_82, %parallel_loop3A_83] {strides = array<i32>} : memref<64x257xf32, #tpu.memory_space<vmem>>, vector<16xf32>,
      tpu.vector_store %arg8[%parallel_loop3A_82, %parallel_loop3A_83], %broadcast_in_dim3A_7 {strides = array<i32>} : memref<64x257xf32, #tpu.memory_space<vmem>>, vector<16xf32>,
      %parallel_loop3A_85 = arith.index_cast %parallel_loop3A_39 : i32 to index
      %parallel_loop3A_86 = arith.constant 240 : index
      %parallel_loop3A_87 = tpu.vector_load %arg8[%parallel_loop3A_85, %parallel_loop3A_86] {strides = array<i32>} : memref<64x257xf32, #tpu.memory_space<vmem>>, vector<16xf32>,
      tpu.vector_store %arg8[%parallel_loop3A_85, %parallel_loop3A_86], %broadcast_in_dim3A_7 {strides = array<i32>} : memref<64x257xf32, #tpu.memory_space<vmem>>, vector<16xf32>,
    } {sc.loop_unroll_factor = 4 : i64, sc.parallel_access}
    %parallel_loop3A_36 = arith.constant 0 : i32
    %parallel_loop3A_37 = arith.constant 256 : i32
    %parallel_loop3A_38 = arith.constant 1 : i32
    scf.for %parallel_loop3A_39 = %parallel_loop3A_36 to %parallel_loop3A_37 step %parallel_loop3A_38  : i32 {
      %parallel_loop3A_40 = vector.broadcast %parallel_loop3A_39 : i32 to vector<16xi32>
      %parallel_loop3A_41 = arith.constant 0 : i32
      %parallel_loop3A_42 = vector.broadcast %parallel_loop3A_41 : i32 to vector<16xi32>
      %parallel_loop3A_43 = arith.addi %iota3A, %parallel_loop3A_42 : vector<16xi32>
      %parallel_loop3A_44 = tpu.vector_load_idx %arg6[%parallel_loop3A_43, %parallel_loop3A_40] : memref<64x257xf32, #tpu.memory_space<vmem>>[vector<16xi32>, vector<16xi32>], vector<16xf32>,
      %parallel_loop3A_45 = arith.constant 0 : i32
      %parallel_loop3A_46 = vector.broadcast %parallel_loop3A_45 : i32 to vector<16xi32>
      %parallel_loop3A_47 = arith.addi %iota3A, %parallel_loop3A_46 : vector<16xi32>
      %parallel_loop3A_48 = arith.constant dense<true> : vector<16xi1>
      %parallel_loop3A_49, %parallel_loop3A_50, %parallel_loop3A_51 = tpu.sort %parallel_loop3A_44, %parallel_loop3A_47 masked %parallel_loop3A_48 : (vector<16xf32>, vector<16xi32>, vector<16xi1>) -> (vector<16xi1>, vector<16xf32>, vector<16xi32>)
      %parallel_loop3A_52 = arith.constant 16 : i32
      %parallel_loop3A_53 = vector.broadcast %parallel_loop3A_52 : i32 to vector<16xi32>
      %parallel_loop3A_54 = arith.addi %iota3A, %parallel_loop3A_53 : vector<16xi32>
      %parallel_loop3A_55 = tpu.vector_load_idx %arg6[%parallel_loop3A_54, %parallel_loop3A_40] : memref<64x257xf32, #tpu.memory_space<vmem>>[vector<16xi32>, vector<16xi32>], vector<16xf32>,
      %parallel_loop3A_56 = arith.constant 16 : i32
      %parallel_loop3A_57 = vector.broadcast %parallel_loop3A_56 : i32 to vector<16xi32>
      %parallel_loop3A_58 = arith.addi %iota3A, %parallel_loop3A_57 : vector<16xi32>
      %parallel_loop3A_59 = arith.constant dense<true> : vector<16xi1>
      %parallel_loop3A_60, %parallel_loop3A_61, %parallel_loop3A_62 = tpu.sort %parallel_loop3A_55, %parallel_loop3A_58 masked %parallel_loop3A_59 : (vector<16xf32>, vector<16xi32>, vector<16xi1>) -> (vector<16xi1>, vector<16xf32>, vector<16xi32>)
      %parallel_loop3A_63 = arith.constant 32 : i32
      %parallel_loop3A_64 = vector.broadcast %parallel_loop3A_63 : i32 to vector<16xi32>
      %parallel_loop3A_65 = arith.addi %iota3A, %parallel_loop3A_64 : vector<16xi32>
      %parallel_loop3A_66 = tpu.vector_load_idx %arg6[%parallel_loop3A_65, %parallel_loop3A_40] : memref<64x257xf32, #tpu.memory_space<vmem>>[vector<16xi32>, vector<16xi32>], vector<16xf32>,
      %parallel_loop3A_67 = arith.constant 32 : i32
      %parallel_loop3A_68 = vector.broadcast %parallel_loop3A_67 : i32 to vector<16xi32>
      %parallel_loop3A_69 = arith.addi %iota3A, %parallel_loop3A_68 : vector<16xi32>
      %parallel_loop3A_70 = arith.constant dense<true> : vector<16xi1>
      %parallel_loop3A_71, %parallel_loop3A_72, %parallel_loop3A_73 = tpu.sort %parallel_loop3A_66, %parallel_loop3A_69 masked %parallel_loop3A_70 : (vector<16xf32>, vector<16xi32>, vector<16xi1>) -> (vector<16xi1>, vector<16xf32>, vector<16xi32>)
      %parallel_loop3A_74 = arith.constant 48 : i32
      %parallel_loop3A_75 = vector.broadcast %parallel_loop3A_74 : i32 to vector<16xi32>
      %parallel_loop3A_76 = arith.addi %iota3A, %parallel_loop3A_75 : vector<16xi32>
      %parallel_loop3A_77 = tpu.vector_load_idx %arg6[%parallel_loop3A_76, %parallel_loop3A_40] : memref<64x257xf32, #tpu.memory_space<vmem>>[vector<16xi32>, vector<16xi32>], vector<16xf32>,
      %parallel_loop3A_78 = arith.constant 48 : i32
      %parallel_loop3A_79 = vector.broadcast %parallel_loop3A_78 : i32 to vector<16xi32>
      %parallel_loop3A_80 = arith.addi %iota3A, %parallel_loop3A_79 : vector<16xi32>
      %parallel_loop3A_81 = arith.constant dense<true> : vector<16xi1>
      %parallel_loop3A_82, %parallel_loop3A_83, %parallel_loop3A_84 = tpu.sort %parallel_loop3A_77, %parallel_loop3A_80 masked %parallel_loop3A_81 : (vector<16xf32>, vector<16xi32>, vector<16xi1>) -> (vector<16xi1>, vector<16xf32>, vector<16xi32>)
      %parallel_loop3A_85 = arith.constant 15 : i32
      %parallel_loop3A_86 = vector.broadcast %parallel_loop3A_85 : i32 to vector<16xi32>
      %parallel_loop3A_87 = tpu.iota {dimensions = array<i32: 0>} : vector<16xi32>
      %parallel_loop3A_88 = arith.subi %parallel_loop3A_86, %parallel_loop3A_87 : vector<16xi32>
      %parallel_loop3A_89 = tpu.dynamic_gather %parallel_loop3A_61[%parallel_loop3A_88] in [0] : vector<16xf32>, vector<16xi32> -> vector<16xf32>
      %parallel_loop3A_90 = arith.select %lt3A_4, %parallel_loop3A_50, %parallel_loop3A_89 : vector<16xi1>, vector<16xf32>
      %parallel_loop3A_91 = arith.constant 15 : i32
      %parallel_loop3A_92 = vector.broadcast %parallel_loop3A_91 : i32 to vector<16xi32>
      %parallel_loop3A_93 = tpu.iota {dimensions = array<i32: 0>} : vector<16xi32>
      %parallel_loop3A_94 = arith.subi %parallel_loop3A_92, %parallel_loop3A_93 : vector<16xi32>
      %parallel_loop3A_95 = tpu.dynamic_gather %parallel_loop3A_62[%parallel_loop3A_94] in [0] : vector<16xi32>, vector<16xi32> -> vector<16xi32>
      %parallel_loop3A_96 = arith.select %lt3A_4, %parallel_loop3A_51, %parallel_loop3A_95 : vector<16xi1>, vector<16xi32>
      %parallel_loop3A_97 = arith.constant dense<true> : vector<16xi1>
      %parallel_loop3A_98, %parallel_loop3A_99, %parallel_loop3A_100 = tpu.sort %parallel_loop3A_90, %parallel_loop3A_96 masked %parallel_loop3A_97 : (vector<16xf32>, vector<16xi32>, vector<16xi1>) -> (vector<16xi1>, vector<16xf32>, vector<16xi32>)
      %parallel_loop3A_101 = arith.constant 15 : i32
      %parallel_loop3A_102 = vector.broadcast %parallel_loop3A_101 : i32 to vector<16xi32>
      %parallel_loop3A_103 = tpu.iota {dimensions = array<i32: 0>} : vector<16xi32>
      %parallel_loop3A_104 = arith.subi %parallel_loop3A_102, %parallel_loop3A_103 : vector<16xi32>
      %parallel_loop3A_105 = tpu.dynamic_gather %parallel_loop3A_83[%parallel_loop3A_104] in [0] : vector<16xf32>, vector<16xi32> -> vector<16xf32>
      %parallel_loop3A_106 = arith.select %lt3A_4, %parallel_loop3A_72, %parallel_loop3A_105 : vector<16xi1>, vector<16xf32>
      %parallel_loop3A_107 = arith.constant 15 : i32
      %parallel_loop3A_108 = vector.broadcast %parallel_loop3A_107 : i32 to vector<16xi32>
      %parallel_loop3A_109 = tpu.iota {dimensions = array<i32: 0>} : vector<16xi32>
      %parallel_loop3A_110 = arith.subi %parallel_loop3A_108, %parallel_loop3A_109 : vector<16xi32>
      %parallel_loop3A_111 = tpu.dynamic_gather %parallel_loop3A_84[%parallel_loop3A_110] in [0] : vector<16xi32>, vector<16xi32> -> vector<16xi32>
      %parallel_loop3A_112 = arith.select %lt3A_4, %parallel_loop3A_73, %parallel_loop3A_111 : vector<16xi1>, vector<16xi32>
      %parallel_loop3A_113 = arith.constant dense<true> : vector<16xi1>
      %parallel_loop3A_114, %parallel_loop3A_115, %parallel_loop3A_116 = tpu.sort %parallel_loop3A_106, %parallel_loop3A_112 masked %parallel_loop3A_113 : (vector<16xf32>, vector<16xi32>, vector<16xi1>) -> (vector<16xi1>, vector<16xf32>, vector<16xi32>)
      %parallel_loop3A_117 = arith.constant 15 : i32
      %parallel_loop3A_118 = vector.broadcast %parallel_loop3A_117 : i32 to vector<16xi32>
      %parallel_loop3A_119 = tpu.iota {dimensions = array<i32: 0>} : vector<16xi32>
      %parallel_loop3A_120 = arith.subi %parallel_loop3A_118, %parallel_loop3A_119 : vector<16xi32>
      %parallel_loop3A_121 = tpu.dynamic_gather %parallel_loop3A_115[%parallel_loop3A_120] in [0] : vector<16xf32>, vector<16xi32> -> vector<16xf32>
      %parallel_loop3A_122 = arith.select %lt3A_4, %parallel_loop3A_99, %parallel_loop3A_121 : vector<16xi1>, vector<16xf32>
      %parallel_loop3A_123 = arith.constant 15 : i32
      %parallel_loop3A_124 = vector.broadcast %parallel_loop3A_123 : i32 to vector<16xi32>
      %parallel_loop3A_125 = tpu.iota {dimensions = array<i32: 0>} : vector<16xi32>
      %parallel_loop3A_126 = arith.subi %parallel_loop3A_124, %parallel_loop3A_125 : vector<16xi32>
      %parallel_loop3A_127 = tpu.dynamic_gather %parallel_loop3A_116[%parallel_loop3A_126] in [0] : vector<16xi32>, vector<16xi32> -> vector<16xi32>
      %parallel_loop3A_128 = arith.select %lt3A_4, %parallel_loop3A_100, %parallel_loop3A_127 : vector<16xi1>, vector<16xi32>
      %parallel_loop3A_129 = arith.constant dense<true> : vector<16xi1>
      %parallel_loop3A_130, %parallel_loop3A_131, %parallel_loop3A_132 = tpu.sort %parallel_loop3A_122, %parallel_loop3A_128 masked %parallel_loop3A_129 : (vector<16xf32>, vector<16xi32>, vector<16xi1>) -> (vector<16xi1>, vector<16xf32>, vector<16xi32>)
      %parallel_loop3A_133 = tpu.vector_load_idx %arg7[%and3A_6, %parallel_loop3A_40] : memref<8x257xf32, #tpu.memory_space<vmem>>[vector<16xi32>, vector<16xi32>], vector<16xf32>,
      %parallel_loop3A_134 = math.exp %parallel_loop3A_133 : vector<16xf32>
      %parallel_loop3A_135 = arith.select %lt3A_4, %parallel_loop3A_134, %broadcast_in_dim3A_7 : vector<16xi1>, vector<16xf32>
      %parallel_loop3A_136 = arith.constant true
      %parallel_loop3A_137 = vector.broadcast %parallel_loop3A_136 : i1 to vector<16xi1>
      %parallel_loop3A_138 = tpu.scan <sum>, %parallel_loop3A_135 masked %parallel_loop3A_137 : vector<16xf32>, vector<16xi1> -> vector<16xf32>
      %parallel_loop3A_139 = vector.extract %parallel_loop3A_138[15] : f32 from vector<16xf32>
      %parallel_loop3A_140 = vector.broadcast %parallel_loop3A_139 : f32 to vector<16xf32>
      %parallel_loop3A_141 = arith.divf %parallel_loop3A_134, %parallel_loop3A_140 : vector<16xf32>
      tpu.vector_store_idx %arg8[%parallel_loop3A_132, %parallel_loop3A_40], %parallel_loop3A_141 masked %lt3A_4 : memref<64x257xf32, #tpu.memory_space<vmem>>[vector<16xi32>, vector<16xi32>], vector<16xf32>, vector<16xi1>
      tpu.vector_store_idx %arg9[%and3A_6, %parallel_loop3A_40], %parallel_loop3A_132 masked %lt3A_4 : memref<8x257xi32, #tpu.memory_space<vmem>>[vector<16xi32>, vector<16xi32>], vector<16xi32>, vector<16xi1>
    } {sc.loop_unroll_factor = 4 : i64, sc.parallel_access}
    "tpu.region"() ({
      %run_scoped3A = tpu.sem_alloc : memref<!tpu.dma_semaphore, #tpu.memory_space<semaphore_mem>>
      %dma_start3A = arith.constant 0 : i32
      %dma_start3A_39 = arith.constant 0 : i32
      %dma_start3A_40 = tpu.memref_slice %arg8[%dma_start3A, %dma_start3A_39] : memref<64x257xf32, #tpu.memory_space<vmem>> -> memref<64x256xf32, #tpu.memory_space<vmem>>
      %dma_start3A_41 = arith.constant 0 : i32
      %dma_start3A_42 = tpu.memref_slice %arg4[%dma_start3A_41, %add3A_32] : memref<64x32768xf32, #tpu.memory_space<hbm>> -> memref<64x256xf32, #tpu.memory_space<hbm>>
      %dma_start3A_43 = arith.constant 0 : i32
      %dma_start3A_44 = tpu.memref_slice %arg4[%dma_start3A_43, %add3A_32] : memref<64x32768xf32, #tpu.memory_space<hbm>> -> memref<64x256xf32, #tpu.memory_space<hbm>>
      %dma_start3A_45 = arith.constant 0 : i32
      %dma_start3A_46 = arith.constant 0 : i32
      %dma_start3A_47 = tpu.memref_slice %arg8[%dma_start3A_45, %dma_start3A_46] : memref<64x257xf32, #tpu.memory_space<vmem>> -> memref<64x256xf32, #tpu.memory_space<vmem>>
      tpu.enqueue_dma source(%dma_start3A_47 : memref<64x256xf32, #tpu.memory_space<vmem>>) target(%dma_start3A_44 : memref<64x256xf32, #tpu.memory_space<hbm>>) target_semaphore(%run_scoped3A : memref<!tpu.dma_semaphore, #tpu.memory_space<semaphore_mem>>)
      %dma_wait3A = arith.constant 0 : i32
      %dma_wait3A_48 = arith.constant 0 : i32
      %dma_wait3A_49 = tpu.memref_slice %arg8[%dma_wait3A, %dma_wait3A_48] : memref<64x257xf32, #tpu.memory_space<vmem>> -> memref<64x256xf32, #tpu.memory_space<vmem>>
      %dma_wait3A_50 = arith.constant 0 : i32
      %dma_wait3A_51 = tpu.memref_slice %arg4[%dma_wait3A_50, %add3A_32] : memref<64x32768xf32, #tpu.memory_space<hbm>> -> memref<64x256xf32, #tpu.memory_space<hbm>>
      %dma_wait3A_52 = arith.constant 0 : i32
      %dma_wait3A_53 = tpu.memref_slice %arg4[%dma_wait3A_52, %add3A_32] : memref<64x32768xf32, #tpu.memory_space<hbm>> -> memref<64x256xf32, #tpu.memory_space<hbm>>
      %dma_wait3A_54 = arith.constant 0 : i32
      %dma_wait3A_55 = arith.constant 0 : i32
      %dma_wait3A_56 = tpu.memref_slice %arg8[%dma_wait3A_54, %dma_wait3A_55] : memref<64x257xf32, #tpu.memory_space<vmem>> -> memref<64x256xf32, #tpu.memory_space<vmem>>
      tpu.wait_dma2 semaphore(%run_scoped3A : memref<!tpu.dma_semaphore, #tpu.memory_space<semaphore_mem>>) src(%dma_wait3A_56 : memref<64x256xf32, #tpu.memory_space<vmem>>) dst(%dma_wait3A_53 : memref<64x256xf32, #tpu.memory_space<hbm>>)
      tpu.yield
    }) : () -> ()
    "tpu.region"() ({
      %run_scoped3A = tpu.sem_alloc : memref<!tpu.dma_semaphore, #tpu.memory_space<semaphore_mem>>
      %dma_start3A = arith.constant 0 : i32
      %dma_start3A_39 = arith.constant 0 : i32
      %dma_start3A_40 = tpu.memref_slice %arg9[%dma_start3A, %dma_start3A_39] : memref<8x257xi32, #tpu.memory_space<vmem>> -> memref<8x256xi32, #tpu.memory_space<vmem>>
      %dma_start3A_41 = arith.constant 0 : i32
      %dma_start3A_42 = tpu.memref_slice %arg5[%dma_start3A_41, %add3A_32] : memref<8x32768xi32, #tpu.memory_space<hbm>> -> memref<8x256xi32, #tpu.memory_space<hbm>>
      %dma_start3A_43 = arith.constant 0 : i32
      %dma_start3A_44 = tpu.memref_slice %arg5[%dma_start3A_43, %add3A_32] : memref<8x32768xi32, #tpu.memory_space<hbm>> -> memref<8x256xi32, #tpu.memory_space<hbm>>
      %dma_start3A_45 = arith.constant 0 : i32
      %dma_start3A_46 = arith.constant 0 : i32
      %dma_start3A_47 = tpu.memref_slice %arg9[%dma_start3A_45, %dma_start3A_46] : memref<8x257xi32, #tpu.memory_space<vmem>> -> memref<8x256xi32, #tpu.memory_space<vmem>>
      tpu.enqueue_dma source(%dma_start3A_47 : memref<8x256xi32, #tpu.memory_space<vmem>>) target(%dma_start3A_44 : memref<8x256xi32, #tpu.memory_space<hbm>>) target_semaphore(%run_scoped3A : memref<!tpu.dma_semaphore, #tpu.memory_space<semaphore_mem>>)
      %dma_wait3A = arith.constant 0 : i32
      %dma_wait3A_48 = arith.constant 0 : i32
      %dma_wait3A_49 = tpu.memref_slice %arg9[%dma_wait3A, %dma_wait3A_48] : memref<8x257xi32, #tpu.memory_space<vmem>> -> memref<8x256xi32, #tpu.memory_space<vmem>>
      %dma_wait3A_50 = arith.constant 0 : i32
      %dma_wait3A_51 = tpu.memref_slice %arg5[%dma_wait3A_50, %add3A_32] : memref<8x32768xi32, #tpu.memory_space<hbm>> -> memref<8x256xi32, #tpu.memory_space<hbm>>
      %dma_wait3A_52 = arith.constant 0 : i32
      %dma_wait3A_53 = tpu.memref_slice %arg5[%dma_wait3A_52, %add3A_32] : memref<8x32768xi32, #tpu.memory_space<hbm>> -> memref<8x256xi32, #tpu.memory_space<hbm>>
      %dma_wait3A_54 = arith.constant 0 : i32
      %dma_wait3A_55 = arith.constant 0 : i32
      %dma_wait3A_56 = tpu.memref_slice %arg9[%dma_wait3A_54, %dma_wait3A_55] : memref<8x257xi32, #tpu.memory_space<vmem>> -> memref<8x256xi32, #tpu.memory_space<vmem>>
      tpu.wait_dma2 semaphore(%run_scoped3A : memref<!tpu.dma_semaphore, #tpu.memory_space<semaphore_mem>>) src(%dma_wait3A_56 : memref<8x256xi32, #tpu.memory_space<vmem>>) dst(%dma_wait3A_53 : memref<8x256xi32, #tpu.memory_space<hbm>>)
      tpu.yield
    }) : () -> ()
    return
  }
}

module attributes {stable_mosaic.version = 14 : i64} {
  func.func @_softmax_body(%arg0: i32, %arg1: memref<64x2048xf32, #tpu.memory_space<vmem>>, %arg2: memref<64x2048xf32, #tpu.memory_space<vmem>>) attributes {dimension_semantics = [#tpu.dimension_semantics<arbitrary>], iteration_bounds = array<i64: 16>, scalar_prefetch = 0 : i64, scratch_operands = 0 : i64, tpu.core_type = #tpu.core_type<tc>, window_params = [{transform_indices = @transform_0, window_bounds = array<i64: 64, 2048>}, {transform_indices = @transform_1, window_bounds = array<i64: 64, 2048>}]} {
    %get3A = arith.constant 0 : index
    %get3A_0 = arith.constant 0 : index
    %get3A_1 = vector.load %arg1[%get3A, %get3A_0] : memref<64x2048xf32, #tpu.memory_space<vmem>>, vector<64x2048xf32>
    %reduce_max3A = arith.constant dense<0xFF800000> : vector<2048xf32>
    %reduce_max3A_2 = vector.multi_reduction <maximumf>, %get3A_1, %reduce_max3A [0] : vector<64x2048xf32> to vector<2048xf32>
    %broadcast_in_dim3A = vector.shape_cast %reduce_max3A_2 : vector<2048xf32> to vector<1x2048xf32>
    %sub3A = vector.broadcast %broadcast_in_dim3A : vector<1x2048xf32> to vector<64x2048xf32>
    %sub3A_3 = arith.subf %get3A_1, %sub3A : vector<64x2048xf32>
    %exp3A = math.exp %sub3A_3 : vector<64x2048xf32>
    %reduce_sum3A = arith.constant dense<0.000000e+00> : vector<2048xf32>
    %reduce_sum3A_4 = vector.multi_reduction <add>, %exp3A, %reduce_sum3A [0] : vector<64x2048xf32> to vector<2048xf32>
    %broadcast_in_dim3A_5 = vector.shape_cast %reduce_sum3A_4 : vector<2048xf32> to vector<1x2048xf32>
    %div3A = vector.broadcast %broadcast_in_dim3A_5 : vector<1x2048xf32> to vector<64x2048xf32>
    %div3A_6 = arith.divf %exp3A, %div3A : vector<64x2048xf32>
    %swap3A = arith.constant 0 : index
    %swap3A_7 = arith.constant 0 : index
    %swap3A_8 = vector.load %arg2[%swap3A, %swap3A_7] : memref<64x2048xf32, #tpu.memory_space<vmem>>, vector<64x2048xf32>
    tpu.vector_store %arg2[%swap3A, %swap3A_7], %div3A_6 {strides = array<i32>} : memref<64x2048xf32, #tpu.memory_space<vmem>>, vector<64x2048xf32>,
    return
  }
  func.func @transform_0(%arg0: i32) -> (i32, i32) {
    %c0_i32 = arith.constant 0 : i32
    %c0_i32_0 = arith.constant 0 : i32
    return %c0_i32, %arg0 : i32, i32
  }
  func.func @transform_1(%arg0: i32) -> (i32, i32) {
    %c0_i32 = arith.constant 0 : i32
    %c0_i32_0 = arith.constant 0 : i32
    return %c0_i32, %arg0 : i32, i32
  }
}

</mosaic_0001>

<sc_bundles>
// kernel: kernel.4.cloned.1.call-start
scs
__scs_entry_jumppad:
0x0: {  	(pc) =	sbr.rel $0x88, $3  }
0x1: {  	(tag) =	ssettag $0x0;
	lr =	simm.s32 $0x1  }
0x2: {  	[smem:$0x3F9E] =	sst lr;
	_ =	strace $0xD0000000  }
0x3: {  	_ = 	snop  }
0x4: {  	_ = 	snop  }
0x5: {  	_ = 	snop  }
0x6: {  	_ = 	snop  }
0x7: {  	_ = 	snop  }
__scs_overlays_trampoline_lowered:
0x8: {  	[smem:$0x3FAD] =	sst s0  }
0x9: {  	[smem:$0x3FAE] =	sst s1  }
0xa: {  	[smem:$0x3FAF] =	sst s2  }
0xb: {  	[smem:$0x3FB0] =	sst s3  }
0xc: {  	[smem:$0x3FB1] =	sst s4  }
0xd: {  	[smem:$0x3FB2] =	sst s5  }
0xe: {  	[smem:$0x3FB3] =	sst s6  }
0xf: {  	[smem:$0x3FB4] =	sst s7  }
0x10: {  	[smem:$0x3FB5] =	sst s8  }
0x11: {  	[smem:$0x3FB6] =	sst s9;
	s0 =	simm.s32 @!p0 $0x0  }
0x12: {  	s1 =	sld [smem:$0x3F9C];
	s0 =	simm.s32 @p0 $0x1  }
0x13: {  	[smem:$0x3FB7] =	sst s0;
	s0 =	simm.s32 @!p1 $0x0  }
0x14: {  	s2 =	sld [smem:$0x3F9B];
	s0 =	simm.s32 @p1 $0x1  }
0x15: {  	[smem:$0x3FB8] =	sst s0;
	s0 =	simm.s32 @!p2 $0x0  }
0x16: {  	s3 =	sld [smem:$0x3FDB];
	s0 =	simm.s32 @p2 $0x1  }
0x17: {  	s4 =	simm.s32 $0x1BF5;
	[smem:$0x3FBA] =	sst s0  }
0x18: {  	s0 =	sld [smem:$0x3F9D];
	_ =	swait.ge [sflag:s4], $0x0  }
0x19: {  	s7 =	sld [smem:$0x3F9E]  }
0x1a: {  	s8 =	sadd.s32 $0xFFFFE003, lr  }
0x1b: {  	s9 =	sadd.s32 $0xFFFFFEF7, lr;
	s5 =	simm.s32 $0xFFFFFFFF;
	p2 =	slt.u32 s8, $0xFFFFF086  }
0x1c: {  	p1 =	slt.u32 s9, $0xF7A;
	s5 =	simm.s32 @!p2 $0x0  }
0x1d: {  	s5 =	simm.s32 @p1 $0x1;
	p0 =	seq.s32 s7, s2  }
0x1e: {  	s7 =	smul.u32 @!p0 $0xF7A, s2;
	p2 =	seq.s32 @!p0 s5, $0x0  }
0x1f: {  	s9 =	smul.u32 $0xF7A, s1;
	s8 =	simm.s32 @!p0 $0x1BF5;
	p2 =	por !p2, p0  }
0x20: {  	[sflag:s8] =	ssyncset.s32 @!p0 $0xFFFFF086;
	s6 =	sadd.s32 @!p0 s3, s7;
	s7 =	simm.s32 @!p0 $0x108  }
0x21: {  	s3 =	sadd.s32 s3, s9;
	s6 =	sadd.s32 @!p0 $0x88, s6;
	s7 =	simm.s32 @p2 $0x1082  }
0x22: {  	[simem:s7], [sflag:s8] =	dma.local @!p0 [hbm:s6], $0xF7A  }
0x23: {  	s9 =	sor.u32 $0xD0000000, s2;
	s6 =	simm.s32 $0x108;
	_ =	swait.ge @!p0 [sflag:s8], $0x0  }
0x24: {  	s3 =	sadd.s32 $0x88, s3;
	s6 =	simm.s32 @!p1 $0x1082;
	[sflag:s4] =	ssyncset.s32 $0xFFFFF086  }
0x25: {  	[simem:s6], [sflag:s4] =	dma.local [hbm:s3], $0xF7A  }
0x26: {  	[smem:$0x3F9E] =	sst s1;
	(tag) =	ssettag s2;
	_ =	strace s9  }
0x27: {  	s1 =	sld [smem:$0x3FAE]  }
0x28: {  	s2 =	sld [smem:$0x3FAF]  }
0x29: {  	s4 =	sld [smem:$0x3FB1]  }
0x2a: {  	p0 =	seq.s32 s5, $0x0;
	s5 =	sld [smem:$0x3FB2]  }
0x2b: {  	s6 =	sld [smem:$0x3FB3]  }
0x2c: {  	s7 =	sld [smem:$0x3FB4]  }
0x2d: {  	s3 =	simm.s32 $0x108;
	s8 =	sld [smem:$0x3FB5]  }
0x2e: {  	s3 =	simm.s32 @!p0 $0x1082;
	s9 =	sld [smem:$0x3FB6]  }
0x2f: {  	lr =	sadd.s32 s0, s3;
	s0 =	sld [smem:$0x3FAD]  }
0x30: {  	s3 =	sld [smem:$0x3FB0]  }
0x31: {  	[smem:$0x3FB9] =	sst s10  }
0x32: {  	s10 =	sld [smem:$0x3FB7];
	_ =	sdelay $0x3  }
0x33: {  	p0 =	seq.s32 s10, $0x1;
	s10 =	sld [smem:$0x3FB9];
	_ =	sdelay $0x3  }
0x34: {  	[smem:$0x3FB9] =	sst s10  }
0x35: {  	s10 =	sld [smem:$0x3FB8];
	_ =	sdelay $0x3  }
0x36: {  	p1 =	seq.s32 s10, $0x1;
	s10 =	sld [smem:$0x3FB9];
	_ =	sdelay $0x3  }
0x37: {  	[smem:$0x3FB9] =	sst s10  }
0x38: {  	s10 =	sld [smem:$0x3FBA]  }
0x39: {  	_ = 	snop;
	(pc) =	sbr.ind lr, $3  }
0x3a: {  	_ = 	snop  }
0x3b: {  	_ = 	snop  }
0x3c: {  	p2 =	seq.s32 s10, $0x1;
	s10 =	sld [smem:$0x3FB9]  }
0x3d: {  	_ =	shalt  }
0x3e: {  	_ =	shalt  }
0x3f: {  	_ =	shalt  }
0x40: {  	_ =	shalt  }
0x41: {  	_ =	shalt  }
0x42: {  	_ =	shalt  }
0x43: {  	_ =	shalt  }
0x44: {  	_ =	shalt  }
0x45: {  	_ =	shalt  }
0x46: {  	_ =	shalt  }
0x47: {  	_ =	shalt  }
0x48: {  	_ =	shalt  }
0x49: {  	_ =	shalt  }
0x4a: {  	_ =	shalt  }
0x4b: {  	_ =	shalt  }
0x4c: {  	_ =	shalt  }
0x4d: {  	_ =	shalt  }
0x4e: {  	_ =	shalt  }
0x4f: {  	_ =	shalt  }
0x50: {  	_ =	shalt  }
0x51: {  	_ =	shalt  }
0x52: {  	_ =	shalt  }
0x53: {  	_ =	shalt  }
0x54: {  	_ =	shalt  }
0x55: {  	_ =	shalt  }
0x56: {  	_ =	shalt  }
0x57: {  	_ =	shalt  }
0x58: {  	_ =	shalt  }
0x59: {  	_ =	shalt  }
0x5a: {  	_ =	shalt  }
0x5b: {  	_ =	shalt  }
0x5c: {  	_ =	shalt  }
0x5d: {  	_ =	shalt  }
0x5e: {  	_ =	shalt  }
0x5f: {  	_ =	shalt  }
0x60: {  	_ =	shalt  }
0x61: {  	_ =	shalt  }
0x62: {  	_ =	shalt  }
0x63: {  	_ =	shalt  }
0x64: {  	_ =	shalt  }
0x65: {  	_ =	shalt  }
0x66: {  	_ =	shalt  }
0x67: {  	_ =	shalt  }
0x68: {  	_ =	shalt  }
0x69: {  	_ =	shalt  }
0x6a: {  	_ =	shalt  }
0x6b: {  	_ =	shalt  }
0x6c: {  	_ =	shalt  }
0x6d: {  	_ =	shalt  }
0x6e: {  	_ =	shalt  }
0x6f: {  	_ =	shalt  }
0x70: {  	_ =	shalt  }
0x71: {  	_ =	shalt  }
0x72: {  	_ =	shalt  }
0x73: {  	_ =	shalt  }
0x74: {  	_ =	shalt  }
0x75: {  	_ =	shalt  }
0x76: {  	_ =	shalt  }
0x77: {  	_ =	shalt  }
0x78: {  	_ =	shalt  }
0x79: {  	_ =	shalt  }
0x7a: {  	_ =	shalt  }
0x7b: {  	_ =	shalt  }
0x7c: {  	_ =	shalt  }
0x7d: {  	_ =	shalt  }
0x7e: {  	_ =	shalt  }
0x7f: {  	_ =	shalt  }
0x80: {  	_ =	shalt  }
0x81: {  	_ =	shalt  }
0x82: {  	_ =	shalt  }
0x83: {  	_ =	shalt  }
0x84: {  	_ =	shalt  }
0x85: {  	_ =	shalt  }
0x86: {  	_ =	shalt  }
0x87: {  	_ =	shalt  }
.Lfunc_end0:
.L_simem_size_0:
called_computation_lowered:
.L_overlay_start_0:
0x88: {  	s2 =	sld [smem:$0x3FD9]  }
0x89: {  	s3 =	sld [smem:$0x3FFE];
	_ =	sdelay $0x1  }
0x8a: {  	s1 =	srdreg.scid  }
0x8b: {  	s0 =	sand.u32 $0x1, s1  }
0x8c: {  	s15 =	sshll.u32 s0, $0xA;
	s2 =	sadd.s32 s3, s2  }
0x8d: {  	s2 =	sadd.s32 s2, s15  }
0x8e: {  	[smem:$0x3FC5] =	sst s2  }
0x8f: {  	_ = 	snop  }
0x90: {  	s2 =	sld [smem:$0x3FD0];
	_ =	sdelay $0x1  }
0x91: {  	s16 =	sld [smem:$0x3FC8]  }
0x92: {  	s5 =	simm.s32 $0xA;
	s6 =	simm.s32 $0x10;
	s4 =	sld [smem:$0x3FC7]  }
0x93: {  	[smem:s6], [sflag:s5] =	dma.local [hbm:s2], $0x1  }
0x94: {  	_ =	swait.eq [sflag:s5], $0x1  }
0x95: {  	[sflag:s5] =	ssyncset.done $0x0  }
0x96: {  	s17 =	sld [smem:$0x10];
	[sflag:s5] =	ssyncadd.s32 $0xFFFFFFFF  }
0x97: {  	s18 =	sld [smem:$0x11];
	(tm) =	ssettm $0x1  }
0x98: {  	s19 =	sld [smem:$0x3FFB];
	_ =	sdelay $0x3  }
0x99: {  	_ =	strace s19  }
0x9a: {  	s6 =	sld [smem:$0x3FFC];
	_ =	sdelay $0x3  }
0x9b: {  	_ =	strace s6  }
0x9c: {  	s6 =	sld [smem:$0x3FFD];
	_ =	sdelay $0x3  }
0x9d: {  	_ =	strace s6  }
0x9e: {  	_ =	strace $0x8FFFFFFF  }
0x9f: {  	s20 =	sld [smem:$0x3FDB];
	_ =	sdelay $0x1  }
0xa0: {  	s7 =	simm.s32 $_scs_section_size  }
0xa1: {  	s8 =	simm.s32 $_size__tile_overlayer_lowered;
	s9 =	simm.s32 $_tile_overlayer_lowered  }
0xa2: {  	s23 =	simm.s32 $0x1BFF;
	s22 =	sshll.u32 s9, $0x1;
	s6 =	sadd.s32 s7, s20  }
0xa3: {  	s10 =	simm.s32 $0x0;
	s21 =	sshll.u32 s8, $0x1;
	s8 =	sadd.s32 s22, s6  }
0xa4: {  	[timem:s10], [sflag:s23] =	dma.local [hbm:s8], s21  }
0xa5: {  	_ =	swait.ge [sflag:s23], s21  }
0xa6: {  	s7 =	ssub.s32 $0x0, s21;
	[sflag:s23] =	ssyncset.done $0x0  }
0xa7: {  	[sflag:s23] =	ssyncadd.s32 s7;
	_ =	sdelay $0x1  }
0xa8: {  	s24 =	simm.s32 $0x1B8B  }
0xa9: {  	_ =	swait.ge [sflag:s24], $0x1  }
0xaa: {  	[sflag:s24] =	ssyncset.done $0x0  }
0xab: {  	s25 =	simm.s32 $0x1B8E;
	[sflag:s24] =	ssyncadd.s32 $0xFFFFFFFF  }
0xac: {  	s26 =	simm.s32 $execute0_lowered;
	[smem:$0x3FD2] =	sst s25  }
0xad: {  	s7 =	sshll.u32 s26, $0x1;
	_ =	strace $0x80000046;
	[dreg:$0x1] =	wrdreg $0xFFFFFFFF  }
0xae: {  	s28 =	simm.s32 $_size_execute0_lowered;
	s6 =	sadd.s32 s6, s7;
	[dreg:$0x0] =	wrdreg $0x0  }
0xaf: {  	s7 =	sshll.u32 s28, $0x1;
	[dreg:$0x2] =	wrdreg s6  }
0xb0: {  	[dreg:$0x3] =	wrdreg s7  }
0xb1: {  	[dreg:$0x4] =	wrdreg $0xC0  }
0xb2: {  	_ =	task [dreg:s10], $0x5FFFF  }
0xb3: {  	[dreg:$0x1] =	wrdreg $0xFFFFFFFF  }
0xb4: {  	[dreg:$0x0] =	wrdreg $0x60  }
0xb5: {  	[dreg:$0x2] =	wrdreg s16  }
0xb6: {  	[dreg:$0x3] =	wrdreg s4  }
0xb7: {  	[dreg:$0x4] =	wrdreg s17  }
0xb8: {  	[dreg:$0x5] =	wrdreg s18  }
0xb9: {  	[dreg:$0x6] =	wrdreg $0x9  }
0xba: {  	_ =	task.clear_ibuf [dreg:s10], $0x7FFFF;
	_ =	strace $0x90000046  }
0xbb: {  	s29 =	simm.s32 $0x9;
	_ =	strace $0x80000048  }
0xbc: {  	_ =	swait.ge [sflag:s29], $0x1  }
0xbd: {  	[sflag:s29] =	ssyncadd.s32 $0xFFFFFFFF  }
0xbe: {  	_ =	strace $0x90000048  }
0xbf: {  	_ =	sfence  }
0xc0: {  	s30 =	sld [smem:$0x0];
	_ =	sdelay $0x2  }
0xc1: {  	s31 =	sshll.u32 s1, $0xD;
	s1 =	sshrl.u32 s1, $0x2  }
0xc2: {  	s3 =	sand.u32 $0x4000, s31;
	s1 =	sadd.s32 s1, s30  }
0xc3: {  	s0 =	sor.u32 s3, s0;
	s1 =	sshll.u32 s1, $0x11  }
0xc4: {  	s0 =	sor.u32 s1, s0  }
0xc5: {  	s0 =	sadd.s32 $0x8F2B, s0  }
0xc6: {  	[sflag:s0] =	ssyncadd.remote.s32 $0x1  }
0xc7: {  	_ =	sfence.sel $0xFFFF  }
0xc8: {  	[dreg:$0x0] =	wrdreg $0xFFFFFFFF;
	(pc) =	sbr.abs _section_cstart, $3  }
0xc9: {  	[dreg:$0x1] =	wrdreg $0xFFFFFFFF  }
0xca: {  	_ =	task.clear_ibuf [dreg:s10], $0x2FFFF;
	_ =	strace $0x9FFFFFFF  }
0xcb: {  	(tm) =	ssettm $0x7FFFFFFF  }
tec
execute0_lowered:
.L_overlay_start_1:
0x0: {  	(tag) =	ssettag $0x1  }
0x1: {  	v0 =	vimm.s32 $0xF80;
	vm14 =	vcmask $0x300  }
0x2: {  	vm13 =	vcmask $0x704;
	v0 =	vsel vm14, $0x0, v0  }
0x3: {  	vm12 =	vcmask $0xB08;
	v0 =	vsel vm13, $0x80, v0  }
0x4: {  	vm11 =	vcmask $0xF0C;
	v0 =	vsel vm12, $0x100, v0  }
0x5: {  	vm10 =	vcmask $0x1310;
	v0 =	vsel vm11, $0x180, v0  }
0x6: {  	vm9 =	vcmask $0x1714;
	v0 =	vsel vm10, $0x200, v0  }
0x7: {  	vm8 =	vcmask $0x1B18;
	v0 =	vsel vm9, $0x280, v0  }
0x8: {  	vm7 =	vcmask $0x1F1C;
	v0 =	vsel vm8, $0x300, v0  }
0x9: {  	vm6 =	vcmask $0x2320;
	v0 =	vsel vm7, $0x380, v0  }
0xa: {  	vm5 =	vcmask $0x2724;
	v0 =	vsel vm6, $0xC00, v0  }
0xb: {  	vm4 =	vcmask $0x2B28;
	v0 =	vsel vm5, $0xC80, v0  }
0xc: {  	vm3 =	vcmask $0x2F2C;
	v0 =	vsel vm4, $0xD00, v0  }
0xd: {  	s1 =	rddreg [dreg:$0x0];
	vm2 =	vcmask $0x3330;
	v1 =	vsel vm3, $0xD80, v0  }
0xe: {  	s0 =	rddreg [dreg:$0x1];
	vm1 =	vcmask $0x3734;
	vm0 =	vcmask $0x3B38;
	v1 =	vsel vm2, $0xE00, v1  }
0xf: {  	s3 =	rddreg [dreg:$0x2];
	v2 =	vimm.s32 $0x2780;
	v21 =	vlaneseq.u32;
	v1 =	vsel vm1, $0xE80, v1  }
0x10: {  	s4 =	rddreg [dreg:$0x3];
	s5 =	srdreg.scid;
	v63 =	vsel vm0, $0xF00, v1;
	v1 =	vsel vm14, $0x1800, v2;
	v2 =	vimm.s32 $0x3F80  }
0x11: {  	s2 =	simm.s32 $0x0;
	s7 =	stileid.u32;
	v3 =	vimm.s32 $0x5780;
	s5 =	sand.u32 $0x1, s5;
	v1 =	vsel vm13, $0x1880, v1;
	v2 =	vsel vm14, $0x3000, v2  }
0x12: {  	s7 =	sshll.u32 s7, $0xB;
	v3 =	vsel vm14, $0x4800, v3;
	s6 =	ssub.s32 $0x2, s5;
	s5 =	sshll.u32 s5, $0xA;
	v1 =	vsel vm12, $0x1900, v1;
	v2 =	vsel vm13, $0x3080, v2  }
0x13: {  	[smem:$0x7FF] =	sst s2;
	v20 =	vor.u32 $0x10, v21;
	s8 =	sshrl.u32 s6, $0x1;
	s10 =	sor.u32 s5, s7;
	v1 =	vsel vm11, $0x1980, v1;
	v2 =	vsel vm12, $0x3100, v2  }
0x14: {  	_ =	strace $0x80000047;
	v3 =	vsel vm13, $0x4880, v3;
	s6 =	ssub.s32 s6, s8;
	s5 =	sadd.s32 s0, s10;
	v1 =	vsel vm10, $0x1A00, v1;
	v2 =	vsel vm11, $0x3180, v2  }
0x15: {  	v3 =	vsel vm12, $0x4900, v3;
	s12 =	sadd.s32 s1, s10;
	s7 =	sadd.s32 s4, s10;
	[dreg:$0x6] =	wrdreg s5;
	v1 =	vsel vm9, $0x1A80, v1;
	v2 =	vsel vm10, $0x3200, v2  }
0x16: {  	s20 =	sor.u32 $0x100, s10;
	s21 =	sor.u32 $0x200, s10;
	v3 =	vsel vm11, $0x4980, v3;
	[dreg:$0x7] =	wrdreg s7;
	v1 =	vsel vm8, $0x1B00, v1;
	v2 =	vsel vm9, $0x3280, v2  }
0x17: {  	s5 =	sadd.s32 s3, s10;
	s9 =	sadd.s32 s0, s20;
	v3 =	vsel vm10, $0x4A00, v3;
	[dreg:$0x5] =	wrdreg s12;
	v1 =	vsel vm7, $0x1B80, v1;
	v2 =	vsel vm8, $0x3300, v2  }
0x18: {  	s7 =	sadd.s32 s1, s20;
	s8 =	sadd.s32 s4, s20;
	[dreg:$0x8] =	wrdreg s9;
	v3 =	vsel vm9, $0x4A80, v3;
	v1 =	vsel vm6, $0x2400, v1;
	v2 =	vsel vm7, $0x3380, v2  }
0x19: {  	s11 =	sadd.s32 s1, s21;
	s13 =	sadd.s32 s0, s21;
	[dreg:$0x9] =	wrdreg s8;
	v3 =	vsel vm8, $0x4B00, v3;
	v1 =	vsel vm5, $0x2480, v1;
	v2 =	vsel vm6, $0x3C00, v2  }
0x1a: {  	s10 =	sor.u32 $0x300, s10;
	s23 =	smax.u32 s6, $0x1;
	[dreg:$0xa] =	wrdreg s13;
	v3 =	vsel vm7, $0x4B80, v3;
	v1 =	vsel vm4, $0x2500, v1;
	v2 =	vsel vm5, $0x3C80, v2  }
0x1b: {  	s24 =	sadd.s32 $0x8000, s12;
	s25 =	sadd.s32 $0x10000, s12;
	[dreg:$0xe] =	wrdreg s23;
	v3 =	vsel vm6, $0x5400, v3;
	v1 =	vsel vm3, $0x2580, v1;
	v2 =	vsel vm4, $0x3D00, v2  }
0x1c: {  	s26 =	sadd.s32 $0x18000, s12;
	s28 =	sadd.s32 $0x20000, s12;
	[dreg:$0xf] =	wrdreg s24;
	v3 =	vsel vm5, $0x5480, v3;
	v1 =	vsel vm2, $0x2600, v1;
	v2 =	vsel vm3, $0x3D80, v2  }
0x1d: {  	s29 =	sadd.s32 $0x28000, s12;
	s30 =	sadd.s32 $0x30000, s12;
	[dreg:$0x10] =	wrdreg s25;
	v3 =	vsel vm4, $0x5500, v3;
	v1 =	vsel vm1, $0x2680, v1;
	v2 =	vsel vm2, $0x3E00, v2  }
0x1e: {  	[tilespmem:$0x1FFF0] =	vst v20;
	s31 =	sadd.s32 $0x38000, s12;
	s6 =	simm.s32 $0x1;
	[dreg:$0x11] =	wrdreg s26;
	v23 =	vsel vm0, $0x2700, v1;
	v1 =	vsel vm1, $0x3E80, v2;
	v2 =	vsel vm3, $0x5580, v3  }
0x1f: {  	s12 =	simm.s32 $0xCC00;
	s9 =	sadd.s32 s3, s20;
	[dreg:$0x12] =	wrdreg s28;
	[tilespmem:$0x1FFD0] =	vst v63;
	v57 =	vsel vm0, $0x3F00, v1;
	v1 =	vsel vm2, $0x5600, v2  }
0x20: {  	s13 =	sadd.s32 s3, s21;
	s8 =	sadd.s32 s4, s21;
	[dreg:$0x13] =	wrdreg s29;
	v2 =	vor.u32 $0x20, v21;
	[tilespmem:$0x1FFE0] =	vst v23;
	v1 =	vsel vm1, $0x5680, v1  }
0x21: {  	s15 =	sadd.s32 s1, s10;
	s0 =	sadd.s32 s0, s10;
	[dreg:$0x14] =	wrdreg s30;
	[tilespmem:$0x1FF80] =	vst v2;
	v25 =	vsel vm0, $0x5700, v1;
	v1 =	vor.u32 $0x30, v21  }
0x22: {  	s17 =	sadd.s32 s3, s10;
	s22 =	sadd.s32 s4, s10;
	[dreg:$0x15] =	wrdreg s31;
	[tilespmem:$0x1FF90] =	vst v1;
	v1 =	vand.u32 $0x7, v21  }
0x23: {  	s10 =	simm.s32 $0x6C00;
	s20 =	simm.s32 $0xA800;
	[dreg:$0xb] =	wrdreg s8;
	v2 =	vmul.u32 $0xFFFFFFFF, v21;
	[tilespmem:$0x1FFB0] =	vst v57;
	v1 =	vmul.u32 $0x80, v1  }
0x24: {  	s21 =	simm.s32 $0xB400;
	s23 =	simm.s32 $0x0;
	[dreg:$0xc] =	wrdreg s0;
	[tilespmem:$0x1FFC0] =	vst v25  }
0x25: {  	[dreg:$0xd] =	wrdreg s22;
	s8 =	simm.s32 $0x6000;
	s22 =	simm.s32 $0xC000;
	v0 =	vimm.f32 $0.0e+00;
	vm0 =	vmmov $0xff;
	v9 =	vadd.s32 $0xF, v2;
	[tilespmem:$0x1FFA0] =	vst v1  }
.LBB2_1:
0x26: {  	s0 =	rddreg [dreg:$0x5]  }
0x27: {  	[tilespmem:s2], [sflag:$0x1] =	stream.linear.gather [hbm4b:s0+s2], $0x800, $0x38;
	[tilespmem:$0xD800] =	vst v63  }
0x28: {  	s14 =	rddreg [dreg:$0xf];
	s1 =	simm.s32 $0xC00  }
0x29: {  	[tilespmem:s1], [sflag:$0x1] =	stream.linear.gather [hbm4b:s14+s2], $0x800, $0x38;
	[tilespmem:$0xD800] =	vst v63  }
0x2a: {  	s16 =	rddreg [dreg:$0x10];
	s18 =	simm.s32 $0x1800  }
0x2b: {  	[tilespmem:s18], [sflag:$0x1] =	stream.linear.gather [hbm4b:s16+s2], $0x800, $0x38;
	[tilespmem:$0xD800] =	vst v63  }
0x2c: {  	s19 =	rddreg [dreg:$0x11];
	s24 =	simm.s32 $0x2400  }
0x2d: {  	[tilespmem:s24], [sflag:$0x1] =	stream.linear.gather [hbm4b:s19+s2], $0x800, $0x38;
	[tilespmem:$0xD800] =	vst v63  }
0x2e: {  	s25 =	rddreg [dreg:$0x12];
	s26 =	simm.s32 $0x3000  }
0x2f: {  	[tilespmem:s26], [sflag:$0x1] =	stream.linear.gather [hbm4b:s25+s2], $0x800, $0x38;
	[tilespmem:$0xD800] =	vst v63  }
0x30: {  	s28 =	rddreg [dreg:$0x13];
	s29 =	simm.s32 $0x3C00  }
0x31: {  	[tilespmem:s29], [sflag:$0x1] =	stream.linear.gather [hbm4b:s28+s2], $0x800, $0x38;
	[tilespmem:$0xD800] =	vst v63  }
0x32: {  	s30 =	rddreg [dreg:$0x14];
	s31 =	simm.s32 $0x4800  }
0x33: {  	[tilespmem:s31], [sflag:$0x1] =	stream.linear.gather [hbm4b:s30+s2], $0x800, $0x38;
	[tilespmem:$0xD800] =	vst v63  }
0x34: {  	s3 =	rddreg [dreg:$0x15];
	s4 =	simm.s32 $0x5400  }
0x35: {  	[tilespmem:s4], [sflag:$0x1] =	stream.linear.gather [hbm4b:s3+s2], $0x800, $0x38;
	[tilespmem:$0xD800] =	vst v63  }
0x36: {  	_ =	swait.ge [sflag:s6], $0x4000  }
0x37: {  	s3 =	simm.s32 $0x0;
	[sflag:s6] =	ssyncset.done $0x0  }
0x38: {  	s3 =	smul.u32 $0x3000, s3;
	s14 =	rddreg [dreg:$0x6];
	[sflag:s6] =	ssyncadd.s32 $0xFFFFC000  }
0x39: {  	[tilespmem:s8], [sflag:$0x1] =	stream.linear.gather [hbm4b:s14+s2], $0x800, $0x38;
	[tilespmem:$0xD800] =	vst v63  }
0x3a: {  	s24 =	sand.u32 $0x200, s2;
	s3 =	sshra.s32 s3, $0x2;
	_ =	swait.ge [sflag:s6], $0x800  }
0x3b: {  	s26 =	sor.u32 $0x180, s24;
	s25 =	sadd.s32 $0x6C00, s3;
	[sflag:s6] =	ssyncset.done $0x0  }
0x3c: {  	s28 =	sor.u32 s26, s25;
	[sflag:s6] =	ssyncadd.s32 $0xFFFFF800  }
0x3d: {  	[tilespmem:s28+$0x0] =	vst v0  }
0x3e: {  	[tilespmem:s28+$0x10] =	vst v0  }
0x3f: {  	[tilespmem:s28+$0x20] =	vst v0  }
0x40: {  	[tilespmem:s28+$0x30] =	vst v0  }
0x41: {  	[tilespmem:s28+$0x40] =	vst v0  }
0x42: {  	[tilespmem:s28+$0x50] =	vst v0  }
0x43: {  	[tilespmem:s28+$0x60] =	vst v0  }
0x44: {  	s29 =	sor.u32 s24, s25;
	[tilespmem:s28+$0x70] =	vst v0  }
0x45: {  	[tilespmem:s29+$0x0] =	vst v0  }
0x46: {  	[tilespmem:s29+$0x10] =	vst v0  }
0x47: {  	[tilespmem:s29+$0x20] =	vst v0  }
0x48: {  	[tilespmem:s29+$0x30] =	vst v0  }
0x49: {  	[tilespmem:s29+$0x40] =	vst v0  }
0x4a: {  	[tilespmem:s29+$0x50] =	vst v0  }
0x4b: {  	s18 =	sor.u32 $0x80, s24;
	[tilespmem:s29+$0x60] =	vst v0  }
0x4c: {  	s19 =	sor.u32 s18, s25;
	[tilespmem:s29+$0x70] =	vst v0  }
0x4d: {  	[tilespmem:s19+$0x0] =	vst v0  }
0x4e: {  	[tilespmem:s19+$0x10] =	vst v0  }
0x4f: {  	[tilespmem:s19+$0x20] =	vst v0  }
0x50: {  	[tilespmem:s19+$0x30] =	vst v0  }
0x51: {  	[tilespmem:s19+$0x40] =	vst v0  }
0x52: {  	[tilespmem:s19+$0x50] =	vst v0  }
0x53: {  	s31 =	sor.u32 $0x100, s24;
	[tilespmem:s19+$0x60] =	vst v0  }
0x54: {  	s25 =	sor.u32 s31, s25;
	[tilespmem:s19+$0x70] =	vst v0  }
0x55: {  	[tilespmem:s25+$0x0] =	vst v0  }
0x56: {  	[tilespmem:s25+$0x10] =	vst v0  }
0x57: {  	[tilespmem:s25+$0x20] =	vst v0  }
0x58: {  	[tilespmem:s25+$0x30] =	vst v0  }
0x59: {  	[tilespmem:s25+$0x40] =	vst v0  }
0x5a: {  	[tilespmem:s25+$0x50] =	vst v0  }
0x5b: {  	s3 =	sadd.s32 $0x7000, s3;
	[tilespmem:s25+$0x60] =	vst v0  }
0x5c: {  	s16 =	sor.u32 s24, s3;
	[tilespmem:s25+$0x70] =	vst v0  }
0x5d: {  	[tilespmem:s16+$0x0] =	vst v0  }
0x5e: {  	[tilespmem:s16+$0x10] =	vst v0  }
0x5f: {  	[tilespmem:s16+$0x20] =	vst v0  }
0x60: {  	[tilespmem:s16+$0x30] =	vst v0  }
0x61: {  	[tilespmem:s16+$0x40] =	vst v0  }
0x62: {  	[tilespmem:s16+$0x50] =	vst v0  }
0x63: {  	[tilespmem:s16+$0x60] =	vst v0  }
0x64: {  	s30 =	sor.u32 s18, s3;
	[tilespmem:s16+$0x70] =	vst v0  }
0x65: {  	[tilespmem:s30+$0x0] =	vst v0  }
0x66: {  	[tilespmem:s30+$0x10] =	vst v0  }
0x67: {  	[tilespmem:s30+$0x20] =	vst v0  }
0x68: {  	[tilespmem:s30+$0x30] =	vst v0  }
0x69: {  	[tilespmem:s30+$0x40] =	vst v0  }
0x6a: {  	[tilespmem:s30+$0x50] =	vst v0  }
0x6b: {  	[tilespmem:s30+$0x60] =	vst v0  }
0x6c: {  	s24 =	sor.u32 s26, s3;
	[tilespmem:s30+$0x70] =	vst v0  }
0x6d: {  	s3 =	sor.u32 s31, s3;
	[tilespmem:s24+$0x70] =	vst v0  }
0x6e: {  	[tilespmem:s3+$0x0] =	vst v0  }
0x6f: {  	[tilespmem:s3+$0x10] =	vst v0  }
0x70: {  	[tilespmem:s3+$0x20] =	vst v0  }
0x71: {  	[tilespmem:s3+$0x30] =	vst v0  }
0x72: {  	[tilespmem:s3+$0x40] =	vst v0  }
0x73: {  	[tilespmem:s3+$0x50] =	vst v0  }
0x74: {  	[tilespmem:s3+$0x60] =	vst v0  }
0x75: {  	s26 =	simm.s32 $0x0;
	s25 =	simm.s32 $0x0;
	[tilespmem:s3+$0x70] =	vst v0  }
.LBB2_2:
0x76: {  	s25 =	sadd.s32 $0x4, s25;
	[tilespmem:s24+$0x0] =	vst v0  }
0x77: {  	s3 =	sshrl.u32 s25, $0x3;
	p0 =	slt.u32 s25, $0x3C;
	[tilespmem:s24+$0x10] =	vst v0  }
0x78: {  	s3 =	smul.u32 $0x3000, s3;
	[tilespmem:s24+$0x20] =	vst v0  }
0x79: {  	s26 =	sadd.s32 $0x200, s26;
	[tilespmem:s24+$0x30] =	vst v0  }
0x7a: {  	s29 =	sand.u32 $0x200, s26;
	s3 =	sshra.s32 s3, $0x2;
	[tilespmem:s24+$0x40] =	vst v0  }
0x7b: {  	s31 =	sor.u32 $0x80, s29;
	s0 =	sor.u32 $0x180, s29;
	s28 =	sadd.s32 $0x6C00, s3;
	[tilespmem:s24+$0x50] =	vst v0  }
0x7c: {  	s4 =	sor.u32 $0x100, s29;
	s1 =	sor.u32 s29, s28;
	s14 =	sor.u32 s0, s28;
	[tilespmem:s24+$0x60] =	vst v0  }
0x7d: {  	s30 =	sor.u32 s31, s28;
	s28 =	sor.u32 s4, s28;
	[tilespmem:s14+$0x0] =	vst v0  }
0x7e: {  	[tilespmem:s14+$0x10] =	vst v0  }
0x7f: {  	[tilespmem:s14+$0x20] =	vst v0  }
0x80: {  	[tilespmem:s14+$0x30] =	vst v0  }
0x81: {  	[tilespmem:s14+$0x40] =	vst v0  }
0x82: {  	[tilespmem:s14+$0x50] =	vst v0  }
0x83: {  	s3 =	sadd.s32 $0x7000, s3;
	[tilespmem:s14+$0x60] =	vst v0  }
0x84: {  	s16 =	sor.u32 s29, s3;
	s31 =	sor.u32 s31, s3;
	s24 =	sor.u32 s0, s3;
	[tilespmem:s14+$0x70] =	vst v0  }
0x85: {  	s29 =	sor.u32 s4, s3;
	s3 =	simm.s32 $0x0;
	[tilespmem:s24+$0x70] =	vst v0  }
0x86: {  	[tilespmem:s1+$0x0] =	vst v0  }
0x87: {  	[tilespmem:s1+$0x10] =	vst v0  }
0x88: {  	[tilespmem:s1+$0x20] =	vst v0  }
0x89: {  	[tilespmem:s1+$0x30] =	vst v0  }
0x8a: {  	[tilespmem:s1+$0x40] =	vst v0  }
0x8b: {  	[tilespmem:s1+$0x50] =	vst v0  }
0x8c: {  	[tilespmem:s1+$0x60] =	vst v0  }
0x8d: {  	[tilespmem:s1+$0x70] =	vst v0  }
0x8e: {  	[tilespmem:s16+$0x0] =	vst v0  }
0x8f: {  	[tilespmem:s16+$0x10] =	vst v0  }
0x90: {  	[tilespmem:s16+$0x20] =	vst v0  }
0x91: {  	[tilespmem:s16+$0x30] =	vst v0  }
0x92: {  	[tilespmem:s16+$0x40] =	vst v0  }
0x93: {  	[tilespmem:s16+$0x50] =	vst v0  }
0x94: {  	[tilespmem:s16+$0x60] =	vst v0  }
0x95: {  	[tilespmem:s16+$0x70] =	vst v0  }
0x96: {  	[tilespmem:s30+$0x0] =	vst v0  }
0x97: {  	[tilespmem:s30+$0x10] =	vst v0  }
0x98: {  	[tilespmem:s30+$0x20] =	vst v0  }
0x99: {  	[tilespmem:s30+$0x30] =	vst v0  }
0x9a: {  	[tilespmem:s30+$0x40] =	vst v0  }
0x9b: {  	[tilespmem:s30+$0x50] =	vst v0  }
0x9c: {  	[tilespmem:s30+$0x60] =	vst v0  }
0x9d: {  	[tilespmem:s30+$0x70] =	vst v0  }
0x9e: {  	[tilespmem:s31+$0x0] =	vst v0  }
0x9f: {  	[tilespmem:s31+$0x10] =	vst v0  }
0xa0: {  	[tilespmem:s31+$0x20] =	vst v0  }
0xa1: {  	[tilespmem:s31+$0x30] =	vst v0  }
0xa2: {  	[tilespmem:s31+$0x40] =	vst v0  }
0xa3: {  	[tilespmem:s31+$0x50] =	vst v0  }
0xa4: {  	[tilespmem:s31+$0x60] =	vst v0  }
0xa5: {  	[tilespmem:s31+$0x70] =	vst v0  }
0xa6: {  	[tilespmem:s28+$0x0] =	vst v0  }
0xa7: {  	[tilespmem:s28+$0x10] =	vst v0  }
0xa8: {  	[tilespmem:s28+$0x20] =	vst v0  }
0xa9: {  	[tilespmem:s28+$0x30] =	vst v0  }
0xaa: {  	[tilespmem:s28+$0x40] =	vst v0  }
0xab: {  	[tilespmem:s28+$0x50] =	vst v0  }
0xac: {  	[tilespmem:s28+$0x60] =	vst v0  }
0xad: {  	[tilespmem:s28+$0x70] =	vst v0  }
0xae: {  	[tilespmem:s29+$0x0] =	vst v0  }
0xaf: {  	[tilespmem:s29+$0x10] =	vst v0  }
0xb0: {  	[tilespmem:s29+$0x20] =	vst v0  }
.Ltmp0:
0xb1: {  	[tilespmem:s29+$0x30] =	vst v0;
	(pc) =	sbr.rel @p0 .LBB2_2-.Ltmp0, $4  }
0xb2: {  	[tilespmem:s29+$0x40] =	vst v0  }
0xb3: {  	[tilespmem:s29+$0x50] =	vst v0  }
0xb4: {  	[tilespmem:s29+$0x60] =	vst v0  }
0xb5: {  	[tilespmem:s29+$0x70] =	vst v0  }
0xb6: {  	s0 =	simm.s32 $0x1  }
0xb7: {  	[tilespmem:s24+$0x0] =	vst v0;
	v1 =	vmov s0  }
0xb8: {  	s1 =	simm.s32 $0x2;
	[tilespmem:s24+$0x10] =	vst v0;
	v3 =	vshll.u32 v1, $0x3;
	v1 =	vand.u32 $0x7D, v1  }
0xb9: {  	v2 =	vmov s1;
	v28 =	vand.u32 $0x400, v3;
	[tilespmem:$0x1FE90] =	vst v1  }
0xba: {  	s18 =	simm.s32 $0x3;
	v4 =	vshll.u32 v2, $0x3;
	v29 =	vand.u32 $0x7E, v2;
	v1 =	vor.u32 v28, v1;
	[tilespmem:s24+$0x20] =	vst v0  }
0xbb: {  	v2 =	vmov s18;
	v30 =	vand.u32 $0x400, v4;
	[tilespmem:s24+$0x30] =	vst v0;
	v4 =	vadd.s32 v57, v1  }
0xbc: {  	v5 =	vshll.u32 v2, $0x3;
	v45 =	vand.u32 $0x7F, v2;
	[tilespmem:s24+$0x40] =	vst v0  }
0xbd: {  	v3 =	vor.u32 v30, v29;
	v32 =	vand.u32 $0x400, v5;
	[tilespmem:s24+$0x50] =	vst v0;
	v6 =	vadd.s32 v25, v1  }
0xbe: {  	v2 =	vmov s3;
	[tilespmem:s24+$0x60] =	vst v0;
	v5 =	vadd.s32 v25, v3;
	v7 =	vor.u32 v32, v45  }
0xbf: {  	v8 =	vshll.u32 v2, $0x3;
	v11 =	vand.u32 $0x7C, v2;
	v26 =	vld [tilespmem:$0x1FF80];
	v10 =	vadd.s32 v25, v7  }
0xc0: {  	v12 =	vand.u32 $0x400, v8;
	v2 =	vadd.s32 v63, v1;
	v4 =	vld.idx.msk [tilespmem:v4+s2+$0x0], $0xffff;
	[tilespmem:$0x1FEA0] =	vst v11  }
0xc1: {  	v8 =	vadd.s32 v23, v1;
	v22 =	vld [tilespmem:$0x1FF90];
	v24 =	vor.u32 v12, v11;
	[tilespmem:$0x1FEB0] =	vst v12  }
0xc2: {  	v11 =	vadd.s32 v25, v24;
	v6 =	vld.idx.msk [tilespmem:v6+s2+$0x0], $0xffff  }
0xc3: {  	v12 =	vadd.s32 v57, v3;
	v5 =	vld.idx.msk [tilespmem:v5+s2+$0x0], $0xffff  }
0xc4: {  	v13 =	vadd.s32 v23, v3;
	v10 =	vld.idx.msk [tilespmem:v10+s2+$0x0], $0xffff  }
0xc5: {  	v14 =	vadd.s32 v57, v7;
	v2 =	vld.idx.msk [tilespmem:v2+s2+$0x0], $0xffff  }
0xc6: {  	v15 =	vadd.s32 v57, v24;
	v8 =	vld.idx.msk [tilespmem:v8+s2+$0x0], $0xffff;
	(xrf1) =	vsort.ascd.msk.f32 $0xffff, v4, v26  }
0xc7: {  	v4 =	vld.idx.msk [tilespmem:v11+s2+$0x0], $0xffff;
	(xrf1) =	vsort.ascd.msk.f32 $0xffff, v6, v22  }
0xc8: {  	v6 =	vld.idx.msk [tilespmem:v12+s2+$0x0], $0xffff;
	(xrf1) =	vsort.ascd.msk.f32 $0xffff, v5, v22  }
0xc9: {  	v11 =	vld.idx.msk [tilespmem:v13+s2+$0x0], $0xffff;
	(xrf1) =	vsort.ascd.msk.f32 $0xffff, v10, v22  }
0xca: {  	v5 =	vadd.s32 v63, v3;
	v10 =	vld.idx.msk [tilespmem:v14+s2+$0x0], $0xffff;
	(xrf1) =	vsort.ascd.msk.f32 $0xffff, v2, v21  }
0xcb: {  	v2 =	vld.idx.msk [tilespmem:v15+s2+$0x0], $0xffff;
	(xrf1) =	vsort.ascd.msk.f32 $0xffff, v8, v20  }
0xcc: {  	(xrf1) =	vsort.ascd.msk.f32 $0xffff, v4, v22  }
0xcd: {  	v8 =	vadd.s32 v23, v7;
	(xrf1) =	vsort.ascd.msk.f32 $0xffff, v6, v26  }
0xce: {  	(xrf1) =	vsort.ascd.msk.f32 $0xffff, v11, v20  }
0xcf: {  	v4 =	vld.idx.msk [tilespmem:v5+s2+$0x0], $0xffff;
	v5 =	vadd.s32 v63, v7;
	(xrf1) =	vsort.ascd.msk.f32 $0xffff, v10, v26  }
0xd0: {  	v48 =	vld [tilespmem:$0x1FFA0];
	(xrf1) =	vsort.ascd.msk.f32 $0xffff, v2, v26;
	_ =	sdelay $0x1  }
0xd1: {  	v2 =	vld.idx.msk [tilespmem:v8+s2+$0x0], $0xffff;
	_ =	sdelay $0x1  }
0xd2: {  	v5 =	vld.idx.msk [tilespmem:v5+s2+$0x0], $0xffff;
	(xrf1) =	vsort.ascd.msk.f32 $0xffff, v4, v21;
	v4, v6, _ =	vpop (xrf1)  }
0xd3: {  	v33 =	vor.u32 v48, v3;
	v3, v8, _ =	vpop (xrf1)  }
0xd4: {  	v17 =	vor.u32 v48, v1;
	v1, v10, _ =	vpop (xrf1)  }
0xd5: {  	(xrf1) =	vsort.ascd.msk.f32 $0xffff, v2, v20;
	v2, v11, _ =	vpop (xrf1)  }
0xd6: {  	v3 =	vperm.xlane v3, v9;
	v12, v13, _ =	vpop (xrf1)  }
0xd7: {  	(xrf1) =	vsort.ascd.msk.f32 $0xffff, v5, v21;
	v5 =	vperm.xlane v8, v9;
	v8, v14, _ =	vpop (xrf1)  }
0xd8: {  	v1 =	vperm.xlane v1, v9;
	v3 =	vsel vm0, v4, v3;
	v4 =	vld.idx.msk [tilespmem:v33+s8+$0x0], $0xffff;
	[tilespmem:$0x1FEC0] =	vst v17;
	v15, v16, _ =	vpop (xrf1)  }
0xd9: {  	v14 =	vperm.xlane v14, v9;
	v5 =	vsel vm0, v6, v5;
	v6 =	vperm.xlane v11, v9;
	v11 =	vld.idx.msk [tilespmem:v17+s8+$0x0], $0xffff;
	v17, v18, _ =	vpop (xrf1)  }
0xda: {  	(xrf1) =	vsort.ascd.msk.f32 $0xffff, v3, v5;
	v3 =	vperm.xlane v15, v9;
	v5 =	vperm.xlane v10, v9;
	v10, v15, _ =	vpop (xrf1)  }
0xdb: {  	v13 =	vsel vm0, v13, v14;
	v14 =	vperm.xlane v16, v9;
	v16, v19, _ =	vpop (xrf1)  }
0xdc: {  	v8 =	vperm.xlane v8, v9;
	v1 =	vsel vm0, v17, v1;
	v5 =	vsel vm0, v18, v5;
	v17, v18, _ =	vpop (xrf1)  }
0xdd: {  	(xrf1) =	vsort.ascd.msk.f32 $0xffff, v1, v5;
	v1 =	vsel vm0, v17, v3;
	v3 =	vsel vm0, v18, v14  }
0xde: {  	v2 =	vperm.xlane v2, v9;
	v15 =	vperm.xlane v15, v9  }
0xdf: {  	v4 =	vmul.f32 $1.442695020e+00, v4;
	v10 =	vperm.xlane v10, v9;
	v5 =	vsel vm0, v12, v8  }
0xe0: {  	(xrf1) =	vsort.ascd.msk.f32 $0xffff, v1, v3;
	v1 =	vsel vm0, v16, v2;
	v2 =	vsel vm0, v19, v6;
	v3, v6, _ =	vpop (xrf1)  }
0xe1: {  	v8 =	vmul.f32 $1.442695020e+00, v11;
	(erf) = vpow2.f32 v4;
	v4 =	vsel vm0, v6, v15  }
0xe2: {  	s19 =	simm.s32 $0x5;
	v3 =	vsel vm0, v3, v10  }
0xe3: {  	(xrf1) =	vsort.ascd.msk.f32 $0xffff, v5, v13;
	(erf) = vpow2.f32 v8;
	v5 =	vmov s19  }
0xe4: {  	v17 =	vor.u32 v48, v7;
	(xrf1) =	vsort.ascd.msk.f32 $0xffff, v1, v2;
	v6 =	vshll.u32 v5, $0x3  }
0xe5: {  	v1 =	vadd.s32 v23, v24;
	(xrf1) =	vsort.ascd.msk.f32 $0xffff, v3, v4;
	v11 =	vand.u32 $0x400, v6;
	v6 =	vand.u32 $0x7D, v5;
	v3, v4, _ =	vpop (xrf1)  }
0xe6: {  	s25 =	simm.s32 $0x6;
	s24 =	simm.s32 $0x4;
	v2 =	vadd.s32 v63, v24;
	[tilespmem:$0x1FED0] =	vst v6;
	v6 =	vor.u32 v11, v6;
	v3 =	vperm.xlane v3, v9  }
0xe7: {  	v10 =	vmov s24;
	v5 =	vmov s25;
	v38 =	vadd.s32 v63, v6;
	v7, v8, _ =	vpop (xrf1)  }
0xe8: {  	s26 =	simm.s32 $0x7;
	v4 =	vperm.xlane v4, v9;
	v3 =	vsel vm0, v7, v3;
	v7 =	vshll.u32 v5, $0x3  }
0xe9: {  	[tilespmem:$0x1FEE0] =	vst v11;
	v11 =	vand.u32 $0x400, v7;
	v7 =	vand.u32 $0x7E, v5;
	v5 =	vmov s26  }
0xea: {  	v1 =	vld.idx.msk [tilespmem:v1+s2+$0x0], $0xffff;
	v34 =	vpop (erf);
	v4 =	vsel vm0, v8, v4;
	v8 =	vadd.s32 v57, v6;
	v12 =	vshll.u32 v5, $0x3  }
0xeb: {  	(xrf1) =	vsort.ascd.msk.f32 $0xffff, v3, v4;
	v4 =	vnsel vm0, $0x0, v34;
	[tilespmem:$0x1FEF0] =	vst v7;
	v16 =	vand.u32 $0x400, v12  }
0xec: {  	[tilespmem:$0x1FF00] =	vst v11;
	v7 =	vor.u32 v11, v7;
	v11 =	vadd.s32 v25, v6;
	v15 =	vand.u32 $0x7F, v5;
	v3 =	vpop (erf)  }
0xed: {  	(xrf2) =	vadd.scan.msk.f32 $0xffff, v4;
	v4 =	vshll.u32 v10, $0x3;
	v2 =	vld.idx.msk [tilespmem:v2+s2+$0x0], $0xffff;
	[tilespmem:$0x1FF10] =	vst v15;
	v13 =	vnsel vm0, $0x0, v3  }
0xee: {  	v14 =	vadd.s32 v25, v7;
	[tilespmem:$0x1FF20] =	vst v16;
	v36 =	vor.u32 v16, v15;
	(xrf2) =	vadd.scan.msk.f32 $0xffff, v13;
	v5, v12, _ =	vpop (xrf1)  }
0xef: {  	v18 =	vmov v26;
	(xrf1) =	vsort.ascd.msk.f32 $0xffff, v1, v20;
	v8 =	vld.idx.msk [tilespmem:v8+s2+$0x0], $0xffff;
	v26 =	vadd.s32 v25, v36;
	[tilespmem:$0x1FF30] =	vst v17;
	v15, v16, _ =	vpop (xrf1)  }
0xf0: {  	v19 =	vand.u32 $0x400, v4;
	v13 =	vadd.s32 v23, v6;
	v27 =	vld.idx.msk [tilespmem:v17+s8+$0x0], $0xffff;
	v17 =	vand.u32 $0x7C, v10;
	v35, v37, _ =	vpop (xrf1)  }
0xf1: {  	v11 =	vld.idx.msk [tilespmem:v11+s2+$0x0], $0xffff;
	[tilespmem:$0x1FF40] =	vst v17;
	v31 =	vor.u32 v19, v17;
	v1 =	vperm.xlane v15, v9;
	v4, v15, _ =	vpop (xrf1)  }
0xf2: {  	[tilespmem:$0x1FF50] =	vst v19;
	v10 =	vperm.xlane v16, v9;
	v40 =	vadd.s32 v25, v31;
	v16, v39, _ =	vpop (xrf1);
	(xrf1) =	vsort.ascd.msk.f32 $0xffff, v2, v21  }
0xf3: {  	v14 =	vld.idx.msk [tilespmem:v14+s2+$0x0], $0xffff;
	v2 =	vadd.s32 v57, v7;
	v41, v42, _ =	vpop (xrf1)  }
0xf4: {  	v26 =	vld.idx.msk [tilespmem:v26+s2+$0x0], $0xffff;
	(xrf1) =	vsort.ascd.msk.f32 $0xffff, v8, v18;
	v1 =	vsel vm0, v41, v1;
	v10 =	vsel vm0, v42, v10  }
0xf5: {  	v38 =	vld.idx.msk [tilespmem:v38+s2+$0x0], $0xffff;
	v8 =	vadd.s32 v23, v7;
	(xrf1) =	vsort.ascd.msk.f32 $0xffff, v1, v10  }
0xf6: {  	v1 =	vld.idx.msk [tilespmem:v13+s2+$0x0], $0xffff;
	v10 =	vadd.s32 v57, v36;
	v13 =	vmul.f32 $1.442695020e+00, v27  }
0xf7: {  	v27 =	vld.idx.msk [tilespmem:v40+s2+$0x0], $0xffff;
	(xrf1) =	vsort.ascd.msk.f32 $0xffff, v11, v22;
	v11, _, _ =	vpop (xrf2)  }
0xf8: {  	(erf) = vpow2.f32 v13;
	(xrf1) =	vsort.ascd.msk.f32 $0xffff, v14, v22;
	v14, _, _ =	vpop (xrf2)  }
0xf9: {  	v13 =	vadd.s32 v57, v31;
	v2 =	vld.idx.msk [tilespmem:v2+s2+$0x0], $0xffff;
	(xrf1) =	vsort.ascd.msk.f32 $0xffff, v26, v22;
	v14 =	vbroadcast v14, $0xF  }
0xfa: {  	v16 =	vperm.xlane v16, v9;
	v8 =	vld.idx.msk [tilespmem:v8+s2+$0x0], $0xffff;
	(xrf1) =	vsort.ascd.msk.f32 $0xffff, v38, v21  }
0xfb: {  	v26 =	vadd.s32 v63, v7;
	v10 =	vld.idx.msk [tilespmem:v10+s2+$0x0], $0xffff;
	(xrf1) =	vsort.ascd.msk.f32 $0xffff, v1, v20;
	(erf) = vrcp.f32 v14  }
0xfc: {  	v51, v50, _ =	vpop (xrf1);
	(xrf1) =	vsort.ascd.msk.f32 $0xffff, v27, v22;
	v27 =	vperm.xlane v39, v9  }
0xfd: {  	v12 =	vperm.xlane v12, v9;
	v53, v52, _ =	vpop (xrf1);
	v16 =	vsel vm0, v51, v16;
	v14 =	vadd.s32 v23, v36  }
0xfe: {  	v54 =	vperm.xlane v52, v9;
	v1 =	vperm.xlane v5, v9;
	v13 =	vld.idx.msk [tilespmem:v13+s2+$0x0], $0xffff;
	(xrf1) =	vsort.ascd.msk.f32 $0xffff, v2, v18  }
0xff: {  	v11 =	vbroadcast v11, $0xF;
	v5 =	vadd.s32 v63, v36;
	v2 =	vperm.xlane v53, v9;
	(xrf1) =	vsort.ascd.msk.f32 $0xffff, v8, v20  }
0x100: {  	v1 =	vsel vm0, v4, v1;
	v8 =	vld.idx.msk [tilespmem:v26+s2+$0x0], $0xffff;
	v26 =	vsel vm0, v50, v27;
	(xrf1) =	vsort.ascd.msk.f32 $0xffff, v10, v18;
	v27, v55, _ =	vpop (xrf1)  }
0x101: {  	v53 =	vpop (erf);
	(xrf1) =	vsort.ascd.msk.f32 $0xffff, v16, v26;
	v2 =	vsel vm0, v27, v2;
	v10 =	vsel vm0, v55, v54  }
0x102: {  	(erf) = vrcp.f32 v11;
	v11 =	vsel vm0, v15, v12;
	v12 =	vld.idx.msk [tilespmem:v14+s2+$0x0], $0xffff;
	v14, v15, _ =	vpop (xrf1);
	(xrf1) =	vsort.ascd.msk.f32 $0xffff, v2, v10  }
0x103: {  	v26 =	vor.u32 v48, v24;
	(xrf1) =	vsort.ascd.msk.f32 $0xffff, v13, v18;
	_, v41, _ =	vpop (xrf1)  }
0x104: {  	v16 =	vor.u32 v48, v7;
	(xrf1) =	vsort.ascd.msk.f32 $0xffff, v1, v11;
	v1 =	vpop (erf)  }
0x105: {  	v1 =	vmul.f32 v1, v3  }
0x106: {  	v2 =	vld.idx.msk [tilespmem:v5+s2+$0x0], $0xffff;
	[tilespmem:$0x1FF70] =	vst v16  }
0x107: {  	v46 =	vadd.s32 v63, v31;
	v37 =	vperm.xlane v37, v9;
	v24 =	vor.u32 v48, v6;
	v4, v5, _ =	vpop (xrf1);
	[tilespmem:$0x1FF60] =	vst v1  }
0x108: {  	v6 =	vshrl.u32 v41, $0x3;
	(xrf1) =	vsort.ascd.msk.f32 $0xffff, v8, v21;
	v4 =	vperm.xlane v4, v9;
	v7, v8, _ =	vpop (xrf1);
	v56 =	vld.idx.msk [tilespmem:v26+s8+$0x0], $0xffff  }
0x109: {  	v10 =	vshll.u32 v41, $0x7;
	v5 =	vperm.xlane v5, v9;
	v6 =	vmul.u32 $0xC00, v6;
	(xrf1) =	vsort.ascd.msk.f32 $0xffff, v12, v20;
	v11 =	vld.idx.msk [tilespmem:v16+s8+$0x0], $0xffff;
	v1, v3, _ =	vpop (xrf1)  }
0x10a: {  	v7 =	vperm.xlane v7, v9;
	v8 =	vperm.xlane v8, v9;
	v4 =	vsel vm0, v14, v4;
	v12, v13, _ =	vpop (xrf1)  }
0x10b: {  	v10 =	vand.u32 $0x380, v10;
	v5 =	vsel vm0, v15, v5;
	(xrf1) =	vsort.ascd.msk.f32 $0xffff, v2, v21;
	v2 =	vperm.xlane v35, v9;
	v14, v15, _ =	vpop (xrf1)  }
0x10c: {  	v6 =	vadd.s32 v30, v6;
	v1 =	vperm.xlane v1, v9;
	v3 =	vperm.xlane v3, v9;
	v60, v59, _ =	vpop (xrf1)  }
0x10d: {  	v6 =	vor.u32 v10, v6;
	v15 =	vperm.xlane v15, v9;
	v61, v43, _ =	vpop (xrf1);
	v47 =	vmul.f32 $1.442695020e+00, v56  }
0x10e: {  	(xrf1) =	vsort.ascd.msk.f32 $0xffff, v4, v5;
	v4 =	vor.u32 v29, v6;
	v5 =	vperm.xlane v14, v9;
	v6 =	vmul.f32 $1.442695020e+00, v11;
	v11, v14, _ =	vpop (xrf1)  }
0x10f: {  	v42 =	vadd.s32 v23, v31;
	v10 =	vperm.xlane v60, v9;
	v29, v62, _ =	vpop (xrf1);
	(erf) = vpow2.f32 v47  }
0x110: {  	v44 =	vld.idx.msk [tilespmem:v24+s8+$0x0], $0xffff;
	v13 =	vsel vm0, v13, v15;
	v15 =	vperm.xlane v59, v9;
	v7 =	vsel vm0, v61, v7;
	_, v35, _ =	vpop (xrf1)  }
0x111: {  	v8 =	vsel vm0, v43, v8;
	v5 =	vsel vm0, v12, v5;
	(erf) = vpow2.f32 v6;
	v12, v49, _ =	vpop (xrf1)  }
0x112: {  	v14 =	vperm.xlane v14, v9;
	v11 =	vperm.xlane v11, v9;
	v1 =	vsel vm0, v29, v1;
	v52, v51, _ =	vpop (xrf1)  }
0x113: {  	v58 =	vnsel vm0, $0x0, v53;
	v30 =	vpop (erf);
	(xrf1) =	vsort.ascd.msk.f32 $0xffff, v7, v8;
	v8 =	vsel vm0, v52, v10;
	v10 =	vsel vm0, v51, v15  }
0x114: {  	v3 =	vsel vm0, v62, v3;
	v29 =	vor.u32 v48, v36;
	v7 =	vmul.f32 v30, v34  }
0x115: {  	(xrf2) =	vadd.scan.msk.f32 $0xffff, v58;
	v50 =	vshrl.u32 v35, $0x3;
	v55 =	vsel vm0, v49, v37;
	v15 =	vmul.f32 $1.442695020e+00, v44  }
0x116: {  	s28 =	simm.s32 $0x8;
	v54 =	vmul.u32 $0xC00, v50;
	v2 =	vsel vm0, v12, v2;
	_, v30, _ =	vpop (xrf1);
	[tilespmem:v4+s10+$0x0] =	vst.idx.msk $0xff, v7;
	(xrf1) =	vsort.ascd.msk.f32 $0xffff, v8, v10  }
0x117: {  	v43 =	vshll.u32 v30, $0x7;
	(erf) = vpow2.f32 v15;
	v8, v10, _ =	vpop (xrf1);
	(xrf1) =	vsort.ascd.msk.f32 $0xffff, v5, v13;
	v13 =	vmov s28  }
0x118: {  	v10 =	vsel vm0, v10, v14;
	v5 =	vsel vm0, v8, v11;
	(xrf1) =	vsort.ascd.msk.f32 $0xffff, v1, v3;
	v1 =	vshrl.u32 v30, $0x3;
	v40 =	vpop (erf)  }
0x119: {  	s29 =	simm.s32 $0x9;
	[tilespmem:v33+s12+$0x0] =	vst.idx.msk $0xff, v41;
	v3 =	vadd.s32 v32, v54;
	v41 =	vand.u32 $0x7C, v13;
	v6, v8, _ =	vpop (xrf1);
	v1 =	vmul.u32 $0xC00, v1  }
0x11a: {  	(xrf1) =	vsort.ascd.msk.f32 $0xffff, v2, v55;
	v2 =	vmov s29;
	v36 =	vpop (erf);
	v6 =	vperm.xlane v6, v9;
	v8 =	vperm.xlane v8, v9  }
0x11b: {  	v11, v12, _ =	vpop (xrf1);
	(xrf1) =	vsort.ascd.msk.f32 $0xffff, v5, v10;
	v10 =	vnsel vm0, $0x0, v40;
	v37 =	vand.u32 $0x7D, v2;
	v4 =	vnsel vm0, $0x0, v36  }
0x11c: {  	s30 =	simm.s32 $0xA;
	v44 =	vadd.s32 v28, v1;
	v1 =	vshll.u32 v2, $0x3;
	v6 =	vsel vm0, v11, v6  }
0x11d: {  	(xrf2) =	vadd.scan.msk.f32 $0xffff, v10;
	v8 =	vsel vm0, v12, v8;
	v11 =	vmov s30;
	v12 =	vshll.u32 v35, $0x7  }
0x11e: {  	s31 =	simm.s32 $0xB;
	v28 =	vand.u32 $0x400, v1;
	v5 =	vshll.u32 v11, $0x3;
	v32 =	vand.u32 $0x7E, v11  }
0x11f: {  	v59 =	vld.idx.msk [tilespmem:v42+s2+$0x0], $0xffff;
	v2 =	vand.u32 $0x380, v12;
	v52 =	vor.u32 v28, v37;
	(xrf1) =	vsort.ascd.msk.f32 $0xffff, v6, v8;
	v8 =	vmov s31  }
0x120: {  	v34 =	vand.u32 $0x400, v5;
	v1, _, _ =	vpop (xrf2);
	v6 =	vadd.s32 v25, v52;
	v50 =	vor.u32 v2, v3  }
0x121: {  	v16 =	vmovc v23;
	v3 =	vshll.u32 v13, $0x3;
	v58 =	vadd.s32 v23, v52;
	v1 =	vbroadcast v1, $0xF  }
0x122: {  	v47, v10, _ =	vpop (xrf1);
	v56 =	vshll.u32 v8, $0x3;
	v42 =	vand.u32 $0x7F, v8;
	v51 =	vor.u32 v34, v32  }
0x123: {  	v39 =	vpop (erf);
	v10 =	vperm.xlane v10, v9;
	v15 =	vadd.s32 v63, v51;
	(erf) = vrcp.f32 v1  }
0x124: {  	v13 =	vmovc v63;
	(xrf1) =	vsort.ascd.msk.f32 $0xffff, v59, v20;
	v38 =	vand.u32 $0x400, v3;
	v33 =	vand.u32 $0x400, v56;
	v3 =	vadd.s32 v25, v51  }
0x125: {  	v2 =	vld.idx.msk [tilespmem:v46+s2+$0x0], $0xffff;
	v8 =	vadd.s32 v13, v52;
	v50 =	vor.u32 v45, v50;
	v11, v12, _ =	vpop (xrf1);
	v1 =	vadd.s32 v57, v52  }
0x126: {  	v62 =	vld.idx.msk [tilespmem:v29+s8+$0x0], $0xffff;
	v17 =	vadd.s32 v57, v51;
	v60 =	vadd.s32 v23, v51;
	v46 =	vor.u32 v33, v42;
	v49, v48, _ =	vpop (xrf1)  }
0x127: {  	v63 =	vperm.xlane v47, v9;
	v23 =	vmov v57;
	v11 =	vperm.xlane v11, v9;
	v61 =	vld.idx.msk [tilespmem:v6+s2+$0x0], $0xffff;
	v6, _, _ =	vpop (xrf2)  }
0x128: {  	v45 =	vor.u32 v38, v41;
	v12 =	vperm.xlane v12, v9;
	v55, v7, _ =	vpop (xrf1);
	v57 =	vld.idx.msk [tilespmem:v15+s2+$0x0], $0xffff;
	v6 =	vbroadcast v6, $0xF  }
0x129: {  	v54 =	vnsel vm0, $0x0, v39;
	v59 =	vadd.s32 v13, v46;
	(xrf2) =	vadd.scan.msk.f32 $0xffff, v4;
	v3 =	vld.idx.msk [tilespmem:v3+s2+$0x0], $0xffff;
	v5, v14, _ =	vpop (xrf1);
	v56 =	vsel vm0, v7, v10  }
0x12a: {  	v7 =	vadd.s32 v25, v46;
	v4 =	vld.idx.msk [tilespmem:v1+s2+$0x0], $0xffff;
	(xrf1) =	vsort.ascd.msk.f32 $0xffff, v2, v21;
	_, v47, _ =	vpop (xrf1);
	v5 =	vperm.xlane v5, v9  }
0x12b: {  	(xrf2) =	vadd.scan.msk.f32 $0xffff, v54;
	v2 =	vld.idx.msk [tilespmem:v17+s2+$0x0], $0xffff;
	v13 =	vperm.xlane v14, v9;
	v14 =	vadd.s32 v23, v46;
	v1, v10, _ =	vpop (xrf1);
	(erf) = vrcp.f32 v6  }
0x12c: {  	v54 =	vld.idx.msk [tilespmem:v8+s2+$0x0], $0xffff;
	v11 =	vsel vm0, v1, v11;
	v12 =	vsel vm0, v10, v12;
	v10 =	vadd.s32 v25, v45;
	v6 =	vpop (erf)  }
0x12d: {  	s24 =	simm.s32 $0xC;
	v1 =	vld.idx.msk [tilespmem:v58+s2+$0x0], $0xffff;
	v58 =	vadd.s32 v16, v46;
	v53 =	vmul.f32 v6, v53;
	v6 =	vadd.s32 v23, v45;
	v8, v15, _ =	vpop (xrf1)  }
.LBB2_4:
0x12e: {  	v19 =	vld [tilespmem:$0x1FF30];
	_ =	sdelay $0x4  }
0x12f: {  	v7 =	vld.idx.msk [tilespmem:v7+s2+$0x0], $0xffff;
	[tilespmem:v50+s10+$0x0] =	vst.idx.msk $0xff, v53  }
0x130: {  	v14 =	vld.idx.msk [tilespmem:v14+s2+$0x0], $0xffff;
	(xrf1) =	vsort.ascd.msk.f32 $0xffff, v4, v18  }
0x131: {  	(xrf1) =	vsort.ascd.msk.f32 $0xffff, v11, v12;
	v11 =	vld [tilespmem:$0x1FEB0]  }
0x132: {  	v13 =	vsel vm0, v15, v13;
	v15 =	vmul.f32 $1.442695020e+00, v62;
	[tilespmem:v19+s12+$0x0] =	vst.idx.msk $0xff, v35;
	v19 =	vld [tilespmem:$0x1FF90]  }
0x133: {  	v12 =	vld [tilespmem:$0x1FE90]  }
0x134: {  	v63 =	vsel vm0, v55, v63;
	v55 =	vshrl.u32 v47, $0x3;
	(erf) = vpow2.f32 v15;
	v15 =	vld [tilespmem:$0x1FEA0]  }
0x135: {  	v4 =	vmul.u32 $0xC00, v55  }
0x136: {  	v17 =	vshll.u32 v47, $0x7;
	v43 =	vand.u32 $0x380, v43;
	v27 =	vld [tilespmem:$0x1FFF0]  }
0x137: {  	v17 =	vand.u32 $0x380, v17;
	v16, _, _ =	vpop (xrf2);
	v4 =	vadd.s32 v11, v4;
	v11 =	vor.u32 v43, v44;
	(xrf1) =	vsort.ascd.msk.f32 $0xffff, v61, v19  }
0x138: {  	v4 =	vor.u32 v17, v4;
	v11 =	vor.u32 v12, v11;
	v12, _, _ =	vpop (xrf2);
	(xrf1) =	vsort.ascd.msk.f32 $0xffff, v3, v19  }
0x139: {  	v4 =	vor.u32 v15, v4;
	(xrf1) =	vsort.ascd.msk.f32 $0xffff, v7, v19;
	v7 =	vbroadcast v12, $0xF;
	v12 =	vld [tilespmem:$0x1FF50]  }
0x13a: {  	v10 =	vld.idx.msk [tilespmem:v10+s2+$0x0], $0xffff;
	(xrf1) =	vsort.ascd.msk.f32 $0xffff, v54, v21  }
0x13b: {  	v3 =	vsel vm0, v8, v5;
	v5 =	vpop (erf);
	(xrf1) =	vsort.ascd.msk.f32 $0xffff, v1, v27;
	v1 =	vld [tilespmem:$0x1FF60]  }
0x13c: {  	v6 =	vld.idx.msk [tilespmem:v6+s2+$0x0], $0xffff;
	v5 =	vmul.f32 v5, v40  }
0x13d: {  	v15 =	vld [tilespmem:$0x1FED0]  }
0x13e: {  	[tilespmem:v4+s10+$0x0] =	vst.idx.msk $0xff, v5;
	v4 =	vld [tilespmem:$0x1FEC0];
	v8 =	vmov v12;
	v12 =	vmov v38  }
0x13f: {  	[tilespmem:$0x1FF50] =	vst v12;
	v12 =	vld [tilespmem:$0x1FF10]  }
0x140: {  	[tilespmem:v11+s10+$0x0] =	vst.idx.msk $0xff, v1;
	v11 =	vld [tilespmem:$0x1FF40]  }
0x141: {  	(erf) = vrcp.f32 v7  }
0x142: {  	v17 =	vmov v15;
	v15 =	vmov v37  }
0x143: {  	v60 =	vld.idx.msk [tilespmem:v60+s2+$0x0], $0xffff  }
0x144: {  	[tilespmem:$0x1FED0] =	vst v15;
	v7 =	vmov v24;
	v53 =	vmov v12;
	v12 =	vmov v42  }
0x145: {  	[tilespmem:$0x1FEC0] =	vst v7;
	v15 =	vmov v11;
	v1, v11, _ =	vpop (xrf1)  }
0x146: {  	[tilespmem:$0x1FEB0] =	vst v8;
	(xrf1) =	vsort.ascd.msk.f32 $0xffff, v10, v19;
	v1 =	vperm.xlane v1, v9  }
0x147: {  	v54 =	vpop (erf);
	[tilespmem:$0x1FF10] =	vst v12;
	(xrf1) =	vsort.ascd.msk.f32 $0xffff, v2, v18;
	v2 =	vperm.xlane v11, v9;
	v12 =	vmov v41  }
0x148: {  	v7 =	vld.idx.msk [tilespmem:v58+s2+$0x0], $0xffff;
	[tilespmem:v4+s12+$0x0] =	vst.idx.msk $0xff, v30;
	v4, v5, _ =	vpop (xrf1);
	(xrf1) =	vsort.ascd.msk.f32 $0xffff, v60, v27  }
0x149: {  	v8 =	vbroadcast v16, $0xF;
	(xrf1) =	vsort.ascd.msk.f32 $0xffff, v14, v18;
	v10 =	vsel vm0, v4, v1;
	v2 =	vsel vm0, v5, v2;
	v4, v5, _ =	vpop (xrf1)  }
0x14a: {  	v19 =	vld [tilespmem:$0x1FFA0];
	[tilespmem:$0x1FF40] =	vst v12;
	(xrf1) =	vsort.ascd.msk.f32 $0xffff, v3, v13;
	v12 =	vpop (erf)  }
0x14b: {  	(erf) = vrcp.f32 v8;
	v8 =	vld.idx.msk [tilespmem:v59+s2+$0x0], $0xffff;
	(xrf1) =	vsort.ascd.msk.f32 $0xffff, v10, v2;
	_, v1, _ =	vpop (xrf1)  }
0x14c: {  	(xrf1) =	vsort.ascd.msk.f32 $0xffff, v6, v18;
	v2, v6, _ =	vpop (xrf1)  }
0x14d: {  	v12 =	vmul.f32 v12, v39;
	(xrf1) =	vsort.ascd.msk.f32 $0xffff, v63, v56;
	v16 =	vperm.xlane v6, v9  }
0x14e: {  	[tilespmem:$0x1FE90] =	vst v17;
	v2 =	vperm.xlane v2, v9;
	(xrf1) =	vsort.ascd.msk.f32 $0xffff, v57, v21;
	v13, v14, _ =	vpop (xrf1)  }
0x14f: {  	v25 =	vld [tilespmem:$0x1FFE0];
	v3 =	vor.u32 v19, v51;
	[tilespmem:$0x1FF60] =	vst v12;
	(xrf1) =	vsort.ascd.msk.f32 $0xffff, v7, v27;
	v6, v7, _ =	vpop (xrf1);
	v12 =	vperm.xlane v13, v9  }
0x150: {  	v22 =	vld [tilespmem:$0x1FFD0];
	[tilespmem:$0x1FEA0] =	vst v15;
	v2 =	vsel vm0, v4, v2;
	v4 =	vsel vm0, v5, v16;
	v13, v15, _ =	vpop (xrf1);
	(xrf1) =	vsort.ascd.msk.f32 $0xffff, v8, v21  }
0x151: {  	[tilespmem:v26+s12+$0x0] =	vst.idx.msk $0xff, v47;
	v26 =	vor.u32 v19, v31;
	v10 =	vshrl.u32 v1, $0x3;
	v16, v17, _ =	vpop (xrf1);
	(xrf1) =	vsort.ascd.msk.f32 $0xffff, v2, v4;
	v4 =	vld [tilespmem:$0x1FF00]  }
0x152: {  	v10 =	vmul.u32 $0xC00, v10  }
0x153: {  	v24 =	vor.u32 v19, v52;
	v11 =	vshll.u32 v1, $0x7  }
0x154: {  	v11 =	vand.u32 $0x380, v11  }
0x155: {  	v20 =	vmov v29;
	v5 =	vld.idx.msk [tilespmem:v3+s8+$0x0], $0xffff  }
0x156: {  	v50 =	vadd.s32 v25, v45;
	v62 =	vadd.s32 v22, v45;
	v2 =	vld.idx.msk [tilespmem:v26+s8+$0x0], $0xffff;
	v4 =	vadd.s32 v4, v10;
	v10, v29, _ =	vpop (xrf1)  }
0x157: {  	v44 =	vperm.xlane v48, v9;
	v31 =	vmov v45;
	v4 =	vor.u32 v11, v4;
	v11 =	vpop (erf)  }
0x158: {  	v18 =	vmov v34;
	v14 =	vperm.xlane v14, v9;
	v8 =	vperm.xlane v49, v9;
	v30 =	vld.idx.msk [tilespmem:v24+s8+$0x0], $0xffff;
	v45, v47, _ =	vpop (xrf1)  }
0x159: {  	v6 =	vperm.xlane v6, v9;
	[tilespmem:$0x1FF00] =	vst v18;
	v18 =	vld [tilespmem:$0x1FEF0];
	v21 =	vperm.xlane v17, v9;
	v17, v48, _ =	vpop (xrf1)  }
0x15a: {  	v7 =	vperm.xlane v7, v9;
	v49 =	vperm.xlane v29, v9;
	v29, v51, _ =	vpop (xrf1)  }
0x15b: {  	v5 =	vmul.f32 $1.442695020e+00, v5;
	v2 =	vmul.f32 $1.442695020e+00, v2;
	_, v35, _ =	vpop (xrf1)  }
0x15c: {  	[tilespmem:$0x1FF30] =	vst v20;
	v10 =	vperm.xlane v10, v9;
	v12 =	vsel vm0, v45, v12;
	v14 =	vsel vm0, v47, v14;
	v56, v52, _ =	vpop (xrf1)  }
0x15d: {  	v20 =	vnsel vm0, $0x0, v54;
	(erf) = vpow2.f32 v2;
	v57, v58, _ =	vpop (xrf1);
	(xrf1) =	vsort.ascd.msk.f32 $0xffff, v12, v14;
	v12 =	vmul.f32 $1.442695020e+00, v30  }
0x15e: {  	(xrf2) =	vadd.scan.msk.f32 $0xffff, v20;
	v16 =	vperm.xlane v16, v9;
	v4 =	vor.u32 v18, v4;
	v18 =	vmovc v32;
	(erf) = vpow2.f32 v5  }
0x15f: {  	[tilespmem:$0x1FEF0] =	vst v18;
	v14 =	vsel vm0, v57, v10;
	v18 =	vsel vm0, v58, v49;
	(erf) = vpow2.f32 v12;
	v12 =	vld [tilespmem:$0x1FF70]  }
0x160: {  	v15 =	vsel vm0, v15, v21;
	v13 =	vsel vm0, v13, v16;
	_, v30, _ =	vpop (xrf1);
	(xrf1) =	vsort.ascd.msk.f32 $0xffff, v14, v18  }
0x161: {  	v6 =	vsel vm0, v29, v6;
	v7 =	vsel vm0, v51, v7;
	v2, v10, _ =	vpop (xrf1);
	(xrf1) =	vsort.ascd.msk.f32 $0xffff, v13, v15  }
0x162: {  	v29 =	vor.u32 v19, v46;
	v19 =	vmul.f32 v11, v36;
	v16 =	vshrl.u32 v35, $0x3;
	v5, v11, _ =	vpop (xrf1);
	(xrf1) =	vsort.ascd.msk.f32 $0xffff, v6, v7;
	v7 =	vld [tilespmem:$0x1FF20]  }
0x163: {  	v32 =	vperm.xlane v48, v9;
	v16 =	vmul.u32 $0xC00, v16;
	v5 =	vperm.xlane v5, v9  }
0x164: {  	v20 =	vperm.xlane v17, v9;
	v17 =	vsel vm0, v52, v44;
	v8 =	vsel vm0, v56, v8;
	v13, v14, _ =	vpop (xrf1)  }
0x165: {  	v6 =	vshrl.u32 v30, $0x3;
	v11 =	vperm.xlane v11, v9;
	v5 =	vsel vm0, v13, v5;
	v13 =	vld [tilespmem:$0x1FEE0]  }
0x166: {  	[tilespmem:v4+s10+$0x0] =	vst.idx.msk $0xff, v19;
	v10 =	vsel vm0, v10, v32;
	v2 =	vsel vm0, v2, v20;
	v18 =	vmul.u32 $0xC00, v6  }
0x167: {  	s25 =	smov.u32 s24;
	v40 =	vpop (erf);
	v11 =	vsel vm0, v14, v11;
	v7 =	vadd.s32 v7, v16;
	[tilespmem:v12+s12+$0x0] =	vst.idx.msk $0xff, v1;
	v12 =	vmov v3  }
0x168: {  	v15, v16, _ =	vpop (xrf1);
	(xrf1) =	vsort.ascd.msk.f32 $0xffff, v8, v17;
	v1 =	vmov s25;
	v3 =	vmov v33;
	[tilespmem:$0x1FF70] =	vst v12  }
0x169: {  	s0 =	sadd.s32 $0x1, s25;
	s1 =	sadd.s32 $0x2, s25;
	(xrf1) =	vsort.ascd.msk.f32 $0xffff, v2, v10;
	v2 =	vnsel vm0, $0x0, v40;
	v63 =	vperm.xlane v15, v9;
	[tilespmem:$0x1FF20] =	vst v3  }
0x16a: {  	s3 =	sadd.s32 $0x3, s25;
	v4, _, _ =	vpop (xrf2);
	v3 =	vmov s0;
	v12 =	vmov s1;
	v44 =	vadd.s32 v13, v18;
	(xrf2) =	vadd.scan.msk.f32 $0xffff, v2  }
0x16b: {  	v58 =	vld [tilespmem:$0x1FFC0];
	v6 =	vmovc v28;
	v13 =	vshll.u32 v35, $0x7;
	(xrf1) =	vsort.ascd.msk.f32 $0xffff, v5, v11;
	v2 =	vbroadcast v4, $0xF;
	v5 =	vmov s3  }
0x16c: {  	v36 =	vpop (erf);
	[tilespmem:$0x1FEE0] =	vst v6;
	v41 =	vand.u32 $0x7C, v1;
	v6 =	vshll.u32 v3, $0x3;
	v8 =	vshll.u32 v12, $0x3  }
0x16d: {  	v39 =	vpop (erf);
	v37 =	vand.u32 $0x7D, v3;
	v32 =	vand.u32 $0x7E, v12;
	v3 =	vand.u32 $0x380, v13  }
0x16e: {  	v12 =	vperm.xlane v16, v9;
	v13 =	vnsel vm0, $0x0, v39;
	v28 =	vand.u32 $0x400, v6  }
0x16f: {  	v34 =	vand.u32 $0x400, v8;
	(erf) = vrcp.f32 v2;
	v52 =	vor.u32 v28, v37  }
0x170: {  	v42 =	vand.u32 $0x7F, v5;
	v51 =	vor.u32 v34, v32;
	v4 =	vadd.s32 v58, v52  }
0x171: {  	v3 =	vor.u32 v3, v7;
	v6 =	vshll.u32 v1, $0x3;
	v11 =	vadd.s32 v22, v51  }
0x172: {  	v14 =	vld.idx.msk [tilespmem:v50+s2+$0x0], $0xffff;
	v7, v10, _ =	vpop (xrf1);
	v38 =	vand.u32 $0x400, v6;
	v50 =	vor.u32 v53, v3;
	v2 =	vadd.s32 v23, v52  }
0x173: {  	v16 =	vld.idx.msk [tilespmem:v62+s2+$0x0], $0xffff;
	v17 =	vperm.xlane v7, v9;
	v7 =	vnsel vm0, $0x0, v36;
	v6 =	vadd.s32 v58, v51  }
0x174: {  	v62 =	vld.idx.msk [tilespmem:v29+s8+$0x0], $0xffff;
	v8 =	vadd.s32 v25, v52;
	v18 =	vadd.s32 v23, v51;
	v49, v48, _ =	vpop (xrf1);
	(xrf2) =	vadd.scan.msk.f32 $0xffff, v7;
	v7 =	vshll.u32 v5, $0x3  }
0x175: {  	v60 =	vadd.s32 v25, v51;
	v5 =	vadd.s32 v22, v52;
	v55, v59, _ =	vpop (xrf1);
	v33 =	vand.u32 $0x400, v7;
	v61 =	vld.idx.msk [tilespmem:v4+s2+$0x0], $0xffff  }
0x176: {  	v19 =	vperm.xlane v10, v9;
	v45 =	vor.u32 v38, v41;
	v20, v21, _ =	vpop (xrf1);
	v46 =	vor.u32 v33, v42;
	v57 =	vld.idx.msk [tilespmem:v11+s2+$0x0], $0xffff  }
0x177: {  	p0 =	slt.u32 s24, $0xFC;
	v10 =	vadd.s32 v58, v45;
	v56 =	vsel vm0, v59, v12;
	v7 =	vadd.s32 v58, v46;
	v4 =	vld.idx.msk [tilespmem:v2+s2+$0x0], $0xffff;
	v1, _, _ =	vpop (xrf2)  }
.Ltmp1:
0x178: {  	v59 =	vadd.s32 v22, v46;
	v58 =	vadd.s32 v25, v46;
	v3 =	vld.idx.msk [tilespmem:v6+s2+$0x0], $0xffff;
	(xrf2) =	vadd.scan.msk.f32 $0xffff, v13;
	v13 =	vpop (erf);
	(pc) =	sbr.rel @p0 .LBB2_4-.Ltmp1, $4  }
0x179: {  	v6 =	vadd.s32 v23, v45;
	v2 =	vbroadcast v1, $0xF;
	v1 =	vld.idx.msk [tilespmem:v8+s2+$0x0], $0xffff;
	_, v47, _ =	vpop (xrf1);
	(xrf1) =	vsort.ascd.msk.f32 $0xffff, v14, v27  }
0x17a: {  	v14 =	vadd.s32 v23, v46;
	v53 =	vmul.f32 v13, v54;
	v54 =	vld.idx.msk [tilespmem:v5+s2+$0x0], $0xffff;
	v5 =	vperm.xlane v20, v9  }
0x17b: {  	v13 =	vperm.xlane v21, v9;
	v21 =	vlaneseq.u32;
	v8, v12, _ =	vpop (xrf1);
	(erf) = vrcp.f32 v2;
	v2 =	vld.idx.msk [tilespmem:v18+s2+$0x0], $0xffff  }
0x17c: {  	s24 =	sadd.s32 $0x4, s24;
	v43 =	vshll.u32 v30, $0x7;
	v18 =	vld [tilespmem:$0x1FF80];
	(xrf1) =	vsort.ascd.msk.f32 $0xffff, v16, v21;
	v11 =	vsel vm0, v8, v17;
	v12 =	vsel vm0, v12, v19;
	v8, v15, _ =	vpop (xrf1)  }
0x17d: {  	_ =	sdelay $0x3  }
0x17e: {  	(xrf1) =	vsort.ascd.msk.f32 $0xffff, v4, v18  }
0x17f: {  	(xrf1) =	vsort.ascd.msk.f32 $0xffff, v11, v12;
	v11 =	vld [tilespmem:$0x1FF90];
	_ =	sdelay $0x2  }
0x180: {  	v16 =	vld.idx.msk [tilespmem:v7+s2+$0x0], $0xffff;
	_ =	sdelay $0x1  }
0x181: {  	v25 =	vld [tilespmem:$0x1FFF0];
	(xrf1) =	vsort.ascd.msk.f32 $0xffff, v61, v11  }
0x182: {  	v17 =	vld.idx.msk [tilespmem:v10+s2+$0x0], $0xffff  }
0x183: {  	v10 =	vmul.f32 $1.442695020e+00, v62;
	v20 =	vld [tilespmem:$0x1FFA0];
	(xrf1) =	vsort.ascd.msk.f32 $0xffff, v3, v11  }
0x184: {  	v3 =	vld.idx.msk [tilespmem:v60+s2+$0x0], $0xffff;
	(xrf1) =	vsort.ascd.msk.f32 $0xffff, v16, v11  }
0x185: {  	v12 =	vld.idx.msk [tilespmem:v14+s2+$0x0], $0xffff;
	(xrf1) =	vsort.ascd.msk.f32 $0xffff, v54, v21  }
0x186: {  	v16, v14, _ =	vpop (xrf1);
	(xrf1) =	vsort.ascd.msk.f32 $0xffff, v1, v25  }
0x187: {  	v1 =	vld.idx.msk [tilespmem:v6+s2+$0x0], $0xffff;
	v6 =	vperm.xlane v16, v9;
	(xrf1) =	vsort.ascd.msk.f32 $0xffff, v17, v11  }
0x188: {  	v5 =	vsel vm0, v8, v5;
	(erf) = vpow2.f32 v10;
	v8, v10, _ =	vpop (xrf1);
	(xrf1) =	vsort.ascd.msk.f32 $0xffff, v2, v18  }
0x189: {  	v7 =	vperm.xlane v14, v9;
	v6 =	vsel vm0, v8, v6;
	(xrf1) =	vsort.ascd.msk.f32 $0xffff, v3, v25  }
0x18a: {  	v54 =	vor.u32 v20, v31;
	v3 =	vsel vm0, v15, v13;
	(xrf1) =	vsort.ascd.msk.f32 $0xffff, v12, v18  }
0x18b: {  	v7 =	vsel vm0, v10, v7;
	v2, _, _ =	vpop (xrf2);
	(xrf1) =	vsort.ascd.msk.f32 $0xffff, v5, v3  }
0x18c: {  	v17, _, _ =	vpop (xrf2);
	(xrf1) =	vsort.ascd.msk.f32 $0xffff, v6, v7  }
0x18d: {  	v5, v6, _ =	vpop (xrf1);
	(xrf1) =	vsort.ascd.msk.f32 $0xffff, v1, v18;
	v1 =	vsel vm0, v55, v63  }
0x18e: {  	v3 =	vld.idx.msk [tilespmem:v58+s2+$0x0], $0xffff;
	_, v55, _ =	vpop (xrf1);
	(xrf1) =	vsort.ascd.msk.f32 $0xffff, v1, v56  }
0x18f: {  	v8, v10, _ =	vpop (xrf1);
	(xrf1) =	vsort.ascd.msk.f32 $0xffff, v57, v21;
	v57 =	vld.idx.msk [tilespmem:v54+s8+$0x0], $0xffff  }
0x190: {  	v60 =	vpop (erf);
	v1 =	vbroadcast v17, $0xF  }
0x191: {  	v27 =	vld.idx.msk [tilespmem:v59+s2+$0x0], $0xffff;
	v2 =	vbroadcast v2, $0xF;
	v58 =	vpop (erf)  }
0x192: {  	v51 =	vor.u32 v20, v51;
	v56, v11, _ =	vpop (xrf1)  }
0x193: {  	v31 =	vor.u32 v20, v52;
	(erf) = vrcp.f32 v1;
	(xrf1) =	vsort.ascd.msk.f32 $0xffff, v3, v25;
	v8 =	vperm.xlane v8, v9;
	v3, v59, _ =	vpop (xrf1)  }
0x194: {  	v10 =	vperm.xlane v10, v9;
	v1, v61, _ =	vpop (xrf1);
	v12 =	vmul.f32 $1.442695020e+00, v57  }
0x195: {  	(erf) = vrcp.f32 v2;
	v5 =	vsel vm0, v5, v8;
	v2, v62, _ =	vpop (xrf1)  }
0x196: {  	v6 =	vsel vm0, v6, v10;
	(xrf1) =	vsort.ascd.msk.f32 $0xffff, v27, v21;
	v63, v16, _ =	vpop (xrf1);
	v8 =	vperm.xlane v62, v9  }
0x197: {  	v17, v18, _ =	vpop (xrf1);
	(xrf1) =	vsort.ascd.msk.f32 $0xffff, v5, v6;
	v5 =	vld.idx.msk [tilespmem:v51+s8+$0x0], $0xffff;
	(erf) = vpow2.f32 v12  }
0x198: {  	v4 =	vperm.xlane v56, v9;
	v2 =	vperm.xlane v2, v9;
	v15, v19, _ =	vpop (xrf1);
	v7 =	vsel vm0, v61, v8;
	v8 =	vld.idx.msk [tilespmem:v31+s8+$0x0], $0xffff  }
0x199: {  	v3 =	vperm.xlane v3, v9;
	v10 =	vperm.xlane v11, v9;
	v11, v12, _ =	vpop (xrf1)  }
0x19a: {  	v57 =	vnsel vm0, $0x0, v58;
	v27 =	vperm.xlane v63, v9;
	v16 =	vperm.xlane v16, v9;
	v63 =	vld [tilespmem:$0x1FFE0];
	_, v52, _ =	vpop (xrf1)  }
0x19b: {  	v4 =	vsel vm0, v17, v4;
	v10 =	vsel vm0, v18, v10;
	v1 =	vsel vm0, v1, v2;
	v14, v56, _ =	vpop (xrf1)  }
0x19c: {  	v23 =	vld [tilespmem:$0x1FFD0];
	v18 =	vperm.xlane v49, v9;
	v15 =	vperm.xlane v15, v9;
	v3 =	vsel vm0, v11, v3;
	v2, v11, _ =	vpop (xrf1)  }
0x19d: {  	v62 =	vpop (erf);
	(xrf1) =	vsort.ascd.msk.f32 $0xffff, v4, v10;
	v5 =	vmul.f32 $1.442695020e+00, v5;
	v8 =	vmul.f32 $1.442695020e+00, v8;
	v10 =	vsel vm0, v11, v16  }
0x19e: {  	(xrf2) =	vadd.scan.msk.f32 $0xffff, v57;
	v61 =	vpop (erf);
	v2 =	vsel vm0, v2, v27;
	v11 =	vperm.xlane v59, v9;
	v59 =	vperm.xlane v48, v9  }
0x19f: {  	v6 =	vadd.s32 v63, v45;
	(erf) = vpow2.f32 v5;
	_, v48, _ =	vpop (xrf1);
	v27 =	vperm.xlane v19, v9;
	(xrf1) =	vsort.ascd.msk.f32 $0xffff, v2, v10  }
0x1a0: {  	(erf) = vpow2.f32 v8;
	v11 =	vsel vm0, v12, v11;
	v13 =	vsel vm0, v56, v59;
	(xrf1) =	vsort.ascd.msk.f32 $0xffff, v1, v7;
	v56 =	vpop (erf)  }
0x1a1: {  	v4 =	vadd.s32 v23, v45;
	v2, v10, _ =	vpop (xrf1);
	(xrf1) =	vsort.ascd.msk.f32 $0xffff, v3, v11;
	v3 =	vsel vm0, v14, v18  }
0x1a2: {  	v1, v49, _ =	vpop (xrf1);
	(xrf1) =	vsort.ascd.msk.f32 $0xffff, v3, v13;
	v3 =	vnsel vm0, $0x0, v56;
	v14 =	vsel vm0, v10, v27  }
0x1a3: {  	v2 =	vsel vm0, v2, v15;
	v1 =	vperm.xlane v1, v9;
	v5 =	vperm.xlane v49, v9;
	(xrf2) =	vadd.scan.msk.f32 $0xffff, v3  }
0x1a4: {  	v6 =	vld.idx.msk [tilespmem:v6+s2+$0x0], $0xffff;
	v8, v10, _ =	vpop (xrf1);
	(xrf1) =	vsort.ascd.msk.f32 $0xffff, v2, v14  }
0x1a5: {  	v1 =	vsel vm0, v8, v1;
	v16 =	vsel vm0, v10, v5  }
0x1a6: {  	v3 =	vld.idx.msk [tilespmem:v4+s2+$0x0], $0xffff;
	(xrf1) =	vsort.ascd.msk.f32 $0xffff, v1, v16;
	_ =	sdelay $0x1  }
0x1a7: {  	v57 =	vpop (erf)  }
0x1a8: {  	v49 =	vpop (erf);
	(xrf1) =	vsort.ascd.msk.f32 $0xffff, v6, v25  }
0x1a9: {  	v1, _, _ =	vpop (xrf2)  }
0x1aa: {  	(xrf1) =	vsort.ascd.msk.f32 $0xffff, v3, v21;
	v2, v3, _ =	vpop (xrf1)  }
0x1ab: {  	v17 =	vnsel vm0, $0x0, v57;
	v59, v27, _ =	vpop (xrf1)  }
0x1ac: {  	v6, v8, _ =	vpop (xrf1)  }
0x1ad: {  	v16 =	vnsel vm0, $0x0, v49;
	v7, _, _ =	vpop (xrf2)  }
0x1ae: {  	v10, v11, _ =	vpop (xrf1)  }
0x1af: {  	v46 =	vor.u32 v20, v46;
	(xrf2) =	vadd.scan.msk.f32 $0xffff, v17;
	v12, v17, _ =	vpop (xrf1)  }
0x1b0: {  	v4 =	vperm.xlane v59, v9;
	_, v59, _ =	vpop (xrf1)  }
0x1b1: {  	v5 =	vperm.xlane v27, v9;
	(xrf2) =	vadd.scan.msk.f32 $0xffff, v16;
	v27, v16, _ =	vpop (xrf1)  }
0x1b2: {  	v12 =	vperm.xlane v12, v9  }
0x1b3: {  	v13 =	vperm.xlane v17, v9;
	v4 =	vsel vm0, v27, v4;
	v15, v27, _ =	vpop (xrf1)  }
0x1b4: {  	v45 =	vor.u32 v20, v45;
	v14 =	vld.idx.msk [tilespmem:v46+s8+$0x0], $0xffff;
	v5 =	vsel vm0, v16, v5;
	v12 =	vsel vm0, v15, v12  }
0x1b5: {  	(xrf1) =	vsort.ascd.msk.f32 $0xffff, v4, v5;
	v4 =	vsel vm0, v27, v13  }
0x1b6: {  	v1 =	vbroadcast v1, $0xF;
	v5 =	vbroadcast v7, $0xF;
	v27, v17, _ =	vpop (xrf1)  }
0x1b7: {  	v7 =	vperm.xlane v27, v9;
	v13 =	vperm.xlane v17, v9  }
0x1b8: {  	(erf) = vrcp.f32 v1;
	(xrf1) =	vsort.ascd.msk.f32 $0xffff, v12, v4;
	v4, v12, _ =	vpop (xrf1)  }
0x1b9: {  	v1 =	vmul.f32 $1.442695020e+00, v14;
	v27 =	vld.idx.msk [tilespmem:v45+s8+$0x0], $0xffff;
	v4 =	vsel vm0, v4, v7;
	v17 =	vsel vm0, v12, v13  }
0x1ba: {  	v15, _, _ =	vpop (xrf2);
	(erf) = vrcp.f32 v5;
	(xrf1) =	vsort.ascd.msk.f32 $0xffff, v4, v17  }
0x1bb: {  	(erf) = vpow2.f32 v1;
	v16, _, _ =	vpop (xrf2)  }
0x1bc: {  	v1 =	vbroadcast v16, $0xF;
	_ =	sdelay $0x1  }
0x1bd: {  	(erf) = vrcp.f32 v1;
	v1 =	vmul.f32 $1.442695020e+00, v27  }
0x1be: {  	v15 =	vbroadcast v15, $0xF;
	_ =	sdelay $0x1  }
0x1bf: {  	v3 =	vperm.xlane v3, v9;
	(erf) = vrcp.f32 v15  }
0x1c0: {  	v2 =	vperm.xlane v2, v9;
	v27 =	vld [tilespmem:$0x1FEB0];
	(erf) = vpow2.f32 v1;
	v1 =	vpop (erf)  }
0x1c1: {  	v5 =	vpop (erf)  }
0x1c2: {  	v3 =	vsel vm0, v11, v3;
	v2 =	vsel vm0, v10, v2;
	v16 =	vshrl.u32 v47, $0x3;
	v12 =	vpop (erf)  }
0x1c3: {  	v4 =	vmul.u32 $0xC00, v16;
	v17 =	vshll.u32 v47, $0x7;
	_, v14, _ =	vpop (xrf1);
	(xrf1) =	vsort.ascd.msk.f32 $0xffff, v2, v3;
	v3 =	vnsel vm0, $0x0, v12  }
0x1c4: {  	v7 =	vand.u32 $0x380, v17;
	v17 =	vld [tilespmem:$0x1FE90]  }
0x1c5: {  	v16 =	vand.u32 $0x380, v43;
	v4 =	vadd.s32 v27, v4;
	v27 =	vperm.xlane v8, v9;
	_, v8, _ =	vpop (xrf1)  }
0x1c6: {  	v13 =	vor.u32 v16, v44;
	(xrf2) =	vadd.scan.msk.f32 $0xffff, v3;
	v3, v44, _ =	vpop (xrf1)  }
0x1c7: {  	v2 =	vperm.xlane v6, v9;
	v6 =	vsel vm0, v44, v27;
	v27 =	vld [tilespmem:$0x1FF00];
	_ =	sdelay $0x1  }
0x1c8: {  	v11 =	vshrl.u32 v55, $0x3;
	v4 =	vor.u32 v7, v4;
	v7 =	vor.u32 v17, v13;
	v13 =	vpop (erf)  }
0x1c9: {  	v20 =	vld [tilespmem:$0x1FEE0];
	v11 =	vmul.u32 $0xC00, v11;
	v10 =	vpop (erf)  }
0x1ca: {  	v19 =	vld [tilespmem:$0x1FF20];
	v2 =	vsel vm0, v3, v2;
	v3 =	vpop (erf)  }
0x1cb: {  	v43 =	vld [tilespmem:$0x1FEA0];
	(xrf1) =	vsort.ascd.msk.f32 $0xffff, v2, v6;
	v6 =	vadd.s32 v27, v11;
	v11 =	vnsel vm0, $0x0, v3  }
0x1cc: {  	(xrf2) =	vadd.scan.msk.f32 $0xffff, v11;
	v11 =	vld [tilespmem:$0x1FEF0];
	[tilespmem:v50+s10+$0x0] =	vst.idx.msk $0xff, v53  }
0x1cd: {  	v22 =	vld [tilespmem:$0x1FF30];
	_ =	sdelay $0x1  }
0x1ce: {  	v15 =	vmul.f32 v60, v40;
	v60 =	vshll.u32 v55, $0x7  }
0x1cf: {  	v2 =	vand.u32 $0x380, v60  }
0x1d0: {  	v2 =	vor.u32 v2, v6  }
0x1d1: {  	v2 =	vor.u32 v11, v2;
	v11 =	vshrl.u32 v48, $0x3  }
0x1d2: {  	v11 =	vmul.u32 $0xC00, v11;
	_ =	sdelay $0x1  }
0x1d3: {  	v40 =	vshrl.u32 v52, $0x3;
	v11 =	vadd.s32 v20, v11;
	v20 =	vld [tilespmem:$0x1FF10];
	[tilespmem:v22+s12+$0x0] =	vst.idx.msk $0xff, v35  }
0x1d4: {  	v6 =	vmul.u32 $0xC00, v40;
	v22 =	vld [tilespmem:$0x1FF50]  }
0x1d5: {  	v18 =	vshll.u32 v52, $0x7  }
0x1d6: {  	v18 =	vand.u32 $0x380, v18;
	v6 =	vadd.s32 v19, v6;
	v19 =	vshrl.u32 v59, $0x3  }
0x1d7: {  	v6 =	vor.u32 v18, v6;
	v18 =	vmul.u32 $0xC00, v19  }
0x1d8: {  	v6 =	vor.u32 v20, v6;
	v20 =	vshll.u32 v59, $0x7  }
0x1d9: {  	v20 =	vand.u32 $0x380, v20;
	v18 =	vadd.s32 v22, v18  }
0x1da: {  	v18 =	vor.u32 v20, v18;
	v20 =	vld [tilespmem:$0x1FF60]  }
0x1db: {  	v4 =	vor.u32 v43, v4;
	v19 =	vshll.u32 v48, $0x7  }
0x1dc: {  	v19 =	vand.u32 $0x380, v19;
	_ =	sdelay $0x2  }
0x1dd: {  	v11 =	vor.u32 v19, v11;
	v19, _, _ =	vpop (xrf2);
	[tilespmem:v7+s10+$0x0] =	vst.idx.msk $0xff, v20  }
0x1de: {  	v19 =	vbroadcast v19, $0xF;
	v7 =	vld [tilespmem:$0x1FED0];
	[tilespmem:v4+s10+$0x0] =	vst.idx.msk $0xff, v15  }
0x1df: {  	v4 =	vld [tilespmem:$0x1FF40];
	[tilespmem:v26+s12+$0x0] =	vst.idx.msk $0xff, v47  }
0x1e0: {  	(erf) = vrcp.f32 v19;
	v19 =	vld [tilespmem:$0x1FEC0];
	_ =	sdelay $0x4  }
0x1e1: {  	v43 =	vmul.f32 v61, v36  }
0x1e2: {  	v7 =	vor.u32 v7, v11;
	v11 =	vshrl.u32 v14, $0x3  }
0x1e3: {  	[tilespmem:v2+s10+$0x0] =	vst.idx.msk $0xff, v43;
	v11 =	vmul.u32 $0xC00, v11  }
0x1e4: {  	v44 =	vshll.u32 v14, $0x7;
	[tilespmem:v19+s12+$0x0] =	vst.idx.msk $0xff, v30  }
0x1e5: {  	v15 =	vand.u32 $0x380, v44;
	v11 =	vadd.s32 v34, v11;
	v19 =	vshrl.u32 v8, $0x3;
	v17 =	vld [tilespmem:$0x1FF70]  }
0x1e6: {  	v2 =	vor.u32 v15, v11;
	v11 =	vmul.u32 $0xC00, v19  }
0x1e7: {  	v4 =	vor.u32 v4, v18;
	v18, _, _ =	vpop (xrf2)  }
0x1e8: {  	v1 =	vmul.f32 v1, v58;
	_, v20, _ =	vpop (xrf1);
	v18 =	vbroadcast v18, $0xF  }
0x1e9: {  	v39 =	vmul.f32 v62, v39;
	v5 =	vmul.f32 v5, v56;
	v47 =	vshrl.u32 v20, $0x3  }
0x1ea: {  	(erf) = vrcp.f32 v18;
	v15 =	vmul.u32 $0xC00, v47;
	v2 =	vor.u32 v32, v2;
	[tilespmem:v6+s10+$0x0] =	vst.idx.msk $0xff, v1  }
0x1eb: {  	v1 =	vmul.f32 v10, v57;
	v10 =	vshll.u32 v8, $0x7;
	[tilespmem:v7+s10+$0x0] =	vst.idx.msk $0xff, v39;
	v50 =	vadd.s32 v33, v11;
	_, v11, _ =	vpop (xrf1)  }
0x1ec: {  	v15 =	vadd.s32 v28, v15;
	[tilespmem:v4+s10+$0x0] =	vst.idx.msk $0xff, v5;
	v10 =	vand.u32 $0x380, v10;
	v53 =	vshrl.u32 v11, $0x3  }
0x1ed: {  	v6 =	vor.u32 v10, v50;
	v10 =	vmul.u32 $0xC00, v53;
	[tilespmem:v17+s12+$0x0] =	vst.idx.msk $0xff, v55;
	v55 =	vshll.u32 v20, $0x7  }
0x1ee: {  	[tilespmem:v29+s12+$0x0] =	vst.idx.msk $0xff, v52;
	v56 =	vor.u32 v42, v6;
	v57 =	vshll.u32 v11, $0x7;
	v58 =	vand.u32 $0x380, v55  }
0x1ef: {  	[tilespmem:v54+s12+$0x0] =	vst.idx.msk $0xff, v59;
	v5 =	vand.u32 $0x380, v57;
	v60 =	vadd.s32 v38, v10;
	v6 =	vor.u32 v58, v15  }
0x1f0: {  	v61 =	vpop (erf);
	[tilespmem:v24+s12+$0x0] =	vst.idx.msk $0xff, v48;
	v5 =	vor.u32 v5, v60;
	v6 =	vor.u32 v37, v6  }
0x1f1: {  	[tilespmem:v2+s10+$0x0] =	vst.idx.msk $0xff, v1;
	v1 =	vmul.f32 v61, v12;
	v2 =	vor.u32 v41, v5  }
0x1f2: {  	[tilespmem:v51+s12+$0x0] =	vst.idx.msk $0xff, v14  }
0x1f3: {  	v62 =	vpop (erf);
	[tilespmem:v56+s10+$0x0] =	vst.idx.msk $0xff, v1;
	v1 =	vmul.f32 v13, v49  }
0x1f4: {  	v3 =	vmul.f32 v62, v3;
	[tilespmem:v46+s12+$0x0] =	vst.idx.msk $0xff, v8  }
0x1f5: {  	[tilespmem:v6+s10+$0x0] =	vst.idx.msk $0xff, v1  }
0x1f6: {  	[tilespmem:v2+s10+$0x0] =	vst.idx.msk $0xff, v3  }
0x1f7: {  	[tilespmem:v45+s12+$0x0] =	vst.idx.msk $0xff, v11  }
0x1f8: {  	s24 =	simm.s32 $0x0;
	[tilespmem:v31+s12+$0x0] =	vst.idx.msk $0xff, v20  }
0x1f9: {  	[hbm4b:s5+s24] =	stream.linear.scatter [tilespmem:s10], [sflag:$0x1], $0x800, $0x38;
	[tilespmem:$0xD800] =	vst v63  }
0x1fa: {  	s0 =	sadd.s32 $0x8000, s5;
	s1 =	simm.s32 $0x7800  }
0x1fb: {  	[hbm4b:s0+s24] =	stream.linear.scatter [tilespmem:s1], [sflag:$0x1], $0x800, $0x38;
	[tilespmem:$0xD800] =	vst v63  }
0x1fc: {  	s25 =	sadd.s32 $0x10000, s5;
	s26 =	simm.s32 $0x8400  }
0x1fd: {  	[hbm4b:s25+s24] =	stream.linear.scatter [tilespmem:s26], [sflag:$0x1], $0x800, $0x38;
	[tilespmem:$0xD800] =	vst v63  }
0x1fe: {  	s28 =	sadd.s32 $0x18000, s5;
	s29 =	simm.s32 $0x9000  }
0x1ff: {  	[hbm4b:s28+s24] =	stream.linear.scatter [tilespmem:s29], [sflag:$0x1], $0x800, $0x38;
	[tilespmem:$0xD800] =	vst v63  }
0x200: {  	s30 =	sadd.s32 $0x20000, s5;
	s31 =	simm.s32 $0x9C00  }
0x201: {  	[hbm4b:s30+s24] =	stream.linear.scatter [tilespmem:s31], [sflag:$0x1], $0x800, $0x38;
	[tilespmem:$0xD800] =	vst v63  }
0x202: {  	s3 =	sadd.s32 $0x28000, s5  }
0x203: {  	[hbm4b:s3+s24] =	stream.linear.scatter [tilespmem:s20], [sflag:$0x1], $0x800, $0x38;
	[tilespmem:$0xD800] =	vst v63  }
0x204: {  	s4 =	sadd.s32 $0x30000, s5  }
0x205: {  	[hbm4b:s4+s24] =	stream.linear.scatter [tilespmem:s21], [sflag:$0x1], $0x800, $0x38;
	[tilespmem:$0xD800] =	vst v63  }
0x206: {  	s14 =	sadd.s32 $0x38000, s5  }
0x207: {  	[hbm4b:s14+s24] =	stream.linear.scatter [tilespmem:s22], [sflag:$0x1], $0x800, $0x38;
	[tilespmem:$0xD800] =	vst v63  }
0x208: {  	_ =	swait.ge [sflag:s6], $0x4000  }
0x209: {  	[sflag:s6] =	ssyncset.done $0x0  }
0x20a: {  	s16 =	rddreg [dreg:$0x7];
	[sflag:s6] =	ssyncadd.s32 $0xFFFFC000  }
0x20b: {  	[hbm4b:s16+s24] =	stream.linear.scatter [tilespmem:s12], [sflag:$0x1], $0x800, $0x38;
	[tilespmem:$0xD800] =	vst v63  }
0x20c: {  	_ =	swait.ge [sflag:s6], $0x800  }
0x20d: {  	[sflag:s6] =	ssyncset.done $0x0  }
0x20e: {  	[sflag:s6] =	ssyncadd.s32 $0xFFFFF800  }
0x20f: {  	[tilespmem:s24], [sflag:$0x1] =	stream.linear.gather [hbm4b:s7+s24], $0x800, $0x38;
	[tilespmem:$0xD800] =	vst v63  }
0x210: {  	s18 =	sadd.s32 $0x8000, s7;
	s19 =	simm.s32 $0xC00  }
0x211: {  	[tilespmem:s19], [sflag:$0x1] =	stream.linear.gather [hbm4b:s18+s24], $0x800, $0x38;
	[tilespmem:$0xD800] =	vst v63  }
0x212: {  	s25 =	sadd.s32 $0x10000, s7;
	s26 =	simm.s32 $0x1800  }
0x213: {  	[tilespmem:s26], [sflag:$0x1] =	stream.linear.gather [hbm4b:s25+s24], $0x800, $0x38;
	[tilespmem:$0xD800] =	vst v63  }
0x214: {  	s28 =	sadd.s32 $0x18000, s7;
	s29 =	simm.s32 $0x2400  }
0x215: {  	[tilespmem:s29], [sflag:$0x1] =	stream.linear.gather [hbm4b:s28+s24], $0x800, $0x38;
	[tilespmem:$0xD800] =	vst v63  }
0x216: {  	s30 =	sadd.s32 $0x20000, s7;
	s31 =	simm.s32 $0x3000  }
0x217: {  	[tilespmem:s31], [sflag:$0x1] =	stream.linear.gather [hbm4b:s30+s24], $0x800, $0x38;
	[tilespmem:$0xD800] =	vst v63  }
0x218: {  	s1 =	sadd.s32 $0x28000, s7;
	s3 =	simm.s32 $0x3C00  }
0x219: {  	[tilespmem:s3], [sflag:$0x1] =	stream.linear.gather [hbm4b:s1+s24], $0x800, $0x38;
	[tilespmem:$0xD800] =	vst v63  }
0x21a: {  	s4 =	sadd.s32 $0x30000, s7;
	s14 =	simm.s32 $0x4800  }
0x21b: {  	[tilespmem:s14], [sflag:$0x1] =	stream.linear.gather [hbm4b:s4+s24], $0x800, $0x38;
	[tilespmem:$0xD800] =	vst v63  }
0x21c: {  	s16 =	sadd.s32 $0x38000, s7;
	s18 =	simm.s32 $0x5400  }
0x21d: {  	[tilespmem:s18], [sflag:$0x1] =	stream.linear.gather [hbm4b:s16+s24], $0x800, $0x38;
	[tilespmem:$0xD800] =	vst v63  }
0x21e: {  	_ =	swait.ge [sflag:s6], $0x4000  }
0x21f: {  	s19 =	simm.s32 $0x0;
	[sflag:s6] =	ssyncset.done $0x0  }
0x220: {  	s0 =	smul.u32 $0x3000, s19;
	s25 =	rddreg [dreg:$0x8];
	[sflag:s6] =	ssyncadd.s32 $0xFFFFC000  }
0x221: {  	[tilespmem:s8], [sflag:$0x1] =	stream.linear.gather [hbm4b:s25+s24], $0x800, $0x38;
	[tilespmem:$0xD800] =	vst v63  }
0x222: {  	s26 =	sand.u32 $0x200, s24;
	s0 =	sshra.s32 s0, $0x2;
	_ =	swait.ge [sflag:s6], $0x800  }
0x223: {  	s3 =	sadd.s32 $0x6C00, s0;
	s4 =	sor.u32 $0x180, s26;
	[sflag:s6] =	ssyncset.done $0x0  }
0x224: {  	s14 =	sor.u32 s4, s3;
	[sflag:s6] =	ssyncadd.s32 $0xFFFFF800  }
0x225: {  	[tilespmem:s14+$0x0] =	vst v0  }
0x226: {  	[tilespmem:s14+$0x10] =	vst v0  }
0x227: {  	[tilespmem:s14+$0x20] =	vst v0  }
0x228: {  	[tilespmem:s14+$0x30] =	vst v0  }
0x229: {  	[tilespmem:s14+$0x40] =	vst v0  }
0x22a: {  	[tilespmem:s14+$0x50] =	vst v0  }
0x22b: {  	[tilespmem:s14+$0x60] =	vst v0  }
0x22c: {  	s16 =	sor.u32 s26, s3;
	[tilespmem:s14+$0x70] =	vst v0  }
0x22d: {  	[tilespmem:s16+$0x0] =	vst v0  }
0x22e: {  	[tilespmem:s16+$0x10] =	vst v0  }
0x22f: {  	[tilespmem:s16+$0x20] =	vst v0  }
0x230: {  	[tilespmem:s16+$0x30] =	vst v0  }
0x231: {  	[tilespmem:s16+$0x40] =	vst v0  }
0x232: {  	[tilespmem:s16+$0x50] =	vst v0  }
0x233: {  	s29 =	sor.u32 $0x80, s26;
	[tilespmem:s16+$0x60] =	vst v0  }
0x234: {  	s30 =	sor.u32 s29, s3;
	[tilespmem:s16+$0x70] =	vst v0  }
0x235: {  	[tilespmem:s30+$0x0] =	vst v0  }
0x236: {  	[tilespmem:s30+$0x10] =	vst v0  }
0x237: {  	[tilespmem:s30+$0x20] =	vst v0  }
0x238: {  	[tilespmem:s30+$0x30] =	vst v0  }
0x239: {  	[tilespmem:s30+$0x40] =	vst v0  }
0x23a: {  	[tilespmem:s30+$0x50] =	vst v0  }
0x23b: {  	s1 =	sor.u32 $0x100, s26;
	[tilespmem:s30+$0x60] =	vst v0  }
0x23c: {  	s3 =	sor.u32 s1, s3;
	[tilespmem:s30+$0x70] =	vst v0  }
0x23d: {  	[tilespmem:s3+$0x0] =	vst v0  }
0x23e: {  	[tilespmem:s3+$0x10] =	vst v0  }
0x23f: {  	[tilespmem:s3+$0x20] =	vst v0  }
0x240: {  	[tilespmem:s3+$0x30] =	vst v0  }
0x241: {  	[tilespmem:s3+$0x40] =	vst v0  }
0x242: {  	[tilespmem:s3+$0x50] =	vst v0  }
0x243: {  	s0 =	sadd.s32 $0x7000, s0;
	[tilespmem:s3+$0x60] =	vst v0  }
0x244: {  	s28 =	sor.u32 s26, s0;
	[tilespmem:s3+$0x70] =	vst v0  }
0x245: {  	[tilespmem:s28+$0x0] =	vst v0  }
0x246: {  	[tilespmem:s28+$0x10] =	vst v0  }
0x247: {  	[tilespmem:s28+$0x20] =	vst v0  }
0x248: {  	[tilespmem:s28+$0x30] =	vst v0  }
0x249: {  	[tilespmem:s28+$0x40] =	vst v0  }
0x24a: {  	[tilespmem:s28+$0x50] =	vst v0  }
0x24b: {  	[tilespmem:s28+$0x60] =	vst v0  }
0x24c: {  	s31 =	sor.u32 s29, s0;
	[tilespmem:s28+$0x70] =	vst v0  }
0x24d: {  	[tilespmem:s31+$0x0] =	vst v0  }
0x24e: {  	[tilespmem:s31+$0x10] =	vst v0  }
0x24f: {  	[tilespmem:s31+$0x20] =	vst v0  }
0x250: {  	[tilespmem:s31+$0x30] =	vst v0  }
0x251: {  	[tilespmem:s31+$0x40] =	vst v0  }
0x252: {  	[tilespmem:s31+$0x50] =	vst v0  }
0x253: {  	[tilespmem:s31+$0x60] =	vst v0  }
0x254: {  	s25 =	sor.u32 s4, s0;
	[tilespmem:s31+$0x70] =	vst v0  }
0x255: {  	s0 =	sor.u32 s1, s0;
	[tilespmem:s25+$0x70] =	vst v0  }
0x256: {  	[tilespmem:s0+$0x0] =	vst v0  }
0x257: {  	[tilespmem:s0+$0x10] =	vst v0  }
0x258: {  	[tilespmem:s0+$0x20] =	vst v0  }
0x259: {  	[tilespmem:s0+$0x30] =	vst v0  }
0x25a: {  	[tilespmem:s0+$0x40] =	vst v0  }
0x25b: {  	[tilespmem:s0+$0x50] =	vst v0  }
0x25c: {  	[tilespmem:s0+$0x60] =	vst v0  }
0x25d: {  	v57 =	vmov v23;
	v20 =	vmov v63;
	v63 =	vmov v25;
	s26 =	simm.s32 $0x0;
	s3 =	simm.s32 $0x0;
	[tilespmem:s0+$0x70] =	vst v0  }
.LBB2_6:
0x25e: {  	s26 =	sadd.s32 $0x4, s26;
	[tilespmem:s25+$0x0] =	vst v0  }
0x25f: {  	s0 =	sshrl.u32 s26, $0x3;
	p0 =	slt.u32 s26, $0x3C;
	[tilespmem:s25+$0x10] =	vst v0  }
0x260: {  	s0 =	smul.u32 $0x3000, s0;
	[tilespmem:s25+$0x20] =	vst v0  }
0x261: {  	s3 =	sadd.s32 $0x200, s3;
	[tilespmem:s25+$0x30] =	vst v0  }
0x262: {  	s1 =	sand.u32 $0x200, s3;
	s0 =	sshra.s32 s0, $0x2;
	[tilespmem:s25+$0x40] =	vst v0  }
0x263: {  	s14 =	sor.u32 $0x80, s1;
	s16 =	sor.u32 $0x180, s1;
	s4 =	sadd.s32 $0x6C00, s0;
	[tilespmem:s25+$0x50] =	vst v0  }
0x264: {  	s29 =	sor.u32 $0x100, s1;
	s18 =	sor.u32 s1, s4;
	s19 =	sor.u32 s16, s4;
	[tilespmem:s25+$0x60] =	vst v0  }
0x265: {  	s30 =	sor.u32 s14, s4;
	s28 =	sor.u32 s29, s4;
	[tilespmem:s19+$0x0] =	vst v0  }
0x266: {  	[tilespmem:s19+$0x10] =	vst v0  }
0x267: {  	[tilespmem:s19+$0x20] =	vst v0  }
0x268: {  	[tilespmem:s19+$0x30] =	vst v0  }
0x269: {  	[tilespmem:s19+$0x40] =	vst v0  }
0x26a: {  	[tilespmem:s19+$0x50] =	vst v0  }
0x26b: {  	s0 =	sadd.s32 $0x7000, s0;
	[tilespmem:s19+$0x60] =	vst v0  }
0x26c: {  	s1 =	sor.u32 s1, s0;
	s31 =	sor.u32 s14, s0;
	s25 =	sor.u32 s16, s0;
	[tilespmem:s19+$0x70] =	vst v0  }
0x26d: {  	s29 =	sor.u32 s29, s0;
	[tilespmem:s25+$0x70] =	vst v0  }
0x26e: {  	[tilespmem:s18+$0x0] =	vst v0  }
0x26f: {  	[tilespmem:s18+$0x10] =	vst v0  }
0x270: {  	[tilespmem:s18+$0x20] =	vst v0  }
0x271: {  	[tilespmem:s18+$0x30] =	vst v0  }
0x272: {  	[tilespmem:s18+$0x40] =	vst v0  }
0x273: {  	[tilespmem:s18+$0x50] =	vst v0  }
0x274: {  	[tilespmem:s18+$0x60] =	vst v0  }
0x275: {  	[tilespmem:s18+$0x70] =	vst v0  }
0x276: {  	[tilespmem:s1+$0x0] =	vst v0  }
0x277: {  	[tilespmem:s1+$0x10] =	vst v0  }
0x278: {  	[tilespmem:s1+$0x20] =	vst v0  }
0x279: {  	[tilespmem:s1+$0x30] =	vst v0  }
0x27a: {  	[tilespmem:s1+$0x40] =	vst v0  }
0x27b: {  	[tilespmem:s1+$0x50] =	vst v0  }
0x27c: {  	[tilespmem:s1+$0x60] =	vst v0  }
0x27d: {  	[tilespmem:s1+$0x70] =	vst v0  }
0x27e: {  	[tilespmem:s30+$0x0] =	vst v0  }
0x27f: {  	[tilespmem:s30+$0x10] =	vst v0  }
0x280: {  	[tilespmem:s30+$0x20] =	vst v0  }
0x281: {  	[tilespmem:s30+$0x30] =	vst v0  }
0x282: {  	[tilespmem:s30+$0x40] =	vst v0  }
0x283: {  	[tilespmem:s30+$0x50] =	vst v0  }
0x284: {  	[tilespmem:s30+$0x60] =	vst v0  }
0x285: {  	[tilespmem:s30+$0x70] =	vst v0  }
0x286: {  	[tilespmem:s31+$0x0] =	vst v0  }
0x287: {  	[tilespmem:s31+$0x10] =	vst v0  }
0x288: {  	[tilespmem:s31+$0x20] =	vst v0  }
0x289: {  	[tilespmem:s31+$0x30] =	vst v0  }
0x28a: {  	[tilespmem:s31+$0x40] =	vst v0  }
0x28b: {  	[tilespmem:s31+$0x50] =	vst v0  }
0x28c: {  	[tilespmem:s31+$0x60] =	vst v0  }
0x28d: {  	[tilespmem:s31+$0x70] =	vst v0  }
0x28e: {  	[tilespmem:s28+$0x0] =	vst v0  }
0x28f: {  	[tilespmem:s28+$0x10] =	vst v0  }
0x290: {  	[tilespmem:s28+$0x20] =	vst v0  }
0x291: {  	[tilespmem:s28+$0x30] =	vst v0  }
0x292: {  	[tilespmem:s28+$0x40] =	vst v0  }
0x293: {  	[tilespmem:s28+$0x50] =	vst v0  }
0x294: {  	[tilespmem:s28+$0x60] =	vst v0  }
0x295: {  	[tilespmem:s28+$0x70] =	vst v0  }
0x296: {  	[tilespmem:s29+$0x0] =	vst v0  }
0x297: {  	[tilespmem:s29+$0x10] =	vst v0  }
0x298: {  	[tilespmem:s29+$0x20] =	vst v0  }
.Ltmp2:
0x299: {  	[tilespmem:s29+$0x30] =	vst v0;
	(pc) =	sbr.rel @p0 .LBB2_6-.Ltmp2, $4  }
0x29a: {  	[tilespmem:s29+$0x40] =	vst v0  }
0x29b: {  	[tilespmem:s29+$0x50] =	vst v0  }
0x29c: {  	[tilespmem:s29+$0x60] =	vst v0  }
0x29d: {  	[tilespmem:s29+$0x70] =	vst v0  }
0x29e: {  	s0 =	simm.s32 $0x1  }
0x29f: {  	[tilespmem:s25+$0x0] =	vst v0;
	v1 =	vmov s0  }
0x2a0: {  	[tilespmem:s25+$0x10] =	vst v0;
	v3 =	vshll.u32 v1, $0x3;
	v1 =	vand.u32 $0x7D, v1  }
0x2a1: {  	[tilespmem:$0x1FDA0] =	vst v1  }
0x2a2: {  	[tilespmem:s25+$0x20] =	vst v0  }
0x2a3: {  	v22 =	vld [tilespmem:$0x1FFB0]  }
0x2a4: {  	[tilespmem:s25+$0x30] =	vst v0  }
0x2a5: {  	s1 =	simm.s32 $0x2;
	v23 =	vld [tilespmem:$0x1FFC0]  }
0x2a6: {  	v2 =	vmov s1;
	v28 =	vand.u32 $0x400, v3  }
0x2a7: {  	s18 =	simm.s32 $0x3;
	v4 =	vshll.u32 v2, $0x3;
	v29 =	vand.u32 $0x7E, v2;
	v1 =	vor.u32 v28, v1  }
0x2a8: {  	v2 =	vmov s18;
	v30 =	vand.u32 $0x400, v4;
	v4 =	vadd.s32 v22, v1  }
0x2a9: {  	v5 =	vshll.u32 v2, $0x3;
	v45 =	vand.u32 $0x7F, v2;
	[tilespmem:s25+$0x40] =	vst v0  }
0x2aa: {  	v3 =	vor.u32 v30, v29;
	v32 =	vand.u32 $0x400, v5;
	[tilespmem:s25+$0x50] =	vst v0;
	v6 =	vadd.s32 v23, v1  }
0x2ab: {  	v2 =	vmov s24;
	v7 =	vor.u32 v32, v45;
	[tilespmem:s25+$0x60] =	vst v0;
	v5 =	vadd.s32 v23, v3  }
0x2ac: {  	v8 =	vshll.u32 v2, $0x3;
	v11 =	vand.u32 $0x7C, v2;
	v26 =	vld [tilespmem:$0x1FF80];
	v10 =	vadd.s32 v23, v7  }
0x2ad: {  	v12 =	vand.u32 $0x400, v8;
	v2 =	vadd.s32 v57, v1;
	v4 =	vld.idx.msk [tilespmem:v4+s2+$0x0], $0xffff;
	[tilespmem:$0x1FDB0] =	vst v11  }
0x2ae: {  	v8 =	vadd.s32 v20, v1;
	v24 =	vor.u32 v12, v11;
	v25 =	vld [tilespmem:$0x1FF90];
	[tilespmem:$0x1FDC0] =	vst v12  }
0x2af: {  	v11 =	vadd.s32 v23, v24;
	v6 =	vld.idx.msk [tilespmem:v6+s2+$0x0], $0xffff  }
0x2b0: {  	v12 =	vadd.s32 v22, v3;
	v5 =	vld.idx.msk [tilespmem:v5+s2+$0x0], $0xffff  }
0x2b1: {  	v13 =	vadd.s32 v20, v3;
	v10 =	vld.idx.msk [tilespmem:v10+s2+$0x0], $0xffff  }
0x2b2: {  	v14 =	vadd.s32 v22, v7;
	v2 =	vld.idx.msk [tilespmem:v2+s2+$0x0], $0xffff  }
0x2b3: {  	v15 =	vadd.s32 v22, v24;
	v8 =	vld.idx.msk [tilespmem:v8+s2+$0x0], $0xffff;
	(xrf1) =	vsort.ascd.msk.f32 $0xffff, v4, v26  }
0x2b4: {  	v4 =	vld.idx.msk [tilespmem:v11+s2+$0x0], $0xffff;
	(xrf1) =	vsort.ascd.msk.f32 $0xffff, v6, v25  }
0x2b5: {  	v6 =	vld.idx.msk [tilespmem:v12+s2+$0x0], $0xffff;
	(xrf1) =	vsort.ascd.msk.f32 $0xffff, v5, v25  }
0x2b6: {  	v11 =	vld.idx.msk [tilespmem:v13+s2+$0x0], $0xffff;
	(xrf1) =	vsort.ascd.msk.f32 $0xffff, v10, v25  }
0x2b7: {  	v5 =	vadd.s32 v57, v3;
	v10 =	vld.idx.msk [tilespmem:v14+s2+$0x0], $0xffff;
	(xrf1) =	vsort.ascd.msk.f32 $0xffff, v2, v21  }
0x2b8: {  	v2 =	vld.idx.msk [tilespmem:v15+s2+$0x0], $0xffff;
	(xrf1) =	vsort.ascd.msk.f32 $0xffff, v8, v63  }
0x2b9: {  	(xrf1) =	vsort.ascd.msk.f32 $0xffff, v4, v25  }
0x2ba: {  	v8 =	vadd.s32 v20, v7;
	(xrf1) =	vsort.ascd.msk.f32 $0xffff, v6, v26  }
0x2bb: {  	(xrf1) =	vsort.ascd.msk.f32 $0xffff, v11, v63  }
0x2bc: {  	v4 =	vld.idx.msk [tilespmem:v5+s2+$0x0], $0xffff;
	v5 =	vadd.s32 v57, v7;
	(xrf1) =	vsort.ascd.msk.f32 $0xffff, v10, v26  }
0x2bd: {  	v48 =	vld [tilespmem:$0x1FFA0];
	(xrf1) =	vsort.ascd.msk.f32 $0xffff, v2, v26;
	_ =	sdelay $0x1  }
0x2be: {  	v2 =	vld.idx.msk [tilespmem:v8+s2+$0x0], $0xffff;
	_ =	sdelay $0x1  }
0x2bf: {  	v5 =	vld.idx.msk [tilespmem:v5+s2+$0x0], $0xffff;
	(xrf1) =	vsort.ascd.msk.f32 $0xffff, v4, v21;
	v4, v6, _ =	vpop (xrf1)  }
0x2c0: {  	v33 =	vor.u32 v48, v3;
	v3, v8, _ =	vpop (xrf1)  }
0x2c1: {  	v17 =	vor.u32 v48, v1;
	v1, v10, _ =	vpop (xrf1)  }
0x2c2: {  	(xrf1) =	vsort.ascd.msk.f32 $0xffff, v2, v63;
	v2, v11, _ =	vpop (xrf1)  }
0x2c3: {  	v3 =	vperm.xlane v3, v9;
	v12, v13, _ =	vpop (xrf1)  }
0x2c4: {  	(xrf1) =	vsort.ascd.msk.f32 $0xffff, v5, v21;
	v5 =	vperm.xlane v8, v9;
	v8, v14, _ =	vpop (xrf1)  }
0x2c5: {  	v1 =	vperm.xlane v1, v9;
	v3 =	vsel vm0, v4, v3;
	v4 =	vld.idx.msk [tilespmem:v33+s8+$0x0], $0xffff;
	[tilespmem:$0x1FDD0] =	vst v17;
	v15, v16, _ =	vpop (xrf1)  }
0x2c6: {  	v14 =	vperm.xlane v14, v9;
	v5 =	vsel vm0, v6, v5;
	v6 =	vperm.xlane v11, v9;
	v11 =	vld.idx.msk [tilespmem:v17+s8+$0x0], $0xffff;
	v17, v18, _ =	vpop (xrf1)  }
0x2c7: {  	(xrf1) =	vsort.ascd.msk.f32 $0xffff, v3, v5;
	v3 =	vperm.xlane v15, v9;
	v5 =	vperm.xlane v10, v9;
	v10, v15, _ =	vpop (xrf1)  }
0x2c8: {  	v13 =	vsel vm0, v13, v14;
	v14 =	vperm.xlane v16, v9;
	v16, v19, _ =	vpop (xrf1)  }
0x2c9: {  	v2 =	vperm.xlane v2, v9;
	v1 =	vsel vm0, v17, v1;
	v5 =	vsel vm0, v18, v5;
	v17, v18, _ =	vpop (xrf1)  }
0x2ca: {  	(xrf1) =	vsort.ascd.msk.f32 $0xffff, v1, v5;
	v1 =	vsel vm0, v17, v3;
	v3 =	vsel vm0, v18, v14  }
0x2cb: {  	v8 =	vperm.xlane v8, v9;
	v15 =	vperm.xlane v15, v9  }
0x2cc: {  	v4 =	vmul.f32 $1.442695020e+00, v4;
	v10 =	vperm.xlane v10, v9  }
0x2cd: {  	(xrf1) =	vsort.ascd.msk.f32 $0xffff, v1, v3;
	v1 =	vsel vm0, v16, v2;
	v2 =	vsel vm0, v19, v6;
	v3, v6, _ =	vpop (xrf1)  }
0x2ce: {  	(erf) = vpow2.f32 v4;
	v4 =	vsel vm0, v6, v15  }
0x2cf: {  	v5 =	vsel vm0, v12, v8;
	v8 =	vmul.f32 $1.442695020e+00, v11;
	v3 =	vsel vm0, v3, v10  }
0x2d0: {  	s19 =	simm.s32 $0x5;
	(xrf1) =	vsort.ascd.msk.f32 $0xffff, v5, v13  }
0x2d1: {  	(erf) = vpow2.f32 v8;
	v5 =	vmov s19;
	(xrf1) =	vsort.ascd.msk.f32 $0xffff, v1, v2  }
0x2d2: {  	v17 =	vor.u32 v48, v7;
	v1 =	vadd.s32 v20, v24;
	v6 =	vshll.u32 v5, $0x3;
	(xrf1) =	vsort.ascd.msk.f32 $0xffff, v3, v4;
	v3, v4, _ =	vpop (xrf1)  }
0x2d3: {  	s25 =	simm.s32 $0x6;
	v11 =	vand.u32 $0x400, v6;
	v6 =	vand.u32 $0x7D, v5;
	v3 =	vperm.xlane v3, v9  }
0x2d4: {  	v2 =	vadd.s32 v57, v24;
	v5 =	vmov s25;
	[tilespmem:$0x1FDE0] =	vst v6;
	v6 =	vor.u32 v11, v6;
	v7, v8, _ =	vpop (xrf1)  }
0x2d5: {  	s26 =	simm.s32 $0x7;
	v4 =	vperm.xlane v4, v9;
	v3 =	vsel vm0, v7, v3;
	v7 =	vshll.u32 v5, $0x3  }
0x2d6: {  	[tilespmem:$0x1FDF0] =	vst v11;
	v11 =	vand.u32 $0x400, v7;
	v7 =	vand.u32 $0x7E, v5;
	v5 =	vmov s26  }
0x2d7: {  	v1 =	vld.idx.msk [tilespmem:v1+s2+$0x0], $0xffff;
	v34 =	vpop (erf);
	v4 =	vsel vm0, v8, v4;
	v8 =	vadd.s32 v22, v6;
	v12 =	vshll.u32 v5, $0x3  }
0x2d8: {  	(xrf1) =	vsort.ascd.msk.f32 $0xffff, v3, v4;
	v4 =	vnsel vm0, $0x0, v34;
	[tilespmem:$0x1FE00] =	vst v7;
	v16 =	vand.u32 $0x400, v12  }
0x2d9: {  	s24 =	simm.s32 $0x4;
	v18 =	vmovc v26;
	[tilespmem:$0x1FE10] =	vst v11;
	v7 =	vor.u32 v11, v7;
	v11 =	vadd.s32 v23, v6;
	v15 =	vand.u32 $0x7F, v5  }
0x2da: {  	v10 =	vmov s24;
	v38 =	vadd.s32 v57, v6;
	(xrf2) =	vadd.scan.msk.f32 $0xffff, v4;
	v3 =	vpop (erf);
	v2 =	vld.idx.msk [tilespmem:v2+s2+$0x0], $0xffff;
	[tilespmem:$0x1FE20] =	vst v15  }
0x2db: {  	v4 =	vshll.u32 v10, $0x3;
	v14 =	vadd.s32 v23, v7;
	[tilespmem:$0x1FE30] =	vst v16;
	v36 =	vor.u32 v16, v15;
	v5, v12, _ =	vpop (xrf1)  }
0x2dc: {  	(xrf1) =	vsort.ascd.msk.f32 $0xffff, v1, v63;
	v13 =	vnsel vm0, $0x0, v3;
	v8 =	vld.idx.msk [tilespmem:v8+s2+$0x0], $0xffff;
	v26 =	vadd.s32 v23, v36;
	[tilespmem:$0x1FE40] =	vst v17;
	v15, v16, _ =	vpop (xrf1)  }
0x2dd: {  	v19 =	vand.u32 $0x400, v4;
	(xrf2) =	vadd.scan.msk.f32 $0xffff, v13;
	v13 =	vadd.s32 v20, v6;
	v27 =	vld.idx.msk [tilespmem:v17+s8+$0x0], $0xffff;
	v17 =	vand.u32 $0x7C, v10;
	v35, v37, _ =	vpop (xrf1)  }
0x2de: {  	v11 =	vld.idx.msk [tilespmem:v11+s2+$0x0], $0xffff;
	[tilespmem:$0x1FE50] =	vst v17;
	v31 =	vor.u32 v19, v17;
	v1 =	vperm.xlane v15, v9;
	v4, v15, _ =	vpop (xrf1)  }
0x2df: {  	[tilespmem:$0x1FE60] =	vst v19;
	v10 =	vperm.xlane v16, v9;
	v40 =	vadd.s32 v23, v31;
	v16, v39, _ =	vpop (xrf1);
	(xrf1) =	vsort.ascd.msk.f32 $0xffff, v2, v21  }
0x2e0: {  	v14 =	vld.idx.msk [tilespmem:v14+s2+$0x0], $0xffff  }
0x2e1: {  	v2 =	vadd.s32 v22, v7;
	v26 =	vld.idx.msk [tilespmem:v26+s2+$0x0], $0xffff;
	v41, v42, _ =	vpop (xrf1);
	(xrf1) =	vsort.ascd.msk.f32 $0xffff, v8, v18  }
0x2e2: {  	v38 =	vld.idx.msk [tilespmem:v38+s2+$0x0], $0xffff;
	v8 =	vadd.s32 v20, v7;
	v1 =	vsel vm0, v41, v1;
	v10 =	vsel vm0, v42, v10  }
0x2e3: {  	(xrf1) =	vsort.ascd.msk.f32 $0xffff, v1, v10;
	v1 =	vld.idx.msk [tilespmem:v13+s2+$0x0], $0xffff;
	v10 =	vadd.s32 v22, v36  }
0x2e4: {  	v13 =	vmul.f32 $1.442695020e+00, v27;
	v27 =	vld.idx.msk [tilespmem:v40+s2+$0x0], $0xffff;
	(xrf1) =	vsort.ascd.msk.f32 $0xffff, v11, v25  }
0x2e5: {  	(xrf1) =	vsort.ascd.msk.f32 $0xffff, v14, v25  }
0x2e6: {  	v11, _, _ =	vpop (xrf2);
	(erf) = vpow2.f32 v13;
	v13 =	vadd.s32 v22, v31;
	v2 =	vld.idx.msk [tilespmem:v2+s2+$0x0], $0xffff;
	(xrf1) =	vsort.ascd.msk.f32 $0xffff, v26, v25  }
0x2e7: {  	v16 =	vperm.xlane v16, v9;
	v14, _, _ =	vpop (xrf2);
	v8 =	vld.idx.msk [tilespmem:v8+s2+$0x0], $0xffff;
	(xrf1) =	vsort.ascd.msk.f32 $0xffff, v38, v21  }
0x2e8: {  	v14 =	vbroadcast v14, $0xF;
	v26 =	vadd.s32 v57, v7;
	v10 =	vld.idx.msk [tilespmem:v10+s2+$0x0], $0xffff;
	(xrf1) =	vsort.ascd.msk.f32 $0xffff, v1, v63  }
0x2e9: {  	v12 =	vperm.xlane v12, v9;
	v51, v50, _ =	vpop (xrf1);
	(xrf1) =	vsort.ascd.msk.f32 $0xffff, v27, v25;
	v27 =	vperm.xlane v39, v9  }
0x2ea: {  	v11 =	vbroadcast v11, $0xF;
	v53, v52, _ =	vpop (xrf1);
	v16 =	vsel vm0, v51, v16;
	(erf) = vrcp.f32 v14  }
0x2eb: {  	v54 =	vperm.xlane v52, v9;
	v14 =	vadd.s32 v20, v36;
	v13 =	vld.idx.msk [tilespmem:v13+s2+$0x0], $0xffff;
	(xrf1) =	vsort.ascd.msk.f32 $0xffff, v2, v18  }
0x2ec: {  	v1 =	vperm.xlane v5, v9;
	v2 =	vperm.xlane v53, v9;
	(xrf1) =	vsort.ascd.msk.f32 $0xffff, v8, v63  }
0x2ed: {  	v5 =	vadd.s32 v57, v36;
	v8 =	vld.idx.msk [tilespmem:v26+s2+$0x0], $0xffff;
	v26 =	vsel vm0, v50, v27;
	(xrf1) =	vsort.ascd.msk.f32 $0xffff, v10, v18;
	v27, v55, _ =	vpop (xrf1)  }
0x2ee: {  	(xrf1) =	vsort.ascd.msk.f32 $0xffff, v16, v26;
	v2 =	vsel vm0, v27, v2;
	v10 =	vsel vm0, v55, v54  }
0x2ef: {  	v1 =	vsel vm0, v4, v1;
	v53 =	vpop (erf);
	(erf) = vrcp.f32 v11;
	(xrf1) =	vsort.ascd.msk.f32 $0xffff, v2, v10  }
0x2f0: {  	v11 =	vsel vm0, v15, v12;
	v12 =	vld.idx.msk [tilespmem:v14+s2+$0x0], $0xffff;
	v16 =	vor.u32 v48, v7;
	v14, v15, _ =	vpop (xrf1);
	(xrf1) =	vsort.ascd.msk.f32 $0xffff, v13, v18  }
0x2f1: {  	v26 =	vor.u32 v48, v24;
	_, v41, _ =	vpop (xrf1)  }
0x2f2: {  	v2 =	vld.idx.msk [tilespmem:v5+s2+$0x0], $0xffff;
	v4, v5, _ =	vpop (xrf1)  }
0x2f3: {  	v46 =	vadd.s32 v57, v31;
	(xrf1) =	vsort.ascd.msk.f32 $0xffff, v1, v11;
	v1 =	vpop (erf)  }
0x2f4: {  	v24 =	vor.u32 v48, v6;
	[tilespmem:$0x1FE70] =	vst v16;
	(xrf1) =	vsort.ascd.msk.f32 $0xffff, v8, v21;
	v4 =	vperm.xlane v4, v9;
	v7, v8, _ =	vpop (xrf1)  }
0x2f5: {  	v6 =	vshrl.u32 v41, $0x3;
	v5 =	vperm.xlane v5, v9;
	v27 =	vmul.f32 v1, v3;
	v11 =	vld.idx.msk [tilespmem:v16+s8+$0x0], $0xffff;
	v1, v3, _ =	vpop (xrf1)  }
0x2f6: {  	v37 =	vperm.xlane v37, v9;
	v10 =	vshll.u32 v41, $0x7;
	v6 =	vmul.u32 $0xC00, v6;
	v56 =	vld.idx.msk [tilespmem:v26+s8+$0x0], $0xffff;
	(xrf1) =	vsort.ascd.msk.f32 $0xffff, v12, v63;
	v12, v13, _ =	vpop (xrf1)  }
0x2f7: {  	v7 =	vperm.xlane v7, v9;
	v4 =	vsel vm0, v14, v4;
	v5 =	vsel vm0, v15, v5;
	v14, v15, _ =	vpop (xrf1)  }
0x2f8: {  	v10 =	vand.u32 $0x380, v10;
	v8 =	vperm.xlane v8, v9;
	(xrf1) =	vsort.ascd.msk.f32 $0xffff, v2, v21;
	v6 =	vadd.s32 v30, v6;
	v60, v59, _ =	vpop (xrf1)  }
0x2f9: {  	v2 =	vperm.xlane v35, v9;
	v6 =	vor.u32 v10, v6;
	v15 =	vperm.xlane v15, v9;
	v61, v43, _ =	vpop (xrf1)  }
0x2fa: {  	(xrf1) =	vsort.ascd.msk.f32 $0xffff, v4, v5;
	v4 =	vor.u32 v29, v6;
	v5 =	vperm.xlane v14, v9;
	v6 =	vmul.f32 $1.442695020e+00, v11;
	v11, v14, _ =	vpop (xrf1)  }
0x2fb: {  	v42 =	vadd.s32 v20, v31;
	v1 =	vperm.xlane v1, v9;
	v47 =	vmul.f32 $1.442695020e+00, v56;
	v29, v62, _ =	vpop (xrf1)  }
0x2fc: {  	v44 =	vld.idx.msk [tilespmem:v24+s8+$0x0], $0xffff;
	v3 =	vperm.xlane v3, v9;
	v10 =	vperm.xlane v60, v9;
	v13 =	vsel vm0, v13, v15;
	_, v35, _ =	vpop (xrf1)  }
0x2fd: {  	v15 =	vperm.xlane v59, v9;
	v5 =	vsel vm0, v12, v5;
	(erf) = vpow2.f32 v47;
	v12, v49, _ =	vpop (xrf1)  }
0x2fe: {  	v7 =	vsel vm0, v61, v7;
	v8 =	vsel vm0, v43, v8;
	v14 =	vperm.xlane v14, v9;
	v52, v51, _ =	vpop (xrf1)  }
0x2ff: {  	v58 =	vnsel vm0, $0x0, v53;
	(xrf1) =	vsort.ascd.msk.f32 $0xffff, v7, v8;
	v8 =	vsel vm0, v52, v10;
	v10 =	vsel vm0, v51, v15  }
0x300: {  	v30 =	vpop (erf);
	v11 =	vperm.xlane v11, v9;
	(erf) = vpow2.f32 v6;
	v1 =	vsel vm0, v29, v1  }
0x301: {  	(xrf2) =	vadd.scan.msk.f32 $0xffff, v58;
	v3 =	vsel vm0, v62, v3;
	v50 =	vshrl.u32 v35, $0x3;
	v15 =	vmul.f32 $1.442695020e+00, v44  }
0x302: {  	v29 =	vor.u32 v48, v36;
	v7 =	vmul.f32 v30, v34;
	v54 =	vmul.u32 $0xC00, v50;
	_, v30, _ =	vpop (xrf1);
	(xrf1) =	vsort.ascd.msk.f32 $0xffff, v8, v10  }
0x303: {  	s28 =	simm.s32 $0x8;
	v55 =	vsel vm0, v49, v37;
	v2 =	vsel vm0, v12, v2;
	(erf) = vpow2.f32 v15;
	v8, v10, _ =	vpop (xrf1);
	(xrf1) =	vsort.ascd.msk.f32 $0xffff, v5, v13  }
0x304: {  	v13 =	vmov s28;
	v10 =	vsel vm0, v10, v14;
	(xrf1) =	vsort.ascd.msk.f32 $0xffff, v1, v3;
	v1 =	vshrl.u32 v30, $0x3  }
0x305: {  	s29 =	simm.s32 $0x9;
	v5 =	vsel vm0, v8, v11;
	v3 =	vadd.s32 v32, v54;
	v6, v8, _ =	vpop (xrf1);
	v1 =	vmul.u32 $0xC00, v1  }
0x306: {  	v40 =	vpop (erf);
	(xrf1) =	vsort.ascd.msk.f32 $0xffff, v2, v55;
	v2 =	vmov s29;
	v6 =	vperm.xlane v6, v9;
	v8 =	vperm.xlane v8, v9  }
0x307: {  	v11, v12, _ =	vpop (xrf1);
	(xrf1) =	vsort.ascd.msk.f32 $0xffff, v5, v10;
	v10 =	vnsel vm0, $0x0, v40;
	v37 =	vand.u32 $0x7D, v2;
	v44 =	vadd.s32 v28, v1  }
0x308: {  	s30 =	simm.s32 $0xA;
	v1 =	vshll.u32 v2, $0x3;
	v6 =	vsel vm0, v11, v6;
	v8 =	vsel vm0, v12, v8  }
0x309: {  	v11 =	vmov s30;
	v12 =	vshll.u32 v35, $0x7;
	v14 =	vand.u32 $0x400, v1  }
0x30a: {  	s31 =	simm.s32 $0xB;
	(xrf2) =	vadd.scan.msk.f32 $0xffff, v10;
	v5 =	vshll.u32 v11, $0x3;
	v32 =	vand.u32 $0x7E, v11;
	v2 =	vand.u32 $0x380, v12  }
0x30b: {  	v36 =	vpop (erf);
	v52 =	vor.u32 v14, v37;
	(xrf1) =	vsort.ascd.msk.f32 $0xffff, v6, v8;
	v8 =	vmov s31;
	v34 =	vand.u32 $0x400, v5  }
0x30c: {  	[tilespmem:$0x1FE80] =	vst v14;
	v1, _, _ =	vpop (xrf2);
	v6 =	vadd.s32 v23, v52;
	v50 =	vor.u32 v2, v3;
	v3 =	vshll.u32 v13, $0x3  }
0x30d: {  	v47, v10, _ =	vpop (xrf1);
	v58 =	vadd.s32 v20, v52;
	[tilespmem:v4+s10+$0x0] =	vst.idx.msk $0xff, v7;
	v4 =	vnsel vm0, $0x0, v36;
	v56 =	vshll.u32 v8, $0x3  }
0x30e: {  	v39 =	vpop (erf);
	v59 =	vld.idx.msk [tilespmem:v42+s2+$0x0], $0xffff;
	v42 =	vand.u32 $0x7F, v8;
	v51 =	vor.u32 v34, v32;
	v1 =	vbroadcast v1, $0xF  }
0x30f: {  	v10 =	vperm.xlane v10, v9;
	v54 =	vnsel vm0, $0x0, v39;
	v15 =	vadd.s32 v57, v51  }
0x310: {  	v38 =	vand.u32 $0x400, v3;
	v3 =	vadd.s32 v23, v51;
	(erf) = vrcp.f32 v1  }
0x311: {  	v2 =	vld.idx.msk [tilespmem:v46+s2+$0x0], $0xffff;
	[tilespmem:v33+s12+$0x0] =	vst.idx.msk $0xff, v41;
	v41 =	vand.u32 $0x7C, v13;
	v13 =	vmov v57;
	v11, v12, _ =	vpop (xrf1);
	v1 =	vadd.s32 v22, v52  }
0x312: {  	v62 =	vld.idx.msk [tilespmem:v29+s8+$0x0], $0xffff;
	v33 =	vand.u32 $0x400, v56;
	v50 =	vor.u32 v45, v50;
	v8 =	vadd.s32 v13, v52;
	v49, v48, _ =	vpop (xrf1)  }
0x313: {  	v16 =	vadd.s32 v22, v51;
	v60 =	vadd.s32 v20, v51;
	v46 =	vor.u32 v33, v42;
	v61 =	vld.idx.msk [tilespmem:v6+s2+$0x0], $0xffff;
	v55, v7, _ =	vpop (xrf1)  }
0x314: {  	v11 =	vperm.xlane v11, v9;
	v6, _, _ =	vpop (xrf2);
	v57 =	vld.idx.msk [tilespmem:v15+s2+$0x0], $0xffff;
	v56 =	vsel vm0, v7, v10;
	v10 =	vmov v63  }
0x315: {  	v45 =	vor.u32 v38, v41;
	v12 =	vperm.xlane v12, v9;
	(xrf2) =	vadd.scan.msk.f32 $0xffff, v4;
	v3 =	vld.idx.msk [tilespmem:v3+s2+$0x0], $0xffff;
	v6 =	vbroadcast v6, $0xF  }
0x316: {  	v43 =	vshll.u32 v30, $0x7;
	v5, v14, _ =	vpop (xrf1);
	v63 =	vperm.xlane v47, v9;
	v7 =	vadd.s32 v23, v46;
	v4 =	vld.idx.msk [tilespmem:v1+s2+$0x0], $0xffff;
	(xrf2) =	vadd.scan.msk.f32 $0xffff, v54  }
0x317: {  	v54 =	vld.idx.msk [tilespmem:v8+s2+$0x0], $0xffff;
	_, v47, _ =	vpop (xrf1);
	(xrf1) =	vsort.ascd.msk.f32 $0xffff, v59, v10;
	v59 =	vadd.s32 v13, v46;
	v5 =	vperm.xlane v5, v9  }
0x318: {  	v13 =	vperm.xlane v14, v9;
	v14 =	vadd.s32 v22, v46;
	(erf) = vrcp.f32 v6;
	(xrf1) =	vsort.ascd.msk.f32 $0xffff, v2, v21;
	v1, v10, _ =	vpop (xrf1)  }
0x319: {  	v2 =	vld.idx.msk [tilespmem:v16+s2+$0x0], $0xffff;
	v6 =	vpop (erf);
	v11 =	vsel vm0, v1, v11;
	v12 =	vsel vm0, v10, v12;
	v10 =	vadd.s32 v23, v45  }
0x31a: {  	s24 =	simm.s32 $0xC;
	v1 =	vld.idx.msk [tilespmem:v58+s2+$0x0], $0xffff;
	v53 =	vmul.f32 v6, v53;
	v58 =	vadd.s32 v20, v46;
	v6 =	vadd.s32 v22, v45;
	v8, v15, _ =	vpop (xrf1)  }
.LBB2_8:
0x31b: {  	v19 =	vld [tilespmem:$0x1FE40];
	_ =	sdelay $0x2  }
0x31c: {  	v7 =	vld.idx.msk [tilespmem:v7+s2+$0x0], $0xffff;
	[tilespmem:v50+s10+$0x0] =	vst.idx.msk $0xff, v53  }
0x31d: {  	v14 =	vld.idx.msk [tilespmem:v14+s2+$0x0], $0xffff;
	(xrf1) =	vsort.ascd.msk.f32 $0xffff, v4, v18  }
0x31e: {  	v13 =	vsel vm0, v15, v13;
	v15 =	vmul.f32 $1.442695020e+00, v62;
	(xrf1) =	vsort.ascd.msk.f32 $0xffff, v11, v12;
	v11 =	vld [tilespmem:$0x1FDC0]  }
0x31f: {  	v12 =	vld [tilespmem:$0x1FDA0]  }
0x320: {  	(erf) = vpow2.f32 v15;
	v15 =	vld [tilespmem:$0x1FDB0]  }
0x321: {  	v63 =	vsel vm0, v55, v63;
	v55 =	vshrl.u32 v47, $0x3;
	[tilespmem:v19+s12+$0x0] =	vst.idx.msk $0xff, v35;
	v19 =	vld [tilespmem:$0x1FF90]  }
0x322: {  	v4 =	vmul.u32 $0xC00, v55  }
0x323: {  	v17 =	vshll.u32 v47, $0x7;
	v43 =	vand.u32 $0x380, v43  }
0x324: {  	v17 =	vand.u32 $0x380, v17;
	v4 =	vadd.s32 v11, v4;
	v11 =	vor.u32 v43, v44  }
0x325: {  	v10 =	vld.idx.msk [tilespmem:v10+s2+$0x0], $0xffff;
	v4 =	vor.u32 v17, v4;
	v11 =	vor.u32 v12, v11  }
0x326: {  	v6 =	vld.idx.msk [tilespmem:v6+s2+$0x0], $0xffff;
	v16, _, _ =	vpop (xrf2);
	v4 =	vor.u32 v15, v4;
	(xrf1) =	vsort.ascd.msk.f32 $0xffff, v61, v19  }
0x327: {  	v12, _, _ =	vpop (xrf2);
	v15 =	vld [tilespmem:$0x1FDE0];
	(xrf1) =	vsort.ascd.msk.f32 $0xffff, v3, v19  }
0x328: {  	v3 =	vsel vm0, v8, v5;
	v5 =	vpop (erf);
	(xrf1) =	vsort.ascd.msk.f32 $0xffff, v7, v19;
	v7 =	vbroadcast v12, $0xF;
	v12 =	vld [tilespmem:$0x1FE60]  }
0x329: {  	v23 =	vld [tilespmem:$0x1FFF0];
	v5 =	vmul.f32 v5, v40  }
0x32a: {  	[tilespmem:v11+s10+$0x0] =	vst.idx.msk $0xff, v27;
	v11 =	vld [tilespmem:$0x1FE50]  }
0x32b: {  	[tilespmem:v4+s10+$0x0] =	vst.idx.msk $0xff, v5;
	v4 =	vld [tilespmem:$0x1FDD0];
	_ =	sdelay $0x1  }
0x32c: {  	v60 =	vld.idx.msk [tilespmem:v60+s2+$0x0], $0xffff;
	(xrf1) =	vsort.ascd.msk.f32 $0xffff, v54, v21;
	v17 =	vmovc v15;
	v15 =	vmov v37;
	v8 =	vmov v12;
	v12 =	vmov v38  }
0x32d: {  	(xrf1) =	vsort.ascd.msk.f32 $0xffff, v1, v23;
	[tilespmem:$0x1FE60] =	vst v12;
	v12 =	vld [tilespmem:$0x1FE20]  }
0x32e: {  	(erf) = vrcp.f32 v7  }
0x32f: {  	[tilespmem:$0x1FDE0] =	vst v15;
	v7 =	vmov v24;
	v15 =	vmov v11;
	v1, v11, _ =	vpop (xrf1);
	(xrf1) =	vsort.ascd.msk.f32 $0xffff, v10, v19  }
0x330: {  	[tilespmem:$0x1FDD0] =	vst v7;
	v1 =	vperm.xlane v1, v9;
	(xrf1) =	vsort.ascd.msk.f32 $0xffff, v2, v18  }
0x331: {  	[tilespmem:$0x1FDC0] =	vst v8;
	v2 =	vperm.xlane v11, v9;
	(xrf1) =	vsort.ascd.msk.f32 $0xffff, v60, v23  }
0x332: {  	v7 =	vld.idx.msk [tilespmem:v58+s2+$0x0], $0xffff;
	v8 =	vbroadcast v16, $0xF;
	[tilespmem:v4+s12+$0x0] =	vst.idx.msk $0xff, v30;
	v4, v5, _ =	vpop (xrf1);
	(xrf1) =	vsort.ascd.msk.f32 $0xffff, v14, v18;
	v53 =	vmov v12  }
0x333: {  	v12 =	vmov v42;
	v10 =	vsel vm0, v4, v1;
	v2 =	vsel vm0, v5, v2;
	v4, v5, _ =	vpop (xrf1);
	(xrf1) =	vsort.ascd.msk.f32 $0xffff, v3, v13  }
0x334: {  	v54 =	vpop (erf);
	v19 =	vld [tilespmem:$0x1FFA0];
	(xrf1) =	vsort.ascd.msk.f32 $0xffff, v10, v2  }
0x335: {  	(erf) = vrcp.f32 v8;
	v8 =	vld.idx.msk [tilespmem:v59+s2+$0x0], $0xffff;
	_, v1, _ =	vpop (xrf1);
	(xrf1) =	vsort.ascd.msk.f32 $0xffff, v6, v18  }
0x336: {  	[tilespmem:$0x1FE20] =	vst v12;
	v12 =	vmov v41;
	v2, v6, _ =	vpop (xrf1);
	(xrf1) =	vsort.ascd.msk.f32 $0xffff, v63, v56  }
0x337: {  	v2 =	vperm.xlane v2, v9;
	v16 =	vperm.xlane v6, v9;
	(xrf1) =	vsort.ascd.msk.f32 $0xffff, v57, v21;
	v13, v14, _ =	vpop (xrf1)  }
0x338: {  	[tilespmem:$0x1FDA0] =	vst v17;
	(xrf1) =	vsort.ascd.msk.f32 $0xffff, v7, v23;
	v6, v7, _ =	vpop (xrf1)  }
0x339: {  	v22 =	vld [tilespmem:$0x1FFE0];
	v3 =	vor.u32 v19, v51;
	[tilespmem:$0x1FE50] =	vst v12;
	v12 =	vpop (erf);
	v2 =	vsel vm0, v4, v2;
	v4 =	vsel vm0, v5, v16  }
0x33a: {  	v25 =	vld [tilespmem:$0x1FFD0];
	[tilespmem:$0x1FDB0] =	vst v15;
	v28 =	vmul.f32 v12, v39;
	v12 =	vperm.xlane v13, v9;
	v13, v15, _ =	vpop (xrf1);
	(xrf1) =	vsort.ascd.msk.f32 $0xffff, v8, v21  }
0x33b: {  	[tilespmem:v26+s12+$0x0] =	vst.idx.msk $0xff, v47;
	v26 =	vor.u32 v19, v31;
	v10 =	vshrl.u32 v1, $0x3;
	v16, v17, _ =	vpop (xrf1);
	(xrf1) =	vsort.ascd.msk.f32 $0xffff, v2, v4;
	v4 =	vld [tilespmem:$0x1FE10]  }
0x33c: {  	v10 =	vmul.u32 $0xC00, v10  }
0x33d: {  	v24 =	vor.u32 v19, v52;
	v11 =	vshll.u32 v1, $0x7  }
0x33e: {  	v11 =	vand.u32 $0x380, v11  }
0x33f: {  	v20 =	vmov v29;
	v5 =	vld.idx.msk [tilespmem:v3+s8+$0x0], $0xffff  }
0x340: {  	v50 =	vadd.s32 v22, v45;
	v62 =	vadd.s32 v25, v45;
	v2 =	vld.idx.msk [tilespmem:v26+s8+$0x0], $0xffff;
	v4 =	vadd.s32 v4, v10;
	v10, v29, _ =	vpop (xrf1)  }
0x341: {  	v44 =	vperm.xlane v48, v9;
	v31 =	vmov v45;
	v4 =	vor.u32 v11, v4;
	v11 =	vpop (erf)  }
0x342: {  	v18 =	vmov v34;
	v30 =	vld.idx.msk [tilespmem:v24+s8+$0x0], $0xffff;
	v14 =	vperm.xlane v14, v9;
	v6 =	vperm.xlane v6, v9;
	v45, v47, _ =	vpop (xrf1)  }
0x343: {  	v7 =	vperm.xlane v7, v9;
	[tilespmem:$0x1FE10] =	vst v18;
	v18 =	vld [tilespmem:$0x1FE00];
	v21 =	vperm.xlane v17, v9;
	v17, v48, _ =	vpop (xrf1)  }
0x344: {  	v8 =	vperm.xlane v49, v9;
	v49 =	vperm.xlane v29, v9;
	v29, v51, _ =	vpop (xrf1)  }
0x345: {  	v5 =	vmul.f32 $1.442695020e+00, v5;
	v2 =	vmul.f32 $1.442695020e+00, v2;
	_, v35, _ =	vpop (xrf1)  }
0x346: {  	[tilespmem:$0x1FE40] =	vst v20;
	v10 =	vperm.xlane v10, v9;
	v12 =	vsel vm0, v45, v12;
	v14 =	vsel vm0, v47, v14;
	v56, v52, _ =	vpop (xrf1)  }
0x347: {  	v20 =	vnsel vm0, $0x0, v54;
	(erf) = vpow2.f32 v2;
	v57, v58, _ =	vpop (xrf1);
	(xrf1) =	vsort.ascd.msk.f32 $0xffff, v12, v14;
	v12 =	vmul.f32 $1.442695020e+00, v30  }
0x348: {  	(xrf2) =	vadd.scan.msk.f32 $0xffff, v20;
	v16 =	vperm.xlane v16, v9;
	v4 =	vor.u32 v18, v4;
	v18 =	vmovc v32;
	(erf) = vpow2.f32 v5  }
0x349: {  	[tilespmem:$0x1FE00] =	vst v18;
	v14 =	vsel vm0, v57, v10;
	v18 =	vsel vm0, v58, v49;
	(erf) = vpow2.f32 v12;
	v12 =	vld [tilespmem:$0x1FE70]  }
0x34a: {  	v15 =	vsel vm0, v15, v21;
	v13 =	vsel vm0, v13, v16;
	_, v30, _ =	vpop (xrf1);
	(xrf1) =	vsort.ascd.msk.f32 $0xffff, v14, v18  }
0x34b: {  	v6 =	vsel vm0, v29, v6;
	v7 =	vsel vm0, v51, v7;
	v2, v10, _ =	vpop (xrf1);
	(xrf1) =	vsort.ascd.msk.f32 $0xffff, v13, v15  }
0x34c: {  	v29 =	vor.u32 v19, v46;
	v19 =	vmul.f32 v11, v36;
	v16 =	vshrl.u32 v35, $0x3;
	v5, v11, _ =	vpop (xrf1);
	(xrf1) =	vsort.ascd.msk.f32 $0xffff, v6, v7;
	v7 =	vld [tilespmem:$0x1FE30]  }
0x34d: {  	v32 =	vperm.xlane v48, v9;
	v16 =	vmul.u32 $0xC00, v16;
	v5 =	vperm.xlane v5, v9  }
0x34e: {  	v20 =	vperm.xlane v17, v9;
	v17 =	vsel vm0, v52, v44;
	v8 =	vsel vm0, v56, v8;
	v13, v14, _ =	vpop (xrf1)  }
0x34f: {  	v6 =	vshrl.u32 v30, $0x3;
	v11 =	vperm.xlane v11, v9;
	v5 =	vsel vm0, v13, v5;
	v13 =	vld [tilespmem:$0x1FDF0]  }
0x350: {  	[tilespmem:v4+s10+$0x0] =	vst.idx.msk $0xff, v19;
	v10 =	vsel vm0, v10, v32;
	v2 =	vsel vm0, v2, v20;
	v18 =	vmul.u32 $0xC00, v6  }
0x351: {  	s25 =	smov.u32 s24;
	v40 =	vpop (erf);
	v11 =	vsel vm0, v14, v11;
	v7 =	vadd.s32 v7, v16;
	[tilespmem:v12+s12+$0x0] =	vst.idx.msk $0xff, v1;
	v12 =	vmov v3  }
0x352: {  	v15, v16, _ =	vpop (xrf1);
	(xrf1) =	vsort.ascd.msk.f32 $0xffff, v8, v17;
	v8 =	vld [tilespmem:$0x1FE80];
	v1 =	vmov s25;
	v3 =	vmov v33;
	[tilespmem:$0x1FE70] =	vst v12  }
0x353: {  	s0 =	sadd.s32 $0x1, s25;
	s1 =	sadd.s32 $0x2, s25;
	(xrf1) =	vsort.ascd.msk.f32 $0xffff, v2, v10;
	v2 =	vnsel vm0, $0x0, v40;
	v63 =	vperm.xlane v15, v9;
	[tilespmem:$0x1FE30] =	vst v3  }
0x354: {  	s3 =	sadd.s32 $0x3, s25;
	v4, _, _ =	vpop (xrf2);
	v3 =	vmov s0;
	v12 =	vmov s1;
	v44 =	vadd.s32 v13, v18;
	(xrf2) =	vadd.scan.msk.f32 $0xffff, v2  }
0x355: {  	v13 =	vshll.u32 v35, $0x7;
	(xrf1) =	vsort.ascd.msk.f32 $0xffff, v5, v11;
	v2 =	vbroadcast v4, $0xF;
	v5 =	vmov s3  }
0x356: {  	v58 =	vld [tilespmem:$0x1FFC0];
	v36 =	vpop (erf);
	v41 =	vand.u32 $0x7C, v1;
	v37 =	vand.u32 $0x7D, v3;
	v32 =	vand.u32 $0x7E, v12  }
0x357: {  	v27 =	vld [tilespmem:$0x1FFB0];
	v42 =	vand.u32 $0x7F, v5;
	(erf) = vrcp.f32 v2;
	v6 =	vmovc v8;
	v8 =	vshll.u32 v12, $0x3  }
0x358: {  	v12 =	vperm.xlane v16, v9;
	[tilespmem:$0x1FDF0] =	vst v6;
	v6 =	vshll.u32 v3, $0x3;
	v34 =	vand.u32 $0x400, v8  }
0x359: {  	v39 =	vpop (erf);
	v3 =	vand.u32 $0x380, v13;
	v6 =	vand.u32 $0x400, v6;
	v51 =	vor.u32 v34, v32  }
0x35a: {  	v13 =	vnsel vm0, $0x0, v39;
	v52 =	vor.u32 v6, v37;
	v11 =	vadd.s32 v25, v51  }
0x35b: {  	v3 =	vor.u32 v3, v7;
	v7, v10, _ =	vpop (xrf1);
	[tilespmem:$0x1FE80] =	vst v6;
	v6 =	vshll.u32 v1, $0x3;
	v4 =	vadd.s32 v58, v52  }
0x35c: {  	v14 =	vld.idx.msk [tilespmem:v50+s2+$0x0], $0xffff;
	v17 =	vperm.xlane v7, v9;
	v7 =	vnsel vm0, $0x0, v36;
	v2 =	vadd.s32 v27, v52  }
0x35d: {  	v16 =	vld.idx.msk [tilespmem:v62+s2+$0x0], $0xffff;
	v18 =	vadd.s32 v27, v51;
	v38 =	vand.u32 $0x400, v6;
	v6 =	vadd.s32 v58, v51  }
0x35e: {  	v62 =	vld.idx.msk [tilespmem:v29+s8+$0x0], $0xffff;
	v49, v48, _ =	vpop (xrf1);
	v60 =	vadd.s32 v22, v51;
	v8 =	vadd.s32 v22, v52;
	(xrf2) =	vadd.scan.msk.f32 $0xffff, v7;
	v7 =	vshll.u32 v5, $0x3  }
0x35f: {  	v19 =	vperm.xlane v10, v9;
	v55, v59, _ =	vpop (xrf1);
	v5 =	vadd.s32 v25, v52;
	v33 =	vand.u32 $0x400, v7;
	v57 =	vld.idx.msk [tilespmem:v11+s2+$0x0], $0xffff  }
0x360: {  	v50 =	vor.u32 v53, v3;
	v20, v21, _ =	vpop (xrf1);
	v45 =	vor.u32 v38, v41;
	v46 =	vor.u32 v33, v42;
	v61 =	vld.idx.msk [tilespmem:v4+s2+$0x0], $0xffff  }
0x361: {  	p0 =	slt.u32 s24, $0xFC;
	v56 =	vsel vm0, v59, v12;
	v10 =	vadd.s32 v58, v45;
	v7 =	vadd.s32 v58, v46;
	v1, _, _ =	vpop (xrf2);
	v4 =	vld.idx.msk [tilespmem:v2+s2+$0x0], $0xffff  }
.Ltmp3:
0x362: {  	v59 =	vadd.s32 v25, v46;
	(xrf2) =	vadd.scan.msk.f32 $0xffff, v13;
	v58 =	vadd.s32 v22, v46;
	v13 =	vpop (erf);
	v3 =	vld.idx.msk [tilespmem:v6+s2+$0x0], $0xffff;
	(pc) =	sbr.rel @p0 .LBB2_8-.Ltmp3, $4  }
0x363: {  	v43 =	vshll.u32 v30, $0x7;
	v2 =	vbroadcast v1, $0xF;
	_, v47, _ =	vpop (xrf1);
	(xrf1) =	vsort.ascd.msk.f32 $0xffff, v14, v23;
	v6 =	vadd.s32 v27, v45;
	v1 =	vld.idx.msk [tilespmem:v8+s2+$0x0], $0xffff  }
0x364: {  	v14 =	vadd.s32 v27, v46;
	v53 =	vmul.f32 v13, v54;
	v54 =	vld.idx.msk [tilespmem:v5+s2+$0x0], $0xffff;
	v5 =	vperm.xlane v20, v9  }
0x365: {  	v13 =	vperm.xlane v21, v9;
	v21 =	vlaneseq.u32;
	v8, v12, _ =	vpop (xrf1);
	(erf) = vrcp.f32 v2;
	v2 =	vld.idx.msk [tilespmem:v18+s2+$0x0], $0xffff  }
0x366: {  	s24 =	sadd.s32 $0x4, s24;
	v27 =	vmov v28;
	(xrf1) =	vsort.ascd.msk.f32 $0xffff, v16, v21;
	v18 =	vld [tilespmem:$0x1FF80];
	v11 =	vsel vm0, v8, v17;
	v12 =	vsel vm0, v12, v19;
	v8, v15, _ =	vpop (xrf1)  }
0x367: {  	_ =	sdelay $0x3  }
0x368: {  	(xrf1) =	vsort.ascd.msk.f32 $0xffff, v4, v18  }
0x369: {  	(xrf1) =	vsort.ascd.msk.f32 $0xffff, v11, v12;
	v11 =	vld [tilespmem:$0x1FF90];
	_ =	sdelay $0x2  }
0x36a: {  	v28 =	vld.idx.msk [tilespmem:v7+s2+$0x0], $0xffff;
	_ =	sdelay $0x1  }
0x36b: {  	v25 =	vld [tilespmem:$0x1FFF0];
	(xrf1) =	vsort.ascd.msk.f32 $0xffff, v61, v11  }
0x36c: {  	v12 =	vld.idx.msk [tilespmem:v10+s2+$0x0], $0xffff  }
0x36d: {  	v14 =	vld.idx.msk [tilespmem:v14+s2+$0x0], $0xffff;
	v10 =	vmul.f32 $1.442695020e+00, v62;
	(xrf1) =	vsort.ascd.msk.f32 $0xffff, v3, v11  }
0x36e: {  	v3 =	vld.idx.msk [tilespmem:v60+s2+$0x0], $0xffff;
	(xrf1) =	vsort.ascd.msk.f32 $0xffff, v28, v11  }
0x36f: {  	v20 =	vld [tilespmem:$0x1FFA0];
	(xrf1) =	vsort.ascd.msk.f32 $0xffff, v54, v21  }
0x370: {  	v17, v16, _ =	vpop (xrf1);
	(xrf1) =	vsort.ascd.msk.f32 $0xffff, v1, v25  }
0x371: {  	v1 =	vld.idx.msk [tilespmem:v6+s2+$0x0], $0xffff;
	v6 =	vperm.xlane v17, v9;
	(xrf1) =	vsort.ascd.msk.f32 $0xffff, v12, v11  }
0x372: {  	v5 =	vsel vm0, v8, v5;
	(erf) = vpow2.f32 v10;
	v8, v10, _ =	vpop (xrf1);
	(xrf1) =	vsort.ascd.msk.f32 $0xffff, v2, v18  }
0x373: {  	v7 =	vperm.xlane v16, v9;
	v6 =	vsel vm0, v8, v6;
	(xrf1) =	vsort.ascd.msk.f32 $0xffff, v3, v25  }
0x374: {  	v54 =	vor.u32 v20, v31;
	v3 =	vsel vm0, v15, v13;
	(xrf1) =	vsort.ascd.msk.f32 $0xffff, v14, v18  }
0x375: {  	v7 =	vsel vm0, v10, v7;
	v2, _, _ =	vpop (xrf2);
	(xrf1) =	vsort.ascd.msk.f32 $0xffff, v5, v3  }
0x376: {  	v28, _, _ =	vpop (xrf2);
	(xrf1) =	vsort.ascd.msk.f32 $0xffff, v6, v7  }
0x377: {  	v5, v6, _ =	vpop (xrf1);
	(xrf1) =	vsort.ascd.msk.f32 $0xffff, v1, v18;
	v1 =	vsel vm0, v55, v63  }
0x378: {  	v3 =	vld.idx.msk [tilespmem:v58+s2+$0x0], $0xffff;
	_, v55, _ =	vpop (xrf1);
	(xrf1) =	vsort.ascd.msk.f32 $0xffff, v1, v56  }
0x379: {  	v8, v10, _ =	vpop (xrf1);
	(xrf1) =	vsort.ascd.msk.f32 $0xffff, v57, v21;
	v57 =	vld.idx.msk [tilespmem:v54+s8+$0x0], $0xffff  }
0x37a: {  	v60 =	vpop (erf);
	v1 =	vbroadcast v28, $0xF  }
0x37b: {  	v2 =	vbroadcast v2, $0xF;
	v58 =	vpop (erf);
	v63 =	vld.idx.msk [tilespmem:v59+s2+$0x0], $0xffff  }
0x37c: {  	v51 =	vor.u32 v20, v51;
	v56, v11, _ =	vpop (xrf1)  }
0x37d: {  	v31 =	vor.u32 v20, v52;
	(erf) = vrcp.f32 v1;
	(xrf1) =	vsort.ascd.msk.f32 $0xffff, v3, v25;
	v8 =	vperm.xlane v8, v9;
	v3, v59, _ =	vpop (xrf1)  }
0x37e: {  	v10 =	vperm.xlane v10, v9;
	v1, v61, _ =	vpop (xrf1);
	v12 =	vmul.f32 $1.442695020e+00, v57  }
0x37f: {  	(erf) = vrcp.f32 v2;
	v5 =	vsel vm0, v5, v8;
	v2, v62, _ =	vpop (xrf1)  }
0x380: {  	v6 =	vsel vm0, v6, v10;
	(xrf1) =	vsort.ascd.msk.f32 $0xffff, v63, v21;
	v63, v16, _ =	vpop (xrf1);
	v8 =	vperm.xlane v62, v9  }
0x381: {  	v17, v18, _ =	vpop (xrf1);
	(xrf1) =	vsort.ascd.msk.f32 $0xffff, v5, v6;
	v5 =	vld.idx.msk [tilespmem:v51+s8+$0x0], $0xffff;
	(erf) = vpow2.f32 v12  }
0x382: {  	v4 =	vperm.xlane v56, v9;
	v2 =	vperm.xlane v2, v9;
	v15, v19, _ =	vpop (xrf1);
	v7 =	vsel vm0, v61, v8;
	v8 =	vld.idx.msk [tilespmem:v31+s8+$0x0], $0xffff  }
0x383: {  	v3 =	vperm.xlane v3, v9;
	v10 =	vperm.xlane v11, v9;
	v11, v12, _ =	vpop (xrf1)  }
0x384: {  	v57 =	vnsel vm0, $0x0, v58;
	v28 =	vperm.xlane v63, v9;
	v16 =	vperm.xlane v16, v9;
	v63 =	vld [tilespmem:$0x1FFE0];
	_, v52, _ =	vpop (xrf1)  }
0x385: {  	v4 =	vsel vm0, v17, v4;
	v10 =	vsel vm0, v18, v10;
	v1 =	vsel vm0, v1, v2;
	v14, v56, _ =	vpop (xrf1)  }
0x386: {  	v23 =	vld [tilespmem:$0x1FFD0];
	v18 =	vperm.xlane v49, v9;
	v15 =	vperm.xlane v15, v9;
	v3 =	vsel vm0, v11, v3;
	v2, v11, _ =	vpop (xrf1)  }
0x387: {  	v62 =	vpop (erf);
	(xrf1) =	vsort.ascd.msk.f32 $0xffff, v4, v10;
	v5 =	vmul.f32 $1.442695020e+00, v5;
	v8 =	vmul.f32 $1.442695020e+00, v8;
	v10 =	vsel vm0, v11, v16  }
0x388: {  	(xrf2) =	vadd.scan.msk.f32 $0xffff, v57;
	v61 =	vpop (erf);
	v2 =	vsel vm0, v2, v28;
	v11 =	vperm.xlane v59, v9;
	v59 =	vperm.xlane v48, v9  }
0x389: {  	v6 =	vadd.s32 v63, v45;
	(erf) = vpow2.f32 v5;
	_, v48, _ =	vpop (xrf1);
	v28 =	vperm.xlane v19, v9;
	(xrf1) =	vsort.ascd.msk.f32 $0xffff, v2, v10  }
0x38a: {  	(erf) = vpow2.f32 v8;
	v11 =	vsel vm0, v12, v11;
	v13 =	vsel vm0, v56, v59;
	(xrf1) =	vsort.ascd.msk.f32 $0xffff, v1, v7;
	v56 =	vpop (erf)  }
0x38b: {  	v4 =	vadd.s32 v23, v45;
	v2, v10, _ =	vpop (xrf1);
	(xrf1) =	vsort.ascd.msk.f32 $0xffff, v3, v11;
	v3 =	vsel vm0, v14, v18  }
0x38c: {  	v1, v49, _ =	vpop (xrf1);
	(xrf1) =	vsort.ascd.msk.f32 $0xffff, v3, v13;
	v3 =	vnsel vm0, $0x0, v56;
	v14 =	vsel vm0, v10, v28  }
0x38d: {  	v2 =	vsel vm0, v2, v15;
	v1 =	vperm.xlane v1, v9;
	v5 =	vperm.xlane v49, v9;
	(xrf2) =	vadd.scan.msk.f32 $0xffff, v3  }
0x38e: {  	v6 =	vld.idx.msk [tilespmem:v6+s2+$0x0], $0xffff;
	v8, v10, _ =	vpop (xrf1);
	(xrf1) =	vsort.ascd.msk.f32 $0xffff, v2, v14  }
0x38f: {  	v1 =	vsel vm0, v8, v1;
	v16 =	vsel vm0, v10, v5  }
0x390: {  	v3 =	vld.idx.msk [tilespmem:v4+s2+$0x0], $0xffff;
	(xrf1) =	vsort.ascd.msk.f32 $0xffff, v1, v16;
	_ =	sdelay $0x1  }
0x391: {  	v57 =	vpop (erf)  }
0x392: {  	v49 =	vpop (erf);
	(xrf1) =	vsort.ascd.msk.f32 $0xffff, v6, v25  }
0x393: {  	v1, _, _ =	vpop (xrf2)  }
0x394: {  	(xrf1) =	vsort.ascd.msk.f32 $0xffff, v3, v21;
	v2, v3, _ =	vpop (xrf1)  }
0x395: {  	v17 =	vnsel vm0, $0x0, v57;
	v59, v28, _ =	vpop (xrf1)  }
0x396: {  	v6, v8, _ =	vpop (xrf1)  }
0x397: {  	v16 =	vnsel vm0, $0x0, v49;
	v7, _, _ =	vpop (xrf2)  }
0x398: {  	v10, v11, _ =	vpop (xrf1)  }
0x399: {  	v46 =	vor.u32 v20, v46;
	(xrf2) =	vadd.scan.msk.f32 $0xffff, v17;
	v12, v17, _ =	vpop (xrf1)  }
0x39a: {  	v4 =	vperm.xlane v59, v9;
	_, v59, _ =	vpop (xrf1)  }
0x39b: {  	v5 =	vperm.xlane v28, v9;
	(xrf2) =	vadd.scan.msk.f32 $0xffff, v16;
	v28, v16, _ =	vpop (xrf1)  }
0x39c: {  	v12 =	vperm.xlane v12, v9  }
0x39d: {  	v13 =	vperm.xlane v17, v9;
	v4 =	vsel vm0, v28, v4;
	v15, v28, _ =	vpop (xrf1)  }
0x39e: {  	v45 =	vor.u32 v20, v45;
	v14 =	vld.idx.msk [tilespmem:v46+s8+$0x0], $0xffff;
	v5 =	vsel vm0, v16, v5;
	v12 =	vsel vm0, v15, v12  }
0x39f: {  	(xrf1) =	vsort.ascd.msk.f32 $0xffff, v4, v5;
	v4 =	vsel vm0, v28, v13  }
0x3a0: {  	v1 =	vbroadcast v1, $0xF;
	v5 =	vbroadcast v7, $0xF;
	v28, v17, _ =	vpop (xrf1)  }
0x3a1: {  	v7 =	vperm.xlane v28, v9;
	v13 =	vperm.xlane v17, v9  }
0x3a2: {  	(erf) = vrcp.f32 v1;
	(xrf1) =	vsort.ascd.msk.f32 $0xffff, v12, v4;
	v4, v12, _ =	vpop (xrf1)  }
0x3a3: {  	v1 =	vmul.f32 $1.442695020e+00, v14;
	v28 =	vld.idx.msk [tilespmem:v45+s8+$0x0], $0xffff;
	v4 =	vsel vm0, v4, v7;
	v17 =	vsel vm0, v12, v13  }
0x3a4: {  	v15, _, _ =	vpop (xrf2);
	(erf) = vrcp.f32 v5;
	(xrf1) =	vsort.ascd.msk.f32 $0xffff, v4, v17  }
0x3a5: {  	(erf) = vpow2.f32 v1;
	v16, _, _ =	vpop (xrf2)  }
0x3a6: {  	v1 =	vbroadcast v16, $0xF;
	_ =	sdelay $0x1  }
0x3a7: {  	(erf) = vrcp.f32 v1;
	v1 =	vmul.f32 $1.442695020e+00, v28  }
0x3a8: {  	v15 =	vbroadcast v15, $0xF;
	_ =	sdelay $0x1  }
0x3a9: {  	v3 =	vperm.xlane v3, v9;
	(erf) = vrcp.f32 v15  }
0x3aa: {  	v2 =	vperm.xlane v2, v9;
	v28 =	vld [tilespmem:$0x1FDC0];
	(erf) = vpow2.f32 v1;
	v1 =	vpop (erf)  }
0x3ab: {  	v5 =	vpop (erf)  }
0x3ac: {  	v3 =	vsel vm0, v11, v3;
	v2 =	vsel vm0, v10, v2;
	v16 =	vshrl.u32 v47, $0x3;
	v12 =	vpop (erf)  }
0x3ad: {  	v4 =	vmul.u32 $0xC00, v16;
	v17 =	vshll.u32 v47, $0x7;
	_, v14, _ =	vpop (xrf1);
	(xrf1) =	vsort.ascd.msk.f32 $0xffff, v2, v3;
	v3 =	vnsel vm0, $0x0, v12  }
0x3ae: {  	v7 =	vand.u32 $0x380, v17;
	v17 =	vld [tilespmem:$0x1FDA0]  }
0x3af: {  	v16 =	vand.u32 $0x380, v43;
	v4 =	vadd.s32 v28, v4;
	v28 =	vperm.xlane v8, v9;
	_, v8, _ =	vpop (xrf1)  }
0x3b0: {  	v13 =	vor.u32 v16, v44;
	(xrf2) =	vadd.scan.msk.f32 $0xffff, v3;
	v3, v44, _ =	vpop (xrf1)  }
0x3b1: {  	v2 =	vperm.xlane v6, v9;
	v6 =	vsel vm0, v44, v28;
	v28 =	vld [tilespmem:$0x1FE10];
	_ =	sdelay $0x1  }
0x3b2: {  	v11 =	vshrl.u32 v55, $0x3;
	v4 =	vor.u32 v7, v4;
	v7 =	vor.u32 v17, v13;
	v13 =	vpop (erf)  }
0x3b3: {  	v20 =	vld [tilespmem:$0x1FDF0];
	v11 =	vmul.u32 $0xC00, v11;
	v10 =	vpop (erf)  }
0x3b4: {  	v19 =	vld [tilespmem:$0x1FE30];
	v2 =	vsel vm0, v3, v2;
	v3 =	vpop (erf)  }
0x3b5: {  	v43 =	vld [tilespmem:$0x1FDB0];
	(xrf1) =	vsort.ascd.msk.f32 $0xffff, v2, v6;
	v6 =	vadd.s32 v28, v11;
	v11 =	vnsel vm0, $0x0, v3  }
0x3b6: {  	v15 =	vmul.f32 v60, v40;
	v60 =	vshll.u32 v55, $0x7;
	(xrf2) =	vadd.scan.msk.f32 $0xffff, v11;
	v11 =	vld [tilespmem:$0x1FE00];
	[tilespmem:v50+s10+$0x0] =	vst.idx.msk $0xff, v53  }
0x3b7: {  	v40 =	vshrl.u32 v52, $0x3;
	v2 =	vand.u32 $0x380, v60;
	v22 =	vld [tilespmem:$0x1FE40]  }
0x3b8: {  	v2 =	vor.u32 v2, v6;
	v6 =	vmul.u32 $0xC00, v40  }
0x3b9: {  	v18 =	vshll.u32 v52, $0x7  }
0x3ba: {  	v18 =	vand.u32 $0x380, v18;
	v6 =	vadd.s32 v19, v6;
	v19 =	vshrl.u32 v59, $0x3  }
0x3bb: {  	v4 =	vor.u32 v43, v4;
	v6 =	vor.u32 v18, v6;
	v18 =	vmul.u32 $0xC00, v19  }
0x3bc: {  	v19 =	vshll.u32 v48, $0x7;
	v2 =	vor.u32 v11, v2;
	v11 =	vshrl.u32 v48, $0x3  }
0x3bd: {  	v19 =	vand.u32 $0x380, v19;
	v11 =	vmul.u32 $0xC00, v11;
	_ =	sdelay $0x1  }
0x3be: {  	v11 =	vadd.s32 v20, v11;
	v20 =	vld [tilespmem:$0x1FE20];
	[tilespmem:v22+s12+$0x0] =	vst.idx.msk $0xff, v35  }
0x3bf: {  	v11 =	vor.u32 v19, v11;
	v19, _, _ =	vpop (xrf2);
	v22 =	vld [tilespmem:$0x1FE60];
	[tilespmem:v7+s10+$0x0] =	vst.idx.msk $0xff, v27  }
0x3c0: {  	v19 =	vbroadcast v19, $0xF;
	v7 =	vld [tilespmem:$0x1FDE0];
	[tilespmem:v4+s10+$0x0] =	vst.idx.msk $0xff, v15  }
0x3c1: {  	v4 =	vld [tilespmem:$0x1FE50];
	[tilespmem:v26+s12+$0x0] =	vst.idx.msk $0xff, v47  }
0x3c2: {  	(erf) = vrcp.f32 v19;
	v19 =	vld [tilespmem:$0x1FDD0];
	_ =	sdelay $0x4  }
0x3c3: {  	v43 =	vmul.f32 v61, v36;
	_ =	sdelay $0x1  }
0x3c4: {  	v6 =	vor.u32 v20, v6;
	[tilespmem:v2+s10+$0x0] =	vst.idx.msk $0xff, v43  }
0x3c5: {  	v20 =	vshll.u32 v59, $0x7;
	v7 =	vor.u32 v7, v11;
	v11 =	vshrl.u32 v14, $0x3;
	[tilespmem:v19+s12+$0x0] =	vst.idx.msk $0xff, v30  }
0x3c6: {  	v20 =	vand.u32 $0x380, v20;
	v18 =	vadd.s32 v22, v18;
	v11 =	vmul.u32 $0xC00, v11;
	v17 =	vld [tilespmem:$0x1FE70]  }
0x3c7: {  	v44 =	vshll.u32 v14, $0x7;
	v18 =	vor.u32 v20, v18  }
0x3c8: {  	v15 =	vand.u32 $0x380, v44;
	v11 =	vadd.s32 v34, v11;
	v19 =	vshrl.u32 v8, $0x3  }
0x3c9: {  	v2 =	vor.u32 v15, v11;
	v11 =	vmul.u32 $0xC00, v19  }
0x3ca: {  	v1 =	vmul.f32 v1, v58;
	v4 =	vor.u32 v4, v18;
	v18, _, _ =	vpop (xrf2)  }
0x3cb: {  	v18 =	vbroadcast v18, $0xF  }
0x3cc: {  	[tilespmem:v6+s10+$0x0] =	vst.idx.msk $0xff, v1  }
0x3cd: {  	v39 =	vmul.f32 v62, v39;
	_, v20, _ =	vpop (xrf1);
	v2 =	vor.u32 v32, v2;
	(erf) = vrcp.f32 v18;
	[tilespmem:v29+s12+$0x0] =	vst.idx.msk $0xff, v52  }
0x3ce: {  	v1 =	vmul.f32 v10, v57;
	v10 =	vshll.u32 v8, $0x7;
	v50 =	vadd.s32 v33, v11;
	_, v11, _ =	vpop (xrf1);
	[tilespmem:v17+s12+$0x0] =	vst.idx.msk $0xff, v55  }
0x3cf: {  	v5 =	vmul.f32 v5, v56;
	v10 =	vand.u32 $0x380, v10;
	v53 =	vshrl.u32 v11, $0x3;
	v17 =	vld [tilespmem:$0x1FE80]  }
0x3d0: {  	v47 =	vshrl.u32 v20, $0x3;
	v6 =	vor.u32 v10, v50;
	v10 =	vmul.u32 $0xC00, v53  }
0x3d1: {  	v15 =	vmul.u32 $0xC00, v47;
	v57 =	vshll.u32 v11, $0x7;
	[tilespmem:v7+s10+$0x0] =	vst.idx.msk $0xff, v39  }
0x3d2: {  	v56 =	vor.u32 v42, v6;
	[tilespmem:v4+s10+$0x0] =	vst.idx.msk $0xff, v5;
	v60 =	vadd.s32 v38, v10;
	v5 =	vand.u32 $0x380, v57  }
0x3d3: {  	v55 =	vshll.u32 v20, $0x7;
	[tilespmem:v2+s10+$0x0] =	vst.idx.msk $0xff, v1;
	v5 =	vor.u32 v5, v60  }
0x3d4: {  	v61 =	vpop (erf);
	v58 =	vand.u32 $0x380, v55;
	[tilespmem:v54+s12+$0x0] =	vst.idx.msk $0xff, v59;
	v2 =	vor.u32 v41, v5;
	v15 =	vadd.s32 v17, v15  }
0x3d5: {  	v1 =	vmul.f32 v61, v12;
	[tilespmem:v24+s12+$0x0] =	vst.idx.msk $0xff, v48;
	v6 =	vor.u32 v58, v15  }
0x3d6: {  	v62 =	vpop (erf);
	[tilespmem:v51+s12+$0x0] =	vst.idx.msk $0xff, v14;
	v6 =	vor.u32 v37, v6  }
0x3d7: {  	v3 =	vmul.f32 v62, v3;
	[tilespmem:v56+s10+$0x0] =	vst.idx.msk $0xff, v1  }
0x3d8: {  	[tilespmem:v46+s12+$0x0] =	vst.idx.msk $0xff, v8  }
0x3d9: {  	v1 =	vmul.f32 v13, v49;
	[tilespmem:v2+s10+$0x0] =	vst.idx.msk $0xff, v3  }
0x3da: {  	[tilespmem:v45+s12+$0x0] =	vst.idx.msk $0xff, v11  }
0x3db: {  	[tilespmem:v6+s10+$0x0] =	vst.idx.msk $0xff, v1  }
0x3dc: {  	s24 =	simm.s32 $0x0;
	[tilespmem:v31+s12+$0x0] =	vst.idx.msk $0xff, v20  }
0x3dd: {  	[hbm4b:s9+s24] =	stream.linear.scatter [tilespmem:s10], [sflag:$0x1], $0x800, $0x38;
	[tilespmem:$0xD800] =	vst v63  }
0x3de: {  	s0 =	sadd.s32 $0x8000, s9;
	s1 =	simm.s32 $0x7800  }
0x3df: {  	[hbm4b:s0+s24] =	stream.linear.scatter [tilespmem:s1], [sflag:$0x1], $0x800, $0x38;
	[tilespmem:$0xD800] =	vst v63  }
0x3e0: {  	s25 =	sadd.s32 $0x10000, s9;
	s26 =	simm.s32 $0x8400  }
0x3e1: {  	[hbm4b:s25+s24] =	stream.linear.scatter [tilespmem:s26], [sflag:$0x1], $0x800, $0x38;
	[tilespmem:$0xD800] =	vst v63  }
0x3e2: {  	s28 =	sadd.s32 $0x18000, s9;
	s29 =	simm.s32 $0x9000  }
0x3e3: {  	[hbm4b:s28+s24] =	stream.linear.scatter [tilespmem:s29], [sflag:$0x1], $0x800, $0x38;
	[tilespmem:$0xD800] =	vst v63  }
0x3e4: {  	s30 =	sadd.s32 $0x20000, s9;
	s31 =	simm.s32 $0x9C00  }
0x3e5: {  	[hbm4b:s30+s24] =	stream.linear.scatter [tilespmem:s31], [sflag:$0x1], $0x800, $0x38;
	[tilespmem:$0xD800] =	vst v63  }
0x3e6: {  	s3 =	sadd.s32 $0x28000, s9  }
0x3e7: {  	[hbm4b:s3+s24] =	stream.linear.scatter [tilespmem:s20], [sflag:$0x1], $0x800, $0x38;
	[tilespmem:$0xD800] =	vst v63  }
0x3e8: {  	s4 =	sadd.s32 $0x30000, s9  }
0x3e9: {  	[hbm4b:s4+s24] =	stream.linear.scatter [tilespmem:s21], [sflag:$0x1], $0x800, $0x38;
	[tilespmem:$0xD800] =	vst v63  }
0x3ea: {  	s14 =	sadd.s32 $0x38000, s9  }
0x3eb: {  	[hbm4b:s14+s24] =	stream.linear.scatter [tilespmem:s22], [sflag:$0x1], $0x800, $0x38;
	[tilespmem:$0xD800] =	vst v63  }
0x3ec: {  	_ =	swait.ge [sflag:s6], $0x4000  }
0x3ed: {  	[sflag:s6] =	ssyncset.done $0x0  }
0x3ee: {  	s16 =	rddreg [dreg:$0x9];
	[sflag:s6] =	ssyncadd.s32 $0xFFFFC000  }
0x3ef: {  	[hbm4b:s16+s24] =	stream.linear.scatter [tilespmem:s12], [sflag:$0x1], $0x800, $0x38;
	[tilespmem:$0xD800] =	vst v63  }
0x3f0: {  	_ =	swait.ge [sflag:s6], $0x800  }
0x3f1: {  	[sflag:s6] =	ssyncset.done $0x0  }
0x3f2: {  	[sflag:s6] =	ssyncadd.s32 $0xFFFFF800  }
0x3f3: {  	[tilespmem:s24], [sflag:$0x1] =	stream.linear.gather [hbm4b:s11+s24], $0x800, $0x38;
	[tilespmem:$0xD800] =	vst v63  }
0x3f4: {  	s18 =	sadd.s32 $0x8000, s11;
	s19 =	simm.s32 $0xC00  }
0x3f5: {  	[tilespmem:s19], [sflag:$0x1] =	stream.linear.gather [hbm4b:s18+s24], $0x800, $0x38;
	[tilespmem:$0xD800] =	vst v63  }
0x3f6: {  	s25 =	sadd.s32 $0x10000, s11;
	s26 =	simm.s32 $0x1800  }
0x3f7: {  	[tilespmem:s26], [sflag:$0x1] =	stream.linear.gather [hbm4b:s25+s24], $0x800, $0x38;
	[tilespmem:$0xD800] =	vst v63  }
0x3f8: {  	s28 =	sadd.s32 $0x18000, s11;
	s29 =	simm.s32 $0x2400  }
0x3f9: {  	[tilespmem:s29], [sflag:$0x1] =	stream.linear.gather [hbm4b:s28+s24], $0x800, $0x38;
	[tilespmem:$0xD800] =	vst v63  }
0x3fa: {  	s30 =	sadd.s32 $0x20000, s11;
	s31 =	simm.s32 $0x3000  }
0x3fb: {  	[tilespmem:s31], [sflag:$0x1] =	stream.linear.gather [hbm4b:s30+s24], $0x800, $0x38;
	[tilespmem:$0xD800] =	vst v63  }
0x3fc: {  	s1 =	sadd.s32 $0x28000, s11;
	s3 =	simm.s32 $0x3C00  }
0x3fd: {  	[tilespmem:s3], [sflag:$0x1] =	stream.linear.gather [hbm4b:s1+s24], $0x800, $0x38;
	[tilespmem:$0xD800] =	vst v63  }
0x3fe: {  	s4 =	sadd.s32 $0x30000, s11;
	s14 =	simm.s32 $0x4800  }
0x3ff: {  	[tilespmem:s14], [sflag:$0x1] =	stream.linear.gather [hbm4b:s4+s24], $0x800, $0x38;
	[tilespmem:$0xD800] =	vst v63  }
0x400: {  	s16 =	sadd.s32 $0x38000, s11;
	s18 =	simm.s32 $0x5400  }
0x401: {  	[tilespmem:s18], [sflag:$0x1] =	stream.linear.gather [hbm4b:s16+s24], $0x800, $0x38;
	[tilespmem:$0xD800] =	vst v63  }
0x402: {  	_ =	swait.ge [sflag:s6], $0x4000  }
0x403: {  	s19 =	simm.s32 $0x0;
	[sflag:s6] =	ssyncset.done $0x0  }
0x404: {  	s0 =	smul.u32 $0x3000, s19;
	s25 =	rddreg [dreg:$0xa];
	[sflag:s6] =	ssyncadd.s32 $0xFFFFC000  }
0x405: {  	[tilespmem:s8], [sflag:$0x1] =	stream.linear.gather [hbm4b:s25+s24], $0x800, $0x38;
	[tilespmem:$0xD800] =	vst v63  }
0x406: {  	s26 =	sand.u32 $0x200, s24;
	s0 =	sshra.s32 s0, $0x2;
	_ =	swait.ge [sflag:s6], $0x800  }
0x407: {  	s3 =	sadd.s32 $0x6C00, s0;
	s4 =	sor.u32 $0x180, s26;
	[sflag:s6] =	ssyncset.done $0x0  }
0x408: {  	s14 =	sor.u32 s4, s3;
	[sflag:s6] =	ssyncadd.s32 $0xFFFFF800  }
0x409: {  	[tilespmem:s14+$0x0] =	vst v0  }
0x40a: {  	[tilespmem:s14+$0x10] =	vst v0  }
0x40b: {  	[tilespmem:s14+$0x20] =	vst v0  }
0x40c: {  	[tilespmem:s14+$0x30] =	vst v0  }
0x40d: {  	[tilespmem:s14+$0x40] =	vst v0  }
0x40e: {  	[tilespmem:s14+$0x50] =	vst v0  }
0x40f: {  	[tilespmem:s14+$0x60] =	vst v0  }
0x410: {  	s16 =	sor.u32 s26, s3;
	[tilespmem:s14+$0x70] =	vst v0  }
0x411: {  	[tilespmem:s16+$0x0] =	vst v0  }
0x412: {  	[tilespmem:s16+$0x10] =	vst v0  }
0x413: {  	[tilespmem:s16+$0x20] =	vst v0  }
0x414: {  	[tilespmem:s16+$0x30] =	vst v0  }
0x415: {  	[tilespmem:s16+$0x40] =	vst v0  }
0x416: {  	[tilespmem:s16+$0x50] =	vst v0  }
0x417: {  	s29 =	sor.u32 $0x80, s26;
	[tilespmem:s16+$0x60] =	vst v0  }
0x418: {  	s30 =	sor.u32 s29, s3;
	[tilespmem:s16+$0x70] =	vst v0  }
0x419: {  	[tilespmem:s30+$0x0] =	vst v0  }
0x41a: {  	[tilespmem:s30+$0x10] =	vst v0  }
0x41b: {  	[tilespmem:s30+$0x20] =	vst v0  }
0x41c: {  	[tilespmem:s30+$0x30] =	vst v0  }
0x41d: {  	[tilespmem:s30+$0x40] =	vst v0  }
0x41e: {  	[tilespmem:s30+$0x50] =	vst v0  }
0x41f: {  	s1 =	sor.u32 $0x100, s26;
	[tilespmem:s30+$0x60] =	vst v0  }
0x420: {  	s3 =	sor.u32 s1, s3;
	[tilespmem:s30+$0x70] =	vst v0  }
0x421: {  	[tilespmem:s3+$0x0] =	vst v0  }
0x422: {  	[tilespmem:s3+$0x10] =	vst v0  }
0x423: {  	[tilespmem:s3+$0x20] =	vst v0  }
0x424: {  	[tilespmem:s3+$0x30] =	vst v0  }
0x425: {  	[tilespmem:s3+$0x40] =	vst v0  }
0x426: {  	[tilespmem:s3+$0x50] =	vst v0  }
0x427: {  	s0 =	sadd.s32 $0x7000, s0;
	[tilespmem:s3+$0x60] =	vst v0  }
0x428: {  	s28 =	sor.u32 s26, s0;
	[tilespmem:s3+$0x70] =	vst v0  }
0x429: {  	[tilespmem:s28+$0x0] =	vst v0  }
0x42a: {  	[tilespmem:s28+$0x10] =	vst v0  }
0x42b: {  	[tilespmem:s28+$0x20] =	vst v0  }
0x42c: {  	[tilespmem:s28+$0x30] =	vst v0  }
0x42d: {  	[tilespmem:s28+$0x40] =	vst v0  }
0x42e: {  	[tilespmem:s28+$0x50] =	vst v0  }
0x42f: {  	[tilespmem:s28+$0x60] =	vst v0  }
0x430: {  	s31 =	sor.u32 s29, s0;
	[tilespmem:s28+$0x70] =	vst v0  }
0x431: {  	[tilespmem:s31+$0x0] =	vst v0  }
0x432: {  	[tilespmem:s31+$0x10] =	vst v0  }
0x433: {  	[tilespmem:s31+$0x20] =	vst v0  }
0x434: {  	[tilespmem:s31+$0x30] =	vst v0  }
0x435: {  	[tilespmem:s31+$0x40] =	vst v0  }
0x436: {  	[tilespmem:s31+$0x50] =	vst v0  }
0x437: {  	[tilespmem:s31+$0x60] =	vst v0  }
0x438: {  	s25 =	sor.u32 s4, s0;
	[tilespmem:s31+$0x70] =	vst v0  }
0x439: {  	s0 =	sor.u32 s1, s0;
	[tilespmem:s25+$0x70] =	vst v0  }
0x43a: {  	[tilespmem:s0+$0x0] =	vst v0  }
0x43b: {  	[tilespmem:s0+$0x10] =	vst v0  }
0x43c: {  	[tilespmem:s0+$0x20] =	vst v0  }
0x43d: {  	[tilespmem:s0+$0x30] =	vst v0  }
0x43e: {  	[tilespmem:s0+$0x40] =	vst v0  }
0x43f: {  	[tilespmem:s0+$0x50] =	vst v0  }
0x440: {  	[tilespmem:s0+$0x60] =	vst v0  }
0x441: {  	v57 =	vmov v23;
	v20 =	vmov v63;
	v63 =	vmov v25;
	s26 =	simm.s32 $0x0;
	s3 =	simm.s32 $0x0;
	[tilespmem:s0+$0x70] =	vst v0  }
.LBB2_10:
0x442: {  	s26 =	sadd.s32 $0x4, s26;
	[tilespmem:s25+$0x0] =	vst v0  }
0x443: {  	s0 =	sshrl.u32 s26, $0x3;
	p0 =	slt.u32 s26, $0x3C;
	[tilespmem:s25+$0x10] =	vst v0  }
0x444: {  	s0 =	smul.u32 $0x3000, s0;
	[tilespmem:s25+$0x20] =	vst v0  }
0x445: {  	s3 =	sadd.s32 $0x200, s3;
	[tilespmem:s25+$0x30] =	vst v0  }
0x446: {  	s1 =	sand.u32 $0x200, s3;
	s0 =	sshra.s32 s0, $0x2;
	[tilespmem:s25+$0x40] =	vst v0  }
0x447: {  	s14 =	sor.u32 $0x80, s1;
	s16 =	sor.u32 $0x180, s1;
	s4 =	sadd.s32 $0x6C00, s0;
	[tilespmem:s25+$0x50] =	vst v0  }
0x448: {  	s19 =	sor.u32 $0x100, s1;
	s18 =	sor.u32 s1, s4;
	s29 =	sor.u32 s16, s4;
	[tilespmem:s25+$0x60] =	vst v0  }
0x449: {  	s30 =	sor.u32 s14, s4;
	s28 =	sor.u32 s19, s4;
	[tilespmem:s29+$0x0] =	vst v0  }
0x44a: {  	[tilespmem:s29+$0x10] =	vst v0  }
0x44b: {  	[tilespmem:s29+$0x20] =	vst v0  }
0x44c: {  	[tilespmem:s29+$0x30] =	vst v0  }
0x44d: {  	[tilespmem:s29+$0x40] =	vst v0  }
0x44e: {  	[tilespmem:s29+$0x50] =	vst v0  }
0x44f: {  	s0 =	sadd.s32 $0x7000, s0;
	[tilespmem:s29+$0x60] =	vst v0  }
0x450: {  	s1 =	sor.u32 s1, s0;
	s31 =	sor.u32 s14, s0;
	s25 =	sor.u32 s16, s0;
	[tilespmem:s29+$0x70] =	vst v0  }
0x451: {  	s29 =	sor.u32 s19, s0;
	[tilespmem:s25+$0x70] =	vst v0  }
0x452: {  	[tilespmem:s18+$0x0] =	vst v0  }
0x453: {  	[tilespmem:s18+$0x10] =	vst v0  }
0x454: {  	[tilespmem:s18+$0x20] =	vst v0  }
0x455: {  	[tilespmem:s18+$0x30] =	vst v0  }
0x456: {  	[tilespmem:s18+$0x40] =	vst v0  }
0x457: {  	[tilespmem:s18+$0x50] =	vst v0  }
0x458: {  	[tilespmem:s18+$0x60] =	vst v0  }
0x459: {  	[tilespmem:s18+$0x70] =	vst v0  }
0x45a: {  	[tilespmem:s1+$0x0] =	vst v0  }
0x45b: {  	[tilespmem:s1+$0x10] =	vst v0  }
0x45c: {  	[tilespmem:s1+$0x20] =	vst v0  }
0x45d: {  	[tilespmem:s1+$0x30] =	vst v0  }
0x45e: {  	[tilespmem:s1+$0x40] =	vst v0  }
0x45f: {  	[tilespmem:s1+$0x50] =	vst v0  }
0x460: {  	[tilespmem:s1+$0x60] =	vst v0  }
0x461: {  	[tilespmem:s1+$0x70] =	vst v0  }
0x462: {  	[tilespmem:s30+$0x0] =	vst v0  }
0x463: {  	[tilespmem:s30+$0x10] =	vst v0  }
0x464: {  	[tilespmem:s30+$0x20] =	vst v0  }
0x465: {  	[tilespmem:s30+$0x30] =	vst v0  }
0x466: {  	[tilespmem:s30+$0x40] =	vst v0  }
0x467: {  	[tilespmem:s30+$0x50] =	vst v0  }
0x468: {  	[tilespmem:s30+$0x60] =	vst v0  }
0x469: {  	[tilespmem:s30+$0x70] =	vst v0  }
0x46a: {  	[tilespmem:s31+$0x0] =	vst v0  }
0x46b: {  	[tilespmem:s31+$0x10] =	vst v0  }
0x46c: {  	[tilespmem:s31+$0x20] =	vst v0  }
0x46d: {  	[tilespmem:s31+$0x30] =	vst v0  }
0x46e: {  	[tilespmem:s31+$0x40] =	vst v0  }
0x46f: {  	[tilespmem:s31+$0x50] =	vst v0  }
0x470: {  	[tilespmem:s31+$0x60] =	vst v0  }
0x471: {  	[tilespmem:s31+$0x70] =	vst v0  }
0x472: {  	[tilespmem:s28+$0x0] =	vst v0  }
0x473: {  	[tilespmem:s28+$0x10] =	vst v0  }
0x474: {  	[tilespmem:s28+$0x20] =	vst v0  }
0x475: {  	[tilespmem:s28+$0x30] =	vst v0  }
0x476: {  	[tilespmem:s28+$0x40] =	vst v0  }
0x477: {  	[tilespmem:s28+$0x50] =	vst v0  }
0x478: {  	[tilespmem:s28+$0x60] =	vst v0  }
0x479: {  	[tilespmem:s28+$0x70] =	vst v0  }
0x47a: {  	[tilespmem:s29+$0x0] =	vst v0  }
0x47b: {  	[tilespmem:s29+$0x10] =	vst v0  }
0x47c: {  	[tilespmem:s29+$0x20] =	vst v0  }
.Ltmp4:
0x47d: {  	[tilespmem:s29+$0x30] =	vst v0;
	(pc) =	sbr.rel @p0 .LBB2_10-.Ltmp4, $4  }
0x47e: {  	[tilespmem:s29+$0x40] =	vst v0  }
0x47f: {  	[tilespmem:s29+$0x50] =	vst v0  }
0x480: {  	[tilespmem:s29+$0x60] =	vst v0  }
0x481: {  	[tilespmem:s29+$0x70] =	vst v0  }
0x482: {  	s0 =	simm.s32 $0x1  }
0x483: {  	[tilespmem:s25+$0x0] =	vst v0;
	v1 =	vmov s0  }
0x484: {  	[tilespmem:s25+$0x10] =	vst v0;
	v3 =	vshll.u32 v1, $0x3;
	v1 =	vand.u32 $0x7D, v1  }
0x485: {  	[tilespmem:$0x1FCB0] =	vst v1  }
0x486: {  	[tilespmem:s25+$0x20] =	vst v0  }
0x487: {  	v22 =	vld [tilespmem:$0x1FFB0]  }
0x488: {  	[tilespmem:s25+$0x30] =	vst v0  }
0x489: {  	s1 =	simm.s32 $0x2;
	v25 =	vld [tilespmem:$0x1FFC0]  }
0x48a: {  	v2 =	vmov s1;
	v28 =	vand.u32 $0x400, v3  }
0x48b: {  	s18 =	simm.s32 $0x3;
	v4 =	vshll.u32 v2, $0x3;
	v29 =	vand.u32 $0x7E, v2;
	v1 =	vor.u32 v28, v1  }
0x48c: {  	v2 =	vmov s18;
	v30 =	vand.u32 $0x400, v4;
	v4 =	vadd.s32 v22, v1  }
0x48d: {  	v5 =	vshll.u32 v2, $0x3;
	v45 =	vand.u32 $0x7F, v2;
	[tilespmem:s25+$0x40] =	vst v0  }
0x48e: {  	v3 =	vor.u32 v30, v29;
	v32 =	vand.u32 $0x400, v5;
	[tilespmem:s25+$0x50] =	vst v0;
	v6 =	vadd.s32 v25, v1  }
0x48f: {  	v2 =	vmov s24;
	v7 =	vor.u32 v32, v45;
	[tilespmem:s25+$0x60] =	vst v0;
	v5 =	vadd.s32 v25, v3  }
0x490: {  	v8 =	vshll.u32 v2, $0x3;
	v11 =	vand.u32 $0x7C, v2;
	v23 =	vld [tilespmem:$0x1FF80];
	v10 =	vadd.s32 v25, v7  }
0x491: {  	v12 =	vand.u32 $0x400, v8;
	v2 =	vadd.s32 v57, v1;
	v4 =	vld.idx.msk [tilespmem:v4+s2+$0x0], $0xffff;
	[tilespmem:$0x1FCC0] =	vst v11  }
0x492: {  	v8 =	vadd.s32 v20, v1;
	v24 =	vor.u32 v12, v11;
	v43 =	vld [tilespmem:$0x1FF90];
	[tilespmem:$0x1FCD0] =	vst v12  }
0x493: {  	v11 =	vadd.s32 v25, v24;
	v6 =	vld.idx.msk [tilespmem:v6+s2+$0x0], $0xffff  }
0x494: {  	v12 =	vadd.s32 v22, v3;
	v5 =	vld.idx.msk [tilespmem:v5+s2+$0x0], $0xffff  }
0x495: {  	v13 =	vadd.s32 v20, v3;
	v10 =	vld.idx.msk [tilespmem:v10+s2+$0x0], $0xffff  }
0x496: {  	v14 =	vadd.s32 v22, v7;
	v2 =	vld.idx.msk [tilespmem:v2+s2+$0x0], $0xffff  }
0x497: {  	v15 =	vadd.s32 v22, v24;
	v8 =	vld.idx.msk [tilespmem:v8+s2+$0x0], $0xffff;
	(xrf1) =	vsort.ascd.msk.f32 $0xffff, v4, v23  }
0x498: {  	v4 =	vld.idx.msk [tilespmem:v11+s2+$0x0], $0xffff;
	(xrf1) =	vsort.ascd.msk.f32 $0xffff, v6, v43  }
0x499: {  	v6 =	vld.idx.msk [tilespmem:v12+s2+$0x0], $0xffff;
	(xrf1) =	vsort.ascd.msk.f32 $0xffff, v5, v43  }
0x49a: {  	v11 =	vld.idx.msk [tilespmem:v13+s2+$0x0], $0xffff;
	(xrf1) =	vsort.ascd.msk.f32 $0xffff, v10, v43  }
0x49b: {  	v5 =	vadd.s32 v57, v3;
	v10 =	vld.idx.msk [tilespmem:v14+s2+$0x0], $0xffff;
	(xrf1) =	vsort.ascd.msk.f32 $0xffff, v2, v21  }
0x49c: {  	v2 =	vld.idx.msk [tilespmem:v15+s2+$0x0], $0xffff;
	(xrf1) =	vsort.ascd.msk.f32 $0xffff, v8, v63  }
0x49d: {  	(xrf1) =	vsort.ascd.msk.f32 $0xffff, v4, v43  }
0x49e: {  	v8 =	vadd.s32 v20, v7;
	(xrf1) =	vsort.ascd.msk.f32 $0xffff, v6, v23  }
0x49f: {  	(xrf1) =	vsort.ascd.msk.f32 $0xffff, v11, v63  }
0x4a0: {  	v4 =	vld.idx.msk [tilespmem:v5+s2+$0x0], $0xffff;
	v5 =	vadd.s32 v57, v7;
	(xrf1) =	vsort.ascd.msk.f32 $0xffff, v10, v23  }
0x4a1: {  	v48 =	vld [tilespmem:$0x1FFA0];
	(xrf1) =	vsort.ascd.msk.f32 $0xffff, v2, v23;
	_ =	sdelay $0x1  }
0x4a2: {  	v2 =	vld.idx.msk [tilespmem:v8+s2+$0x0], $0xffff;
	_ =	sdelay $0x1  }
0x4a3: {  	v5 =	vld.idx.msk [tilespmem:v5+s2+$0x0], $0xffff;
	(xrf1) =	vsort.ascd.msk.f32 $0xffff, v4, v21;
	v4, v6, _ =	vpop (xrf1)  }
0x4a4: {  	v33 =	vor.u32 v48, v3;
	v3, v8, _ =	vpop (xrf1)  }
0x4a5: {  	v17 =	vor.u32 v48, v1;
	v1, v10, _ =	vpop (xrf1)  }
0x4a6: {  	(xrf1) =	vsort.ascd.msk.f32 $0xffff, v2, v63;
	v2, v11, _ =	vpop (xrf1)  }
0x4a7: {  	v3 =	vperm.xlane v3, v9;
	v12, v13, _ =	vpop (xrf1)  }
0x4a8: {  	(xrf1) =	vsort.ascd.msk.f32 $0xffff, v5, v21;
	v5 =	vperm.xlane v8, v9;
	v8, v14, _ =	vpop (xrf1)  }
0x4a9: {  	v1 =	vperm.xlane v1, v9;
	v3 =	vsel vm0, v4, v3;
	v4 =	vld.idx.msk [tilespmem:v33+s8+$0x0], $0xffff;
	[tilespmem:$0x1FCE0] =	vst v17;
	v15, v16, _ =	vpop (xrf1)  }
0x4aa: {  	v14 =	vperm.xlane v14, v9;
	v5 =	vsel vm0, v6, v5;
	v6 =	vperm.xlane v11, v9;
	v11 =	vld.idx.msk [tilespmem:v17+s8+$0x0], $0xffff;
	v17, v18, _ =	vpop (xrf1)  }
0x4ab: {  	(xrf1) =	vsort.ascd.msk.f32 $0xffff, v3, v5;
	v3 =	vperm.xlane v15, v9;
	v5 =	vperm.xlane v10, v9;
	v10, v15, _ =	vpop (xrf1)  }
0x4ac: {  	v13 =	vsel vm0, v13, v14;
	v14 =	vperm.xlane v16, v9;
	v16, v19, _ =	vpop (xrf1)  }
0x4ad: {  	v2 =	vperm.xlane v2, v9;
	v1 =	vsel vm0, v17, v1;
	v5 =	vsel vm0, v18, v5;
	v17, v18, _ =	vpop (xrf1)  }
0x4ae: {  	(xrf1) =	vsort.ascd.msk.f32 $0xffff, v1, v5;
	v1 =	vsel vm0, v17, v3;
	v3 =	vsel vm0, v18, v14  }
0x4af: {  	v8 =	vperm.xlane v8, v9;
	v15 =	vperm.xlane v15, v9  }
0x4b0: {  	v4 =	vmul.f32 $1.442695020e+00, v4;
	v10 =	vperm.xlane v10, v9  }
0x4b1: {  	(xrf1) =	vsort.ascd.msk.f32 $0xffff, v1, v3;
	v1 =	vsel vm0, v16, v2;
	v2 =	vsel vm0, v19, v6;
	v3, v6, _ =	vpop (xrf1)  }
0x4b2: {  	(erf) = vpow2.f32 v4;
	v4 =	vsel vm0, v6, v15  }
0x4b3: {  	v5 =	vsel vm0, v12, v8;
	v8 =	vmul.f32 $1.442695020e+00, v11;
	v3 =	vsel vm0, v3, v10  }
0x4b4: {  	s19 =	simm.s32 $0x5;
	(xrf1) =	vsort.ascd.msk.f32 $0xffff, v5, v13  }
0x4b5: {  	(erf) = vpow2.f32 v8;
	v5 =	vmov s19;
	(xrf1) =	vsort.ascd.msk.f32 $0xffff, v1, v2  }
0x4b6: {  	v17 =	vor.u32 v48, v7;
	v1 =	vadd.s32 v20, v24;
	v6 =	vshll.u32 v5, $0x3;
	(xrf1) =	vsort.ascd.msk.f32 $0xffff, v3, v4;
	v3, v4, _ =	vpop (xrf1)  }
0x4b7: {  	s25 =	simm.s32 $0x6;
	v11 =	vand.u32 $0x400, v6;
	v6 =	vand.u32 $0x7D, v5;
	v3 =	vperm.xlane v3, v9  }
0x4b8: {  	v2 =	vadd.s32 v57, v24;
	v5 =	vmov s25;
	[tilespmem:$0x1FCF0] =	vst v6;
	v6 =	vor.u32 v11, v6;
	v7, v8, _ =	vpop (xrf1)  }
0x4b9: {  	s26 =	simm.s32 $0x7;
	v4 =	vperm.xlane v4, v9;
	v3 =	vsel vm0, v7, v3;
	v7 =	vshll.u32 v5, $0x3  }
0x4ba: {  	[tilespmem:$0x1FD00] =	vst v11;
	v11 =	vand.u32 $0x400, v7;
	v7 =	vand.u32 $0x7E, v5;
	v5 =	vmov s26  }
0x4bb: {  	v1 =	vld.idx.msk [tilespmem:v1+s2+$0x0], $0xffff;
	v34 =	vpop (erf);
	v4 =	vsel vm0, v8, v4;
	v8 =	vadd.s32 v22, v6;
	v12 =	vshll.u32 v5, $0x3  }
0x4bc: {  	(xrf1) =	vsort.ascd.msk.f32 $0xffff, v3, v4;
	v4 =	vnsel vm0, $0x0, v34;
	[tilespmem:$0x1FD10] =	vst v7;
	v16 =	vand.u32 $0x400, v12  }
0x4bd: {  	s24 =	simm.s32 $0x4;
	[tilespmem:$0x1FD20] =	vst v11;
	v7 =	vor.u32 v11, v7;
	v11 =	vadd.s32 v25, v6;
	v15 =	vand.u32 $0x7F, v5  }
0x4be: {  	v10 =	vmov s24;
	v38 =	vadd.s32 v57, v6;
	(xrf2) =	vadd.scan.msk.f32 $0xffff, v4;
	v3 =	vpop (erf);
	v2 =	vld.idx.msk [tilespmem:v2+s2+$0x0], $0xffff;
	[tilespmem:$0x1FD30] =	vst v15  }
0x4bf: {  	v4 =	vshll.u32 v10, $0x3;
	v14 =	vadd.s32 v25, v7;
	[tilespmem:$0x1FD40] =	vst v16;
	v36 =	vor.u32 v16, v15;
	v5, v12, _ =	vpop (xrf1)  }
0x4c0: {  	(xrf1) =	vsort.ascd.msk.f32 $0xffff, v1, v63;
	v13 =	vnsel vm0, $0x0, v3;
	v8 =	vld.idx.msk [tilespmem:v8+s2+$0x0], $0xffff;
	v26 =	vadd.s32 v25, v36;
	[tilespmem:$0x1FD50] =	vst v17;
	v15, v16, _ =	vpop (xrf1)  }
0x4c1: {  	v19 =	vand.u32 $0x400, v4;
	(xrf2) =	vadd.scan.msk.f32 $0xffff, v13;
	v13 =	vadd.s32 v20, v6;
	v27 =	vld.idx.msk [tilespmem:v17+s8+$0x0], $0xffff;
	v17 =	vand.u32 $0x7C, v10;
	v35, v37, _ =	vpop (xrf1)  }
0x4c2: {  	v11 =	vld.idx.msk [tilespmem:v11+s2+$0x0], $0xffff;
	[tilespmem:$0x1FD60] =	vst v17;
	v31 =	vor.u32 v19, v17;
	v1 =	vperm.xlane v15, v9;
	v4, v15, _ =	vpop (xrf1)  }
0x4c3: {  	[tilespmem:$0x1FD70] =	vst v19;
	v10 =	vperm.xlane v16, v9;
	v40 =	vadd.s32 v25, v31;
	v16, v39, _ =	vpop (xrf1);
	(xrf1) =	vsort.ascd.msk.f32 $0xffff, v2, v21  }
0x4c4: {  	v14 =	vld.idx.msk [tilespmem:v14+s2+$0x0], $0xffff  }
0x4c5: {  	v2 =	vadd.s32 v22, v7;
	v26 =	vld.idx.msk [tilespmem:v26+s2+$0x0], $0xffff;
	v41, v42, _ =	vpop (xrf1);
	(xrf1) =	vsort.ascd.msk.f32 $0xffff, v8, v23  }
0x4c6: {  	v38 =	vld.idx.msk [tilespmem:v38+s2+$0x0], $0xffff;
	v8 =	vadd.s32 v20, v7;
	v1 =	vsel vm0, v41, v1;
	v10 =	vsel vm0, v42, v10  }
0x4c7: {  	(xrf1) =	vsort.ascd.msk.f32 $0xffff, v1, v10;
	v1 =	vld.idx.msk [tilespmem:v13+s2+$0x0], $0xffff;
	v10 =	vadd.s32 v22, v36  }
0x4c8: {  	v13 =	vmul.f32 $1.442695020e+00, v27;
	v27 =	vld.idx.msk [tilespmem:v40+s2+$0x0], $0xffff;
	(xrf1) =	vsort.ascd.msk.f32 $0xffff, v11, v43  }
0x4c9: {  	(xrf1) =	vsort.ascd.msk.f32 $0xffff, v14, v43  }
0x4ca: {  	v11, _, _ =	vpop (xrf2);
	(erf) = vpow2.f32 v13;
	v13 =	vadd.s32 v22, v31;
	v2 =	vld.idx.msk [tilespmem:v2+s2+$0x0], $0xffff;
	(xrf1) =	vsort.ascd.msk.f32 $0xffff, v26, v43  }
0x4cb: {  	v16 =	vperm.xlane v16, v9;
	v14, _, _ =	vpop (xrf2);
	v8 =	vld.idx.msk [tilespmem:v8+s2+$0x0], $0xffff;
	(xrf1) =	vsort.ascd.msk.f32 $0xffff, v38, v21  }
0x4cc: {  	v14 =	vbroadcast v14, $0xF;
	v26 =	vadd.s32 v57, v7;
	v10 =	vld.idx.msk [tilespmem:v10+s2+$0x0], $0xffff;
	(xrf1) =	vsort.ascd.msk.f32 $0xffff, v1, v63  }
0x4cd: {  	v50, v49, _ =	vpop (xrf1);
	(xrf1) =	vsort.ascd.msk.f32 $0xffff, v27, v43;
	v27 =	vperm.xlane v39, v9  }
0x4ce: {  	v12 =	vperm.xlane v12, v9;
	v52, v51, _ =	vpop (xrf1);
	v16 =	vsel vm0, v50, v16;
	(erf) = vrcp.f32 v14  }
0x4cf: {  	v53 =	vperm.xlane v51, v9;
	v14 =	vadd.s32 v20, v36;
	v13 =	vld.idx.msk [tilespmem:v13+s2+$0x0], $0xffff;
	(xrf1) =	vsort.ascd.msk.f32 $0xffff, v2, v23  }
0x4d0: {  	v1 =	vperm.xlane v5, v9;
	v2 =	vperm.xlane v52, v9;
	(xrf1) =	vsort.ascd.msk.f32 $0xffff, v8, v63  }
0x4d1: {  	v5 =	vadd.s32 v57, v36;
	v8 =	vld.idx.msk [tilespmem:v26+s2+$0x0], $0xffff;
	v26 =	vsel vm0, v49, v27;
	(xrf1) =	vsort.ascd.msk.f32 $0xffff, v10, v23;
	v27, v54, _ =	vpop (xrf1)  }
0x4d2: {  	v11 =	vbroadcast v11, $0xF;
	(xrf1) =	vsort.ascd.msk.f32 $0xffff, v16, v26;
	v2 =	vsel vm0, v27, v2;
	v10 =	vsel vm0, v54, v53  }
0x4d3: {  	v1 =	vsel vm0, v4, v1;
	v16 =	vor.u32 v48, v7;
	v53 =	vpop (erf);
	(xrf1) =	vsort.ascd.msk.f32 $0xffff, v2, v10  }
0x4d4: {  	(erf) = vrcp.f32 v11;
	v11 =	vsel vm0, v15, v12;
	v12 =	vld.idx.msk [tilespmem:v14+s2+$0x0], $0xffff;
	v14, v15, _ =	vpop (xrf1);
	(xrf1) =	vsort.ascd.msk.f32 $0xffff, v13, v23  }
0x4d5: {  	v26 =	vor.u32 v48, v24;
	_, v41, _ =	vpop (xrf1)  }
0x4d6: {  	v2 =	vld.idx.msk [tilespmem:v5+s2+$0x0], $0xffff;
	v4, v5, _ =	vpop (xrf1)  }
0x4d7: {  	v46 =	vadd.s32 v57, v31;
	(xrf1) =	vsort.ascd.msk.f32 $0xffff, v1, v11;
	v1 =	vpop (erf)  }
0x4d8: {  	v24 =	vor.u32 v48, v6;
	[tilespmem:$0x1FD80] =	vst v16;
	(xrf1) =	vsort.ascd.msk.f32 $0xffff, v8, v21;
	v4 =	vperm.xlane v4, v9;
	v7, v8, _ =	vpop (xrf1)  }
0x4d9: {  	v6 =	vshrl.u32 v41, $0x3;
	v5 =	vperm.xlane v5, v9;
	v27 =	vmul.f32 v1, v3;
	v11 =	vld.idx.msk [tilespmem:v16+s8+$0x0], $0xffff;
	v1, v3, _ =	vpop (xrf1)  }
0x4da: {  	v37 =	vperm.xlane v37, v9;
	v10 =	vshll.u32 v41, $0x7;
	v6 =	vmul.u32 $0xC00, v6;
	v55 =	vld.idx.msk [tilespmem:v26+s8+$0x0], $0xffff;
	(xrf1) =	vsort.ascd.msk.f32 $0xffff, v12, v63;
	v12, v13, _ =	vpop (xrf1)  }
0x4db: {  	v7 =	vperm.xlane v7, v9;
	v4 =	vsel vm0, v14, v4;
	v5 =	vsel vm0, v15, v5;
	v14, v15, _ =	vpop (xrf1)  }
0x4dc: {  	v10 =	vand.u32 $0x380, v10;
	v8 =	vperm.xlane v8, v9;
	(xrf1) =	vsort.ascd.msk.f32 $0xffff, v2, v21;
	v6 =	vadd.s32 v30, v6;
	v59, v58, _ =	vpop (xrf1)  }
0x4dd: {  	v2 =	vperm.xlane v35, v9;
	v6 =	vor.u32 v10, v6;
	v15 =	vperm.xlane v15, v9;
	v61, v60, _ =	vpop (xrf1)  }
0x4de: {  	(xrf1) =	vsort.ascd.msk.f32 $0xffff, v4, v5;
	v4 =	vor.u32 v29, v6;
	v5 =	vperm.xlane v14, v9;
	v6 =	vmul.f32 $1.442695020e+00, v11;
	v11, v14, _ =	vpop (xrf1)  }
0x4df: {  	v42 =	vadd.s32 v20, v31;
	v1 =	vperm.xlane v1, v9;
	v47 =	vmul.f32 $1.442695020e+00, v55;
	v29, v62, _ =	vpop (xrf1)  }
0x4e0: {  	v44 =	vld.idx.msk [tilespmem:v24+s8+$0x0], $0xffff;
	v3 =	vperm.xlane v3, v9;
	v10 =	vperm.xlane v59, v9;
	v13 =	vsel vm0, v13, v15;
	_, v35, _ =	vpop (xrf1)  }
0x4e1: {  	v15 =	vperm.xlane v58, v9;
	v5 =	vsel vm0, v12, v5;
	(erf) = vpow2.f32 v47;
	v12, v49, _ =	vpop (xrf1)  }
0x4e2: {  	v7 =	vsel vm0, v61, v7;
	v8 =	vsel vm0, v60, v8;
	v14 =	vperm.xlane v14, v9;
	v52, v51, _ =	vpop (xrf1)  }
0x4e3: {  	v56 =	vnsel vm0, $0x0, v53;
	(xrf1) =	vsort.ascd.msk.f32 $0xffff, v7, v8;
	v8 =	vsel vm0, v52, v10;
	v10 =	vsel vm0, v51, v15  }
0x4e4: {  	v30 =	vpop (erf);
	v11 =	vperm.xlane v11, v9;
	(erf) = vpow2.f32 v6;
	v1 =	vsel vm0, v29, v1  }
0x4e5: {  	(xrf2) =	vadd.scan.msk.f32 $0xffff, v56;
	v3 =	vsel vm0, v62, v3;
	v50 =	vshrl.u32 v35, $0x3;
	v15 =	vmul.f32 $1.442695020e+00, v44  }
0x4e6: {  	v29 =	vor.u32 v48, v36;
	v7 =	vmul.f32 v30, v34;
	v54 =	vmul.u32 $0xC00, v50;
	_, v30, _ =	vpop (xrf1);
	(xrf1) =	vsort.ascd.msk.f32 $0xffff, v8, v10  }
0x4e7: {  	s28 =	simm.s32 $0x8;
	v55 =	vsel vm0, v49, v37;
	v2 =	vsel vm0, v12, v2;
	(erf) = vpow2.f32 v15;
	v8, v10, _ =	vpop (xrf1);
	(xrf1) =	vsort.ascd.msk.f32 $0xffff, v5, v13  }
0x4e8: {  	v13 =	vmov s28;
	v10 =	vsel vm0, v10, v14;
	(xrf1) =	vsort.ascd.msk.f32 $0xffff, v1, v3;
	v1 =	vshrl.u32 v30, $0x3  }
0x4e9: {  	s29 =	simm.s32 $0x9;
	v5 =	vsel vm0, v8, v11;
	v3 =	vadd.s32 v32, v54;
	v6, v8, _ =	vpop (xrf1);
	v1 =	vmul.u32 $0xC00, v1  }
0x4ea: {  	v40 =	vpop (erf);
	(xrf1) =	vsort.ascd.msk.f32 $0xffff, v2, v55;
	v2 =	vmov s29;
	v6 =	vperm.xlane v6, v9;
	v8 =	vperm.xlane v8, v9  }
0x4eb: {  	v11, v12, _ =	vpop (xrf1);
	(xrf1) =	vsort.ascd.msk.f32 $0xffff, v5, v10;
	v10 =	vnsel vm0, $0x0, v40;
	v37 =	vand.u32 $0x7D, v2;
	v44 =	vadd.s32 v28, v1  }
0x4ec: {  	s30 =	simm.s32 $0xA;
	v1 =	vshll.u32 v2, $0x3;
	v6 =	vsel vm0, v11, v6;
	v8 =	vsel vm0, v12, v8  }
0x4ed: {  	v11 =	vmov s30;
	v12 =	vshll.u32 v35, $0x7;
	v14 =	vand.u32 $0x400, v1  }
0x4ee: {  	s31 =	simm.s32 $0xB;
	(xrf2) =	vadd.scan.msk.f32 $0xffff, v10;
	v5 =	vshll.u32 v11, $0x3;
	v32 =	vand.u32 $0x7E, v11;
	v2 =	vand.u32 $0x380, v12  }
0x4ef: {  	v36 =	vpop (erf);
	v52 =	vor.u32 v14, v37;
	(xrf1) =	vsort.ascd.msk.f32 $0xffff, v6, v8;
	v8 =	vmov s31;
	v34 =	vand.u32 $0x400, v5  }
0x4f0: {  	[tilespmem:$0x1FD90] =	vst v14;
	v1, _, _ =	vpop (xrf2);
	v6 =	vadd.s32 v25, v52;
	v50 =	vor.u32 v2, v3;
	v3 =	vshll.u32 v13, $0x3  }
0x4f1: {  	v47, v10, _ =	vpop (xrf1);
	v58 =	vadd.s32 v20, v52;
	[tilespmem:v4+s10+$0x0] =	vst.idx.msk $0xff, v7;
	v4 =	vnsel vm0, $0x0, v36;
	v56 =	vshll.u32 v8, $0x3  }
0x4f2: {  	v39 =	vpop (erf);
	v59 =	vld.idx.msk [tilespmem:v42+s2+$0x0], $0xffff;
	v42 =	vand.u32 $0x7F, v8;
	v51 =	vor.u32 v34, v32;
	v1 =	vbroadcast v1, $0xF  }
0x4f3: {  	v10 =	vperm.xlane v10, v9;
	v54 =	vnsel vm0, $0x0, v39;
	v15 =	vadd.s32 v57, v51  }
0x4f4: {  	v18 =	vmovc v23;
	v38 =	vand.u32 $0x400, v3;
	v3 =	vadd.s32 v25, v51;
	(erf) = vrcp.f32 v1  }
0x4f5: {  	v2 =	vld.idx.msk [tilespmem:v46+s2+$0x0], $0xffff;
	[tilespmem:v33+s12+$0x0] =	vst.idx.msk $0xff, v41;
	v41 =	vand.u32 $0x7C, v13;
	v13 =	vmov v57;
	v11, v12, _ =	vpop (xrf1);
	v1 =	vadd.s32 v22, v52  }
0x4f6: {  	v62 =	vld.idx.msk [tilespmem:v29+s8+$0x0], $0xffff;
	v33 =	vand.u32 $0x400, v56;
	v50 =	vor.u32 v45, v50;
	v8 =	vadd.s32 v13, v52;
	v49, v48, _ =	vpop (xrf1)  }
0x4f7: {  	v16 =	vadd.s32 v22, v51;
	v60 =	vadd.s32 v20, v51;
	v46 =	vor.u32 v33, v42;
	v61 =	vld.idx.msk [tilespmem:v6+s2+$0x0], $0xffff;
	v55, v7, _ =	vpop (xrf1)  }
0x4f8: {  	v11 =	vperm.xlane v11, v9;
	v6, _, _ =	vpop (xrf2);
	v57 =	vld.idx.msk [tilespmem:v15+s2+$0x0], $0xffff;
	v56 =	vsel vm0, v7, v10;
	v10 =	vmov v63  }
0x4f9: {  	v45 =	vor.u32 v38, v41;
	v12 =	vperm.xlane v12, v9;
	(xrf2) =	vadd.scan.msk.f32 $0xffff, v4;
	v3 =	vld.idx.msk [tilespmem:v3+s2+$0x0], $0xffff;
	v6 =	vbroadcast v6, $0xF  }
0x4fa: {  	v43 =	vshll.u32 v30, $0x7;
	v5, v14, _ =	vpop (xrf1);
	v63 =	vperm.xlane v47, v9;
	v7 =	vadd.s32 v25, v46;
	v4 =	vld.idx.msk [tilespmem:v1+s2+$0x0], $0xffff;
	(xrf2) =	vadd.scan.msk.f32 $0xffff, v54  }
0x4fb: {  	v54 =	vld.idx.msk [tilespmem:v8+s2+$0x0], $0xffff;
	_, v47, _ =	vpop (xrf1);
	(xrf1) =	vsort.ascd.msk.f32 $0xffff, v59, v10;
	v59 =	vadd.s32 v13, v46;
	v5 =	vperm.xlane v5, v9  }
0x4fc: {  	v13 =	vperm.xlane v14, v9;
	v14 =	vadd.s32 v22, v46;
	(erf) = vrcp.f32 v6;
	(xrf1) =	vsort.ascd.msk.f32 $0xffff, v2, v21;
	v1, v10, _ =	vpop (xrf1)  }
0x4fd: {  	v2 =	vld.idx.msk [tilespmem:v16+s2+$0x0], $0xffff;
	v6 =	vpop (erf);
	v11 =	vsel vm0, v1, v11;
	v12 =	vsel vm0, v10, v12;
	v10 =	vadd.s32 v25, v45  }
0x4fe: {  	s24 =	simm.s32 $0xC;
	v1 =	vld.idx.msk [tilespmem:v58+s2+$0x0], $0xffff;
	v53 =	vmul.f32 v6, v53;
	v58 =	vadd.s32 v20, v46;
	v6 =	vadd.s32 v22, v45;
	v8, v15, _ =	vpop (xrf1)  }
.LBB2_12:
0x4ff: {  	v19 =	vld [tilespmem:$0x1FD50];
	_ =	sdelay $0x2  }
0x500: {  	v7 =	vld.idx.msk [tilespmem:v7+s2+$0x0], $0xffff;
	[tilespmem:v50+s10+$0x0] =	vst.idx.msk $0xff, v53  }
0x501: {  	v14 =	vld.idx.msk [tilespmem:v14+s2+$0x0], $0xffff;
	(xrf1) =	vsort.ascd.msk.f32 $0xffff, v4, v18  }
0x502: {  	v13 =	vsel vm0, v15, v13;
	v15 =	vmul.f32 $1.442695020e+00, v62;
	(xrf1) =	vsort.ascd.msk.f32 $0xffff, v11, v12;
	v11 =	vld [tilespmem:$0x1FCD0]  }
0x503: {  	v12 =	vld [tilespmem:$0x1FCB0]  }
0x504: {  	(erf) = vpow2.f32 v15;
	v15 =	vld [tilespmem:$0x1FCC0]  }
0x505: {  	v63 =	vsel vm0, v55, v63;
	v55 =	vshrl.u32 v47, $0x3;
	[tilespmem:v19+s12+$0x0] =	vst.idx.msk $0xff, v35;
	v19 =	vld [tilespmem:$0x1FF90]  }
0x506: {  	v4 =	vmul.u32 $0xC00, v55  }
0x507: {  	v17 =	vshll.u32 v47, $0x7;
	v43 =	vand.u32 $0x380, v43  }
0x508: {  	v17 =	vand.u32 $0x380, v17;
	v4 =	vadd.s32 v11, v4;
	v11 =	vor.u32 v43, v44  }
0x509: {  	v10 =	vld.idx.msk [tilespmem:v10+s2+$0x0], $0xffff;
	v4 =	vor.u32 v17, v4;
	v11 =	vor.u32 v12, v11  }
0x50a: {  	v6 =	vld.idx.msk [tilespmem:v6+s2+$0x0], $0xffff;
	v16, _, _ =	vpop (xrf2);
	v4 =	vor.u32 v15, v4;
	(xrf1) =	vsort.ascd.msk.f32 $0xffff, v61, v19  }
0x50b: {  	v12, _, _ =	vpop (xrf2);
	v15 =	vld [tilespmem:$0x1FCF0];
	(xrf1) =	vsort.ascd.msk.f32 $0xffff, v3, v19  }
0x50c: {  	v3 =	vsel vm0, v8, v5;
	v5 =	vpop (erf);
	(xrf1) =	vsort.ascd.msk.f32 $0xffff, v7, v19;
	v7 =	vbroadcast v12, $0xF;
	v12 =	vld [tilespmem:$0x1FD70]  }
0x50d: {  	v22 =	vld [tilespmem:$0x1FFF0];
	v5 =	vmul.f32 v5, v40  }
0x50e: {  	[tilespmem:v11+s10+$0x0] =	vst.idx.msk $0xff, v27;
	v11 =	vld [tilespmem:$0x1FD60]  }
0x50f: {  	[tilespmem:v4+s10+$0x0] =	vst.idx.msk $0xff, v5;
	v4 =	vld [tilespmem:$0x1FCE0];
	_ =	sdelay $0x1  }
0x510: {  	v60 =	vld.idx.msk [tilespmem:v60+s2+$0x0], $0xffff;
	(xrf1) =	vsort.ascd.msk.f32 $0xffff, v54, v21;
	v17 =	vmovc v15;
	v15 =	vmov v37;
	v8 =	vmov v12;
	v12 =	vmov v38  }
0x511: {  	(xrf1) =	vsort.ascd.msk.f32 $0xffff, v1, v22;
	[tilespmem:$0x1FD70] =	vst v12;
	v12 =	vld [tilespmem:$0x1FD30]  }
0x512: {  	(erf) = vrcp.f32 v7  }
0x513: {  	[tilespmem:$0x1FCF0] =	vst v15;
	v7 =	vmov v24;
	v15 =	vmov v11;
	v1, v11, _ =	vpop (xrf1);
	(xrf1) =	vsort.ascd.msk.f32 $0xffff, v10, v19  }
0x514: {  	[tilespmem:$0x1FCE0] =	vst v7;
	v1 =	vperm.xlane v1, v9;
	(xrf1) =	vsort.ascd.msk.f32 $0xffff, v2, v18  }
0x515: {  	[tilespmem:$0x1FCD0] =	vst v8;
	v2 =	vperm.xlane v11, v9;
	(xrf1) =	vsort.ascd.msk.f32 $0xffff, v60, v22  }
0x516: {  	v7 =	vld.idx.msk [tilespmem:v58+s2+$0x0], $0xffff;
	v8 =	vbroadcast v16, $0xF;
	[tilespmem:v4+s12+$0x0] =	vst.idx.msk $0xff, v30;
	v4, v5, _ =	vpop (xrf1);
	(xrf1) =	vsort.ascd.msk.f32 $0xffff, v14, v18;
	v53 =	vmov v12  }
0x517: {  	v12 =	vmov v42;
	v10 =	vsel vm0, v4, v1;
	v2 =	vsel vm0, v5, v2;
	v4, v5, _ =	vpop (xrf1);
	(xrf1) =	vsort.ascd.msk.f32 $0xffff, v3, v13  }
0x518: {  	v54 =	vpop (erf);
	v19 =	vld [tilespmem:$0x1FFA0];
	(xrf1) =	vsort.ascd.msk.f32 $0xffff, v10, v2  }
0x519: {  	(erf) = vrcp.f32 v8;
	v8 =	vld.idx.msk [tilespmem:v59+s2+$0x0], $0xffff;
	_, v1, _ =	vpop (xrf1);
	(xrf1) =	vsort.ascd.msk.f32 $0xffff, v6, v18  }
0x51a: {  	[tilespmem:$0x1FD30] =	vst v12;
	v12 =	vmov v41;
	v2, v6, _ =	vpop (xrf1);
	(xrf1) =	vsort.ascd.msk.f32 $0xffff, v63, v56  }
0x51b: {  	v2 =	vperm.xlane v2, v9;
	v16 =	vperm.xlane v6, v9;
	(xrf1) =	vsort.ascd.msk.f32 $0xffff, v57, v21;
	v13, v14, _ =	vpop (xrf1)  }
0x51c: {  	[tilespmem:$0x1FCB0] =	vst v17;
	(xrf1) =	vsort.ascd.msk.f32 $0xffff, v7, v22;
	v6, v7, _ =	vpop (xrf1)  }
0x51d: {  	v25 =	vld [tilespmem:$0x1FFE0];
	v3 =	vor.u32 v19, v51;
	[tilespmem:$0x1FD60] =	vst v12;
	v12 =	vpop (erf);
	v2 =	vsel vm0, v4, v2;
	v4 =	vsel vm0, v5, v16  }
0x51e: {  	v23 =	vld [tilespmem:$0x1FFD0];
	[tilespmem:$0x1FCC0] =	vst v15;
	v28 =	vmul.f32 v12, v39;
	v12 =	vperm.xlane v13, v9;
	v13, v15, _ =	vpop (xrf1);
	(xrf1) =	vsort.ascd.msk.f32 $0xffff, v8, v21  }
0x51f: {  	[tilespmem:v26+s12+$0x0] =	vst.idx.msk $0xff, v47;
	v26 =	vor.u32 v19, v31;
	v10 =	vshrl.u32 v1, $0x3;
	v16, v17, _ =	vpop (xrf1);
	(xrf1) =	vsort.ascd.msk.f32 $0xffff, v2, v4;
	v4 =	vld [tilespmem:$0x1FD20]  }
0x520: {  	v10 =	vmul.u32 $0xC00, v10  }
0x521: {  	v24 =	vor.u32 v19, v52;
	v11 =	vshll.u32 v1, $0x7  }
0x522: {  	v11 =	vand.u32 $0x380, v11  }
0x523: {  	v20 =	vmov v29;
	v5 =	vld.idx.msk [tilespmem:v3+s8+$0x0], $0xffff  }
0x524: {  	v50 =	vadd.s32 v25, v45;
	v62 =	vadd.s32 v23, v45;
	v2 =	vld.idx.msk [tilespmem:v26+s8+$0x0], $0xffff;
	v4 =	vadd.s32 v4, v10;
	v10, v29, _ =	vpop (xrf1)  }
0x525: {  	v44 =	vperm.xlane v48, v9;
	v31 =	vmov v45;
	v4 =	vor.u32 v11, v4;
	v11 =	vpop (erf)  }
0x526: {  	v18 =	vmov v34;
	v30 =	vld.idx.msk [tilespmem:v24+s8+$0x0], $0xffff;
	v14 =	vperm.xlane v14, v9;
	v6 =	vperm.xlane v6, v9;
	v45, v47, _ =	vpop (xrf1)  }
0x527: {  	v7 =	vperm.xlane v7, v9;
	[tilespmem:$0x1FD20] =	vst v18;
	v18 =	vld [tilespmem:$0x1FD10];
	v21 =	vperm.xlane v17, v9;
	v17, v48, _ =	vpop (xrf1)  }
0x528: {  	v8 =	vperm.xlane v49, v9;
	v49 =	vperm.xlane v29, v9;
	v29, v51, _ =	vpop (xrf1)  }
0x529: {  	v5 =	vmul.f32 $1.442695020e+00, v5;
	v2 =	vmul.f32 $1.442695020e+00, v2;
	_, v35, _ =	vpop (xrf1)  }
0x52a: {  	[tilespmem:$0x1FD50] =	vst v20;
	v10 =	vperm.xlane v10, v9;
	v12 =	vsel vm0, v45, v12;
	v14 =	vsel vm0, v47, v14;
	v56, v52, _ =	vpop (xrf1)  }
0x52b: {  	v20 =	vnsel vm0, $0x0, v54;
	(erf) = vpow2.f32 v2;
	v57, v58, _ =	vpop (xrf1);
	(xrf1) =	vsort.ascd.msk.f32 $0xffff, v12, v14;
	v12 =	vmul.f32 $1.442695020e+00, v30  }
0x52c: {  	(xrf2) =	vadd.scan.msk.f32 $0xffff, v20;
	v16 =	vperm.xlane v16, v9;
	v4 =	vor.u32 v18, v4;
	v18 =	vmovc v32;
	(erf) = vpow2.f32 v5  }
0x52d: {  	[tilespmem:$0x1FD10] =	vst v18;
	v14 =	vsel vm0, v57, v10;
	v18 =	vsel vm0, v58, v49;
	(erf) = vpow2.f32 v12;
	v12 =	vld [tilespmem:$0x1FD80]  }
0x52e: {  	v15 =	vsel vm0, v15, v21;
	v13 =	vsel vm0, v13, v16;
	_, v30, _ =	vpop (xrf1);
	(xrf1) =	vsort.ascd.msk.f32 $0xffff, v14, v18  }
0x52f: {  	v6 =	vsel vm0, v29, v6;
	v7 =	vsel vm0, v51, v7;
	v2, v10, _ =	vpop (xrf1);
	(xrf1) =	vsort.ascd.msk.f32 $0xffff, v13, v15  }
0x530: {  	v29 =	vor.u32 v19, v46;
	v19 =	vmul.f32 v11, v36;
	v16 =	vshrl.u32 v35, $0x3;
	v5, v11, _ =	vpop (xrf1);
	(xrf1) =	vsort.ascd.msk.f32 $0xffff, v6, v7;
	v7 =	vld [tilespmem:$0x1FD40]  }
0x531: {  	v32 =	vperm.xlane v48, v9;
	v16 =	vmul.u32 $0xC00, v16;
	v5 =	vperm.xlane v5, v9  }
0x532: {  	v20 =	vperm.xlane v17, v9;
	v17 =	vsel vm0, v52, v44;
	v8 =	vsel vm0, v56, v8;
	v13, v14, _ =	vpop (xrf1)  }
0x533: {  	v6 =	vshrl.u32 v30, $0x3;
	v11 =	vperm.xlane v11, v9;
	v5 =	vsel vm0, v13, v5;
	v13 =	vld [tilespmem:$0x1FD00]  }
0x534: {  	[tilespmem:v4+s10+$0x0] =	vst.idx.msk $0xff, v19;
	v10 =	vsel vm0, v10, v32;
	v2 =	vsel vm0, v2, v20;
	v18 =	vmul.u32 $0xC00, v6  }
0x535: {  	s25 =	smov.u32 s24;
	v40 =	vpop (erf);
	v11 =	vsel vm0, v14, v11;
	v7 =	vadd.s32 v7, v16;
	[tilespmem:v12+s12+$0x0] =	vst.idx.msk $0xff, v1;
	v12 =	vmov v3  }
0x536: {  	v15, v16, _ =	vpop (xrf1);
	(xrf1) =	vsort.ascd.msk.f32 $0xffff, v8, v17;
	v8 =	vld [tilespmem:$0x1FD90];
	v1 =	vmov s25;
	v3 =	vmov v33;
	[tilespmem:$0x1FD80] =	vst v12  }
0x537: {  	s0 =	sadd.s32 $0x1, s25;
	s1 =	sadd.s32 $0x2, s25;
	(xrf1) =	vsort.ascd.msk.f32 $0xffff, v2, v10;
	v2 =	vnsel vm0, $0x0, v40;
	v63 =	vperm.xlane v15, v9;
	[tilespmem:$0x1FD40] =	vst v3  }
0x538: {  	s3 =	sadd.s32 $0x3, s25;
	v4, _, _ =	vpop (xrf2);
	v3 =	vmov s0;
	v12 =	vmov s1;
	v44 =	vadd.s32 v13, v18;
	(xrf2) =	vadd.scan.msk.f32 $0xffff, v2  }
0x539: {  	v13 =	vshll.u32 v35, $0x7;
	(xrf1) =	vsort.ascd.msk.f32 $0xffff, v5, v11;
	v2 =	vbroadcast v4, $0xF;
	v5 =	vmov s3  }
0x53a: {  	v58 =	vld [tilespmem:$0x1FFC0];
	v36 =	vpop (erf);
	v41 =	vand.u32 $0x7C, v1;
	v37 =	vand.u32 $0x7D, v3;
	v32 =	vand.u32 $0x7E, v12  }
0x53b: {  	v27 =	vld [tilespmem:$0x1FFB0];
	v42 =	vand.u32 $0x7F, v5;
	(erf) = vrcp.f32 v2;
	v6 =	vmovc v8;
	v8 =	vshll.u32 v12, $0x3  }
0x53c: {  	v12 =	vperm.xlane v16, v9;
	[tilespmem:$0x1FD00] =	vst v6;
	v6 =	vshll.u32 v3, $0x3;
	v34 =	vand.u32 $0x400, v8  }
0x53d: {  	v39 =	vpop (erf);
	v3 =	vand.u32 $0x380, v13;
	v6 =	vand.u32 $0x400, v6;
	v51 =	vor.u32 v34, v32  }
0x53e: {  	v13 =	vnsel vm0, $0x0, v39;
	v52 =	vor.u32 v6, v37;
	v11 =	vadd.s32 v23, v51  }
0x53f: {  	v3 =	vor.u32 v3, v7;
	v7, v10, _ =	vpop (xrf1);
	[tilespmem:$0x1FD90] =	vst v6;
	v6 =	vshll.u32 v1, $0x3;
	v4 =	vadd.s32 v58, v52  }
0x540: {  	v14 =	vld.idx.msk [tilespmem:v50+s2+$0x0], $0xffff;
	v17 =	vperm.xlane v7, v9;
	v7 =	vnsel vm0, $0x0, v36;
	v2 =	vadd.s32 v27, v52  }
0x541: {  	v16 =	vld.idx.msk [tilespmem:v62+s2+$0x0], $0xffff;
	v18 =	vadd.s32 v27, v51;
	v38 =	vand.u32 $0x400, v6;
	v6 =	vadd.s32 v58, v51  }
0x542: {  	v62 =	vld.idx.msk [tilespmem:v29+s8+$0x0], $0xffff;
	v49, v48, _ =	vpop (xrf1);
	v60 =	vadd.s32 v25, v51;
	v8 =	vadd.s32 v25, v52;
	(xrf2) =	vadd.scan.msk.f32 $0xffff, v7;
	v7 =	vshll.u32 v5, $0x3  }
0x543: {  	v19 =	vperm.xlane v10, v9;
	v55, v59, _ =	vpop (xrf1);
	v5 =	vadd.s32 v23, v52;
	v33 =	vand.u32 $0x400, v7;
	v57 =	vld.idx.msk [tilespmem:v11+s2+$0x0], $0xffff  }
0x544: {  	v50 =	vor.u32 v53, v3;
	v20, v21, _ =	vpop (xrf1);
	v45 =	vor.u32 v38, v41;
	v46 =	vor.u32 v33, v42;
	v61 =	vld.idx.msk [tilespmem:v4+s2+$0x0], $0xffff  }
0x545: {  	p0 =	slt.u32 s24, $0xFC;
	v56 =	vsel vm0, v59, v12;
	v10 =	vadd.s32 v58, v45;
	v7 =	vadd.s32 v58, v46;
	v1, _, _ =	vpop (xrf2);
	v4 =	vld.idx.msk [tilespmem:v2+s2+$0x0], $0xffff  }
.Ltmp5:
0x546: {  	v59 =	vadd.s32 v23, v46;
	(xrf2) =	vadd.scan.msk.f32 $0xffff, v13;
	v58 =	vadd.s32 v25, v46;
	v13 =	vpop (erf);
	v3 =	vld.idx.msk [tilespmem:v6+s2+$0x0], $0xffff;
	(pc) =	sbr.rel @p0 .LBB2_12-.Ltmp5, $4  }
0x547: {  	v43 =	vshll.u32 v30, $0x7;
	v2 =	vbroadcast v1, $0xF;
	_, v47, _ =	vpop (xrf1);
	(xrf1) =	vsort.ascd.msk.f32 $0xffff, v14, v22;
	v6 =	vadd.s32 v27, v45;
	v1 =	vld.idx.msk [tilespmem:v8+s2+$0x0], $0xffff  }
0x548: {  	v14 =	vadd.s32 v27, v46;
	v53 =	vmul.f32 v13, v54;
	v54 =	vld.idx.msk [tilespmem:v5+s2+$0x0], $0xffff;
	v5 =	vperm.xlane v20, v9  }
0x549: {  	v13 =	vperm.xlane v21, v9;
	v21 =	vlaneseq.u32;
	v8, v12, _ =	vpop (xrf1);
	(erf) = vrcp.f32 v2;
	v2 =	vld.idx.msk [tilespmem:v18+s2+$0x0], $0xffff  }
0x54a: {  	s24 =	sadd.s32 $0x4, s24;
	v27 =	vmov v28;
	(xrf1) =	vsort.ascd.msk.f32 $0xffff, v16, v21;
	v18 =	vld [tilespmem:$0x1FF80];
	v11 =	vsel vm0, v8, v17;
	v12 =	vsel vm0, v12, v19;
	v8, v15, _ =	vpop (xrf1)  }
0x54b: {  	_ =	sdelay $0x1  }
0x54c: {  	v28 =	vld [tilespmem:$0x1FF90];
	_ =	sdelay $0x1  }
0x54d: {  	v19 =	vld.idx.msk [tilespmem:v7+s2+$0x0], $0xffff;
	(xrf1) =	vsort.ascd.msk.f32 $0xffff, v4, v18  }
0x54e: {  	(xrf1) =	vsort.ascd.msk.f32 $0xffff, v11, v12  }
0x54f: {  	v23 =	vld [tilespmem:$0x1FFF0]  }
0x550: {  	v12 =	vld.idx.msk [tilespmem:v10+s2+$0x0], $0xffff;
	(xrf1) =	vsort.ascd.msk.f32 $0xffff, v61, v28  }
0x551: {  	v25 =	vld [tilespmem:$0x1FFA0];
	v10 =	vmul.f32 $1.442695020e+00, v62;
	(xrf1) =	vsort.ascd.msk.f32 $0xffff, v3, v28  }
0x552: {  	v3 =	vld.idx.msk [tilespmem:v60+s2+$0x0], $0xffff;
	(xrf1) =	vsort.ascd.msk.f32 $0xffff, v19, v28  }
0x553: {  	v14 =	vld.idx.msk [tilespmem:v14+s2+$0x0], $0xffff;
	(xrf1) =	vsort.ascd.msk.f32 $0xffff, v54, v21  }
0x554: {  	(erf) = vpow2.f32 v10;
	(xrf1) =	vsort.ascd.msk.f32 $0xffff, v1, v23;
	v17, v16, _ =	vpop (xrf1)  }
0x555: {  	v1 =	vld.idx.msk [tilespmem:v6+s2+$0x0], $0xffff;
	(xrf1) =	vsort.ascd.msk.f32 $0xffff, v12, v28;
	v6 =	vperm.xlane v17, v9  }
0x556: {  	v5 =	vsel vm0, v8, v5;
	v54 =	vor.u32 v25, v31;
	(xrf1) =	vsort.ascd.msk.f32 $0xffff, v2, v18;
	v8, v10, _ =	vpop (xrf1)  }
0x557: {  	v7 =	vperm.xlane v16, v9;
	(xrf1) =	vsort.ascd.msk.f32 $0xffff, v3, v23;
	v6 =	vsel vm0, v8, v6  }
0x558: {  	v60 =	vpop (erf);
	v3 =	vsel vm0, v15, v13;
	(xrf1) =	vsort.ascd.msk.f32 $0xffff, v14, v18  }
0x559: {  	v2, _, _ =	vpop (xrf2);
	v7 =	vsel vm0, v10, v7;
	(xrf1) =	vsort.ascd.msk.f32 $0xffff, v5, v3  }
0x55a: {  	v19, _, _ =	vpop (xrf2);
	(xrf1) =	vsort.ascd.msk.f32 $0xffff, v6, v7  }
0x55b: {  	v3 =	vld.idx.msk [tilespmem:v58+s2+$0x0], $0xffff;
	v5, v6, _ =	vpop (xrf1);
	(xrf1) =	vsort.ascd.msk.f32 $0xffff, v1, v18;
	v1 =	vsel vm0, v55, v63  }
0x55c: {  	_, v55, _ =	vpop (xrf1);
	(xrf1) =	vsort.ascd.msk.f32 $0xffff, v1, v56;
	v56 =	vld.idx.msk [tilespmem:v54+s8+$0x0], $0xffff  }
0x55d: {  	v58 =	vpop (erf);
	v1 =	vbroadcast v19, $0xF  }
0x55e: {  	v2 =	vbroadcast v2, $0xF;
	v8, v10, _ =	vpop (xrf1)  }
0x55f: {  	v62 =	vld.idx.msk [tilespmem:v59+s2+$0x0], $0xffff;
	(xrf1) =	vsort.ascd.msk.f32 $0xffff, v57, v21;
	v63, v11, _ =	vpop (xrf1)  }
0x560: {  	(xrf1) =	vsort.ascd.msk.f32 $0xffff, v3, v23;
	v3, v13, _ =	vpop (xrf1)  }
0x561: {  	(erf) = vrcp.f32 v1;
	v1, v57, _ =	vpop (xrf1);
	v12 =	vmul.f32 $1.442695020e+00, v56  }
0x562: {  	v51 =	vor.u32 v25, v51;
	(erf) = vrcp.f32 v2;
	v2, v59, _ =	vpop (xrf1)  }
0x563: {  	v31 =	vor.u32 v25, v52;
	v10 =	vperm.xlane v10, v9;
	v61, v16, _ =	vpop (xrf1)  }
0x564: {  	v8 =	vperm.xlane v8, v9;
	v4 =	vperm.xlane v63, v9;
	(xrf1) =	vsort.ascd.msk.f32 $0xffff, v62, v21;
	v17, v62, _ =	vpop (xrf1)  }
0x565: {  	v6 =	vsel vm0, v6, v10;
	v10 =	vperm.xlane v11, v9;
	v2 =	vperm.xlane v2, v9;
	v15, v19, _ =	vpop (xrf1)  }
0x566: {  	v18 =	vld [tilespmem:$0x1FFE0];
	v5 =	vsel vm0, v5, v8;
	v8 =	vperm.xlane v59, v9;
	(erf) = vpow2.f32 v12;
	v11, v12, _ =	vpop (xrf1)  }
0x567: {  	v3 =	vperm.xlane v3, v9;
	(xrf1) =	vsort.ascd.msk.f32 $0xffff, v5, v6;
	v5 =	vld.idx.msk [tilespmem:v51+s8+$0x0], $0xffff;
	v63 =	vperm.xlane v61, v9;
	_, v52, _ =	vpop (xrf1)  }
0x568: {  	v16 =	vperm.xlane v16, v9;
	v7 =	vsel vm0, v57, v8;
	v8 =	vld.idx.msk [tilespmem:v31+s8+$0x0], $0xffff;
	v4 =	vsel vm0, v17, v4;
	v14, v17, _ =	vpop (xrf1)  }
0x569: {  	v10 =	vsel vm0, v62, v10;
	v1 =	vsel vm0, v1, v2;
	v3 =	vsel vm0, v11, v3;
	v2, v11, _ =	vpop (xrf1)  }
0x56a: {  	(xrf1) =	vsort.ascd.msk.f32 $0xffff, v4, v10;
	v2 =	vsel vm0, v2, v63;
	v10 =	vsel vm0, v11, v16;
	v63 =	vld [tilespmem:$0x1FFD0]  }
0x56b: {  	v56 =	vperm.xlane v49, v9;
	v57 =	vnsel vm0, $0x0, v58;
	v62 =	vpop (erf)  }
0x56c: {  	(xrf2) =	vadd.scan.msk.f32 $0xffff, v57;
	v61 =	vpop (erf);
	v5 =	vmul.f32 $1.442695020e+00, v5;
	v11 =	vperm.xlane v13, v9  }
0x56d: {  	v59 =	vperm.xlane v48, v9;
	v6 =	vadd.s32 v18, v45;
	v8 =	vmul.f32 $1.442695020e+00, v8;
	_, v48, _ =	vpop (xrf1);
	(xrf1) =	vsort.ascd.msk.f32 $0xffff, v2, v10  }
0x56e: {  	(erf) = vpow2.f32 v5;
	v11 =	vsel vm0, v12, v11;
	(xrf1) =	vsort.ascd.msk.f32 $0xffff, v1, v7;
	v2, v10, _ =	vpop (xrf1)  }
0x56f: {  	(erf) = vpow2.f32 v8;
	(xrf1) =	vsort.ascd.msk.f32 $0xffff, v3, v11;
	v3 =	vsel vm0, v14, v56;
	v56 =	vpop (erf);
	v4 =	vadd.s32 v63, v45  }
0x570: {  	v19 =	vperm.xlane v19, v9;
	v15 =	vperm.xlane v15, v9;
	v13 =	vsel vm0, v17, v59;
	v1, v49, _ =	vpop (xrf1)  }
0x571: {  	(xrf1) =	vsort.ascd.msk.f32 $0xffff, v3, v13;
	v3 =	vnsel vm0, $0x0, v56;
	v1 =	vperm.xlane v1, v9;
	v5 =	vperm.xlane v49, v9  }
0x572: {  	v6 =	vld.idx.msk [tilespmem:v6+s2+$0x0], $0xffff;
	v16 =	vsel vm0, v10, v19;
	v2 =	vsel vm0, v2, v15;
	v8, v10, _ =	vpop (xrf1);
	(xrf2) =	vadd.scan.msk.f32 $0xffff, v3  }
0x573: {  	(xrf1) =	vsort.ascd.msk.f32 $0xffff, v2, v16;
	v1 =	vsel vm0, v8, v1;
	v17 =	vsel vm0, v10, v5  }
0x574: {  	(xrf1) =	vsort.ascd.msk.f32 $0xffff, v1, v17;
	v3 =	vld.idx.msk [tilespmem:v4+s2+$0x0], $0xffff;
	_ =	sdelay $0x2  }
0x575: {  	v57 =	vpop (erf);
	(xrf1) =	vsort.ascd.msk.f32 $0xffff, v6, v23  }
0x576: {  	v49 =	vpop (erf)  }
0x577: {  	v1, _, _ =	vpop (xrf2);
	(xrf1) =	vsort.ascd.msk.f32 $0xffff, v3, v21  }
0x578: {  	v2, v3, _ =	vpop (xrf1)  }
0x579: {  	v18 =	vnsel vm0, $0x0, v57;
	v59, v19, _ =	vpop (xrf1)  }
0x57a: {  	(xrf2) =	vadd.scan.msk.f32 $0xffff, v18;
	v7, _, _ =	vpop (xrf2)  }
0x57b: {  	v46 =	vor.u32 v25, v46;
	v16 =	vnsel vm0, $0x0, v49;
	v6, v8, _ =	vpop (xrf1)  }
0x57c: {  	(xrf2) =	vadd.scan.msk.f32 $0xffff, v16;
	v10, v11, _ =	vpop (xrf1)  }
0x57d: {  	v12, v17, _ =	vpop (xrf1)  }
0x57e: {  	v4 =	vperm.xlane v59, v9;
	v5 =	vperm.xlane v19, v9;
	_, v59, _ =	vpop (xrf1)  }
0x57f: {  	v45 =	vor.u32 v25, v45;
	v12 =	vperm.xlane v12, v9;
	v15, v16, _ =	vpop (xrf1)  }
0x580: {  	v14 =	vld.idx.msk [tilespmem:v46+s8+$0x0], $0xffff;
	v13 =	vperm.xlane v17, v9;
	v4 =	vsel vm0, v15, v4;
	v5 =	vsel vm0, v16, v5;
	v15, v16, _ =	vpop (xrf1)  }
0x581: {  	v12 =	vsel vm0, v15, v12  }
0x582: {  	(xrf1) =	vsort.ascd.msk.f32 $0xffff, v4, v5;
	v4 =	vsel vm0, v16, v13  }
0x583: {  	v1 =	vbroadcast v1, $0xF;
	v18 =	vbroadcast v7, $0xF;
	v16, v19, _ =	vpop (xrf1)  }
0x584: {  	v15, _, _ =	vpop (xrf2);
	v7 =	vperm.xlane v16, v9;
	v13 =	vperm.xlane v19, v9  }
0x585: {  	(erf) = vrcp.f32 v1;
	v1 =	vmul.f32 $1.442695020e+00, v14;
	(xrf1) =	vsort.ascd.msk.f32 $0xffff, v12, v4;
	v19 =	vld.idx.msk [tilespmem:v45+s8+$0x0], $0xffff;
	v4, v12, _ =	vpop (xrf1)  }
0x586: {  	(erf) = vrcp.f32 v18;
	v17, _, _ =	vpop (xrf2);
	v4 =	vsel vm0, v4, v7;
	v18 =	vsel vm0, v12, v13  }
0x587: {  	(erf) = vpow2.f32 v1;
	v1 =	vbroadcast v17, $0xF;
	(xrf1) =	vsort.ascd.msk.f32 $0xffff, v4, v18  }
0x588: {  	v14 =	vbroadcast v15, $0xF  }
0x589: {  	(erf) = vrcp.f32 v1  }
0x58a: {  	(erf) = vrcp.f32 v14;
	v1 =	vmul.f32 $1.442695020e+00, v19;
	_ =	sdelay $0x1  }
0x58b: {  	v17 =	vld [tilespmem:$0x1FCD0]  }
0x58c: {  	v19 =	vld [tilespmem:$0x1FCB0];
	(erf) = vpow2.f32 v1  }
0x58d: {  	v3 =	vperm.xlane v3, v9;
	v15 =	vshrl.u32 v47, $0x3;
	v18 =	vand.u32 $0x380, v43;
	v1 =	vpop (erf)  }
0x58e: {  	v2 =	vperm.xlane v2, v9;
	v4 =	vmul.u32 $0xC00, v15;
	v13 =	vor.u32 v18, v44;
	v5 =	vpop (erf)  }
0x58f: {  	v3 =	vsel vm0, v11, v3;
	v16 =	vshll.u32 v47, $0x7;
	v12 =	vpop (erf)  }
0x590: {  	v2 =	vsel vm0, v10, v2;
	v7 =	vand.u32 $0x380, v16;
	v4 =	vadd.s32 v17, v4;
	_, v14, _ =	vpop (xrf1)  }
0x591: {  	v4 =	vor.u32 v7, v4;
	v7 =	vor.u32 v19, v13;
	v19 =	vld [tilespmem:$0x1FD20];
	(xrf1) =	vsort.ascd.msk.f32 $0xffff, v2, v3;
	v3 =	vnsel vm0, $0x0, v12;
	v13 =	vpop (erf)  }
0x592: {  	v10 =	vpop (erf)  }
0x593: {  	v11 =	vshrl.u32 v55, $0x3;
	v2 =	vperm.xlane v6, v9;
	v6 =	vperm.xlane v8, v9;
	_, v8, _ =	vpop (xrf1)  }
0x594: {  	v20 =	vld [tilespmem:$0x1FD00];
	v11 =	vmul.u32 $0xC00, v11;
	(xrf2) =	vadd.scan.msk.f32 $0xffff, v3;
	v3, v44, _ =	vpop (xrf1)  }
0x595: {  	v43 =	vld [tilespmem:$0x1FCC0];
	v6 =	vsel vm0, v44, v6;
	v2 =	vsel vm0, v3, v2;
	v3 =	vpop (erf)  }
0x596: {  	v44 =	vld [tilespmem:$0x1FD40];
	(xrf1) =	vsort.ascd.msk.f32 $0xffff, v2, v6;
	v6 =	vadd.s32 v19, v11;
	v11 =	vnsel vm0, $0x0, v3  }
0x597: {  	(xrf2) =	vadd.scan.msk.f32 $0xffff, v11;
	v11 =	vld [tilespmem:$0x1FD10];
	[tilespmem:v50+s10+$0x0] =	vst.idx.msk $0xff, v53  }
0x598: {  	v22 =	vld [tilespmem:$0x1FD50];
	_ =	sdelay $0x1  }
0x599: {  	v15 =	vmul.f32 v60, v40;
	v60 =	vshll.u32 v55, $0x7  }
0x59a: {  	v2 =	vand.u32 $0x380, v60  }
0x59b: {  	v2 =	vor.u32 v2, v6  }
0x59c: {  	v4 =	vor.u32 v43, v4;
	v2 =	vor.u32 v11, v2;
	v11 =	vshrl.u32 v48, $0x3  }
0x59d: {  	v11 =	vmul.u32 $0xC00, v11;
	_ =	sdelay $0x1  }
0x59e: {  	v11 =	vadd.s32 v20, v11;
	v20 =	vld [tilespmem:$0x1FD30];
	[tilespmem:v22+s12+$0x0] =	vst.idx.msk $0xff, v35  }
0x59f: {  	v22 =	vld [tilespmem:$0x1FD70];
	[tilespmem:v7+s10+$0x0] =	vst.idx.msk $0xff, v27  }
0x5a0: {  	v7 =	vld [tilespmem:$0x1FCF0];
	[tilespmem:v4+s10+$0x0] =	vst.idx.msk $0xff, v15  }
0x5a1: {  	v43 =	vshll.u32 v52, $0x7;
	v4 =	vld [tilespmem:$0x1FD60];
	[tilespmem:v26+s12+$0x0] =	vst.idx.msk $0xff, v47  }
0x5a2: {  	v18 =	vand.u32 $0x380, v43;
	v43 =	vld [tilespmem:$0x1FCE0];
	_ =	sdelay $0x3  }
0x5a3: {  	v16 =	vmul.f32 v62, v39  }
0x5a4: {  	v62 =	vshll.u32 v48, $0x7;
	v40 =	vshrl.u32 v52, $0x3;
	v17 =	vmul.f32 v61, v36  }
0x5a5: {  	v60 =	vshrl.u32 v59, $0x3;
	v19 =	vand.u32 $0x380, v62;
	v6 =	vmul.u32 $0xC00, v40  }
0x5a6: {  	v39 =	vshll.u32 v14, $0x7;
	v61 =	vmul.u32 $0xC00, v60;
	v11 =	vor.u32 v19, v11;
	[tilespmem:v2+s10+$0x0] =	vst.idx.msk $0xff, v17  }
0x5a7: {  	v6 =	vadd.s32 v44, v6;
	v7 =	vor.u32 v7, v11;
	v11 =	vshrl.u32 v14, $0x3;
	[tilespmem:v43+s12+$0x0] =	vst.idx.msk $0xff, v30  }
0x5a8: {  	v36, _, _ =	vpop (xrf2);
	v44 =	vshrl.u32 v8, $0x3;
	v6 =	vor.u32 v18, v6;
	v11 =	vmul.u32 $0xC00, v11;
	v17 =	vld [tilespmem:$0x1FD80]  }
0x5a9: {  	v19 =	vbroadcast v36, $0xF;
	v6 =	vor.u32 v20, v6;
	v20 =	vshll.u32 v59, $0x7  }
0x5aa: {  	v15 =	vand.u32 $0x380, v39;
	v20 =	vand.u32 $0x380, v20;
	v11 =	vadd.s32 v34, v11  }
0x5ab: {  	v18 =	vadd.s32 v22, v61;
	v2 =	vor.u32 v15, v11;
	v11 =	vmul.u32 $0xC00, v44  }
0x5ac: {  	v1 =	vmul.f32 v1, v58;
	v40, _, _ =	vpop (xrf2);
	v18 =	vor.u32 v20, v18  }
0x5ad: {  	(erf) = vrcp.f32 v19;
	v4 =	vor.u32 v4, v18;
	v18 =	vbroadcast v40, $0xF  }
0x5ae: {  	[tilespmem:v6+s10+$0x0] =	vst.idx.msk $0xff, v1  }
0x5af: {  	_, v20, _ =	vpop (xrf1);
	(erf) = vrcp.f32 v18;
	v2 =	vor.u32 v32, v2;
	[tilespmem:v29+s12+$0x0] =	vst.idx.msk $0xff, v52  }
0x5b0: {  	v1 =	vmul.f32 v10, v57;
	v50 =	vadd.s32 v33, v11;
	v10 =	vshll.u32 v8, $0x7;
	_, v11, _ =	vpop (xrf1);
	[tilespmem:v17+s12+$0x0] =	vst.idx.msk $0xff, v55  }
0x5b1: {  	v5 =	vmul.f32 v5, v56;
	v10 =	vand.u32 $0x380, v10;
	v53 =	vshrl.u32 v11, $0x3;
	v17 =	vld [tilespmem:$0x1FD90]  }
0x5b2: {  	v47 =	vshrl.u32 v20, $0x3;
	v6 =	vor.u32 v10, v50;
	v10 =	vmul.u32 $0xC00, v53  }
0x5b3: {  	v15 =	vmul.u32 $0xC00, v47;
	v57 =	vshll.u32 v11, $0x7;
	[tilespmem:v7+s10+$0x0] =	vst.idx.msk $0xff, v16  }
0x5b4: {  	v56 =	vor.u32 v42, v6;
	v60 =	vadd.s32 v38, v10;
	[tilespmem:v4+s10+$0x0] =	vst.idx.msk $0xff, v5;
	v5 =	vand.u32 $0x380, v57  }
0x5b5: {  	v55 =	vshll.u32 v20, $0x7;
	[tilespmem:v2+s10+$0x0] =	vst.idx.msk $0xff, v1;
	v5 =	vor.u32 v5, v60  }
0x5b6: {  	v61 =	vpop (erf);
	v58 =	vand.u32 $0x380, v55;
	[tilespmem:v54+s12+$0x0] =	vst.idx.msk $0xff, v59;
	v2 =	vor.u32 v41, v5;
	v15 =	vadd.s32 v17, v15  }
0x5b7: {  	v1 =	vmul.f32 v61, v12;
	[tilespmem:v24+s12+$0x0] =	vst.idx.msk $0xff, v48;
	v6 =	vor.u32 v58, v15  }
0x5b8: {  	v62 =	vpop (erf);
	[tilespmem:v51+s12+$0x0] =	vst.idx.msk $0xff, v14;
	v6 =	vor.u32 v37, v6  }
0x5b9: {  	v3 =	vmul.f32 v62, v3;
	[tilespmem:v56+s10+$0x0] =	vst.idx.msk $0xff, v1  }
0x5ba: {  	[tilespmem:v46+s12+$0x0] =	vst.idx.msk $0xff, v8  }
0x5bb: {  	v1 =	vmul.f32 v13, v49;
	[tilespmem:v2+s10+$0x0] =	vst.idx.msk $0xff, v3  }
0x5bc: {  	[tilespmem:v45+s12+$0x0] =	vst.idx.msk $0xff, v11  }
0x5bd: {  	[tilespmem:v6+s10+$0x0] =	vst.idx.msk $0xff, v1  }
0x5be: {  	s24 =	simm.s32 $0x0;
	[tilespmem:v31+s12+$0x0] =	vst.idx.msk $0xff, v20  }
0x5bf: {  	[hbm4b:s13+s24] =	stream.linear.scatter [tilespmem:s10], [sflag:$0x1], $0x800, $0x38;
	[tilespmem:$0xD800] =	vst v63  }
0x5c0: {  	s0 =	sadd.s32 $0x8000, s13;
	s1 =	simm.s32 $0x7800  }
0x5c1: {  	[hbm4b:s0+s24] =	stream.linear.scatter [tilespmem:s1], [sflag:$0x1], $0x800, $0x38;
	[tilespmem:$0xD800] =	vst v63  }
0x5c2: {  	s25 =	sadd.s32 $0x10000, s13;
	s26 =	simm.s32 $0x8400  }
0x5c3: {  	[hbm4b:s25+s24] =	stream.linear.scatter [tilespmem:s26], [sflag:$0x1], $0x800, $0x38;
	[tilespmem:$0xD800] =	vst v63  }
0x5c4: {  	s28 =	sadd.s32 $0x18000, s13;
	s29 =	simm.s32 $0x9000  }
0x5c5: {  	[hbm4b:s28+s24] =	stream.linear.scatter [tilespmem:s29], [sflag:$0x1], $0x800, $0x38;
	[tilespmem:$0xD800] =	vst v63  }
0x5c6: {  	s30 =	sadd.s32 $0x20000, s13;
	s31 =	simm.s32 $0x9C00  }
0x5c7: {  	[hbm4b:s30+s24] =	stream.linear.scatter [tilespmem:s31], [sflag:$0x1], $0x800, $0x38;
	[tilespmem:$0xD800] =	vst v63  }
0x5c8: {  	s3 =	sadd.s32 $0x28000, s13  }
0x5c9: {  	[hbm4b:s3+s24] =	stream.linear.scatter [tilespmem:s20], [sflag:$0x1], $0x800, $0x38;
	[tilespmem:$0xD800] =	vst v63  }
0x5ca: {  	s4 =	sadd.s32 $0x30000, s13  }
0x5cb: {  	[hbm4b:s4+s24] =	stream.linear.scatter [tilespmem:s21], [sflag:$0x1], $0x800, $0x38;
	[tilespmem:$0xD800] =	vst v63  }
0x5cc: {  	s14 =	sadd.s32 $0x38000, s13  }
0x5cd: {  	[hbm4b:s14+s24] =	stream.linear.scatter [tilespmem:s22], [sflag:$0x1], $0x800, $0x38;
	[tilespmem:$0xD800] =	vst v63  }
0x5ce: {  	_ =	swait.ge [sflag:s6], $0x4000  }
0x5cf: {  	[sflag:s6] =	ssyncset.done $0x0  }
0x5d0: {  	s16 =	rddreg [dreg:$0xb];
	[sflag:s6] =	ssyncadd.s32 $0xFFFFC000  }
0x5d1: {  	[hbm4b:s16+s24] =	stream.linear.scatter [tilespmem:s12], [sflag:$0x1], $0x800, $0x38;
	[tilespmem:$0xD800] =	vst v63  }
0x5d2: {  	_ =	swait.ge [sflag:s6], $0x800  }
0x5d3: {  	[sflag:s6] =	ssyncset.done $0x0  }
0x5d4: {  	[sflag:s6] =	ssyncadd.s32 $0xFFFFF800  }
0x5d5: {  	[tilespmem:s24], [sflag:$0x1] =	stream.linear.gather [hbm4b:s15+s24], $0x800, $0x38;
	[tilespmem:$0xD800] =	vst v63  }
0x5d6: {  	s18 =	sadd.s32 $0x8000, s15;
	s19 =	simm.s32 $0xC00  }
0x5d7: {  	[tilespmem:s19], [sflag:$0x1] =	stream.linear.gather [hbm4b:s18+s24], $0x800, $0x38;
	[tilespmem:$0xD800] =	vst v63  }
0x5d8: {  	s25 =	sadd.s32 $0x10000, s15;
	s26 =	simm.s32 $0x1800  }
0x5d9: {  	[tilespmem:s26], [sflag:$0x1] =	stream.linear.gather [hbm4b:s25+s24], $0x800, $0x38;
	[tilespmem:$0xD800] =	vst v63  }
0x5da: {  	s28 =	sadd.s32 $0x18000, s15;
	s29 =	simm.s32 $0x2400  }
0x5db: {  	[tilespmem:s29], [sflag:$0x1] =	stream.linear.gather [hbm4b:s28+s24], $0x800, $0x38;
	[tilespmem:$0xD800] =	vst v63  }
0x5dc: {  	s30 =	sadd.s32 $0x20000, s15;
	s31 =	simm.s32 $0x3000  }
0x5dd: {  	[tilespmem:s31], [sflag:$0x1] =	stream.linear.gather [hbm4b:s30+s24], $0x800, $0x38;
	[tilespmem:$0xD800] =	vst v63  }
0x5de: {  	s1 =	sadd.s32 $0x28000, s15;
	s3 =	simm.s32 $0x3C00  }
0x5df: {  	[tilespmem:s3], [sflag:$0x1] =	stream.linear.gather [hbm4b:s1+s24], $0x800, $0x38;
	[tilespmem:$0xD800] =	vst v63  }
0x5e0: {  	s4 =	sadd.s32 $0x30000, s15;
	s14 =	simm.s32 $0x4800  }
0x5e1: {  	[tilespmem:s14], [sflag:$0x1] =	stream.linear.gather [hbm4b:s4+s24], $0x800, $0x38;
	[tilespmem:$0xD800] =	vst v63  }
0x5e2: {  	s16 =	sadd.s32 $0x38000, s15;
	s18 =	simm.s32 $0x5400  }
0x5e3: {  	[tilespmem:s18], [sflag:$0x1] =	stream.linear.gather [hbm4b:s16+s24], $0x800, $0x38;
	[tilespmem:$0xD800] =	vst v63  }
0x5e4: {  	_ =	swait.ge [sflag:s6], $0x4000  }
0x5e5: {  	s19 =	simm.s32 $0x0;
	[sflag:s6] =	ssyncset.done $0x0  }
0x5e6: {  	s0 =	smul.u32 $0x3000, s19;
	s25 =	rddreg [dreg:$0xc];
	[sflag:s6] =	ssyncadd.s32 $0xFFFFC000  }
0x5e7: {  	[tilespmem:s8], [sflag:$0x1] =	stream.linear.gather [hbm4b:s25+s24], $0x800, $0x38;
	[tilespmem:$0xD800] =	vst v63  }
0x5e8: {  	s26 =	sand.u32 $0x200, s24;
	s0 =	sshra.s32 s0, $0x2;
	_ =	swait.ge [sflag:s6], $0x800  }
0x5e9: {  	s3 =	sadd.s32 $0x6C00, s0;
	s4 =	sor.u32 $0x180, s26;
	[sflag:s6] =	ssyncset.done $0x0  }
0x5ea: {  	s14 =	sor.u32 s4, s3;
	[sflag:s6] =	ssyncadd.s32 $0xFFFFF800  }
0x5eb: {  	[tilespmem:s14+$0x0] =	vst v0  }
0x5ec: {  	[tilespmem:s14+$0x10] =	vst v0  }
0x5ed: {  	[tilespmem:s14+$0x20] =	vst v0  }
0x5ee: {  	[tilespmem:s14+$0x30] =	vst v0  }
0x5ef: {  	[tilespmem:s14+$0x40] =	vst v0  }
0x5f0: {  	[tilespmem:s14+$0x50] =	vst v0  }
0x5f1: {  	[tilespmem:s14+$0x60] =	vst v0  }
0x5f2: {  	s16 =	sor.u32 s26, s3;
	[tilespmem:s14+$0x70] =	vst v0  }
0x5f3: {  	[tilespmem:s16+$0x0] =	vst v0  }
0x5f4: {  	[tilespmem:s16+$0x10] =	vst v0  }
0x5f5: {  	[tilespmem:s16+$0x20] =	vst v0  }
0x5f6: {  	[tilespmem:s16+$0x30] =	vst v0  }
0x5f7: {  	[tilespmem:s16+$0x40] =	vst v0  }
0x5f8: {  	[tilespmem:s16+$0x50] =	vst v0  }
0x5f9: {  	s29 =	sor.u32 $0x80, s26;
	[tilespmem:s16+$0x60] =	vst v0  }
0x5fa: {  	s30 =	sor.u32 s29, s3;
	[tilespmem:s16+$0x70] =	vst v0  }
0x5fb: {  	[tilespmem:s30+$0x0] =	vst v0  }
0x5fc: {  	[tilespmem:s30+$0x10] =	vst v0  }
0x5fd: {  	[tilespmem:s30+$0x20] =	vst v0  }
0x5fe: {  	[tilespmem:s30+$0x30] =	vst v0  }
0x5ff: {  	[tilespmem:s30+$0x40] =	vst v0  }
0x600: {  	[tilespmem:s30+$0x50] =	vst v0  }
0x601: {  	s1 =	sor.u32 $0x100, s26;
	[tilespmem:s30+$0x60] =	vst v0  }
0x602: {  	s3 =	sor.u32 s1, s3;
	[tilespmem:s30+$0x70] =	vst v0  }
0x603: {  	[tilespmem:s3+$0x0] =	vst v0  }
0x604: {  	[tilespmem:s3+$0x10] =	vst v0  }
0x605: {  	[tilespmem:s3+$0x20] =	vst v0  }
0x606: {  	[tilespmem:s3+$0x30] =	vst v0  }
0x607: {  	[tilespmem:s3+$0x40] =	vst v0  }
0x608: {  	[tilespmem:s3+$0x50] =	vst v0  }
0x609: {  	s0 =	sadd.s32 $0x7000, s0;
	[tilespmem:s3+$0x60] =	vst v0  }
0x60a: {  	s28 =	sor.u32 s26, s0;
	[tilespmem:s3+$0x70] =	vst v0  }
0x60b: {  	[tilespmem:s28+$0x0] =	vst v0  }
0x60c: {  	[tilespmem:s28+$0x10] =	vst v0  }
0x60d: {  	[tilespmem:s28+$0x20] =	vst v0  }
0x60e: {  	[tilespmem:s28+$0x30] =	vst v0  }
0x60f: {  	[tilespmem:s28+$0x40] =	vst v0  }
0x610: {  	[tilespmem:s28+$0x50] =	vst v0  }
0x611: {  	[tilespmem:s28+$0x60] =	vst v0  }
0x612: {  	s31 =	sor.u32 s29, s0;
	[tilespmem:s28+$0x70] =	vst v0  }
0x613: {  	[tilespmem:s31+$0x0] =	vst v0  }
0x614: {  	[tilespmem:s31+$0x10] =	vst v0  }
0x615: {  	[tilespmem:s31+$0x20] =	vst v0  }
0x616: {  	[tilespmem:s31+$0x30] =	vst v0  }
0x617: {  	[tilespmem:s31+$0x40] =	vst v0  }
0x618: {  	[tilespmem:s31+$0x50] =	vst v0  }
0x619: {  	[tilespmem:s31+$0x60] =	vst v0  }
0x61a: {  	s25 =	sor.u32 s4, s0;
	[tilespmem:s31+$0x70] =	vst v0  }
0x61b: {  	s0 =	sor.u32 s1, s0;
	[tilespmem:s25+$0x70] =	vst v0  }
0x61c: {  	[tilespmem:s0+$0x0] =	vst v0  }
0x61d: {  	[tilespmem:s0+$0x10] =	vst v0  }
0x61e: {  	[tilespmem:s0+$0x20] =	vst v0  }
0x61f: {  	[tilespmem:s0+$0x30] =	vst v0  }
0x620: {  	[tilespmem:s0+$0x40] =	vst v0  }
0x621: {  	[tilespmem:s0+$0x50] =	vst v0  }
0x622: {  	[tilespmem:s0+$0x60] =	vst v0  }
0x623: {  	[tilespmem:s0+$0x70] =	vst v0  }
0x624: {  	v27 =	vmov v28;
	v22 =	vmov v63;
	v57 =	vmov v23;
	s26 =	simm.s32 $0x0;
	s3 =	simm.s32 $0x0;
	v63 =	vld [tilespmem:$0x1FFE0]  }
.LBB2_14:
0x625: {  	s26 =	sadd.s32 $0x4, s26;
	[tilespmem:s25+$0x0] =	vst v0  }
0x626: {  	s0 =	sshrl.u32 s26, $0x3;
	p0 =	slt.u32 s26, $0x3C;
	[tilespmem:s25+$0x10] =	vst v0  }
0x627: {  	s0 =	smul.u32 $0x3000, s0;
	[tilespmem:s25+$0x20] =	vst v0  }
0x628: {  	s3 =	sadd.s32 $0x200, s3;
	[tilespmem:s25+$0x30] =	vst v0  }
0x629: {  	s1 =	sand.u32 $0x200, s3;
	s0 =	sshra.s32 s0, $0x2;
	[tilespmem:s25+$0x40] =	vst v0  }
0x62a: {  	s14 =	sor.u32 $0x80, s1;
	s16 =	sor.u32 $0x180, s1;
	s4 =	sadd.s32 $0x6C00, s0;
	[tilespmem:s25+$0x50] =	vst v0  }
0x62b: {  	s19 =	sor.u32 $0x100, s1;
	s18 =	sor.u32 s1, s4;
	s29 =	sor.u32 s16, s4;
	[tilespmem:s25+$0x60] =	vst v0  }
0x62c: {  	s30 =	sor.u32 s14, s4;
	s28 =	sor.u32 s19, s4;
	[tilespmem:s29+$0x0] =	vst v0  }
0x62d: {  	[tilespmem:s29+$0x10] =	vst v0  }
0x62e: {  	[tilespmem:s29+$0x20] =	vst v0  }
0x62f: {  	[tilespmem:s29+$0x30] =	vst v0  }
0x630: {  	[tilespmem:s29+$0x40] =	vst v0  }
0x631: {  	[tilespmem:s29+$0x50] =	vst v0  }
0x632: {  	s0 =	sadd.s32 $0x7000, s0;
	[tilespmem:s29+$0x60] =	vst v0  }
0x633: {  	s1 =	sor.u32 s1, s0;
	s31 =	sor.u32 s14, s0;
	s25 =	sor.u32 s16, s0;
	[tilespmem:s29+$0x70] =	vst v0  }
0x634: {  	s29 =	sor.u32 s19, s0;
	[tilespmem:s25+$0x70] =	vst v0  }
0x635: {  	[tilespmem:s18+$0x0] =	vst v0  }
0x636: {  	[tilespmem:s18+$0x10] =	vst v0  }
0x637: {  	[tilespmem:s18+$0x20] =	vst v0  }
0x638: {  	[tilespmem:s18+$0x30] =	vst v0  }
0x639: {  	[tilespmem:s18+$0x40] =	vst v0  }
0x63a: {  	[tilespmem:s18+$0x50] =	vst v0  }
0x63b: {  	[tilespmem:s18+$0x60] =	vst v0  }
0x63c: {  	[tilespmem:s18+$0x70] =	vst v0  }
0x63d: {  	[tilespmem:s1+$0x0] =	vst v0  }
0x63e: {  	[tilespmem:s1+$0x10] =	vst v0  }
0x63f: {  	[tilespmem:s1+$0x20] =	vst v0  }
0x640: {  	[tilespmem:s1+$0x30] =	vst v0  }
0x641: {  	[tilespmem:s1+$0x40] =	vst v0  }
0x642: {  	[tilespmem:s1+$0x50] =	vst v0  }
0x643: {  	[tilespmem:s1+$0x60] =	vst v0  }
0x644: {  	[tilespmem:s1+$0x70] =	vst v0  }
0x645: {  	[tilespmem:s30+$0x0] =	vst v0  }
0x646: {  	[tilespmem:s30+$0x10] =	vst v0  }
0x647: {  	[tilespmem:s30+$0x20] =	vst v0  }
0x648: {  	[tilespmem:s30+$0x30] =	vst v0  }
0x649: {  	[tilespmem:s30+$0x40] =	vst v0  }
0x64a: {  	[tilespmem:s30+$0x50] =	vst v0  }
0x64b: {  	[tilespmem:s30+$0x60] =	vst v0  }
0x64c: {  	[tilespmem:s30+$0x70] =	vst v0  }
0x64d: {  	[tilespmem:s31+$0x0] =	vst v0  }
0x64e: {  	[tilespmem:s31+$0x10] =	vst v0  }
0x64f: {  	[tilespmem:s31+$0x20] =	vst v0  }
0x650: {  	[tilespmem:s31+$0x30] =	vst v0  }
0x651: {  	[tilespmem:s31+$0x40] =	vst v0  }
0x652: {  	[tilespmem:s31+$0x50] =	vst v0  }
0x653: {  	[tilespmem:s31+$0x60] =	vst v0  }
0x654: {  	[tilespmem:s31+$0x70] =	vst v0  }
0x655: {  	[tilespmem:s28+$0x0] =	vst v0  }
0x656: {  	[tilespmem:s28+$0x10] =	vst v0  }
0x657: {  	[tilespmem:s28+$0x20] =	vst v0  }
0x658: {  	[tilespmem:s28+$0x30] =	vst v0  }
0x659: {  	[tilespmem:s28+$0x40] =	vst v0  }
0x65a: {  	[tilespmem:s28+$0x50] =	vst v0  }
0x65b: {  	[tilespmem:s28+$0x60] =	vst v0  }
0x65c: {  	[tilespmem:s28+$0x70] =	vst v0  }
0x65d: {  	[tilespmem:s29+$0x0] =	vst v0  }
0x65e: {  	[tilespmem:s29+$0x10] =	vst v0  }
0x65f: {  	[tilespmem:s29+$0x20] =	vst v0  }
.Ltmp6:
0x660: {  	[tilespmem:s29+$0x30] =	vst v0;
	(pc) =	sbr.rel @p0 .LBB2_14-.Ltmp6, $4  }
0x661: {  	[tilespmem:s29+$0x40] =	vst v0  }
0x662: {  	[tilespmem:s29+$0x50] =	vst v0  }
0x663: {  	[tilespmem:s29+$0x60] =	vst v0  }
0x664: {  	[tilespmem:s29+$0x70] =	vst v0  }
0x665: {  	s0 =	simm.s32 $0x1  }
0x666: {  	[tilespmem:s25+$0x0] =	vst v0;
	v1 =	vmov s0  }
0x667: {  	[tilespmem:s25+$0x10] =	vst v0;
	v3 =	vshll.u32 v1, $0x3;
	v1 =	vand.u32 $0x7D, v1  }
0x668: {  	[tilespmem:$0x1FBB0] =	vst v1  }
0x669: {  	[tilespmem:s25+$0x20] =	vst v0  }
0x66a: {  	v20 =	vld [tilespmem:$0x1FFB0]  }
0x66b: {  	[tilespmem:s25+$0x30] =	vst v0  }
0x66c: {  	s1 =	simm.s32 $0x2;
	v53 =	vld [tilespmem:$0x1FFC0]  }
0x66d: {  	v2 =	vmov s1;
	v28 =	vand.u32 $0x400, v3  }
0x66e: {  	s18 =	simm.s32 $0x3;
	v4 =	vshll.u32 v2, $0x3;
	v29 =	vand.u32 $0x7E, v2;
	v1 =	vor.u32 v28, v1  }
0x66f: {  	v2 =	vmov s18;
	v30 =	vand.u32 $0x400, v4;
	v4 =	vadd.s32 v20, v1  }
0x670: {  	v5 =	vshll.u32 v2, $0x3;
	v45 =	vand.u32 $0x7F, v2  }
0x671: {  	v3 =	vor.u32 v30, v29;
	v32 =	vand.u32 $0x400, v5;
	[tilespmem:s25+$0x40] =	vst v0;
	v6 =	vadd.s32 v53, v1  }
0x672: {  	v2 =	vmov s24;
	v7 =	vor.u32 v32, v45;
	[tilespmem:s25+$0x50] =	vst v0;
	v5 =	vadd.s32 v53, v3  }
0x673: {  	v8 =	vshll.u32 v2, $0x3;
	v11 =	vand.u32 $0x7C, v2;
	[tilespmem:s25+$0x60] =	vst v0;
	v10 =	vadd.s32 v53, v7  }
0x674: {  	v12 =	vand.u32 $0x400, v8;
	v2 =	vadd.s32 v22, v1;
	v4 =	vld.idx.msk [tilespmem:v4+s2+$0x0], $0xffff;
	[tilespmem:$0x1FBC0] =	vst v11  }
0x675: {  	v8 =	vadd.s32 v63, v1;
	v24 =	vor.u32 v12, v11;
	v23 =	vld [tilespmem:$0x1FF80];
	[tilespmem:$0x1FBD0] =	vst v12  }
0x676: {  	v11 =	vadd.s32 v53, v24;
	v6 =	vld.idx.msk [tilespmem:v6+s2+$0x0], $0xffff  }
0x677: {  	v12 =	vadd.s32 v20, v3;
	v5 =	vld.idx.msk [tilespmem:v5+s2+$0x0], $0xffff  }
0x678: {  	v13 =	vadd.s32 v63, v3;
	v10 =	vld.idx.msk [tilespmem:v10+s2+$0x0], $0xffff  }
0x679: {  	v14 =	vadd.s32 v20, v7;
	v2 =	vld.idx.msk [tilespmem:v2+s2+$0x0], $0xffff  }
0x67a: {  	v15 =	vadd.s32 v20, v24;
	v8 =	vld.idx.msk [tilespmem:v8+s2+$0x0], $0xffff;
	(xrf1) =	vsort.ascd.msk.f32 $0xffff, v4, v23  }
0x67b: {  	v4 =	vld.idx.msk [tilespmem:v11+s2+$0x0], $0xffff;
	(xrf1) =	vsort.ascd.msk.f32 $0xffff, v6, v27  }
0x67c: {  	v6 =	vld.idx.msk [tilespmem:v12+s2+$0x0], $0xffff;
	(xrf1) =	vsort.ascd.msk.f32 $0xffff, v5, v27  }
0x67d: {  	v11 =	vld.idx.msk [tilespmem:v13+s2+$0x0], $0xffff;
	(xrf1) =	vsort.ascd.msk.f32 $0xffff, v10, v27  }
0x67e: {  	v5 =	vadd.s32 v22, v3;
	v10 =	vld.idx.msk [tilespmem:v14+s2+$0x0], $0xffff;
	(xrf1) =	vsort.ascd.msk.f32 $0xffff, v2, v21  }
0x67f: {  	v2 =	vld.idx.msk [tilespmem:v15+s2+$0x0], $0xffff;
	(xrf1) =	vsort.ascd.msk.f32 $0xffff, v8, v57  }
0x680: {  	(xrf1) =	vsort.ascd.msk.f32 $0xffff, v4, v27  }
0x681: {  	v8 =	vadd.s32 v63, v7;
	(xrf1) =	vsort.ascd.msk.f32 $0xffff, v6, v23  }
0x682: {  	(xrf1) =	vsort.ascd.msk.f32 $0xffff, v11, v57  }
0x683: {  	v4 =	vld.idx.msk [tilespmem:v5+s2+$0x0], $0xffff;
	v5 =	vadd.s32 v22, v7;
	(xrf1) =	vsort.ascd.msk.f32 $0xffff, v10, v23  }
0x684: {  	(xrf1) =	vsort.ascd.msk.f32 $0xffff, v2, v23;
	_ =	sdelay $0x1  }
0x685: {  	v2 =	vld.idx.msk [tilespmem:v8+s2+$0x0], $0xffff;
	_ =	sdelay $0x1  }
0x686: {  	v5 =	vld.idx.msk [tilespmem:v5+s2+$0x0], $0xffff;
	(xrf1) =	vsort.ascd.msk.f32 $0xffff, v4, v21;
	v4, v6, _ =	vpop (xrf1)  }
0x687: {  	v33 =	vor.u32 v25, v3;
	v3, v8, _ =	vpop (xrf1)  }
0x688: {  	v17 =	vor.u32 v25, v1;
	v1, v10, _ =	vpop (xrf1)  }
0x689: {  	(xrf1) =	vsort.ascd.msk.f32 $0xffff, v2, v57;
	v2, v11, _ =	vpop (xrf1)  }
0x68a: {  	v3 =	vperm.xlane v3, v9;
	v12, v13, _ =	vpop (xrf1)  }
0x68b: {  	(xrf1) =	vsort.ascd.msk.f32 $0xffff, v5, v21;
	v5 =	vperm.xlane v8, v9;
	v8, v14, _ =	vpop (xrf1)  }
0x68c: {  	v1 =	vperm.xlane v1, v9;
	v3 =	vsel vm0, v4, v3;
	v4 =	vld.idx.msk [tilespmem:v33+s8+$0x0], $0xffff;
	[tilespmem:$0x1FBE0] =	vst v17;
	v15, v16, _ =	vpop (xrf1)  }
0x68d: {  	v14 =	vperm.xlane v14, v9;
	v5 =	vsel vm0, v6, v5;
	v6 =	vperm.xlane v11, v9;
	v11 =	vld.idx.msk [tilespmem:v17+s8+$0x0], $0xffff;
	v17, v18, _ =	vpop (xrf1)  }
0x68e: {  	(xrf1) =	vsort.ascd.msk.f32 $0xffff, v3, v5;
	v3 =	vperm.xlane v15, v9;
	v5 =	vperm.xlane v10, v9;
	v10, v15, _ =	vpop (xrf1)  }
0x68f: {  	v13 =	vsel vm0, v13, v14;
	v14 =	vperm.xlane v16, v9;
	v16, v19, _ =	vpop (xrf1)  }
0x690: {  	v8 =	vperm.xlane v8, v9;
	v1 =	vsel vm0, v17, v1;
	v5 =	vsel vm0, v18, v5;
	v17, v18, _ =	vpop (xrf1)  }
0x691: {  	(xrf1) =	vsort.ascd.msk.f32 $0xffff, v1, v5;
	v1 =	vsel vm0, v17, v3;
	v3 =	vsel vm0, v18, v14  }
0x692: {  	v2 =	vperm.xlane v2, v9;
	v15 =	vperm.xlane v15, v9  }
0x693: {  	v4 =	vmul.f32 $1.442695020e+00, v4;
	v10 =	vperm.xlane v10, v9;
	v5 =	vsel vm0, v12, v8  }
0x694: {  	(xrf1) =	vsort.ascd.msk.f32 $0xffff, v1, v3;
	v1 =	vsel vm0, v16, v2;
	v2 =	vsel vm0, v19, v6;
	v3, v6, _ =	vpop (xrf1)  }
0x695: {  	v8 =	vmul.f32 $1.442695020e+00, v11;
	(erf) = vpow2.f32 v4;
	v4 =	vsel vm0, v6, v15  }
0x696: {  	v3 =	vsel vm0, v3, v10  }
0x697: {  	s19 =	simm.s32 $0x5;
	(xrf1) =	vsort.ascd.msk.f32 $0xffff, v5, v13;
	(erf) = vpow2.f32 v8  }
0x698: {  	v16 =	vor.u32 v25, v7;
	v5 =	vmov s19;
	(xrf1) =	vsort.ascd.msk.f32 $0xffff, v1, v2  }
0x699: {  	v1 =	vadd.s32 v63, v24;
	v2 =	vadd.s32 v22, v24;
	v6 =	vshll.u32 v5, $0x3;
	(xrf1) =	vsort.ascd.msk.f32 $0xffff, v3, v4;
	v3, v4, _ =	vpop (xrf1)  }
0x69a: {  	s24 =	simm.s32 $0x4;
	s25 =	simm.s32 $0x6;
	v11 =	vand.u32 $0x400, v6;
	v6 =	vand.u32 $0x7D, v5;
	v3 =	vperm.xlane v3, v9  }
0x69b: {  	v10 =	vmov s24;
	v5 =	vmov s25;
	[tilespmem:$0x1FBF0] =	vst v6;
	v6 =	vor.u32 v11, v6;
	v7, v8, _ =	vpop (xrf1)  }
0x69c: {  	s26 =	simm.s32 $0x7;
	v4 =	vperm.xlane v4, v9;
	v3 =	vsel vm0, v7, v3;
	v7 =	vshll.u32 v5, $0x3  }
0x69d: {  	[tilespmem:$0x1FC00] =	vst v11;
	v11 =	vand.u32 $0x400, v7;
	v7 =	vand.u32 $0x7E, v5;
	v5 =	vmov s26  }
0x69e: {  	v1 =	vld.idx.msk [tilespmem:v1+s2+$0x0], $0xffff;
	v34 =	vpop (erf);
	v4 =	vsel vm0, v8, v4;
	v8 =	vadd.s32 v20, v6;
	[tilespmem:$0x1FC10] =	vst v7;
	v12 =	vshll.u32 v5, $0x3  }
0x69f: {  	v38 =	vadd.s32 v22, v6;
	(xrf1) =	vsort.ascd.msk.f32 $0xffff, v3, v4;
	v4 =	vnsel vm0, $0x0, v34;
	[tilespmem:$0x1FC20] =	vst v11  }
0x6a0: {  	v7 =	vor.u32 v11, v7;
	v11 =	vadd.s32 v53, v6;
	v15 =	vand.u32 $0x7F, v5;
	(xrf2) =	vadd.scan.msk.f32 $0xffff, v4;
	v3 =	vpop (erf)  }
0x6a1: {  	v18 =	vmovc v23;
	v4 =	vshll.u32 v10, $0x3;
	v2 =	vld.idx.msk [tilespmem:v2+s2+$0x0], $0xffff;
	v17 =	vand.u32 $0x400, v12;
	[tilespmem:$0x1FC30] =	vst v15;
	v13 =	vnsel vm0, $0x0, v3  }
0x6a2: {  	v14 =	vadd.s32 v53, v7;
	[tilespmem:$0x1FC40] =	vst v17;
	v36 =	vor.u32 v17, v15;
	(xrf2) =	vadd.scan.msk.f32 $0xffff, v13;
	v5, v12, _ =	vpop (xrf1)  }
0x6a3: {  	v23 =	vmov v25;
	(xrf1) =	vsort.ascd.msk.f32 $0xffff, v1, v57;
	v8 =	vld.idx.msk [tilespmem:v8+s2+$0x0], $0xffff;
	v26 =	vadd.s32 v53, v36;
	[tilespmem:$0x1FC50] =	vst v16;
	v15, v25, _ =	vpop (xrf1)  }
0x6a4: {  	v19 =	vand.u32 $0x400, v4;
	v17 =	vand.u32 $0x7C, v10;
	v13 =	vadd.s32 v63, v6;
	v16 =	vld.idx.msk [tilespmem:v16+s8+$0x0], $0xffff;
	v35, v37, _ =	vpop (xrf1)  }
0x6a5: {  	v31 =	vor.u32 v19, v17;
	v11 =	vld.idx.msk [tilespmem:v11+s2+$0x0], $0xffff;
	[tilespmem:$0x1FC60] =	vst v17;
	v1 =	vperm.xlane v15, v9;
	v4, v15, _ =	vpop (xrf1)  }
0x6a6: {  	v40 =	vadd.s32 v53, v31;
	[tilespmem:$0x1FC70] =	vst v19;
	v10 =	vperm.xlane v25, v9;
	v25, v39, _ =	vpop (xrf1);
	(xrf1) =	vsort.ascd.msk.f32 $0xffff, v2, v21  }
0x6a7: {  	v14 =	vld.idx.msk [tilespmem:v14+s2+$0x0], $0xffff;
	v2 =	vadd.s32 v20, v7;
	v41, v42, _ =	vpop (xrf1)  }
0x6a8: {  	v26 =	vld.idx.msk [tilespmem:v26+s2+$0x0], $0xffff;
	(xrf1) =	vsort.ascd.msk.f32 $0xffff, v8, v18;
	v1 =	vsel vm0, v41, v1;
	v10 =	vsel vm0, v42, v10  }
0x6a9: {  	v38 =	vld.idx.msk [tilespmem:v38+s2+$0x0], $0xffff;
	v8 =	vadd.s32 v63, v7;
	(xrf1) =	vsort.ascd.msk.f32 $0xffff, v1, v10  }
0x6aa: {  	v1 =	vld.idx.msk [tilespmem:v13+s2+$0x0], $0xffff;
	v10 =	vadd.s32 v20, v36;
	v13 =	vmul.f32 $1.442695020e+00, v16  }
0x6ab: {  	v16 =	vld.idx.msk [tilespmem:v40+s2+$0x0], $0xffff;
	(xrf1) =	vsort.ascd.msk.f32 $0xffff, v11, v27;
	v11, _, _ =	vpop (xrf2)  }
0x6ac: {  	(erf) = vpow2.f32 v13;
	(xrf1) =	vsort.ascd.msk.f32 $0xffff, v14, v27;
	v14, _, _ =	vpop (xrf2)  }
0x6ad: {  	v13 =	vadd.s32 v20, v31;
	v2 =	vld.idx.msk [tilespmem:v2+s2+$0x0], $0xffff;
	(xrf1) =	vsort.ascd.msk.f32 $0xffff, v26, v27;
	v14 =	vbroadcast v14, $0xF  }
0x6ae: {  	v25 =	vperm.xlane v25, v9;
	v8 =	vld.idx.msk [tilespmem:v8+s2+$0x0], $0xffff;
	(xrf1) =	vsort.ascd.msk.f32 $0xffff, v38, v21  }
0x6af: {  	v26 =	vadd.s32 v22, v7;
	v10 =	vld.idx.msk [tilespmem:v10+s2+$0x0], $0xffff;
	(xrf1) =	vsort.ascd.msk.f32 $0xffff, v1, v57;
	(erf) = vrcp.f32 v14  }
0x6b0: {  	v51, v50, _ =	vpop (xrf1);
	(xrf1) =	vsort.ascd.msk.f32 $0xffff, v16, v27;
	v16 =	vperm.xlane v39, v9  }
0x6b1: {  	v12 =	vperm.xlane v12, v9;
	v54, v52, _ =	vpop (xrf1);
	v25 =	vsel vm0, v51, v25;
	v14 =	vadd.s32 v63, v36  }
0x6b2: {  	v55 =	vperm.xlane v52, v9;
	v1 =	vperm.xlane v5, v9;
	v13 =	vld.idx.msk [tilespmem:v13+s2+$0x0], $0xffff;
	(xrf1) =	vsort.ascd.msk.f32 $0xffff, v2, v18  }
0x6b3: {  	v11 =	vbroadcast v11, $0xF;
	v5 =	vadd.s32 v22, v36;
	v2 =	vperm.xlane v54, v9;
	(xrf1) =	vsort.ascd.msk.f32 $0xffff, v8, v57  }
0x6b4: {  	v1 =	vsel vm0, v4, v1;
	v8 =	vld.idx.msk [tilespmem:v26+s2+$0x0], $0xffff;
	v26 =	vsel vm0, v50, v16;
	(xrf1) =	vsort.ascd.msk.f32 $0xffff, v10, v18;
	v16, v56, _ =	vpop (xrf1)  }
0x6b5: {  	(xrf1) =	vsort.ascd.msk.f32 $0xffff, v25, v26;
	v2 =	vsel vm0, v16, v2;
	v10 =	vsel vm0, v56, v55;
	v16 =	vpop (erf)  }
0x6b6: {  	(erf) = vrcp.f32 v11;
	v11 =	vsel vm0, v15, v12;
	v12 =	vld.idx.msk [tilespmem:v14+s2+$0x0], $0xffff;
	v14, v15, _ =	vpop (xrf1);
	(xrf1) =	vsort.ascd.msk.f32 $0xffff, v2, v10  }
0x6b7: {  	v26 =	vor.u32 v23, v24;
	(xrf1) =	vsort.ascd.msk.f32 $0xffff, v13, v18;
	_, v41, _ =	vpop (xrf1)  }
0x6b8: {  	v17 =	vor.u32 v23, v7;
	(xrf1) =	vsort.ascd.msk.f32 $0xffff, v1, v11;
	v1 =	vpop (erf)  }
0x6b9: {  	v1 =	vmul.f32 v1, v3  }
0x6ba: {  	v2 =	vld.idx.msk [tilespmem:v5+s2+$0x0], $0xffff;
	[tilespmem:$0x1FC90] =	vst v17  }
0x6bb: {  	v46 =	vadd.s32 v22, v31;
	v4, v5, _ =	vpop (xrf1);
	[tilespmem:$0x1FC80] =	vst v1  }
0x6bc: {  	v19 =	vor.u32 v23, v6;
	v37 =	vperm.xlane v37, v9;
	(xrf1) =	vsort.ascd.msk.f32 $0xffff, v8, v21;
	v7, v8, _ =	vpop (xrf1);
	v58 =	vld.idx.msk [tilespmem:v26+s8+$0x0], $0xffff  }
0x6bd: {  	v6 =	vshrl.u32 v41, $0x3;
	v4 =	vperm.xlane v4, v9;
	v5 =	vperm.xlane v5, v9;
	v11 =	vld.idx.msk [tilespmem:v17+s8+$0x0], $0xffff;
	v1, v3, _ =	vpop (xrf1)  }
0x6be: {  	v10 =	vshll.u32 v41, $0x7;
	v6 =	vmul.u32 $0xC00, v6;
	(xrf1) =	vsort.ascd.msk.f32 $0xffff, v12, v57;
	v7 =	vperm.xlane v7, v9;
	v12, v13, _ =	vpop (xrf1)  }
0x6bf: {  	v8 =	vperm.xlane v8, v9;
	v4 =	vsel vm0, v14, v4;
	v5 =	vsel vm0, v15, v5;
	v14, v15, _ =	vpop (xrf1)  }
0x6c0: {  	v10 =	vand.u32 $0x380, v10;
	v6 =	vadd.s32 v30, v6;
	(xrf1) =	vsort.ascd.msk.f32 $0xffff, v2, v21;
	v2 =	vperm.xlane v35, v9;
	v61, v60, _ =	vpop (xrf1)  }
0x6c1: {  	v6 =	vor.u32 v10, v6;
	v15 =	vperm.xlane v15, v9;
	v62, v43, _ =	vpop (xrf1);
	v47 =	vmul.f32 $1.442695020e+00, v58  }
0x6c2: {  	(xrf1) =	vsort.ascd.msk.f32 $0xffff, v4, v5;
	v4 =	vor.u32 v29, v6;
	v5 =	vperm.xlane v14, v9;
	v6 =	vmul.f32 $1.442695020e+00, v11;
	v11, v14, _ =	vpop (xrf1)  }
0x6c3: {  	v42 =	vadd.s32 v63, v31;
	v1 =	vperm.xlane v1, v9;
	v29, v48, _ =	vpop (xrf1);
	(erf) = vpow2.f32 v47  }
0x6c4: {  	[tilespmem:$0x1FCA0] =	vst v19;
	v3 =	vperm.xlane v3, v9;
	v10 =	vperm.xlane v61, v9;
	v13 =	vsel vm0, v13, v15;
	_, v35, _ =	vpop (xrf1)  }
0x6c5: {  	v44 =	vld.idx.msk [tilespmem:v19+s8+$0x0], $0xffff;
	v15 =	vperm.xlane v60, v9;
	v5 =	vsel vm0, v12, v5;
	(erf) = vpow2.f32 v6;
	v12, v49, _ =	vpop (xrf1)  }
0x6c6: {  	v7 =	vsel vm0, v62, v7;
	v8 =	vsel vm0, v43, v8;
	v14 =	vperm.xlane v14, v9;
	v52, v51, _ =	vpop (xrf1)  }
0x6c7: {  	v30 =	vpop (erf);
	(xrf1) =	vsort.ascd.msk.f32 $0xffff, v7, v8;
	v8 =	vsel vm0, v52, v10;
	v10 =	vsel vm0, v51, v15  }
0x6c8: {  	v59 =	vnsel vm0, $0x0, v16;
	v11 =	vperm.xlane v11, v9;
	v7 =	vmul.f32 v30, v34  }
0x6c9: {  	(xrf2) =	vadd.scan.msk.f32 $0xffff, v59;
	v1 =	vsel vm0, v29, v1;
	v3 =	vsel vm0, v48, v3;
	v29 =	vor.u32 v23, v36  }
0x6ca: {  	v50 =	vshrl.u32 v35, $0x3;
	v55 =	vsel vm0, v49, v37;
	_, v30, _ =	vpop (xrf1);
	v15 =	vmul.f32 $1.442695020e+00, v44;
	[tilespmem:v4+s10+$0x0] =	vst.idx.msk $0xff, v7  }
0x6cb: {  	s28 =	simm.s32 $0x8;
	v54 =	vmul.u32 $0xC00, v50;
	v2 =	vsel vm0, v12, v2;
	(xrf1) =	vsort.ascd.msk.f32 $0xffff, v8, v10;
	[tilespmem:v33+s12+$0x0] =	vst.idx.msk $0xff, v41;
	v8, v10, _ =	vpop (xrf1)  }
0x6cc: {  	(erf) = vpow2.f32 v15;
	(xrf1) =	vsort.ascd.msk.f32 $0xffff, v5, v13;
	v13 =	vmov s28;
	v10 =	vsel vm0, v10, v14;
	v40 =	vpop (erf)  }
0x6cd: {  	s29 =	simm.s32 $0x9;
	v5 =	vsel vm0, v8, v11;
	(xrf1) =	vsort.ascd.msk.f32 $0xffff, v1, v3;
	v1 =	vshrl.u32 v30, $0x3;
	v3 =	vadd.s32 v32, v54;
	v6, v8, _ =	vpop (xrf1)  }
0x6ce: {  	v41 =	vand.u32 $0x7C, v13;
	v1 =	vmul.u32 $0xC00, v1;
	(xrf1) =	vsort.ascd.msk.f32 $0xffff, v2, v55;
	v2 =	vmov s29;
	v36 =	vpop (erf)  }
0x6cf: {  	v6 =	vperm.xlane v6, v9;
	v8 =	vperm.xlane v8, v9;
	v11, v12, _ =	vpop (xrf1);
	(xrf1) =	vsort.ascd.msk.f32 $0xffff, v5, v10;
	v10 =	vnsel vm0, $0x0, v40  }
0x6d0: {  	v37 =	vand.u32 $0x7D, v2;
	v4 =	vnsel vm0, $0x0, v36;
	v44 =	vadd.s32 v28, v1  }
0x6d1: {  	s30 =	simm.s32 $0xA;
	v1 =	vshll.u32 v2, $0x3;
	(xrf2) =	vadd.scan.msk.f32 $0xffff, v10;
	v6 =	vsel vm0, v11, v6;
	v8 =	vsel vm0, v12, v8  }
0x6d2: {  	v11 =	vmov s30;
	v12 =	vshll.u32 v35, $0x7;
	v28 =	vand.u32 $0x400, v1  }
0x6d3: {  	s31 =	simm.s32 $0xB;
	v5 =	vshll.u32 v11, $0x3;
	v32 =	vand.u32 $0x7E, v11;
	v2 =	vand.u32 $0x380, v12  }
0x6d4: {  	v52 =	vor.u32 v28, v37;
	(xrf1) =	vsort.ascd.msk.f32 $0xffff, v6, v8;
	v8 =	vmov s31;
	v34 =	vand.u32 $0x400, v5;
	v1, _, _ =	vpop (xrf2)  }
0x6d5: {  	v47, v10, _ =	vpop (xrf1);
	v6 =	vadd.s32 v53, v52;
	v50 =	vor.u32 v2, v3;
	v1 =	vbroadcast v1, $0xF  }
0x6d6: {  	v3 =	vshll.u32 v13, $0x3;
	v51 =	vor.u32 v34, v32;
	v10 =	vperm.xlane v10, v9  }
0x6d7: {  	v39 =	vpop (erf);
	v38 =	vand.u32 $0x400, v3;
	v3 =	vadd.s32 v53, v51;
	(erf) = vrcp.f32 v1  }
0x6d8: {  	v59 =	vld.idx.msk [tilespmem:v42+s2+$0x0], $0xffff;
	v58 =	vadd.s32 v63, v52;
	v56 =	vshll.u32 v8, $0x3;
	v11, v12, _ =	vpop (xrf1);
	v15 =	vadd.s32 v22, v51  }
0x6d9: {  	v62 =	vld.idx.msk [tilespmem:v29+s8+$0x0], $0xffff;
	v42 =	vand.u32 $0x7F, v8;
	v8 =	vadd.s32 v22, v52;
	v1 =	vadd.s32 v20, v52;
	v49, v48, _ =	vpop (xrf1)  }
0x6da: {  	v2 =	vld.idx.msk [tilespmem:v46+s2+$0x0], $0xffff;
	v33 =	vand.u32 $0x400, v56;
	v50 =	vor.u32 v45, v50;
	v17 =	vadd.s32 v20, v51;
	v55, v7, _ =	vpop (xrf1)  }
0x6db: {  	v60 =	vadd.s32 v63, v51;
	v61 =	vld.idx.msk [tilespmem:v6+s2+$0x0], $0xffff;
	v6, _, _ =	vpop (xrf2);
	v56 =	vsel vm0, v7, v10;
	v10 =	vmov v57  }
0x6dc: {  	v13 =	vmovc v63;
	v46 =	vor.u32 v33, v42;
	v63 =	vperm.xlane v47, v9;
	v3 =	vld.idx.msk [tilespmem:v3+s2+$0x0], $0xffff;
	v6 =	vbroadcast v6, $0xF  }
0x6dd: {  	v54 =	vnsel vm0, $0x0, v39;
	v45 =	vor.u32 v38, v41;
	v11 =	vperm.xlane v11, v9;
	(xrf2) =	vadd.scan.msk.f32 $0xffff, v4;
	v5, v14, _ =	vpop (xrf1);
	v57 =	vld.idx.msk [tilespmem:v15+s2+$0x0], $0xffff  }
0x6de: {  	v43 =	vshll.u32 v30, $0x7;
	v12 =	vperm.xlane v12, v9;
	v7 =	vadd.s32 v53, v46;
	v4 =	vld.idx.msk [tilespmem:v1+s2+$0x0], $0xffff;
	(xrf2) =	vadd.scan.msk.f32 $0xffff, v54;
	_, v47, _ =	vpop (xrf1)  }
0x6df: {  	v54 =	vld.idx.msk [tilespmem:v8+s2+$0x0], $0xffff;
	(xrf1) =	vsort.ascd.msk.f32 $0xffff, v59, v10;
	v59 =	vadd.s32 v22, v46;
	v5 =	vperm.xlane v5, v9;
	v1, v10, _ =	vpop (xrf1)  }
0x6e0: {  	(erf) = vrcp.f32 v6;
	(xrf1) =	vsort.ascd.msk.f32 $0xffff, v2, v21;
	v6 =	vpop (erf);
	v11 =	vsel vm0, v1, v11;
	v12 =	vsel vm0, v10, v12  }
0x6e1: {  	v10 =	vadd.s32 v53, v45;
	v1 =	vld.idx.msk [tilespmem:v58+s2+$0x0], $0xffff;
	v53 =	vmul.f32 v6, v16;
	v58 =	vadd.s32 v13, v46  }
0x6e2: {  	s24 =	simm.s32 $0xC;
	v2 =	vld.idx.msk [tilespmem:v17+s2+$0x0], $0xffff;
	v6 =	vadd.s32 v20, v45;
	v13 =	vperm.xlane v14, v9;
	v14 =	vadd.s32 v20, v46;
	v8, v15, _ =	vpop (xrf1)  }
.LBB2_16:
0x6e3: {  	_ =	sdelay $0x2  }
0x6e4: {  	v7 =	vld.idx.msk [tilespmem:v7+s2+$0x0], $0xffff  }
0x6e5: {  	v24 =	vld [tilespmem:$0x1FFF0];
	(xrf1) =	vsort.ascd.msk.f32 $0xffff, v4, v18  }
0x6e6: {  	v13 =	vsel vm0, v15, v13;
	v15 =	vmul.f32 $1.442695020e+00, v62;
	(xrf1) =	vsort.ascd.msk.f32 $0xffff, v11, v12;
	v11 =	vld [tilespmem:$0x1FBD0]  }
0x6e7: {  	v12 =	vld [tilespmem:$0x1FBB0]  }
0x6e8: {  	v63 =	vsel vm0, v55, v63;
	v55 =	vshrl.u32 v47, $0x3;
	(xrf1) =	vsort.ascd.msk.f32 $0xffff, v61, v27;
	(erf) = vpow2.f32 v15;
	v15 =	vld [tilespmem:$0x1FBC0]  }
0x6e9: {  	v4 =	vmul.u32 $0xC00, v55;
	(xrf1) =	vsort.ascd.msk.f32 $0xffff, v3, v27  }
0x6ea: {  	v17 =	vshll.u32 v47, $0x7;
	v43 =	vand.u32 $0x380, v43;
	(xrf1) =	vsort.ascd.msk.f32 $0xffff, v7, v27  }
0x6eb: {  	v19 =	vld [tilespmem:$0x1FC50];
	v17 =	vand.u32 $0x380, v17;
	(xrf1) =	vsort.ascd.msk.f32 $0xffff, v54, v21;
	v4 =	vadd.s32 v11, v4;
	v11 =	vor.u32 v43, v44  }
0x6ec: {  	v16, _, _ =	vpop (xrf2);
	(xrf1) =	vsort.ascd.msk.f32 $0xffff, v1, v24;
	v1 =	vld [tilespmem:$0x1FC80];
	v4 =	vor.u32 v17, v4;
	v11 =	vor.u32 v12, v11  }
0x6ed: {  	v10 =	vld.idx.msk [tilespmem:v10+s2+$0x0], $0xffff;
	v12, _, _ =	vpop (xrf2);
	v4 =	vor.u32 v15, v4  }
0x6ee: {  	v7 =	vbroadcast v12, $0xF;
	v12 =	vld [tilespmem:$0x1FC70]  }
0x6ef: {  	v3 =	vsel vm0, v8, v5;
	v5 =	vpop (erf);
	v15 =	vld [tilespmem:$0x1FBF0]  }
0x6f0: {  	v6 =	vld.idx.msk [tilespmem:v6+s2+$0x0], $0xffff;
	v5 =	vmul.f32 v5, v40  }
0x6f1: {  	[tilespmem:v11+s10+$0x0] =	vst.idx.msk $0xff, v1;
	v11 =	vld [tilespmem:$0x1FC60]  }
0x6f2: {  	[tilespmem:v4+s10+$0x0] =	vst.idx.msk $0xff, v5;
	v4 =	vld [tilespmem:$0x1FBE0]  }
0x6f3: {  	v60 =	vld.idx.msk [tilespmem:v60+s2+$0x0], $0xffff;
	v8 =	vmov v12;
	v12 =	vmov v38  }
0x6f4: {  	v17 =	vmov v15;
	v15 =	vmov v37;
	[tilespmem:$0x1FC70] =	vst v12;
	v12 =	vld [tilespmem:$0x1FC30]  }
0x6f5: {  	[tilespmem:v50+s10+$0x0] =	vst.idx.msk $0xff, v53;
	v5 =	vld [tilespmem:$0x1FCA0]  }
0x6f6: {  	v14 =	vld.idx.msk [tilespmem:v14+s2+$0x0], $0xffff;
	[tilespmem:v19+s12+$0x0] =	vst.idx.msk $0xff, v35;
	(erf) = vrcp.f32 v7  }
0x6f7: {  	v19 =	vmov v29;
	[tilespmem:$0x1FBF0] =	vst v15;
	v15 =	vmov v11;
	v1, v11, _ =	vpop (xrf1)  }
0x6f8: {  	[tilespmem:$0x1FC50] =	vst v19;
	(xrf1) =	vsort.ascd.msk.f32 $0xffff, v10, v27;
	v1 =	vperm.xlane v1, v9  }
0x6f9: {  	[tilespmem:$0x1FBD0] =	vst v8;
	(xrf1) =	vsort.ascd.msk.f32 $0xffff, v2, v18;
	v2 =	vperm.xlane v11, v9;
	v53 =	vmovc v12;
	v12 =	vmov v42  }
0x6fa: {  	v7 =	vmov v5;
	(xrf1) =	vsort.ascd.msk.f32 $0xffff, v60, v24;
	[tilespmem:v4+s12+$0x0] =	vst.idx.msk $0xff, v30;
	v4, v5, _ =	vpop (xrf1)  }
0x6fb: {  	v19 =	vld [tilespmem:$0x1FFA0];
	v54 =	vpop (erf);
	v8 =	vbroadcast v16, $0xF;
	[tilespmem:$0x1FBE0] =	vst v7;
	(xrf1) =	vsort.ascd.msk.f32 $0xffff, v14, v18;
	v2 =	vsel vm0, v5, v2  }
0x6fc: {  	v7 =	vld.idx.msk [tilespmem:v58+s2+$0x0], $0xffff;
	[tilespmem:$0x1FC30] =	vst v12;
	v12 =	vmov v41;
	v10 =	vsel vm0, v4, v1;
	v4, v5, _ =	vpop (xrf1);
	(xrf1) =	vsort.ascd.msk.f32 $0xffff, v3, v13  }
0x6fd: {  	(erf) = vrcp.f32 v8;
	v8 =	vld.idx.msk [tilespmem:v59+s2+$0x0], $0xffff;
	(xrf1) =	vsort.ascd.msk.f32 $0xffff, v10, v2;
	_, v1, _ =	vpop (xrf1)  }
0x6fe: {  	(xrf1) =	vsort.ascd.msk.f32 $0xffff, v6, v18;
	v2, v6, _ =	vpop (xrf1)  }
0x6ff: {  	[tilespmem:$0x1FC60] =	vst v12;
	(xrf1) =	vsort.ascd.msk.f32 $0xffff, v63, v56;
	v12 =	vpop (erf);
	v2 =	vperm.xlane v2, v9;
	v16 =	vperm.xlane v6, v9  }
0x700: {  	[tilespmem:$0x1FBB0] =	vst v17;
	(xrf1) =	vsort.ascd.msk.f32 $0xffff, v57, v21;
	v13, v14, _ =	vpop (xrf1);
	v12 =	vmul.f32 v12, v39  }
0x701: {  	v23 =	vld [tilespmem:$0x1FFE0];
	[tilespmem:$0x1FBC0] =	vst v15;
	v3 =	vor.u32 v19, v51;
	(xrf1) =	vsort.ascd.msk.f32 $0xffff, v7, v24;
	v6, v7, _ =	vpop (xrf1);
	v2 =	vsel vm0, v4, v2  }
0x702: {  	v25 =	vld [tilespmem:$0x1FFD0];
	[tilespmem:$0x1FC80] =	vst v12;
	v4 =	vsel vm0, v5, v16;
	v12 =	vperm.xlane v13, v9;
	v13, v15, _ =	vpop (xrf1);
	(xrf1) =	vsort.ascd.msk.f32 $0xffff, v8, v21  }
0x703: {  	[tilespmem:v26+s12+$0x0] =	vst.idx.msk $0xff, v47;
	v26 =	vor.u32 v19, v31;
	v10 =	vshrl.u32 v1, $0x3;
	v16, v17, _ =	vpop (xrf1);
	(xrf1) =	vsort.ascd.msk.f32 $0xffff, v2, v4;
	v4 =	vld [tilespmem:$0x1FC20]  }
0x704: {  	v10 =	vmul.u32 $0xC00, v10  }
0x705: {  	v20 =	vor.u32 v19, v52;
	v11 =	vshll.u32 v1, $0x7  }
0x706: {  	v11 =	vand.u32 $0x380, v11  }
0x707: {  	v5 =	vld.idx.msk [tilespmem:v3+s8+$0x0], $0xffff  }
0x708: {  	v50 =	vadd.s32 v23, v45;
	v62 =	vadd.s32 v25, v45;
	v2 =	vld.idx.msk [tilespmem:v26+s8+$0x0], $0xffff;
	v4 =	vadd.s32 v4, v10;
	v10, v29, _ =	vpop (xrf1)  }
0x709: {  	v44 =	vperm.xlane v48, v9;
	v31 =	vmov v45;
	v4 =	vor.u32 v11, v4;
	v11 =	vpop (erf)  }
0x70a: {  	v30 =	vld.idx.msk [tilespmem:v20+s8+$0x0], $0xffff;
	v18 =	vmov v34;
	v14 =	vperm.xlane v14, v9;
	v8 =	vperm.xlane v49, v9;
	v45, v47, _ =	vpop (xrf1)  }
0x70b: {  	v6 =	vperm.xlane v6, v9;
	[tilespmem:$0x1FC20] =	vst v18;
	v18 =	vld [tilespmem:$0x1FC10];
	v22 =	vperm.xlane v17, v9;
	v17, v48, _ =	vpop (xrf1)  }
0x70c: {  	v7 =	vperm.xlane v7, v9;
	v49 =	vperm.xlane v29, v9;
	v29, v51, _ =	vpop (xrf1)  }
0x70d: {  	v5 =	vmul.f32 $1.442695020e+00, v5;
	v2 =	vmul.f32 $1.442695020e+00, v2;
	_, v35, _ =	vpop (xrf1)  }
0x70e: {  	v10 =	vperm.xlane v10, v9;
	v12 =	vsel vm0, v45, v12;
	v14 =	vsel vm0, v47, v14;
	v56, v52, _ =	vpop (xrf1)  }
0x70f: {  	v21 =	vnsel vm0, $0x0, v54;
	(erf) = vpow2.f32 v2;
	v57, v58, _ =	vpop (xrf1);
	(xrf1) =	vsort.ascd.msk.f32 $0xffff, v12, v14;
	v12 =	vmul.f32 $1.442695020e+00, v30  }
0x710: {  	(xrf2) =	vadd.scan.msk.f32 $0xffff, v21;
	v16 =	vperm.xlane v16, v9;
	v4 =	vor.u32 v18, v4;
	v18 =	vmovc v32;
	(erf) = vpow2.f32 v5  }
0x711: {  	[tilespmem:$0x1FC10] =	vst v18;
	v14 =	vsel vm0, v57, v10;
	v18 =	vsel vm0, v58, v49;
	(erf) = vpow2.f32 v12;
	v12 =	vld [tilespmem:$0x1FC90]  }
0x712: {  	v15 =	vsel vm0, v15, v22;
	v13 =	vsel vm0, v13, v16;
	_, v30, _ =	vpop (xrf1);
	(xrf1) =	vsort.ascd.msk.f32 $0xffff, v14, v18  }
0x713: {  	v6 =	vsel vm0, v29, v6;
	v7 =	vsel vm0, v51, v7;
	v2, v10, _ =	vpop (xrf1);
	(xrf1) =	vsort.ascd.msk.f32 $0xffff, v13, v15  }
0x714: {  	v29 =	vor.u32 v19, v46;
	v19 =	vmul.f32 v11, v36;
	v16 =	vshrl.u32 v35, $0x3;
	v5, v11, _ =	vpop (xrf1);
	(xrf1) =	vsort.ascd.msk.f32 $0xffff, v6, v7;
	v7 =	vld [tilespmem:$0x1FC40]  }
0x715: {  	v32 =	vperm.xlane v48, v9;
	v16 =	vmul.u32 $0xC00, v16;
	v5 =	vperm.xlane v5, v9  }
0x716: {  	[tilespmem:$0x1FCA0] =	vst v20;
	v20 =	vperm.xlane v17, v9;
	v17 =	vsel vm0, v52, v44;
	v8 =	vsel vm0, v56, v8;
	v13, v14, _ =	vpop (xrf1)  }
0x717: {  	v6 =	vshrl.u32 v30, $0x3;
	v11 =	vperm.xlane v11, v9;
	v5 =	vsel vm0, v13, v5;
	v13 =	vld [tilespmem:$0x1FC00]  }
0x718: {  	[tilespmem:v4+s10+$0x0] =	vst.idx.msk $0xff, v19;
	v10 =	vsel vm0, v10, v32;
	v2 =	vsel vm0, v2, v20;
	v18 =	vmul.u32 $0xC00, v6  }
0x719: {  	s25 =	smov.u32 s24;
	v40 =	vpop (erf);
	v11 =	vsel vm0, v14, v11;
	v7 =	vadd.s32 v7, v16;
	[tilespmem:v12+s12+$0x0] =	vst.idx.msk $0xff, v1;
	v12 =	vmov v3  }
0x71a: {  	v15, v16, _ =	vpop (xrf1);
	(xrf1) =	vsort.ascd.msk.f32 $0xffff, v8, v17;
	v1 =	vmov s25;
	v3 =	vmov v33;
	[tilespmem:$0x1FC90] =	vst v12  }
0x71b: {  	s0 =	sadd.s32 $0x1, s25;
	s1 =	sadd.s32 $0x2, s25;
	(xrf1) =	vsort.ascd.msk.f32 $0xffff, v2, v10;
	v2 =	vnsel vm0, $0x0, v40;
	v63 =	vperm.xlane v15, v9;
	[tilespmem:$0x1FC40] =	vst v3  }
0x71c: {  	s3 =	sadd.s32 $0x3, s25;
	v4, _, _ =	vpop (xrf2);
	v3 =	vmov s0;
	v12 =	vmov s1;
	v44 =	vadd.s32 v13, v18;
	(xrf2) =	vadd.scan.msk.f32 $0xffff, v2  }
0x71d: {  	v58 =	vld [tilespmem:$0x1FFC0];
	v6 =	vmovc v28;
	v13 =	vshll.u32 v35, $0x7;
	(xrf1) =	vsort.ascd.msk.f32 $0xffff, v5, v11;
	v2 =	vbroadcast v4, $0xF;
	v5 =	vmov s3  }
0x71e: {  	v36 =	vpop (erf);
	[tilespmem:$0x1FC00] =	vst v6;
	v41 =	vand.u32 $0x7C, v1;
	v6 =	vshll.u32 v3, $0x3;
	v8 =	vshll.u32 v12, $0x3  }
0x71f: {  	v22 =	vld [tilespmem:$0x1FFB0];
	v39 =	vpop (erf);
	v37 =	vand.u32 $0x7D, v3;
	v32 =	vand.u32 $0x7E, v12;
	v3 =	vand.u32 $0x380, v13  }
0x720: {  	v12 =	vperm.xlane v16, v9;
	v13 =	vnsel vm0, $0x0, v39;
	v28 =	vand.u32 $0x400, v6  }
0x721: {  	v34 =	vand.u32 $0x400, v8;
	(erf) = vrcp.f32 v2;
	v52 =	vor.u32 v28, v37  }
0x722: {  	v42 =	vand.u32 $0x7F, v5;
	v51 =	vor.u32 v34, v32;
	v4 =	vadd.s32 v58, v52  }
0x723: {  	v3 =	vor.u32 v3, v7;
	v6 =	vshll.u32 v1, $0x3;
	v11 =	vadd.s32 v25, v51  }
0x724: {  	v14 =	vld.idx.msk [tilespmem:v50+s2+$0x0], $0xffff;
	v7, v10, _ =	vpop (xrf1);
	v38 =	vand.u32 $0x400, v6;
	v50 =	vor.u32 v53, v3;
	v2 =	vadd.s32 v22, v52  }
0x725: {  	v16 =	vld.idx.msk [tilespmem:v62+s2+$0x0], $0xffff;
	v17 =	vperm.xlane v7, v9;
	v7 =	vnsel vm0, $0x0, v36;
	v6 =	vadd.s32 v58, v51  }
0x726: {  	v62 =	vld.idx.msk [tilespmem:v29+s8+$0x0], $0xffff;
	v8 =	vadd.s32 v23, v52;
	v18 =	vadd.s32 v22, v51;
	v49, v48, _ =	vpop (xrf1);
	(xrf2) =	vadd.scan.msk.f32 $0xffff, v7;
	v7 =	vshll.u32 v5, $0x3  }
0x727: {  	v60 =	vadd.s32 v23, v51;
	v5 =	vadd.s32 v25, v52;
	v55, v59, _ =	vpop (xrf1);
	v33 =	vand.u32 $0x400, v7;
	v61 =	vld.idx.msk [tilespmem:v4+s2+$0x0], $0xffff  }
0x728: {  	v19 =	vperm.xlane v10, v9;
	v45 =	vor.u32 v38, v41;
	v20, v21, _ =	vpop (xrf1);
	v46 =	vor.u32 v33, v42;
	v57 =	vld.idx.msk [tilespmem:v11+s2+$0x0], $0xffff  }
0x729: {  	p0 =	slt.u32 s24, $0xFC;
	v10 =	vadd.s32 v58, v45;
	v56 =	vsel vm0, v59, v12;
	v7 =	vadd.s32 v58, v46;
	v4 =	vld.idx.msk [tilespmem:v2+s2+$0x0], $0xffff;
	v1, _, _ =	vpop (xrf2)  }
.Ltmp7:
0x72a: {  	v59 =	vadd.s32 v25, v46;
	v58 =	vadd.s32 v23, v46;
	v3 =	vld.idx.msk [tilespmem:v6+s2+$0x0], $0xffff;
	(xrf2) =	vadd.scan.msk.f32 $0xffff, v13;
	v13 =	vpop (erf);
	(pc) =	sbr.rel @p0 .LBB2_16-.Ltmp7, $4  }
0x72b: {  	v6 =	vadd.s32 v22, v45;
	v2 =	vbroadcast v1, $0xF;
	v1 =	vld.idx.msk [tilespmem:v8+s2+$0x0], $0xffff;
	_, v47, _ =	vpop (xrf1);
	(xrf1) =	vsort.ascd.msk.f32 $0xffff, v14, v24  }
0x72c: {  	v14 =	vadd.s32 v22, v46;
	v53 =	vmul.f32 v13, v54;
	v54 =	vld.idx.msk [tilespmem:v5+s2+$0x0], $0xffff;
	v5 =	vperm.xlane v20, v9  }
0x72d: {  	v13 =	vperm.xlane v21, v9;
	v21 =	vlaneseq.u32;
	v8, v12, _ =	vpop (xrf1);
	(erf) = vrcp.f32 v2;
	v2 =	vld.idx.msk [tilespmem:v18+s2+$0x0], $0xffff  }
0x72e: {  	s24 =	sadd.s32 $0x4, s24;
	v43 =	vshll.u32 v30, $0x7;
	v18 =	vld [tilespmem:$0x1FF80];
	(xrf1) =	vsort.ascd.msk.f32 $0xffff, v16, v21;
	v11 =	vsel vm0, v8, v17;
	v12 =	vsel vm0, v12, v19;
	v8, v15, _ =	vpop (xrf1)  }
0x72f: {  	_ =	sdelay $0x3  }
0x730: {  	v16 =	vld.idx.msk [tilespmem:v7+s2+$0x0], $0xffff;
	(xrf1) =	vsort.ascd.msk.f32 $0xffff, v4, v18  }
0x731: {  	(xrf1) =	vsort.ascd.msk.f32 $0xffff, v11, v12  }
0x732: {  	v25 =	vld [tilespmem:$0x1FFF0];
	(xrf1) =	vsort.ascd.msk.f32 $0xffff, v61, v27  }
0x733: {  	v17 =	vld.idx.msk [tilespmem:v10+s2+$0x0], $0xffff  }
0x734: {  	v10 =	vmul.f32 $1.442695020e+00, v62;
	v20 =	vld [tilespmem:$0x1FFA0];
	(xrf1) =	vsort.ascd.msk.f32 $0xffff, v3, v27  }
0x735: {  	v3 =	vld.idx.msk [tilespmem:v60+s2+$0x0], $0xffff;
	(xrf1) =	vsort.ascd.msk.f32 $0xffff, v16, v27  }
0x736: {  	v12 =	vld.idx.msk [tilespmem:v14+s2+$0x0], $0xffff;
	(xrf1) =	vsort.ascd.msk.f32 $0xffff, v54, v21  }
0x737: {  	(xrf1) =	vsort.ascd.msk.f32 $0xffff, v1, v25;
	v16, v14, _ =	vpop (xrf1)  }
0x738: {  	v1 =	vld.idx.msk [tilespmem:v6+s2+$0x0], $0xffff;
	(xrf1) =	vsort.ascd.msk.f32 $0xffff, v17, v27;
	v6 =	vperm.xlane v16, v9  }
0x739: {  	v5 =	vsel vm0, v8, v5;
	(erf) = vpow2.f32 v10;
	(xrf1) =	vsort.ascd.msk.f32 $0xffff, v2, v18;
	v8, v10, _ =	vpop (xrf1)  }
0x73a: {  	v7 =	vperm.xlane v14, v9;
	(xrf1) =	vsort.ascd.msk.f32 $0xffff, v3, v25;
	v6 =	vsel vm0, v8, v6  }
0x73b: {  	v54 =	vor.u32 v20, v31;
	v3 =	vsel vm0, v15, v13;
	(xrf1) =	vsort.ascd.msk.f32 $0xffff, v12, v18  }
0x73c: {  	v2, _, _ =	vpop (xrf2);
	v7 =	vsel vm0, v10, v7;
	(xrf1) =	vsort.ascd.msk.f32 $0xffff, v5, v3  }
0x73d: {  	v17, _, _ =	vpop (xrf2);
	(xrf1) =	vsort.ascd.msk.f32 $0xffff, v6, v7  }
0x73e: {  	v5, v6, _ =	vpop (xrf1);
	(xrf1) =	vsort.ascd.msk.f32 $0xffff, v1, v18;
	v1 =	vsel vm0, v55, v63  }
0x73f: {  	v3 =	vld.idx.msk [tilespmem:v58+s2+$0x0], $0xffff;
	_, v55, _ =	vpop (xrf1);
	(xrf1) =	vsort.ascd.msk.f32 $0xffff, v1, v56  }
0x740: {  	v8, v10, _ =	vpop (xrf1);
	(xrf1) =	vsort.ascd.msk.f32 $0xffff, v57, v21;
	v57 =	vld.idx.msk [tilespmem:v54+s8+$0x0], $0xffff  }
0x741: {  	v60 =	vpop (erf);
	v1 =	vbroadcast v17, $0xF  }
0x742: {  	v2 =	vbroadcast v2, $0xF;
	v58 =	vpop (erf)  }
0x743: {  	v63 =	vld.idx.msk [tilespmem:v59+s2+$0x0], $0xffff;
	v56, v11, _ =	vpop (xrf1)  }
0x744: {  	(xrf1) =	vsort.ascd.msk.f32 $0xffff, v3, v25;
	v3, v13, _ =	vpop (xrf1)  }
0x745: {  	v51 =	vor.u32 v20, v51;
	(erf) = vrcp.f32 v1;
	v1, v59, _ =	vpop (xrf1);
	v12 =	vmul.f32 $1.442695020e+00, v57  }
0x746: {  	v31 =	vor.u32 v20, v52;
	v8 =	vperm.xlane v8, v9;
	(erf) = vrcp.f32 v2;
	v2, v61, _ =	vpop (xrf1)  }
0x747: {  	v23 =	vld [tilespmem:$0x1FFE0];
	v10 =	vperm.xlane v10, v9;
	v62, v16, _ =	vpop (xrf1)  }
0x748: {  	v5 =	vsel vm0, v5, v8;
	(xrf1) =	vsort.ascd.msk.f32 $0xffff, v63, v21;
	v8 =	vperm.xlane v61, v9;
	v17, v18, _ =	vpop (xrf1)  }
0x749: {  	v6 =	vsel vm0, v6, v10;
	v2 =	vperm.xlane v2, v9;
	v15, v19, _ =	vpop (xrf1);
	(erf) = vpow2.f32 v12  }
0x74a: {  	v4 =	vperm.xlane v56, v9;
	v10 =	vperm.xlane v11, v9;
	(xrf1) =	vsort.ascd.msk.f32 $0xffff, v5, v6;
	v5 =	vld.idx.msk [tilespmem:v51+s8+$0x0], $0xffff;
	v11, v12, _ =	vpop (xrf1)  }
0x74b: {  	v3 =	vperm.xlane v3, v9;
	v57 =	vnsel vm0, $0x0, v58;
	v7 =	vsel vm0, v59, v8;
	v8 =	vld.idx.msk [tilespmem:v31+s8+$0x0], $0xffff;
	_, v52, _ =	vpop (xrf1)  }
0x74c: {  	v63 =	vperm.xlane v62, v9;
	v16 =	vperm.xlane v16, v9;
	v6 =	vadd.s32 v23, v45;
	v14, v56, _ =	vpop (xrf1)  }
0x74d: {  	v4 =	vsel vm0, v17, v4;
	v1 =	vsel vm0, v1, v2;
	v3 =	vsel vm0, v11, v3;
	v2, v11, _ =	vpop (xrf1)  }
0x74e: {  	v10 =	vsel vm0, v18, v10;
	v18 =	vperm.xlane v49, v9;
	v2 =	vsel vm0, v2, v63;
	v63 =	vld [tilespmem:$0x1FFD0]  }
0x74f: {  	v59 =	vperm.xlane v48, v9;
	v62 =	vpop (erf);
	(xrf1) =	vsort.ascd.msk.f32 $0xffff, v4, v10;
	v5 =	vmul.f32 $1.442695020e+00, v5;
	v10 =	vsel vm0, v11, v16  }
0x750: {  	(xrf2) =	vadd.scan.msk.f32 $0xffff, v57;
	v61 =	vpop (erf);
	v8 =	vmul.f32 $1.442695020e+00, v8;
	v11 =	vperm.xlane v13, v9  }
0x751: {  	v15 =	vperm.xlane v15, v9;
	(erf) = vpow2.f32 v5;
	_, v48, _ =	vpop (xrf1);
	v13 =	vsel vm0, v56, v59;
	(xrf1) =	vsort.ascd.msk.f32 $0xffff, v2, v10  }
0x752: {  	(erf) = vpow2.f32 v8;
	v11 =	vsel vm0, v12, v11;
	v12 =	vperm.xlane v19, v9;
	(xrf1) =	vsort.ascd.msk.f32 $0xffff, v1, v7;
	v56 =	vpop (erf)  }
0x753: {  	v2, v10, _ =	vpop (xrf1);
	(xrf1) =	vsort.ascd.msk.f32 $0xffff, v3, v11;
	v3 =	vsel vm0, v14, v18;
	v4 =	vadd.s32 v63, v45  }
0x754: {  	v6 =	vld.idx.msk [tilespmem:v6+s2+$0x0], $0xffff;
	v1, v49, _ =	vpop (xrf1);
	(xrf1) =	vsort.ascd.msk.f32 $0xffff, v3, v13;
	v3 =	vnsel vm0, $0x0, v56;
	v14 =	vsel vm0, v10, v12  }
0x755: {  	v2 =	vsel vm0, v2, v15;
	v1 =	vperm.xlane v1, v9;
	v5 =	vperm.xlane v49, v9;
	(xrf2) =	vadd.scan.msk.f32 $0xffff, v3  }
0x756: {  	v8, v10, _ =	vpop (xrf1);
	(xrf1) =	vsort.ascd.msk.f32 $0xffff, v2, v14  }
0x757: {  	v1 =	vsel vm0, v8, v1;
	v16 =	vsel vm0, v10, v5  }
0x758: {  	(xrf1) =	vsort.ascd.msk.f32 $0xffff, v1, v16;
	v3 =	vld.idx.msk [tilespmem:v4+s2+$0x0], $0xffff;
	_ =	sdelay $0x1  }
0x759: {  	v57 =	vpop (erf);
	(xrf1) =	vsort.ascd.msk.f32 $0xffff, v6, v25  }
0x75a: {  	v49 =	vpop (erf)  }
0x75b: {  	v1, _, _ =	vpop (xrf2)  }
0x75c: {  	(xrf1) =	vsort.ascd.msk.f32 $0xffff, v3, v21;
	v2, v3, _ =	vpop (xrf1)  }
0x75d: {  	v17 =	vnsel vm0, $0x0, v57;
	v59, v5, _ =	vpop (xrf1)  }
0x75e: {  	v46 =	vor.u32 v20, v46;
	v16 =	vnsel vm0, $0x0, v49;
	(xrf2) =	vadd.scan.msk.f32 $0xffff, v17;
	v7, _, _ =	vpop (xrf2)  }
0x75f: {  	(xrf2) =	vadd.scan.msk.f32 $0xffff, v16;
	v6, v8, _ =	vpop (xrf1)  }
0x760: {  	v10, v11, _ =	vpop (xrf1)  }
0x761: {  	v12, v17, _ =	vpop (xrf1)  }
0x762: {  	v4 =	vperm.xlane v59, v9;
	v5 =	vperm.xlane v5, v9;
	_, v59, _ =	vpop (xrf1)  }
0x763: {  	v45 =	vor.u32 v20, v45;
	v14 =	vld.idx.msk [tilespmem:v46+s8+$0x0], $0xffff;
	v1 =	vbroadcast v1, $0xF;
	v15, v16, _ =	vpop (xrf1)  }
0x764: {  	v12 =	vperm.xlane v12, v9;
	v4 =	vsel vm0, v15, v4;
	v5 =	vsel vm0, v16, v5  }
0x765: {  	v13 =	vperm.xlane v17, v9;
	v15, v16, _ =	vpop (xrf1);
	(xrf1) =	vsort.ascd.msk.f32 $0xffff, v4, v5;
	v5 =	vbroadcast v7, $0xF  }
0x766: {  	v12 =	vsel vm0, v15, v12  }
0x767: {  	(erf) = vrcp.f32 v1;
	v4 =	vsel vm0, v16, v13;
	v17, v16, _ =	vpop (xrf1)  }
0x768: {  	v1 =	vmul.f32 $1.442695020e+00, v14;
	v15, _, _ =	vpop (xrf2);
	v7 =	vperm.xlane v17, v9;
	v17 =	vld.idx.msk [tilespmem:v45+s8+$0x0], $0xffff  }
0x769: {  	v13 =	vperm.xlane v16, v9;
	(xrf1) =	vsort.ascd.msk.f32 $0xffff, v12, v4;
	(erf) = vrcp.f32 v5;
	v5, _, _ =	vpop (xrf2)  }
0x76a: {  	(erf) = vpow2.f32 v1;
	v4, v12, _ =	vpop (xrf1)  }
0x76b: {  	v1 =	vbroadcast v5, $0xF;
	v4 =	vsel vm0, v4, v7;
	v16 =	vsel vm0, v12, v13  }
0x76c: {  	(xrf1) =	vsort.ascd.msk.f32 $0xffff, v4, v16  }
0x76d: {  	(erf) = vrcp.f32 v1;
	v1 =	vmul.f32 $1.442695020e+00, v17;
	v17 =	vld [tilespmem:$0x1FBD0]  }
0x76e: {  	v14 =	vbroadcast v15, $0xF  }
0x76f: {  	v15 =	vshrl.u32 v47, $0x3  }
0x770: {  	(erf) = vrcp.f32 v14;
	v4 =	vmul.u32 $0xC00, v15;
	_ =	sdelay $0x1  }
0x771: {  	(erf) = vpow2.f32 v1;
	v4 =	vadd.s32 v17, v4;
	v17 =	vld [tilespmem:$0x1FBB0]  }
0x772: {  	v3 =	vperm.xlane v3, v9;
	v2 =	vperm.xlane v2, v9;
	v16 =	vshll.u32 v47, $0x7;
	v1 =	vpop (erf)  }
0x773: {  	v7 =	vand.u32 $0x380, v16;
	v16 =	vand.u32 $0x380, v43;
	v5 =	vpop (erf)  }
0x774: {  	v3 =	vsel vm0, v11, v3;
	v2 =	vsel vm0, v10, v2;
	v13 =	vor.u32 v16, v44;
	v12 =	vpop (erf)  }
0x775: {  	v4 =	vor.u32 v7, v4;
	_, v14, _ =	vpop (xrf1);
	(xrf1) =	vsort.ascd.msk.f32 $0xffff, v2, v3;
	v2 =	vperm.xlane v6, v9  }
0x776: {  	v3 =	vnsel vm0, $0x0, v12;
	v6 =	vperm.xlane v8, v9;
	_, v8, _ =	vpop (xrf1);
	v7 =	vor.u32 v17, v13;
	v17 =	vld [tilespmem:$0x1FC20]  }
0x777: {  	v13 =	vpop (erf)  }
0x778: {  	v11 =	vshrl.u32 v55, $0x3;
	v10 =	vpop (erf)  }
0x779: {  	v19 =	vld [tilespmem:$0x1FC40];
	v11 =	vmul.u32 $0xC00, v11;
	(xrf2) =	vadd.scan.msk.f32 $0xffff, v3;
	v3, v44, _ =	vpop (xrf1)  }
0x77a: {  	v20 =	vld [tilespmem:$0x1FC00];
	v6 =	vsel vm0, v44, v6;
	v2 =	vsel vm0, v3, v2;
	v3 =	vpop (erf)  }
0x77b: {  	v43 =	vld [tilespmem:$0x1FBC0];
	(xrf1) =	vsort.ascd.msk.f32 $0xffff, v2, v6;
	v6 =	vadd.s32 v17, v11;
	v11 =	vnsel vm0, $0x0, v3  }
0x77c: {  	(xrf2) =	vadd.scan.msk.f32 $0xffff, v11;
	v11 =	vld [tilespmem:$0x1FC10];
	[tilespmem:v50+s10+$0x0] =	vst.idx.msk $0xff, v53  }
0x77d: {  	v22 =	vld [tilespmem:$0x1FC50];
	_ =	sdelay $0x1  }
0x77e: {  	v15 =	vmul.f32 v60, v40;
	v60 =	vshll.u32 v55, $0x7  }
0x77f: {  	v2 =	vand.u32 $0x380, v60  }
0x780: {  	v2 =	vor.u32 v2, v6  }
0x781: {  	v2 =	vor.u32 v11, v2;
	v11 =	vshrl.u32 v48, $0x3  }
0x782: {  	v11 =	vmul.u32 $0xC00, v11;
	_ =	sdelay $0x1  }
0x783: {  	v40 =	vshrl.u32 v52, $0x3;
	v11 =	vadd.s32 v20, v11;
	v20 =	vld [tilespmem:$0x1FC30];
	[tilespmem:v22+s12+$0x0] =	vst.idx.msk $0xff, v35  }
0x784: {  	v6 =	vmul.u32 $0xC00, v40;
	v22 =	vld [tilespmem:$0x1FC70]  }
0x785: {  	v18 =	vshll.u32 v52, $0x7  }
0x786: {  	v18 =	vand.u32 $0x380, v18;
	v6 =	vadd.s32 v19, v6;
	v19 =	vshrl.u32 v59, $0x3  }
0x787: {  	v6 =	vor.u32 v18, v6;
	v18 =	vmul.u32 $0xC00, v19  }
0x788: {  	v6 =	vor.u32 v20, v6;
	v20 =	vshll.u32 v59, $0x7  }
0x789: {  	v20 =	vand.u32 $0x380, v20;
	v18 =	vadd.s32 v22, v18  }
0x78a: {  	v18 =	vor.u32 v20, v18;
	v20 =	vld [tilespmem:$0x1FC80]  }
0x78b: {  	v4 =	vor.u32 v43, v4;
	v19 =	vshll.u32 v48, $0x7  }
0x78c: {  	v19 =	vand.u32 $0x380, v19;
	_ =	sdelay $0x2  }
0x78d: {  	v11 =	vor.u32 v19, v11;
	v19, _, _ =	vpop (xrf2);
	[tilespmem:v7+s10+$0x0] =	vst.idx.msk $0xff, v20  }
0x78e: {  	v19 =	vbroadcast v19, $0xF;
	v7 =	vld [tilespmem:$0x1FBF0];
	[tilespmem:v4+s10+$0x0] =	vst.idx.msk $0xff, v15  }
0x78f: {  	v4 =	vld [tilespmem:$0x1FC60];
	[tilespmem:v26+s12+$0x0] =	vst.idx.msk $0xff, v47  }
0x790: {  	(erf) = vrcp.f32 v19;
	v19 =	vld [tilespmem:$0x1FBE0];
	_ =	sdelay $0x4  }
0x791: {  	v43 =	vmul.f32 v61, v36  }
0x792: {  	v7 =	vor.u32 v7, v11;
	v11 =	vshrl.u32 v14, $0x3  }
0x793: {  	[tilespmem:v2+s10+$0x0] =	vst.idx.msk $0xff, v43;
	v11 =	vmul.u32 $0xC00, v11  }
0x794: {  	v44 =	vshll.u32 v14, $0x7;
	[tilespmem:v19+s12+$0x0] =	vst.idx.msk $0xff, v30  }
0x795: {  	v15 =	vand.u32 $0x380, v44;
	v11 =	vadd.s32 v34, v11;
	v19 =	vshrl.u32 v8, $0x3;
	v17 =	vld [tilespmem:$0x1FC90]  }
0x796: {  	v4 =	vor.u32 v4, v18;
	v2 =	vor.u32 v15, v11;
	v11 =	vmul.u32 $0xC00, v19  }
0x797: {  	v1 =	vmul.f32 v1, v58;
	v18, _, _ =	vpop (xrf2)  }
0x798: {  	v39 =	vmul.f32 v62, v39;
	_, v20, _ =	vpop (xrf1);
	v18 =	vbroadcast v18, $0xF  }
0x799: {  	v5 =	vmul.f32 v5, v56;
	v47 =	vshrl.u32 v20, $0x3;
	[tilespmem:v6+s10+$0x0] =	vst.idx.msk $0xff, v1  }
0x79a: {  	(erf) = vrcp.f32 v18;
	v15 =	vmul.u32 $0xC00, v47;
	v2 =	vor.u32 v32, v2;
	[tilespmem:v7+s10+$0x0] =	vst.idx.msk $0xff, v39  }
0x79b: {  	v1 =	vmul.f32 v10, v57;
	v10 =	vshll.u32 v8, $0x7;
	[tilespmem:v4+s10+$0x0] =	vst.idx.msk $0xff, v5;
	v50 =	vadd.s32 v33, v11;
	_, v11, _ =	vpop (xrf1)  }
0x79c: {  	v15 =	vadd.s32 v28, v15;
	[tilespmem:v29+s12+$0x0] =	vst.idx.msk $0xff, v52;
	v10 =	vand.u32 $0x380, v10;
	v53 =	vshrl.u32 v11, $0x3  }
0x79d: {  	v6 =	vor.u32 v10, v50;
	v10 =	vmul.u32 $0xC00, v53;
	[tilespmem:v17+s12+$0x0] =	vst.idx.msk $0xff, v55;
	v55 =	vshll.u32 v20, $0x7  }
0x79e: {  	[tilespmem:v54+s12+$0x0] =	vst.idx.msk $0xff, v59;
	v56 =	vor.u32 v42, v6;
	v57 =	vshll.u32 v11, $0x7;
	v58 =	vand.u32 $0x380, v55  }
0x79f: {  	v5 =	vand.u32 $0x380, v57;
	v60 =	vadd.s32 v38, v10;
	v10 =	vld [tilespmem:$0x1FCA0];
	v6 =	vor.u32 v58, v15  }
0x7a0: {  	v61 =	vpop (erf);
	v5 =	vor.u32 v5, v60;
	v6 =	vor.u32 v37, v6  }
0x7a1: {  	[tilespmem:v2+s10+$0x0] =	vst.idx.msk $0xff, v1;
	v1 =	vmul.f32 v61, v12;
	v2 =	vor.u32 v41, v5  }
0x7a2: {  	[tilespmem:v51+s12+$0x0] =	vst.idx.msk $0xff, v14  }
0x7a3: {  	v62 =	vpop (erf);
	[tilespmem:v56+s10+$0x0] =	vst.idx.msk $0xff, v1;
	v1 =	vmul.f32 v13, v49  }
0x7a4: {  	v3 =	vmul.f32 v62, v3;
	[tilespmem:v46+s12+$0x0] =	vst.idx.msk $0xff, v8  }
0x7a5: {  	[tilespmem:v6+s10+$0x0] =	vst.idx.msk $0xff, v1  }
0x7a6: {  	[tilespmem:v2+s10+$0x0] =	vst.idx.msk $0xff, v3  }
0x7a7: {  	[tilespmem:v10+s12+$0x0] =	vst.idx.msk $0xff, v48  }
0x7a8: {  	[tilespmem:v45+s12+$0x0] =	vst.idx.msk $0xff, v11  }
0x7a9: {  	[tilespmem:v31+s12+$0x0] =	vst.idx.msk $0xff, v20  }
0x7aa: {  	[hbm4b:s17+s2] =	stream.linear.scatter [tilespmem:s10], [sflag:$0x1], $0x800, $0x38;
	[tilespmem:$0xD800] =	vst v63  }
0x7ab: {  	s0 =	sadd.s32 $0x8000, s17;
	s1 =	simm.s32 $0x7800  }
0x7ac: {  	[hbm4b:s0+s2] =	stream.linear.scatter [tilespmem:s1], [sflag:$0x1], $0x800, $0x38;
	[tilespmem:$0xD800] =	vst v63  }
0x7ad: {  	s14 =	sadd.s32 $0x10000, s17;
	s16 =	simm.s32 $0x8400  }
0x7ae: {  	[hbm4b:s14+s2] =	stream.linear.scatter [tilespmem:s16], [sflag:$0x1], $0x800, $0x38;
	[tilespmem:$0xD800] =	vst v63  }
0x7af: {  	s18 =	sadd.s32 $0x18000, s17;
	s19 =	simm.s32 $0x9000  }
0x7b0: {  	[hbm4b:s18+s2] =	stream.linear.scatter [tilespmem:s19], [sflag:$0x1], $0x800, $0x38;
	[tilespmem:$0xD800] =	vst v63  }
0x7b1: {  	s24 =	sadd.s32 $0x20000, s17;
	s25 =	simm.s32 $0x9C00  }
0x7b2: {  	[hbm4b:s24+s2] =	stream.linear.scatter [tilespmem:s25], [sflag:$0x1], $0x800, $0x38;
	[tilespmem:$0xD800] =	vst v63  }
0x7b3: {  	s26 =	sadd.s32 $0x28000, s17  }
0x7b4: {  	[hbm4b:s26+s2] =	stream.linear.scatter [tilespmem:s20], [sflag:$0x1], $0x800, $0x38;
	[tilespmem:$0xD800] =	vst v63  }
0x7b5: {  	s28 =	sadd.s32 $0x30000, s17  }
0x7b6: {  	[hbm4b:s28+s2] =	stream.linear.scatter [tilespmem:s21], [sflag:$0x1], $0x800, $0x38;
	[tilespmem:$0xD800] =	vst v63  }
0x7b7: {  	s29 =	sadd.s32 $0x38000, s17  }
0x7b8: {  	[hbm4b:s29+s2] =	stream.linear.scatter [tilespmem:s22], [sflag:$0x1], $0x800, $0x38;
	[tilespmem:$0xD800] =	vst v63  }
0x7b9: {  	_ =	swait.ge [sflag:s6], $0x4000  }
0x7ba: {  	[sflag:s6] =	ssyncset.done $0x0  }
0x7bb: {  	s30 =	rddreg [dreg:$0xd];
	[sflag:s6] =	ssyncadd.s32 $0xFFFFC000  }
0x7bc: {  	[hbm4b:s30+s2] =	stream.linear.scatter [tilespmem:s12], [sflag:$0x1], $0x800, $0x38;
	[tilespmem:$0xD800] =	vst v63  }
0x7bd: {  	_ =	swait.ge [sflag:s6], $0x800  }
0x7be: {  	s23 =	sadd.s32 $0x1, s23;
	s31 =	rddreg [dreg:$0xe]  }
0x7bf: {  	p0 =	sne.s32 s23, s31  }
.Ltmp8:
0x7c0: {  	_ = 	snop;
	(pc) =	sbr.rel @p0 .LBB2_1-.Ltmp8, $3  }
0x7c1: {  	_ =	sdelay $0x1  }
0x7c2: {  	[sflag:s6] =	ssyncset.done $0x0;
	v57 =	vld [tilespmem:$0x1FFB0]  }
0x7c3: {  	v20 =	vmov v25;
	v25 =	vld [tilespmem:$0x1FFC0];
	[sflag:s6] =	ssyncadd.s32 $0xFFFFF800  }
0x7c4: {  	_ =	sfence.sel $0x180000  }
0x7c5: {  	[bflag:$0x0] =	sbarrier.arrive $0xFFFF  }
0x7c6: {  	_ =	strace $0x90000047  }
0x7c7: {  	s0 =	stileid.u32;
	[bflag:$0x2] =	sbarrier.arrive $0xFFFF  }
0x7c8: {  	p0 =	sne.s32 s0, $0x0;
	s0 =	rddreg [dreg:$0x4]  }
0x7c9: {  	s0 =	sadd.s32 @!p0 $0x100000, s0  }
0x7ca: {  	[sflag:s0] =	ssyncadd.tile.s32 @!p0 $0x1;
	_ =	shalt  }
.Lfunc_end2:
_tile_overlayer_lowered:
.L_overlay_start_2:
0x7cb: {  	(tag) =	ssettag $0x2  }
0x7cc: {  	s0 =	rddreg [dreg:$0x0];
	s2 =	stileid.u32  }
0x7cd: {  	s1 =	rddreg [dreg:$0x1];
	p0 =	sne.s32 s2, $0x0  }
0x7ce: {  	s3 =	rddreg [dreg:$0x2];
	[bflag:$0x3] =	sbarrier.arrive $0xFFFF;
	s2 =	simm.s32 @!p0 $0x1C01  }
0x7cf: {  	[timem:s3], [sflag:s2] =	dma.local @!p0 [hbm:s0], s1  }
0x7d0: {  	s0 =	simm.s32 @!p0 $0x1  }
0x7d1: {  	_ =	swait.ge @!p0 [sflag:s0], s1  }
0x7d2: {  	s1 =	ssub.s32 @!p0 $0x0, s1;
	[sflag:s0] =	ssyncset.done @!p0 $0x0  }
0x7d3: {  	[sflag:s0] =	ssyncadd.s32 @!p0 s1  }
0x7d4: {  	[bflag:$0x3] =	sbarrier.arrive $0xFFFF  }
0x7d5: {  	_ =	shalt  }

</sc_bundles>
